<compile_context>
chip_gen: v7x
topology: tpu7x:2x2x1
jax: 0.10.2.dev20260603
libtpu: 0.0.44.dev20260713+nightly
codegen_flags: <defaults>
</compile_context>

<pallas_src>
import functools

import jax
import jax.numpy as jnp
from jax import lax
from jax.experimental import pallas as pl
from jax.experimental.pallas import tpu as pltpu
from jax.experimental.pallas import tpu_sc as plsc

B = 128
C_IN = 256
EMD = 128
J = 21
FS = 32
J2 = 2 * J
HW = FS * FS
NPTS = 2 * B * J
NW = 32
PPW = 192
NPAD = NW * PPW
SUB = 96
NSUB = PPW // SUB
NCH = PPW // 16
N_BN = float(B * J)


def _sc_body(table, u_hbm, v_hbm, pb_hbm, feat_hbm,
             u_v, v_v, pb_v, w0_v, w1_v, w2_v, w3_v,
             i0_v, i1_v, i2_v, i3_v, r0_v, r1_v, r2_v, r3_v, acc_v, sem):
    wid = lax.axis_index("s") * 2 + lax.axis_index("c")
    base = wid * PPW
    pltpu.sync_copy(u_hbm.at[pl.ds(base, PPW)], u_v)
    pltpu.sync_copy(v_hbm.at[pl.ds(base, PPW)], v_v)
    pltpu.sync_copy(pb_hbm.at[pl.ds(base, PPW)], pb_v)

    one = jnp.full((16,), 1.0, jnp.float32)
    zero = jnp.zeros((16,), jnp.float32)
    for c in range(NCH):
        sl = pl.ds(c * 16, 16)
        u = u_v[sl]
        v = v_v[sl]
        pb = pb_v[sl]
        x = u * (0.5 * FS) + (0.5 * FS - 0.5)
        y = v * (0.5 * FS) + (0.5 * FS - 0.5)
        xt = x.astype(jnp.int32)
        yt = y.astype(jnp.int32)
        x0 = jnp.where(xt.astype(jnp.float32) > x, xt - 1, xt)
        y0 = jnp.where(yt.astype(jnp.float32) > y, yt - 1, yt)
        fx = x - x0.astype(jnp.float32)
        fy = y - y0.astype(jnp.float32)
        x1 = x0 + 1
        y1 = y0 + 1
        vx0 = (x0 >= 0) & (x0 <= FS - 1)
        vx1 = (x1 >= 0) & (x1 <= FS - 1)
        vy0 = (y0 >= 0) & (y0 <= FS - 1)
        vy1 = (y1 >= 0) & (y1 <= FS - 1)
        wx0 = jnp.where(vx0, one - fx, zero)
        wx1 = jnp.where(vx1, fx, zero)
        wy0 = jnp.where(vy0, one - fy, zero)
        wy1 = jnp.where(vy1, fy, zero)
        x0c = jnp.clip(x0, 0, FS - 1)
        x1c = jnp.clip(x1, 0, FS - 1)
        y0c = jnp.clip(y0, 0, FS - 1)
        y1c = jnp.clip(y1, 0, FS - 1)
        w0_v[sl] = wx0 * wy0
        w1_v[sl] = wx0 * wy1
        w2_v[sl] = wx1 * wy0
        w3_v[sl] = wx1 * wy1
        s = c // (SUB // 16)
        off = pl.ds((c % (SUB // 16)) * 16, 16)
        i0_v[s, off] = pb + y0c * FS + x0c
        i1_v[s, off] = pb + y1c * FS + x0c
        i2_v[s, off] = pb + y0c * FS + x1c
        i3_v[s, off] = pb + y1c * FS + x1c

    for s in range(NSUB):
        cps = [
            pltpu.async_copy(table.at[i0_v.at[s]], r0_v, sem),
            pltpu.async_copy(table.at[i1_v.at[s]], r1_v, sem),
            pltpu.async_copy(table.at[i2_v.at[s]], r2_v, sem),
            pltpu.async_copy(table.at[i3_v.at[s]], r3_v, sem),
        ]
        for cp in cps:
            cp.wait()

        zidx = jnp.zeros((16, 1), jnp.int32)
        dn = lax.GatherDimensionNumbers(offset_dims=(), collapsed_slice_dims=(0,),
                                        start_index_map=(0,))

        def splat0(vec):
            return lax.gather(vec, zidx, dn, (1,),
                              mode=lax.GatherScatterMode.PROMISE_IN_BOUNDS)

        def combine(r, carry, s=s):
            w0 = splat0(w0_v[pl.ds(s * SUB + r, 16)])
            w1 = splat0(w1_v[pl.ds(s * SUB + r, 16)])
            w2 = splat0(w2_v[pl.ds(s * SUB + r, 16)])
            w3 = splat0(w3_v[pl.ds(s * SUB + r, 16)])
            for j in range(C_IN // 16):
                seg = pl.ds(j * 16, 16)
                acc_v[r, seg] = (r0_v[r, seg] * w0 + r1_v[r, seg] * w1
                                 + r2_v[r, seg] * w2 + r3_v[r, seg] * w3)
            return carry

        lax.fori_loop(0, SUB, combine, 0)
        pltpu.sync_copy(acc_v, feat_hbm.at[pl.ds(base + s * SUB, SUB)])


def _sc_gather(table, u, v, pb):
    kfn = pl.kernel(
        _sc_body,
        out_type=jax.ShapeDtypeStruct((NPAD, C_IN), jnp.float32),
        mesh=plsc.VectorSubcoreMesh(core_axis_name="c", subcore_axis_name="s"),
        scratch_types=[
            pltpu.VMEM((PPW,), jnp.float32),
            pltpu.VMEM((PPW,), jnp.float32),
            pltpu.VMEM((PPW,), jnp.int32),
            pltpu.VMEM((PPW + 16,), jnp.float32),
            pltpu.VMEM((PPW + 16,), jnp.float32),
            pltpu.VMEM((PPW + 16,), jnp.float32),
            pltpu.VMEM((PPW + 16,), jnp.float32),
            pltpu.VMEM((NSUB, SUB), jnp.int32),
            pltpu.VMEM((NSUB, SUB), jnp.int32),
            pltpu.VMEM((NSUB, SUB), jnp.int32),
            pltpu.VMEM((NSUB, SUB), jnp.int32),
            pltpu.VMEM((SUB, C_IN), jnp.float32),
            pltpu.VMEM((SUB, C_IN), jnp.float32),
            pltpu.VMEM((SUB, C_IN), jnp.float32),
            pltpu.VMEM((SUB, C_IN), jnp.float32),
            pltpu.VMEM((SUB, C_IN), jnp.float32),
            pltpu.SemaphoreType.DMA,
        ],
    )
    return kfn(table, u, v, pb)


def _tc_body(feat_ref, w1l_ref, w1r_ref, gl_ref, gr_ref, bel_ref, ber_ref,
             w2l_ref, w2r_ref, b2l_ref, b2r_ref,
             outl_ref, outr_ref, h1l_s, h1r_s, st_s):
    ph = pl.program_id(0)

    @pl.when(ph == 0)
    def _():
        fl = feat_ref[pl.ds(0, B * J), :]
        fr = feat_ref[pl.ds(B * J, B * J), :]
        h1l = jnp.dot(fl, w1l_ref[...], preferred_element_type=jnp.float32)
        h1r = jnp.dot(fr, w1r_ref[...], preferred_element_type=jnp.float32)
        h1l_s[...] = h1l
        h1r_s[...] = h1r
        st_s[0:1, :] = jnp.sum(h1l, axis=0, keepdims=True)
        st_s[1:2, :] = jnp.sum(h1l * h1l, axis=0, keepdims=True)
        st_s[2:3, :] = jnp.sum(h1r, axis=0, keepdims=True)
        st_s[3:4, :] = jnp.sum(h1r * h1r, axis=0, keepdims=True)

    @pl.when(ph == 1)
    def _():
        def one_hand(row, g_ref, be_ref, w2_ref, b2_ref, h1_s, out_ref):
            mean = st_s[row:row + 1, :] / N_BN
            var = st_s[row + 1:row + 2, :] / N_BN - mean * mean
            scale = g_ref[...] * lax.rsqrt(var + 1e-5)
            shift = be_ref[...] - mean * scale
            h = jnp.maximum(h1_s[...] * scale + shift, 0.0)
            out = lax.dot_general(h, w2_ref[...], (((1,), (1,)), ((), ())),
                                  preferred_element_type=jnp.float32)
            out_ref[...] = out + b2_ref[...]

        one_hand(0, gl_ref, bel_ref, w2l_ref, b2l_ref, h1l_s, outl_ref)
        one_hand(2, gr_ref, ber_ref, w2r_ref, b2r_ref, h1r_s, outr_ref)


def kernel(img_feat, joint_xyz_left, joint_xyz_right, joint_uv_left, joint_uv_right,
           pre_mano_para_left, pre_mano_para_right, offset,
           W1_l, b1_l, g1_l, be1_l, W2_l, b2_l,
           W1_r, b1_r, g1_r, be1_r, W2_r, b2_r):
    table = img_feat.transpose(0, 2, 3, 1).reshape(B * HW, C_IN)
    pad = NPAD - NPTS
    u = jnp.concatenate([joint_uv_left[..., 0].reshape(-1),
                         joint_uv_right[..., 0].reshape(-1),
                         jnp.zeros((pad,), jnp.float32)])
    v = jnp.concatenate([joint_uv_left[..., 1].reshape(-1),
                         joint_uv_right[..., 1].reshape(-1),
                         jnp.zeros((pad,), jnp.float32)])
    pb1 = jnp.repeat(jnp.arange(B, dtype=jnp.int32) * HW, J)
    pb = jnp.concatenate([pb1, pb1, jnp.zeros((pad,), jnp.int32)])

    feat = _sc_gather(table, u, v, pb)

    full = lambda shape: pl.BlockSpec(shape, lambda *a: (0,) * len(shape))
    outl, outr = pl.pallas_call(
        _tc_body,
        grid=(2,),
        in_specs=[
            full((NPAD, C_IN)),
            full((C_IN, EMD)),
            full((C_IN, EMD)),
            full((1, EMD)),
            full((1, EMD)),
            full((1, EMD)),
            full((1, EMD)),
            full((EMD, EMD)),
            full((EMD, EMD)),
            full((1, EMD)),
            full((1, EMD)),
        ],
        out_specs=[
            full((B * J, EMD)),
            full((B * J, EMD)),
        ],
        out_shape=[
            jax.ShapeDtypeStruct((B * J, EMD), jnp.float32),
            jax.ShapeDtypeStruct((B * J, EMD), jnp.float32),
        ],
        scratch_shapes=[
            pltpu.VMEM((B * J, EMD), jnp.float32),
            pltpu.VMEM((B * J, EMD), jnp.float32),
            pltpu.VMEM((8, EMD), jnp.float32),
        ],
        compiler_params=pltpu.CompilerParams(
            dimension_semantics=("arbitrary",)),
    )(feat, W1_l.T, W1_r.T,
      g1_l.reshape(1, EMD), g1_r.reshape(1, EMD),
      be1_l.reshape(1, EMD), be1_r.reshape(1, EMD),
      W2_l, W2_r, b2_l.reshape(1, EMD), b2_r.reshape(1, EMD))
    return (outl.reshape(B, J, EMD), outr.reshape(B, J, EMD))

# --- scband reference (transcript-rebuilt; emitter-appended) ---
"""Pipeline reference for scband-joint2-bone-feature-16673063043712 (READ-ONLY COPY).

The authoritative reference and input builder live on the scoring server;
editing this copy changes nothing except your own understanding.
"""

import jax, jax.numpy as jnp
import numpy as np

B = 128
C_IN = 256
EMD = 128
J = 21
FS = 32


def grid_sample_bilinear(img, grid):
    # img [B,C,H,W], grid [B,Hg,Wg,2] with (x,y) in [-1,1]; align_corners=False, zeros padding
    Bn, C, H, W = img.shape
    x = ((grid[..., 0] + 1.0) * W - 1.0) / 2.0
    y = ((grid[..., 1] + 1.0) * H - 1.0) / 2.0
    x0 = jnp.floor(x)
    y0 = jnp.floor(y)
    x1 = x0 + 1.0
    y1 = y0 + 1.0

    def sample(ix, iy, w):
        valid = ((ix >= 0) & (ix <= W - 1) & (iy >= 0) & (iy <= H - 1)).astype(img.dtype)
        ixc = jnp.clip(ix, 0, W - 1).astype(jnp.int32)
        iyc = jnp.clip(iy, 0, H - 1).astype(jnp.int32)
        flat = img.reshape(Bn, C, H * W)
        lin = (iyc * W + ixc).reshape(Bn, -1)
        g = jax.vmap(lambda f, l: f[:, l])(flat, lin)
        g = g.reshape((Bn, C) + ix.shape[1:])
        return g * (w * valid).reshape((Bn, 1) + ix.shape[1:])

    w00 = (x1 - x) * (y1 - y)
    w01 = (x1 - x) * (y - y0)
    w10 = (x - x0) * (y1 - y)
    w11 = (x - x0) * (y - y0)
    return sample(x0, y0, w00) + sample(x0, y1, w01) + sample(x1, y0, w10) + sample(x1, y1, w11)


def bn_train(x, gamma, beta, eps=1e-5):
    # BatchNorm1d in training mode over [B, C, L]: stats over (B, L)
    mean = jnp.mean(x, axis=(0, 2), keepdims=True)
    var = jnp.var(x, axis=(0, 2), keepdims=True)
    return (x - mean) / jnp.sqrt(var + eps) * gamma.reshape(1, -1, 1) + beta.reshape(1, -1, 1)


def img2joint(img_feat, joint_uv, W1, b1, g1, be1, W2, b2):
    # ImgFeature2JointFeature.forward
    grid = jax.lax.stop_gradient(joint_uv)[:, None, :, :]  # [B,1,J,2] (.detach() in torch)
    feat = grid_sample_bilinear(img_feat, grid)[:, :, 0, :]  # [B,C,J]
    h = jnp.einsum('oc,bcj->boj', W1, feat) + b1.reshape(1, -1, 1)
    h = jax.nn.relu(bn_train(h, g1, be1))
    h = jnp.einsum('oc,bcj->boj', W2, h) + b2.reshape(1, -1, 1)
    return h.reshape(img_feat.shape[0], -1)


def setup_inputs(seed: int = 0):
    key = jax.random.key(seed)
    ks = jax.random.split(key, 24)
    inp = {}
    inp['img_feat'] = jax.random.normal(ks[0], (B, C_IN, FS, FS), dtype=jnp.float32)
    inp['joint_xyz_left'] = jax.random.normal(ks[1], (B, J, 3), dtype=jnp.float32)
    inp['joint_xyz_right'] = jax.random.normal(ks[2], (B, J, 3), dtype=jnp.float32)
    inp['joint_uv_left'] = jax.random.uniform(ks[3], (B, J, 2), dtype=jnp.float32)
    inp['joint_uv_right'] = jax.random.uniform(ks[4], (B, J, 2), dtype=jnp.float32)
    inp['pre_mano_para_left'] = jax.random.normal(ks[5], (B, 64), dtype=jnp.float32)
    inp['pre_mano_para_right'] = jax.random.normal(ks[6], (B, 64), dtype=jnp.float32)
    inp['offset'] = jax.random.normal(ks[7], (B, 1, 3), dtype=jnp.float32)
    s1 = 1.0 / np.sqrt(C_IN)
    s2 = 1.0 / np.sqrt(EMD)
    inp['W1_l'] = jax.random.normal(ks[8], (EMD, C_IN), dtype=jnp.float32) * s1
    inp['b1_l'] = jnp.zeros((EMD,), dtype=jnp.float32)
    inp['g1_l'] = jnp.ones((EMD,), dtype=jnp.float32)
    inp['be1_l'] = jnp.zeros((EMD,), dtype=jnp.float32)
    inp['W2_l'] = jax.random.normal(ks[9], (EMD, EMD), dtype=jnp.float32) * s2
    inp['b2_l'] = jnp.zeros((EMD,), dtype=jnp.float32)
    inp['W1_r'] = jax.random.normal(ks[10], (EMD, C_IN), dtype=jnp.float32) * s1
    inp['b1_r'] = jnp.zeros((EMD,), dtype=jnp.float32)
    inp['g1_r'] = jnp.ones((EMD,), dtype=jnp.float32)
    inp['be1_r'] = jnp.zeros((EMD,), dtype=jnp.float32)
    inp['W2_r'] = jax.random.normal(ks[11], (EMD, EMD), dtype=jnp.float32) * s2
    inp['b2_r'] = jnp.zeros((EMD,), dtype=jnp.float32)
    return inp


def reference(img_feat, joint_xyz_left, joint_xyz_right, joint_uv_left, joint_uv_right,
              pre_mano_para_left, pre_mano_para_right, offset,
              W1_l, b1_l, g1_l, be1_l, W2_l, b2_l,
              W1_r, b1_r, g1_r, be1_r, W2_r, b2_r):
    Bn = img_feat.shape[0]
    fl = img2joint(img_feat, joint_uv_left, W1_l, b1_l, g1_l, be1_l, W2_l, b2_l).reshape(Bn, EMD, J).transpose(0, 2, 1)
    fr = img2joint(img_feat, joint_uv_right, W1_r, b1_r, g1_r, be1_r, W2_r, b2_r).reshape(Bn, EMD, J).transpose(0, 2, 1)
    return (fl, fr)

if __name__ == "__main__":
    import jax
    _d = setup_inputs()
    print(jax.jit(kernel)(*tuple(_d.values())))

</pallas_src>

<mosaic_0001>
#map = affine_map<(d0, d1) -> (0, 0)>
#map1 = affine_map<(d0, d1) -> (0)>
module attributes {stable_mosaic.version = 14 : i64} {
  func.func @_sc_body(%arg0: i32, %arg1: i32, %arg2: memref<131072x256xf32, #tpu.memory_space<hbm>>, %arg3: memref<6144xf32, #tpu.memory_space<hbm>>, %arg4: memref<6144xf32, #tpu.memory_space<hbm>>, %arg5: memref<6144xi32, #tpu.memory_space<hbm>>, %arg6: memref<6144x256xf32, #tpu.memory_space<hbm>>, %arg7: memref<192xf32, #tpu.memory_space<vmem>>, %arg8: memref<192xf32, #tpu.memory_space<vmem>>, %arg9: memref<192xi32, #tpu.memory_space<vmem>>, %arg10: memref<208xf32, #tpu.memory_space<vmem>>, %arg11: memref<208xf32, #tpu.memory_space<vmem>>, %arg12: memref<208xf32, #tpu.memory_space<vmem>>, %arg13: memref<208xf32, #tpu.memory_space<vmem>>, %arg14: memref<2x96xi32, #tpu.memory_space<vmem>>, %arg15: memref<2x96xi32, #tpu.memory_space<vmem>>, %arg16: memref<2x96xi32, #tpu.memory_space<vmem>>, %arg17: memref<2x96xi32, #tpu.memory_space<vmem>>, %arg18: memref<96x256xf32, #tpu.memory_space<vmem>>, %arg19: memref<96x256xf32, #tpu.memory_space<vmem>>, %arg20: memref<96x256xf32, #tpu.memory_space<vmem>>, %arg21: memref<96x256xf32, #tpu.memory_space<vmem>>, %arg22: memref<96x256xf32, #tpu.memory_space<vmem>>, %arg23: memref<!tpu.dma_semaphore, #tpu.memory_space<semaphore_mem>>) attributes {dimension_semantics = [#tpu.dimension_semantics<core_parallel>, #tpu.dimension_semantics<subcore_parallel>], iteration_bounds = array<i64: 2, 16>, scalar_prefetch = 0 : i64, scratch_operands = 17 : i64, tpu.core_type = #tpu.core_type<sc_vector_subcore>, window_params = [{transform_indices = #map}, {transform_indices = #map1}, {transform_indices = #map1}, {transform_indices = #map1}, {transform_indices = #map}]} {
    %mul3A = arith.constant 2 : i32
    %mul3A_0 = arith.muli %arg1, %mul3A : i32
    %add3A = arith.addi %mul3A_0, %arg0 : i32
    %mul3A_1 = arith.constant 192 : i32
    %mul3A_2 = arith.muli %add3A, %mul3A_1 : i32
    "tpu.region"() ({
      %run_scoped3A = tpu.sem_alloc : memref<!tpu.dma_semaphore, #tpu.memory_space<semaphore_mem>>
      %dma_start3A_2127 = tpu.memref_slice %arg3[%mul3A_2] : memref<6144xf32, #tpu.memory_space<hbm>> -> memref<192xf32, #tpu.memory_space<hbm>>
      %dma_start3A_2128 = tpu.memref_slice %arg3[%mul3A_2] : memref<6144xf32, #tpu.memory_space<hbm>> -> memref<192xf32, #tpu.memory_space<hbm>>
      tpu.enqueue_dma source(%dma_start3A_2128 : memref<192xf32, #tpu.memory_space<hbm>>) target(%arg7 : memref<192xf32, #tpu.memory_space<vmem>>) target_semaphore(%run_scoped3A : memref<!tpu.dma_semaphore, #tpu.memory_space<semaphore_mem>>)
      %dma_wait3A_2129 = tpu.memref_slice %arg3[%mul3A_2] : memref<6144xf32, #tpu.memory_space<hbm>> -> memref<192xf32, #tpu.memory_space<hbm>>
      %dma_wait3A_2130 = tpu.memref_slice %arg3[%mul3A_2] : memref<6144xf32, #tpu.memory_space<hbm>> -> memref<192xf32, #tpu.memory_space<hbm>>
      tpu.wait_dma2 semaphore(%run_scoped3A : memref<!tpu.dma_semaphore, #tpu.memory_space<semaphore_mem>>) src(%dma_wait3A_2130 : memref<192xf32, #tpu.memory_space<hbm>>) dst(%arg7 : memref<192xf32, #tpu.memory_space<vmem>>)
      tpu.yield
    }) : () -> ()
    "tpu.region"() ({
      %run_scoped3A = tpu.sem_alloc : memref<!tpu.dma_semaphore, #tpu.memory_space<semaphore_mem>>
      %dma_start3A_2127 = tpu.memref_slice %arg4[%mul3A_2] : memref<6144xf32, #tpu.memory_space<hbm>> -> memref<192xf32, #tpu.memory_space<hbm>>
      %dma_start3A_2128 = tpu.memref_slice %arg4[%mul3A_2] : memref<6144xf32, #tpu.memory_space<hbm>> -> memref<192xf32, #tpu.memory_space<hbm>>
      tpu.enqueue_dma source(%dma_start3A_2128 : memref<192xf32, #tpu.memory_space<hbm>>) target(%arg8 : memref<192xf32, #tpu.memory_space<vmem>>) target_semaphore(%run_scoped3A : memref<!tpu.dma_semaphore, #tpu.memory_space<semaphore_mem>>)
      %dma_wait3A_2129 = tpu.memref_slice %arg4[%mul3A_2] : memref<6144xf32, #tpu.memory_space<hbm>> -> memref<192xf32, #tpu.memory_space<hbm>>
      %dma_wait3A_2130 = tpu.memref_slice %arg4[%mul3A_2] : memref<6144xf32, #tpu.memory_space<hbm>> -> memref<192xf32, #tpu.memory_space<hbm>>
      tpu.wait_dma2 semaphore(%run_scoped3A : memref<!tpu.dma_semaphore, #tpu.memory_space<semaphore_mem>>) src(%dma_wait3A_2130 : memref<192xf32, #tpu.memory_space<hbm>>) dst(%arg8 : memref<192xf32, #tpu.memory_space<vmem>>)
      tpu.yield
    }) : () -> ()
    "tpu.region"() ({
      %run_scoped3A = tpu.sem_alloc : memref<!tpu.dma_semaphore, #tpu.memory_space<semaphore_mem>>
      %dma_start3A_2127 = tpu.memref_slice %arg5[%mul3A_2] : memref<6144xi32, #tpu.memory_space<hbm>> -> memref<192xi32, #tpu.memory_space<hbm>>
      %dma_start3A_2128 = tpu.memref_slice %arg5[%mul3A_2] : memref<6144xi32, #tpu.memory_space<hbm>> -> memref<192xi32, #tpu.memory_space<hbm>>
      tpu.enqueue_dma source(%dma_start3A_2128 : memref<192xi32, #tpu.memory_space<hbm>>) target(%arg9 : memref<192xi32, #tpu.memory_space<vmem>>) target_semaphore(%run_scoped3A : memref<!tpu.dma_semaphore, #tpu.memory_space<semaphore_mem>>)
      %dma_wait3A_2129 = tpu.memref_slice %arg5[%mul3A_2] : memref<6144xi32, #tpu.memory_space<hbm>> -> memref<192xi32, #tpu.memory_space<hbm>>
      %dma_wait3A_2130 = tpu.memref_slice %arg5[%mul3A_2] : memref<6144xi32, #tpu.memory_space<hbm>> -> memref<192xi32, #tpu.memory_space<hbm>>
      tpu.wait_dma2 semaphore(%run_scoped3A : memref<!tpu.dma_semaphore, #tpu.memory_space<semaphore_mem>>) src(%dma_wait3A_2130 : memref<192xi32, #tpu.memory_space<hbm>>) dst(%arg9 : memref<192xi32, #tpu.memory_space<vmem>>)
      tpu.yield
    }) : () -> ()
    %broadcast_in_dim3A = arith.constant 1.000000e+00 : f32
    %broadcast_in_dim3A_3 = vector.broadcast %broadcast_in_dim3A : f32 to vector<16xf32>
    %broadcast_in_dim3A_4 = arith.constant 0.000000e+00 : f32
    %broadcast_in_dim3A_5 = vector.broadcast %broadcast_in_dim3A_4 : f32 to vector<16xf32>
    %get3A = arith.constant 0 : index
    %get3A_6 = tpu.vector_load %arg7[%get3A] {strides = array<i32>} : memref<192xf32, #tpu.memory_space<vmem>>, vector<16xf32>,
    %get3A_7 = vector.shape_cast %get3A_6 : vector<16xf32> to vector<16xf32>
    %get3A_8 = arith.constant 0 : index
    %get3A_9 = tpu.vector_load %arg8[%get3A_8] {strides = array<i32>} : memref<192xf32, #tpu.memory_space<vmem>>, vector<16xf32>,
    %get3A_10 = vector.shape_cast %get3A_9 : vector<16xf32> to vector<16xf32>
    %get3A_11 = arith.constant 0 : index
    %get3A_12 = tpu.vector_load %arg9[%get3A_11] {strides = array<i32>} : memref<192xi32, #tpu.memory_space<vmem>>, vector<16xi32>,
    %get3A_13 = vector.shape_cast %get3A_12 : vector<16xi32> to vector<16xi32>
    %mul3A_14 = arith.constant 1.600000e+01 : f32
    %mul3A_15 = vector.broadcast %mul3A_14 : f32 to vector<16xf32>
    %mul3A_16 = arith.mulf %get3A_7, %mul3A_15 : vector<16xf32>
    %add3A_17 = arith.constant 1.550000e+01 : f32
    %add3A_18 = vector.broadcast %add3A_17 : f32 to vector<16xf32>
    %add3A_19 = arith.addf %mul3A_16, %add3A_18 : vector<16xf32>
    %mul3A_20 = arith.constant 1.600000e+01 : f32
    %mul3A_21 = vector.broadcast %mul3A_20 : f32 to vector<16xf32>
    %mul3A_22 = arith.mulf %get3A_10, %mul3A_21 : vector<16xf32>
    %add3A_23 = arith.constant 1.550000e+01 : f32
    %add3A_24 = vector.broadcast %add3A_23 : f32 to vector<16xf32>
    %add3A_25 = arith.addf %mul3A_22, %add3A_24 : vector<16xf32>
    %convert_element_type3A = arith.fptosi %add3A_19 : vector<16xf32> to vector<16xi32>
    %convert_element_type3A_26 = arith.fptosi %add3A_25 : vector<16xf32> to vector<16xi32>
    %convert_element_type3A_27 = arith.sitofp %convert_element_type3A : vector<16xi32> to vector<16xf32>
    %gt3A = arith.cmpf ogt, %convert_element_type3A_27, %add3A_19 : vector<16xf32>
    %sub3A = arith.constant 1 : i32
    %sub3A_28 = vector.broadcast %sub3A : i32 to vector<16xi32>
    %sub3A_29 = arith.subi %convert_element_type3A, %sub3A_28 : vector<16xi32>
    %select_n3A = arith.select %gt3A, %sub3A_29, %convert_element_type3A : vector<16xi1>, vector<16xi32>
    %convert_element_type3A_30 = arith.sitofp %convert_element_type3A_26 : vector<16xi32> to vector<16xf32>
    %gt3A_31 = arith.cmpf ogt, %convert_element_type3A_30, %add3A_25 : vector<16xf32>
    %sub3A_32 = arith.constant 1 : i32
    %sub3A_33 = vector.broadcast %sub3A_32 : i32 to vector<16xi32>
    %sub3A_34 = arith.subi %convert_element_type3A_26, %sub3A_33 : vector<16xi32>
    %select_n3A_35 = arith.select %gt3A_31, %sub3A_34, %convert_element_type3A_26 : vector<16xi1>, vector<16xi32>
    %convert_element_type3A_36 = arith.sitofp %select_n3A : vector<16xi32> to vector<16xf32>
    %sub3A_37 = arith.subf %add3A_19, %convert_element_type3A_36 : vector<16xf32>
    %convert_element_type3A_38 = arith.sitofp %select_n3A_35 : vector<16xi32> to vector<16xf32>
    %sub3A_39 = arith.subf %add3A_25, %convert_element_type3A_38 : vector<16xf32>
    %add3A_40 = arith.constant 1 : i32
    %add3A_41 = vector.broadcast %add3A_40 : i32 to vector<16xi32>
    %add3A_42 = arith.addi %select_n3A, %add3A_41 : vector<16xi32>
    %add3A_43 = arith.constant 1 : i32
    %add3A_44 = vector.broadcast %add3A_43 : i32 to vector<16xi32>
    %add3A_45 = arith.addi %select_n3A_35, %add3A_44 : vector<16xi32>
    %ge3A = arith.constant 0 : i32
    %ge3A_46 = vector.broadcast %ge3A : i32 to vector<16xi32>
    %ge3A_47 = arith.cmpi sge, %select_n3A, %ge3A_46 : vector<16xi32>
    %le3A = arith.constant 31 : i32
    %le3A_48 = vector.broadcast %le3A : i32 to vector<16xi32>
    %le3A_49 = arith.cmpi sle, %select_n3A, %le3A_48 : vector<16xi32>
    %and3A = arith.andi %ge3A_47, %le3A_49 : vector<16xi1>
    %ge3A_50 = arith.constant 0 : i32
    %ge3A_51 = vector.broadcast %ge3A_50 : i32 to vector<16xi32>
    %ge3A_52 = arith.cmpi sge, %add3A_42, %ge3A_51 : vector<16xi32>
    %le3A_53 = arith.constant 31 : i32
    %le3A_54 = vector.broadcast %le3A_53 : i32 to vector<16xi32>
    %le3A_55 = arith.cmpi sle, %add3A_42, %le3A_54 : vector<16xi32>
    %and3A_56 = arith.andi %ge3A_52, %le3A_55 : vector<16xi1>
    %ge3A_57 = arith.constant 0 : i32
    %ge3A_58 = vector.broadcast %ge3A_57 : i32 to vector<16xi32>
    %ge3A_59 = arith.cmpi sge, %select_n3A_35, %ge3A_58 : vector<16xi32>
    %le3A_60 = arith.constant 31 : i32
    %le3A_61 = vector.broadcast %le3A_60 : i32 to vector<16xi32>
    %le3A_62 = arith.cmpi sle, %select_n3A_35, %le3A_61 : vector<16xi32>
    %and3A_63 = arith.andi %ge3A_59, %le3A_62 : vector<16xi1>
    %ge3A_64 = arith.constant 0 : i32
    %ge3A_65 = vector.broadcast %ge3A_64 : i32 to vector<16xi32>
    %ge3A_66 = arith.cmpi sge, %add3A_45, %ge3A_65 : vector<16xi32>
    %le3A_67 = arith.constant 31 : i32
    %le3A_68 = vector.broadcast %le3A_67 : i32 to vector<16xi32>
    %le3A_69 = arith.cmpi sle, %add3A_45, %le3A_68 : vector<16xi32>
    %and3A_70 = arith.andi %ge3A_66, %le3A_69 : vector<16xi1>
    %sub3A_71 = arith.subf %broadcast_in_dim3A_3, %sub3A_37 : vector<16xf32>
    %select_n3A_72 = arith.select %and3A, %sub3A_71, %broadcast_in_dim3A_5 : vector<16xi1>, vector<16xf32>
    %select_n3A_73 = arith.select %and3A_56, %sub3A_37, %broadcast_in_dim3A_5 : vector<16xi1>, vector<16xf32>
    %sub3A_74 = arith.subf %broadcast_in_dim3A_3, %sub3A_39 : vector<16xf32>
    %select_n3A_75 = arith.select %and3A_63, %sub3A_74, %broadcast_in_dim3A_5 : vector<16xi1>, vector<16xf32>
    %select_n3A_76 = arith.select %and3A_70, %sub3A_39, %broadcast_in_dim3A_5 : vector<16xi1>, vector<16xf32>
    %jit3A = arith.constant 0 : i32
    %jit3A_77 = arith.constant 31 : i32
    %max3A = vector.broadcast %jit3A : i32 to vector<16xi32>
    %max3A_78 = arith.maxsi %max3A, %select_n3A : vector<16xi32>
    %min3A = vector.broadcast %jit3A_77 : i32 to vector<16xi32>
    %min3A_79 = arith.minsi %min3A, %max3A_78 : vector<16xi32>
    %jit3A_80 = arith.constant 0 : i32
    %jit3A_81 = arith.constant 31 : i32
    %max3A_82 = vector.broadcast %jit3A_80 : i32 to vector<16xi32>
    %max3A_83 = arith.maxsi %max3A_82, %add3A_42 : vector<16xi32>
    %min3A_84 = vector.broadcast %jit3A_81 : i32 to vector<16xi32>
    %min3A_85 = arith.minsi %min3A_84, %max3A_83 : vector<16xi32>
    %jit3A_86 = arith.constant 0 : i32
    %jit3A_87 = arith.constant 31 : i32
    %max3A_88 = vector.broadcast %jit3A_86 : i32 to vector<16xi32>
    %max3A_89 = arith.maxsi %max3A_88, %select_n3A_35 : vector<16xi32>
    %min3A_90 = vector.broadcast %jit3A_87 : i32 to vector<16xi32>
    %min3A_91 = arith.minsi %min3A_90, %max3A_89 : vector<16xi32>
    %jit3A_92 = arith.constant 0 : i32
    %jit3A_93 = arith.constant 31 : i32
    %max3A_94 = vector.broadcast %jit3A_92 : i32 to vector<16xi32>
    %max3A_95 = arith.maxsi %max3A_94, %add3A_45 : vector<16xi32>
    %min3A_96 = vector.broadcast %jit3A_93 : i32 to vector<16xi32>
    %min3A_97 = arith.minsi %min3A_96, %max3A_95 : vector<16xi32>
    %mul3A_98 = arith.mulf %select_n3A_72, %select_n3A_75 : vector<16xf32>
    %swap3A = arith.constant 0 : index
    %swap3A_99 = tpu.vector_load %arg10[%swap3A] {strides = array<i32>} : memref<208xf32, #tpu.memory_space<vmem>>, vector<16xf32>,
    %swap3A_100 = vector.shape_cast %swap3A_99 : vector<16xf32> to vector<16xf32>
    %swap3A_101 = vector.shape_cast %mul3A_98 : vector<16xf32> to vector<16xf32>
    tpu.vector_store %arg10[%swap3A], %swap3A_101 {strides = array<i32>} : memref<208xf32, #tpu.memory_space<vmem>>, vector<16xf32>,
    %mul3A_102 = arith.mulf %select_n3A_72, %select_n3A_76 : vector<16xf32>
    %swap3A_103 = arith.constant 0 : index
    %swap3A_104 = tpu.vector_load %arg11[%swap3A_103] {strides = array<i32>} : memref<208xf32, #tpu.memory_space<vmem>>, vector<16xf32>,
    %swap3A_105 = vector.shape_cast %swap3A_104 : vector<16xf32> to vector<16xf32>
    %swap3A_106 = vector.shape_cast %mul3A_102 : vector<16xf32> to vector<16xf32>
    tpu.vector_store %arg11[%swap3A_103], %swap3A_106 {strides = array<i32>} : memref<208xf32, #tpu.memory_space<vmem>>, vector<16xf32>,
    %mul3A_107 = arith.mulf %select_n3A_73, %select_n3A_75 : vector<16xf32>
    %swap3A_108 = arith.constant 0 : index
    %swap3A_109 = tpu.vector_load %arg12[%swap3A_108] {strides = array<i32>} : memref<208xf32, #tpu.memory_space<vmem>>, vector<16xf32>,
    %swap3A_110 = vector.shape_cast %swap3A_109 : vector<16xf32> to vector<16xf32>
    %swap3A_111 = vector.shape_cast %mul3A_107 : vector<16xf32> to vector<16xf32>
    tpu.vector_store %arg12[%swap3A_108], %swap3A_111 {strides = array<i32>} : memref<208xf32, #tpu.memory_space<vmem>>, vector<16xf32>,
    %mul3A_112 = arith.mulf %select_n3A_73, %select_n3A_76 : vector<16xf32>
    %swap3A_113 = arith.constant 0 : index
    %swap3A_114 = tpu.vector_load %arg13[%swap3A_113] {strides = array<i32>} : memref<208xf32, #tpu.memory_space<vmem>>, vector<16xf32>,
    %swap3A_115 = vector.shape_cast %swap3A_114 : vector<16xf32> to vector<16xf32>
    %swap3A_116 = vector.shape_cast %mul3A_112 : vector<16xf32> to vector<16xf32>
    tpu.vector_store %arg13[%swap3A_113], %swap3A_116 {strides = array<i32>} : memref<208xf32, #tpu.memory_space<vmem>>, vector<16xf32>,
    %mul3A_117 = arith.constant 32 : i32
    %mul3A_118 = vector.broadcast %mul3A_117 : i32 to vector<16xi32>
    %mul3A_119 = arith.muli %min3A_91, %mul3A_118 : vector<16xi32>
    %add3A_120 = arith.addi %get3A_13, %mul3A_119 : vector<16xi32>
    %add3A_121 = arith.addi %add3A_120, %min3A_79 : vector<16xi32>
    %swap3A_122 = arith.constant 0 : i32
    %swap3A_123 = arith.index_cast %swap3A_122 : i32 to index
    %swap3A_124 = arith.constant 0 : index
    %swap3A_125 = tpu.vector_load %arg14[%swap3A_123, %swap3A_124] {strides = array<i32>} : memref<2x96xi32, #tpu.memory_space<vmem>>, vector<1x16xi32>,
    %swap3A_126 = vector.shape_cast %swap3A_125 : vector<1x16xi32> to vector<16xi32>
    %swap3A_127 = vector.shape_cast %add3A_121 : vector<16xi32> to vector<1x16xi32>
    tpu.vector_store %arg14[%swap3A_123, %swap3A_124], %swap3A_127 {strides = array<i32>} : memref<2x96xi32, #tpu.memory_space<vmem>>, vector<1x16xi32>,
    %mul3A_128 = arith.constant 32 : i32
    %mul3A_129 = vector.broadcast %mul3A_128 : i32 to vector<16xi32>
    %mul3A_130 = arith.muli %min3A_97, %mul3A_129 : vector<16xi32>
    %add3A_131 = arith.addi %get3A_13, %mul3A_130 : vector<16xi32>
    %add3A_132 = arith.addi %add3A_131, %min3A_79 : vector<16xi32>
    %swap3A_133 = arith.constant 0 : i32
    %swap3A_134 = arith.index_cast %swap3A_133 : i32 to index
    %swap3A_135 = arith.constant 0 : index
    %swap3A_136 = tpu.vector_load %arg15[%swap3A_134, %swap3A_135] {strides = array<i32>} : memref<2x96xi32, #tpu.memory_space<vmem>>, vector<1x16xi32>,
    %swap3A_137 = vector.shape_cast %swap3A_136 : vector<1x16xi32> to vector<16xi32>
    %swap3A_138 = vector.shape_cast %add3A_132 : vector<16xi32> to vector<1x16xi32>
    tpu.vector_store %arg15[%swap3A_134, %swap3A_135], %swap3A_138 {strides = array<i32>} : memref<2x96xi32, #tpu.memory_space<vmem>>, vector<1x16xi32>,
    %mul3A_139 = arith.constant 32 : i32
    %mul3A_140 = vector.broadcast %mul3A_139 : i32 to vector<16xi32>
    %mul3A_141 = arith.muli %min3A_91, %mul3A_140 : vector<16xi32>
    %add3A_142 = arith.addi %get3A_13, %mul3A_141 : vector<16xi32>
    %add3A_143 = arith.addi %add3A_142, %min3A_85 : vector<16xi32>
    %swap3A_144 = arith.constant 0 : i32
    %swap3A_145 = arith.index_cast %swap3A_144 : i32 to index
    %swap3A_146 = arith.constant 0 : index
    %swap3A_147 = tpu.vector_load %arg16[%swap3A_145, %swap3A_146] {strides = array<i32>} : memref<2x96xi32, #tpu.memory_space<vmem>>, vector<1x16xi32>,
    %swap3A_148 = vector.shape_cast %swap3A_147 : vector<1x16xi32> to vector<16xi32>
    %swap3A_149 = vector.shape_cast %add3A_143 : vector<16xi32> to vector<1x16xi32>
    tpu.vector_store %arg16[%swap3A_145, %swap3A_146], %swap3A_149 {strides = array<i32>} : memref<2x96xi32, #tpu.memory_space<vmem>>, vector<1x16xi32>,
    %mul3A_150 = arith.constant 32 : i32
    %mul3A_151 = vector.broadcast %mul3A_150 : i32 to vector<16xi32>
    %mul3A_152 = arith.muli %min3A_97, %mul3A_151 : vector<16xi32>
    %add3A_153 = arith.addi %get3A_13, %mul3A_152 : vector<16xi32>
    %add3A_154 = arith.addi %add3A_153, %min3A_85 : vector<16xi32>
    %swap3A_155 = arith.constant 0 : i32
    %swap3A_156 = arith.index_cast %swap3A_155 : i32 to index
    %swap3A_157 = arith.constant 0 : index
    %swap3A_158 = tpu.vector_load %arg17[%swap3A_156, %swap3A_157] {strides = array<i32>} : memref<2x96xi32, #tpu.memory_space<vmem>>, vector<1x16xi32>,
    %swap3A_159 = vector.shape_cast %swap3A_158 : vector<1x16xi32> to vector<16xi32>
    %swap3A_160 = vector.shape_cast %add3A_154 : vector<16xi32> to vector<1x16xi32>
    tpu.vector_store %arg17[%swap3A_156, %swap3A_157], %swap3A_160 {strides = array<i32>} : memref<2x96xi32, #tpu.memory_space<vmem>>, vector<1x16xi32>,
    %get3A_161 = arith.constant 16 : index
    %get3A_162 = tpu.vector_load %arg7[%get3A_161] {strides = array<i32>} : memref<192xf32, #tpu.memory_space<vmem>>, vector<16xf32>,
    %get3A_163 = vector.shape_cast %get3A_162 : vector<16xf32> to vector<16xf32>
    %get3A_164 = arith.constant 16 : index
    %get3A_165 = tpu.vector_load %arg8[%get3A_164] {strides = array<i32>} : memref<192xf32, #tpu.memory_space<vmem>>, vector<16xf32>,
    %get3A_166 = vector.shape_cast %get3A_165 : vector<16xf32> to vector<16xf32>
    %get3A_167 = arith.constant 16 : index
    %get3A_168 = tpu.vector_load %arg9[%get3A_167] {strides = array<i32>} : memref<192xi32, #tpu.memory_space<vmem>>, vector<16xi32>,
    %get3A_169 = vector.shape_cast %get3A_168 : vector<16xi32> to vector<16xi32>
    %mul3A_170 = arith.constant 1.600000e+01 : f32
    %mul3A_171 = vector.broadcast %mul3A_170 : f32 to vector<16xf32>
    %mul3A_172 = arith.mulf %get3A_163, %mul3A_171 : vector<16xf32>
    %add3A_173 = arith.constant 1.550000e+01 : f32
    %add3A_174 = vector.broadcast %add3A_173 : f32 to vector<16xf32>
    %add3A_175 = arith.addf %mul3A_172, %add3A_174 : vector<16xf32>
    %mul3A_176 = arith.constant 1.600000e+01 : f32
    %mul3A_177 = vector.broadcast %mul3A_176 : f32 to vector<16xf32>
    %mul3A_178 = arith.mulf %get3A_166, %mul3A_177 : vector<16xf32>
    %add3A_179 = arith.constant 1.550000e+01 : f32
    %add3A_180 = vector.broadcast %add3A_179 : f32 to vector<16xf32>
    %add3A_181 = arith.addf %mul3A_178, %add3A_180 : vector<16xf32>
    %convert_element_type3A_182 = arith.fptosi %add3A_175 : vector<16xf32> to vector<16xi32>
    %convert_element_type3A_183 = arith.fptosi %add3A_181 : vector<16xf32> to vector<16xi32>
    %convert_element_type3A_184 = arith.sitofp %convert_element_type3A_182 : vector<16xi32> to vector<16xf32>
    %gt3A_185 = arith.cmpf ogt, %convert_element_type3A_184, %add3A_175 : vector<16xf32>
    %sub3A_186 = arith.constant 1 : i32
    %sub3A_187 = vector.broadcast %sub3A_186 : i32 to vector<16xi32>
    %sub3A_188 = arith.subi %convert_element_type3A_182, %sub3A_187 : vector<16xi32>
    %select_n3A_189 = arith.select %gt3A_185, %sub3A_188, %convert_element_type3A_182 : vector<16xi1>, vector<16xi32>
    %convert_element_type3A_190 = arith.sitofp %convert_element_type3A_183 : vector<16xi32> to vector<16xf32>
    %gt3A_191 = arith.cmpf ogt, %convert_element_type3A_190, %add3A_181 : vector<16xf32>
    %sub3A_192 = arith.constant 1 : i32
    %sub3A_193 = vector.broadcast %sub3A_192 : i32 to vector<16xi32>
    %sub3A_194 = arith.subi %convert_element_type3A_183, %sub3A_193 : vector<16xi32>
    %select_n3A_195 = arith.select %gt3A_191, %sub3A_194, %convert_element_type3A_183 : vector<16xi1>, vector<16xi32>
    %convert_element_type3A_196 = arith.sitofp %select_n3A_189 : vector<16xi32> to vector<16xf32>
    %sub3A_197 = arith.subf %add3A_175, %convert_element_type3A_196 : vector<16xf32>
    %convert_element_type3A_198 = arith.sitofp %select_n3A_195 : vector<16xi32> to vector<16xf32>
    %sub3A_199 = arith.subf %add3A_181, %convert_element_type3A_198 : vector<16xf32>
    %add3A_200 = arith.constant 1 : i32
    %add3A_201 = vector.broadcast %add3A_200 : i32 to vector<16xi32>
    %add3A_202 = arith.addi %select_n3A_189, %add3A_201 : vector<16xi32>
    %add3A_203 = arith.constant 1 : i32
    %add3A_204 = vector.broadcast %add3A_203 : i32 to vector<16xi32>
    %add3A_205 = arith.addi %select_n3A_195, %add3A_204 : vector<16xi32>
    %ge3A_206 = arith.constant 0 : i32
    %ge3A_207 = vector.broadcast %ge3A_206 : i32 to vector<16xi32>
    %ge3A_208 = arith.cmpi sge, %select_n3A_189, %ge3A_207 : vector<16xi32>
    %le3A_209 = arith.constant 31 : i32
    %le3A_210 = vector.broadcast %le3A_209 : i32 to vector<16xi32>
    %le3A_211 = arith.cmpi sle, %select_n3A_189, %le3A_210 : vector<16xi32>
    %and3A_212 = arith.andi %ge3A_208, %le3A_211 : vector<16xi1>
    %ge3A_213 = arith.constant 0 : i32
    %ge3A_214 = vector.broadcast %ge3A_213 : i32 to vector<16xi32>
    %ge3A_215 = arith.cmpi sge, %add3A_202, %ge3A_214 : vector<16xi32>
    %le3A_216 = arith.constant 31 : i32
    %le3A_217 = vector.broadcast %le3A_216 : i32 to vector<16xi32>
    %le3A_218 = arith.cmpi sle, %add3A_202, %le3A_217 : vector<16xi32>
    %and3A_219 = arith.andi %ge3A_215, %le3A_218 : vector<16xi1>
    %ge3A_220 = arith.constant 0 : i32
    %ge3A_221 = vector.broadcast %ge3A_220 : i32 to vector<16xi32>
    %ge3A_222 = arith.cmpi sge, %select_n3A_195, %ge3A_221 : vector<16xi32>
    %le3A_223 = arith.constant 31 : i32
    %le3A_224 = vector.broadcast %le3A_223 : i32 to vector<16xi32>
    %le3A_225 = arith.cmpi sle, %select_n3A_195, %le3A_224 : vector<16xi32>
    %and3A_226 = arith.andi %ge3A_222, %le3A_225 : vector<16xi1>
    %ge3A_227 = arith.constant 0 : i32
    %ge3A_228 = vector.broadcast %ge3A_227 : i32 to vector<16xi32>
    %ge3A_229 = arith.cmpi sge, %add3A_205, %ge3A_228 : vector<16xi32>
    %le3A_230 = arith.constant 31 : i32
    %le3A_231 = vector.broadcast %le3A_230 : i32 to vector<16xi32>
    %le3A_232 = arith.cmpi sle, %add3A_205, %le3A_231 : vector<16xi32>
    %and3A_233 = arith.andi %ge3A_229, %le3A_232 : vector<16xi1>
    %sub3A_234 = arith.subf %broadcast_in_dim3A_3, %sub3A_197 : vector<16xf32>
    %select_n3A_235 = arith.select %and3A_212, %sub3A_234, %broadcast_in_dim3A_5 : vector<16xi1>, vector<16xf32>
    %select_n3A_236 = arith.select %and3A_219, %sub3A_197, %broadcast_in_dim3A_5 : vector<16xi1>, vector<16xf32>
    %sub3A_237 = arith.subf %broadcast_in_dim3A_3, %sub3A_199 : vector<16xf32>
    %select_n3A_238 = arith.select %and3A_226, %sub3A_237, %broadcast_in_dim3A_5 : vector<16xi1>, vector<16xf32>
    %select_n3A_239 = arith.select %and3A_233, %sub3A_199, %broadcast_in_dim3A_5 : vector<16xi1>, vector<16xf32>
    %jit3A_240 = arith.constant 0 : i32
    %jit3A_241 = arith.constant 31 : i32
    %max3A_242 = vector.broadcast %jit3A_240 : i32 to vector<16xi32>
    %max3A_243 = arith.maxsi %max3A_242, %select_n3A_189 : vector<16xi32>
    %min3A_244 = vector.broadcast %jit3A_241 : i32 to vector<16xi32>
    %min3A_245 = arith.minsi %min3A_244, %max3A_243 : vector<16xi32>
    %jit3A_246 = arith.constant 0 : i32
    %jit3A_247 = arith.constant 31 : i32
    %max3A_248 = vector.broadcast %jit3A_246 : i32 to vector<16xi32>
    %max3A_249 = arith.maxsi %max3A_248, %add3A_202 : vector<16xi32>
    %min3A_250 = vector.broadcast %jit3A_247 : i32 to vector<16xi32>
    %min3A_251 = arith.minsi %min3A_250, %max3A_249 : vector<16xi32>
    %jit3A_252 = arith.constant 0 : i32
    %jit3A_253 = arith.constant 31 : i32
    %max3A_254 = vector.broadcast %jit3A_252 : i32 to vector<16xi32>
    %max3A_255 = arith.maxsi %max3A_254, %select_n3A_195 : vector<16xi32>
    %min3A_256 = vector.broadcast %jit3A_253 : i32 to vector<16xi32>
    %min3A_257 = arith.minsi %min3A_256, %max3A_255 : vector<16xi32>
    %jit3A_258 = arith.constant 0 : i32
    %jit3A_259 = arith.constant 31 : i32
    %max3A_260 = vector.broadcast %jit3A_258 : i32 to vector<16xi32>
    %max3A_261 = arith.maxsi %max3A_260, %add3A_205 : vector<16xi32>
    %min3A_262 = vector.broadcast %jit3A_259 : i32 to vector<16xi32>
    %min3A_263 = arith.minsi %min3A_262, %max3A_261 : vector<16xi32>
    %mul3A_264 = arith.mulf %select_n3A_235, %select_n3A_238 : vector<16xf32>
    %swap3A_265 = arith.constant 16 : index
    %swap3A_266 = tpu.vector_load %arg10[%swap3A_265] {strides = array<i32>} : memref<208xf32, #tpu.memory_space<vmem>>, vector<16xf32>,
    %swap3A_267 = vector.shape_cast %swap3A_266 : vector<16xf32> to vector<16xf32>
    %swap3A_268 = vector.shape_cast %mul3A_264 : vector<16xf32> to vector<16xf32>
    tpu.vector_store %arg10[%swap3A_265], %swap3A_268 {strides = array<i32>} : memref<208xf32, #tpu.memory_space<vmem>>, vector<16xf32>,
    %mul3A_269 = arith.mulf %select_n3A_235, %select_n3A_239 : vector<16xf32>
    %swap3A_270 = arith.constant 16 : index
    %swap3A_271 = tpu.vector_load %arg11[%swap3A_270] {strides = array<i32>} : memref<208xf32, #tpu.memory_space<vmem>>, vector<16xf32>,
    %swap3A_272 = vector.shape_cast %swap3A_271 : vector<16xf32> to vector<16xf32>
    %swap3A_273 = vector.shape_cast %mul3A_269 : vector<16xf32> to vector<16xf32>
    tpu.vector_store %arg11[%swap3A_270], %swap3A_273 {strides = array<i32>} : memref<208xf32, #tpu.memory_space<vmem>>, vector<16xf32>,
    %mul3A_274 = arith.mulf %select_n3A_236, %select_n3A_238 : vector<16xf32>
    %swap3A_275 = arith.constant 16 : index
    %swap3A_276 = tpu.vector_load %arg12[%swap3A_275] {strides = array<i32>} : memref<208xf32, #tpu.memory_space<vmem>>, vector<16xf32>,
    %swap3A_277 = vector.shape_cast %swap3A_276 : vector<16xf32> to vector<16xf32>
    %swap3A_278 = vector.shape_cast %mul3A_274 : vector<16xf32> to vector<16xf32>
    tpu.vector_store %arg12[%swap3A_275], %swap3A_278 {strides = array<i32>} : memref<208xf32, #tpu.memory_space<vmem>>, vector<16xf32>,
    %mul3A_279 = arith.mulf %select_n3A_236, %select_n3A_239 : vector<16xf32>
    %swap3A_280 = arith.constant 16 : index
    %swap3A_281 = tpu.vector_load %arg13[%swap3A_280] {strides = array<i32>} : memref<208xf32, #tpu.memory_space<vmem>>, vector<16xf32>,
    %swap3A_282 = vector.shape_cast %swap3A_281 : vector<16xf32> to vector<16xf32>
    %swap3A_283 = vector.shape_cast %mul3A_279 : vector<16xf32> to vector<16xf32>
    tpu.vector_store %arg13[%swap3A_280], %swap3A_283 {strides = array<i32>} : memref<208xf32, #tpu.memory_space<vmem>>, vector<16xf32>,
    %mul3A_284 = arith.constant 32 : i32
    %mul3A_285 = vector.broadcast %mul3A_284 : i32 to vector<16xi32>
    %mul3A_286 = arith.muli %min3A_257, %mul3A_285 : vector<16xi32>
    %add3A_287 = arith.addi %get3A_169, %mul3A_286 : vector<16xi32>
    %add3A_288 = arith.addi %add3A_287, %min3A_245 : vector<16xi32>
    %swap3A_289 = arith.constant 0 : i32
    %swap3A_290 = arith.index_cast %swap3A_289 : i32 to index
    %swap3A_291 = arith.constant 16 : index
    %swap3A_292 = tpu.vector_load %arg14[%swap3A_290, %swap3A_291] {strides = array<i32>} : memref<2x96xi32, #tpu.memory_space<vmem>>, vector<1x16xi32>,
    %swap3A_293 = vector.shape_cast %swap3A_292 : vector<1x16xi32> to vector<16xi32>
    %swap3A_294 = vector.shape_cast %add3A_288 : vector<16xi32> to vector<1x16xi32>
    tpu.vector_store %arg14[%swap3A_290, %swap3A_291], %swap3A_294 {strides = array<i32>} : memref<2x96xi32, #tpu.memory_space<vmem>>, vector<1x16xi32>,
    %mul3A_295 = arith.constant 32 : i32
    %mul3A_296 = vector.broadcast %mul3A_295 : i32 to vector<16xi32>
    %mul3A_297 = arith.muli %min3A_263, %mul3A_296 : vector<16xi32>
    %add3A_298 = arith.addi %get3A_169, %mul3A_297 : vector<16xi32>
    %add3A_299 = arith.addi %add3A_298, %min3A_245 : vector<16xi32>
    %swap3A_300 = arith.constant 0 : i32
    %swap3A_301 = arith.index_cast %swap3A_300 : i32 to index
    %swap3A_302 = arith.constant 16 : index
    %swap3A_303 = tpu.vector_load %arg15[%swap3A_301, %swap3A_302] {strides = array<i32>} : memref<2x96xi32, #tpu.memory_space<vmem>>, vector<1x16xi32>,
    %swap3A_304 = vector.shape_cast %swap3A_303 : vector<1x16xi32> to vector<16xi32>
    %swap3A_305 = vector.shape_cast %add3A_299 : vector<16xi32> to vector<1x16xi32>
    tpu.vector_store %arg15[%swap3A_301, %swap3A_302], %swap3A_305 {strides = array<i32>} : memref<2x96xi32, #tpu.memory_space<vmem>>, vector<1x16xi32>,
    %mul3A_306 = arith.constant 32 : i32
    %mul3A_307 = vector.broadcast %mul3A_306 : i32 to vector<16xi32>
    %mul3A_308 = arith.muli %min3A_257, %mul3A_307 : vector<16xi32>
    %add3A_309 = arith.addi %get3A_169, %mul3A_308 : vector<16xi32>
    %add3A_310 = arith.addi %add3A_309, %min3A_251 : vector<16xi32>
    %swap3A_311 = arith.constant 0 : i32
    %swap3A_312 = arith.index_cast %swap3A_311 : i32 to index
    %swap3A_313 = arith.constant 16 : index
    %swap3A_314 = tpu.vector_load %arg16[%swap3A_312, %swap3A_313] {strides = array<i32>} : memref<2x96xi32, #tpu.memory_space<vmem>>, vector<1x16xi32>,
    %swap3A_315 = vector.shape_cast %swap3A_314 : vector<1x16xi32> to vector<16xi32>
    %swap3A_316 = vector.shape_cast %add3A_310 : vector<16xi32> to vector<1x16xi32>
    tpu.vector_store %arg16[%swap3A_312, %swap3A_313], %swap3A_316 {strides = array<i32>} : memref<2x96xi32, #tpu.memory_space<vmem>>, vector<1x16xi32>,
    %mul3A_317 = arith.constant 32 : i32
    %mul3A_318 = vector.broadcast %mul3A_317 : i32 to vector<16xi32>
    %mul3A_319 = arith.muli %min3A_263, %mul3A_318 : vector<16xi32>
    %add3A_320 = arith.addi %get3A_169, %mul3A_319 : vector<16xi32>
    %add3A_321 = arith.addi %add3A_320, %min3A_251 : vector<16xi32>
    %swap3A_322 = arith.constant 0 : i32
    %swap3A_323 = arith.index_cast %swap3A_322 : i32 to index
    %swap3A_324 = arith.constant 16 : index
    %swap3A_325 = tpu.vector_load %arg17[%swap3A_323, %swap3A_324] {strides = array<i32>} : memref<2x96xi32, #tpu.memory_space<vmem>>, vector<1x16xi32>,
    %swap3A_326 = vector.shape_cast %swap3A_325 : vector<1x16xi32> to vector<16xi32>
    %swap3A_327 = vector.shape_cast %add3A_321 : vector<16xi32> to vector<1x16xi32>
    tpu.vector_store %arg17[%swap3A_323, %swap3A_324], %swap3A_327 {strides = array<i32>} : memref<2x96xi32, #tpu.memory_space<vmem>>, vector<1x16xi32>,
    %get3A_328 = arith.constant 32 : index
    %get3A_329 = tpu.vector_load %arg7[%get3A_328] {strides = array<i32>} : memref<192xf32, #tpu.memory_space<vmem>>, vector<16xf32>,
    %get3A_330 = vector.shape_cast %get3A_329 : vector<16xf32> to vector<16xf32>
    %get3A_331 = arith.constant 32 : index
    %get3A_332 = tpu.vector_load %arg8[%get3A_331] {strides = array<i32>} : memref<192xf32, #tpu.memory_space<vmem>>, vector<16xf32>,
    %get3A_333 = vector.shape_cast %get3A_332 : vector<16xf32> to vector<16xf32>
    %get3A_334 = arith.constant 32 : index
    %get3A_335 = tpu.vector_load %arg9[%get3A_334] {strides = array<i32>} : memref<192xi32, #tpu.memory_space<vmem>>, vector<16xi32>,
    %get3A_336 = vector.shape_cast %get3A_335 : vector<16xi32> to vector<16xi32>
    %mul3A_337 = arith.constant 1.600000e+01 : f32
    %mul3A_338 = vector.broadcast %mul3A_337 : f32 to vector<16xf32>
    %mul3A_339 = arith.mulf %get3A_330, %mul3A_338 : vector<16xf32>
    %add3A_340 = arith.constant 1.550000e+01 : f32
    %add3A_341 = vector.broadcast %add3A_340 : f32 to vector<16xf32>
    %add3A_342 = arith.addf %mul3A_339, %add3A_341 : vector<16xf32>
    %mul3A_343 = arith.constant 1.600000e+01 : f32
    %mul3A_344 = vector.broadcast %mul3A_343 : f32 to vector<16xf32>
    %mul3A_345 = arith.mulf %get3A_333, %mul3A_344 : vector<16xf32>
    %add3A_346 = arith.constant 1.550000e+01 : f32
    %add3A_347 = vector.broadcast %add3A_346 : f32 to vector<16xf32>
    %add3A_348 = arith.addf %mul3A_345, %add3A_347 : vector<16xf32>
    %convert_element_type3A_349 = arith.fptosi %add3A_342 : vector<16xf32> to vector<16xi32>
    %convert_element_type3A_350 = arith.fptosi %add3A_348 : vector<16xf32> to vector<16xi32>
    %convert_element_type3A_351 = arith.sitofp %convert_element_type3A_349 : vector<16xi32> to vector<16xf32>
    %gt3A_352 = arith.cmpf ogt, %convert_element_type3A_351, %add3A_342 : vector<16xf32>
    %sub3A_353 = arith.constant 1 : i32
    %sub3A_354 = vector.broadcast %sub3A_353 : i32 to vector<16xi32>
    %sub3A_355 = arith.subi %convert_element_type3A_349, %sub3A_354 : vector<16xi32>
    %select_n3A_356 = arith.select %gt3A_352, %sub3A_355, %convert_element_type3A_349 : vector<16xi1>, vector<16xi32>
    %convert_element_type3A_357 = arith.sitofp %convert_element_type3A_350 : vector<16xi32> to vector<16xf32>
    %gt3A_358 = arith.cmpf ogt, %convert_element_type3A_357, %add3A_348 : vector<16xf32>
    %sub3A_359 = arith.constant 1 : i32
    %sub3A_360 = vector.broadcast %sub3A_359 : i32 to vector<16xi32>
    %sub3A_361 = arith.subi %convert_element_type3A_350, %sub3A_360 : vector<16xi32>
    %select_n3A_362 = arith.select %gt3A_358, %sub3A_361, %convert_element_type3A_350 : vector<16xi1>, vector<16xi32>
    %convert_element_type3A_363 = arith.sitofp %select_n3A_356 : vector<16xi32> to vector<16xf32>
    %sub3A_364 = arith.subf %add3A_342, %convert_element_type3A_363 : vector<16xf32>
    %convert_element_type3A_365 = arith.sitofp %select_n3A_362 : vector<16xi32> to vector<16xf32>
    %sub3A_366 = arith.subf %add3A_348, %convert_element_type3A_365 : vector<16xf32>
    %add3A_367 = arith.constant 1 : i32
    %add3A_368 = vector.broadcast %add3A_367 : i32 to vector<16xi32>
    %add3A_369 = arith.addi %select_n3A_356, %add3A_368 : vector<16xi32>
    %add3A_370 = arith.constant 1 : i32
    %add3A_371 = vector.broadcast %add3A_370 : i32 to vector<16xi32>
    %add3A_372 = arith.addi %select_n3A_362, %add3A_371 : vector<16xi32>
    %ge3A_373 = arith.constant 0 : i32
    %ge3A_374 = vector.broadcast %ge3A_373 : i32 to vector<16xi32>
    %ge3A_375 = arith.cmpi sge, %select_n3A_356, %ge3A_374 : vector<16xi32>
    %le3A_376 = arith.constant 31 : i32
    %le3A_377 = vector.broadcast %le3A_376 : i32 to vector<16xi32>
    %le3A_378 = arith.cmpi sle, %select_n3A_356, %le3A_377 : vector<16xi32>
    %and3A_379 = arith.andi %ge3A_375, %le3A_378 : vector<16xi1>
    %ge3A_380 = arith.constant 0 : i32
    %ge3A_381 = vector.broadcast %ge3A_380 : i32 to vector<16xi32>
    %ge3A_382 = arith.cmpi sge, %add3A_369, %ge3A_381 : vector<16xi32>
    %le3A_383 = arith.constant 31 : i32
    %le3A_384 = vector.broadcast %le3A_383 : i32 to vector<16xi32>
    %le3A_385 = arith.cmpi sle, %add3A_369, %le3A_384 : vector<16xi32>
    %and3A_386 = arith.andi %ge3A_382, %le3A_385 : vector<16xi1>
    %ge3A_387 = arith.constant 0 : i32
    %ge3A_388 = vector.broadcast %ge3A_387 : i32 to vector<16xi32>
    %ge3A_389 = arith.cmpi sge, %select_n3A_362, %ge3A_388 : vector<16xi32>
    %le3A_390 = arith.constant 31 : i32
    %le3A_391 = vector.broadcast %le3A_390 : i32 to vector<16xi32>
    %le3A_392 = arith.cmpi sle, %select_n3A_362, %le3A_391 : vector<16xi32>
    %and3A_393 = arith.andi %ge3A_389, %le3A_392 : vector<16xi1>
    %ge3A_394 = arith.constant 0 : i32
    %ge3A_395 = vector.broadcast %ge3A_394 : i32 to vector<16xi32>
    %ge3A_396 = arith.cmpi sge, %add3A_372, %ge3A_395 : vector<16xi32>
    %le3A_397 = arith.constant 31 : i32
    %le3A_398 = vector.broadcast %le3A_397 : i32 to vector<16xi32>
    %le3A_399 = arith.cmpi sle, %add3A_372, %le3A_398 : vector<16xi32>
    %and3A_400 = arith.andi %ge3A_396, %le3A_399 : vector<16xi1>
    %sub3A_401 = arith.subf %broadcast_in_dim3A_3, %sub3A_364 : vector<16xf32>
    %select_n3A_402 = arith.select %and3A_379, %sub3A_401, %broadcast_in_dim3A_5 : vector<16xi1>, vector<16xf32>
    %select_n3A_403 = arith.select %and3A_386, %sub3A_364, %broadcast_in_dim3A_5 : vector<16xi1>, vector<16xf32>
    %sub3A_404 = arith.subf %broadcast_in_dim3A_3, %sub3A_366 : vector<16xf32>
    %select_n3A_405 = arith.select %and3A_393, %sub3A_404, %broadcast_in_dim3A_5 : vector<16xi1>, vector<16xf32>
    %select_n3A_406 = arith.select %and3A_400, %sub3A_366, %broadcast_in_dim3A_5 : vector<16xi1>, vector<16xf32>
    %jit3A_407 = arith.constant 0 : i32
    %jit3A_408 = arith.constant 31 : i32
    %max3A_409 = vector.broadcast %jit3A_407 : i32 to vector<16xi32>
    %max3A_410 = arith.maxsi %max3A_409, %select_n3A_356 : vector<16xi32>
    %min3A_411 = vector.broadcast %jit3A_408 : i32 to vector<16xi32>
    %min3A_412 = arith.minsi %min3A_411, %max3A_410 : vector<16xi32>
    %jit3A_413 = arith.constant 0 : i32
    %jit3A_414 = arith.constant 31 : i32
    %max3A_415 = vector.broadcast %jit3A_413 : i32 to vector<16xi32>
    %max3A_416 = arith.maxsi %max3A_415, %add3A_369 : vector<16xi32>
    %min3A_417 = vector.broadcast %jit3A_414 : i32 to vector<16xi32>
    %min3A_418 = arith.minsi %min3A_417, %max3A_416 : vector<16xi32>
    %jit3A_419 = arith.constant 0 : i32
    %jit3A_420 = arith.constant 31 : i32
    %max3A_421 = vector.broadcast %jit3A_419 : i32 to vector<16xi32>
    %max3A_422 = arith.maxsi %max3A_421, %select_n3A_362 : vector<16xi32>
    %min3A_423 = vector.broadcast %jit3A_420 : i32 to vector<16xi32>
    %min3A_424 = arith.minsi %min3A_423, %max3A_422 : vector<16xi32>
    %jit3A_425 = arith.constant 0 : i32
    %jit3A_426 = arith.constant 31 : i32
    %max3A_427 = vector.broadcast %jit3A_425 : i32 to vector<16xi32>
    %max3A_428 = arith.maxsi %max3A_427, %add3A_372 : vector<16xi32>
    %min3A_429 = vector.broadcast %jit3A_426 : i32 to vector<16xi32>
    %min3A_430 = arith.minsi %min3A_429, %max3A_428 : vector<16xi32>
    %mul3A_431 = arith.mulf %select_n3A_402, %select_n3A_405 : vector<16xf32>
    %swap3A_432 = arith.constant 32 : index
    %swap3A_433 = tpu.vector_load %arg10[%swap3A_432] {strides = array<i32>} : memref<208xf32, #tpu.memory_space<vmem>>, vector<16xf32>,
    %swap3A_434 = vector.shape_cast %swap3A_433 : vector<16xf32> to vector<16xf32>
    %swap3A_435 = vector.shape_cast %mul3A_431 : vector<16xf32> to vector<16xf32>
    tpu.vector_store %arg10[%swap3A_432], %swap3A_435 {strides = array<i32>} : memref<208xf32, #tpu.memory_space<vmem>>, vector<16xf32>,
    %mul3A_436 = arith.mulf %select_n3A_402, %select_n3A_406 : vector<16xf32>
    %swap3A_437 = arith.constant 32 : index
    %swap3A_438 = tpu.vector_load %arg11[%swap3A_437] {strides = array<i32>} : memref<208xf32, #tpu.memory_space<vmem>>, vector<16xf32>,
    %swap3A_439 = vector.shape_cast %swap3A_438 : vector<16xf32> to vector<16xf32>
    %swap3A_440 = vector.shape_cast %mul3A_436 : vector<16xf32> to vector<16xf32>
    tpu.vector_store %arg11[%swap3A_437], %swap3A_440 {strides = array<i32>} : memref<208xf32, #tpu.memory_space<vmem>>, vector<16xf32>,
    %mul3A_441 = arith.mulf %select_n3A_403, %select_n3A_405 : vector<16xf32>
    %swap3A_442 = arith.constant 32 : index
    %swap3A_443 = tpu.vector_load %arg12[%swap3A_442] {strides = array<i32>} : memref<208xf32, #tpu.memory_space<vmem>>, vector<16xf32>,
    %swap3A_444 = vector.shape_cast %swap3A_443 : vector<16xf32> to vector<16xf32>
    %swap3A_445 = vector.shape_cast %mul3A_441 : vector<16xf32> to vector<16xf32>
    tpu.vector_store %arg12[%swap3A_442], %swap3A_445 {strides = array<i32>} : memref<208xf32, #tpu.memory_space<vmem>>, vector<16xf32>,
    %mul3A_446 = arith.mulf %select_n3A_403, %select_n3A_406 : vector<16xf32>
    %swap3A_447 = arith.constant 32 : index
    %swap3A_448 = tpu.vector_load %arg13[%swap3A_447] {strides = array<i32>} : memref<208xf32, #tpu.memory_space<vmem>>, vector<16xf32>,
    %swap3A_449 = vector.shape_cast %swap3A_448 : vector<16xf32> to vector<16xf32>
    %swap3A_450 = vector.shape_cast %mul3A_446 : vector<16xf32> to vector<16xf32>
    tpu.vector_store %arg13[%swap3A_447], %swap3A_450 {strides = array<i32>} : memref<208xf32, #tpu.memory_space<vmem>>, vector<16xf32>,
    %mul3A_451 = arith.constant 32 : i32
    %mul3A_452 = vector.broadcast %mul3A_451 : i32 to vector<16xi32>
    %mul3A_453 = arith.muli %min3A_424, %mul3A_452 : vector<16xi32>
    %add3A_454 = arith.addi %get3A_336, %mul3A_453 : vector<16xi32>
    %add3A_455 = arith.addi %add3A_454, %min3A_412 : vector<16xi32>
    %swap3A_456 = arith.constant 0 : i32
    %swap3A_457 = arith.index_cast %swap3A_456 : i32 to index
    %swap3A_458 = arith.constant 32 : index
    %swap3A_459 = tpu.vector_load %arg14[%swap3A_457, %swap3A_458] {strides = array<i32>} : memref<2x96xi32, #tpu.memory_space<vmem>>, vector<1x16xi32>,
    %swap3A_460 = vector.shape_cast %swap3A_459 : vector<1x16xi32> to vector<16xi32>
    %swap3A_461 = vector.shape_cast %add3A_455 : vector<16xi32> to vector<1x16xi32>
    tpu.vector_store %arg14[%swap3A_457, %swap3A_458], %swap3A_461 {strides = array<i32>} : memref<2x96xi32, #tpu.memory_space<vmem>>, vector<1x16xi32>,
    %mul3A_462 = arith.constant 32 : i32
    %mul3A_463 = vector.broadcast %mul3A_462 : i32 to vector<16xi32>
    %mul3A_464 = arith.muli %min3A_430, %mul3A_463 : vector<16xi32>
    %add3A_465 = arith.addi %get3A_336, %mul3A_464 : vector<16xi32>
    %add3A_466 = arith.addi %add3A_465, %min3A_412 : vector<16xi32>
    %swap3A_467 = arith.constant 0 : i32
    %swap3A_468 = arith.index_cast %swap3A_467 : i32 to index
    %swap3A_469 = arith.constant 32 : index
    %swap3A_470 = tpu.vector_load %arg15[%swap3A_468, %swap3A_469] {strides = array<i32>} : memref<2x96xi32, #tpu.memory_space<vmem>>, vector<1x16xi32>,
    %swap3A_471 = vector.shape_cast %swap3A_470 : vector<1x16xi32> to vector<16xi32>
    %swap3A_472 = vector.shape_cast %add3A_466 : vector<16xi32> to vector<1x16xi32>
    tpu.vector_store %arg15[%swap3A_468, %swap3A_469], %swap3A_472 {strides = array<i32>} : memref<2x96xi32, #tpu.memory_space<vmem>>, vector<1x16xi32>,
    %mul3A_473 = arith.constant 32 : i32
    %mul3A_474 = vector.broadcast %mul3A_473 : i32 to vector<16xi32>
    %mul3A_475 = arith.muli %min3A_424, %mul3A_474 : vector<16xi32>
    %add3A_476 = arith.addi %get3A_336, %mul3A_475 : vector<16xi32>
    %add3A_477 = arith.addi %add3A_476, %min3A_418 : vector<16xi32>
    %swap3A_478 = arith.constant 0 : i32
    %swap3A_479 = arith.index_cast %swap3A_478 : i32 to index
    %swap3A_480 = arith.constant 32 : index
    %swap3A_481 = tpu.vector_load %arg16[%swap3A_479, %swap3A_480] {strides = array<i32>} : memref<2x96xi32, #tpu.memory_space<vmem>>, vector<1x16xi32>,
    %swap3A_482 = vector.shape_cast %swap3A_481 : vector<1x16xi32> to vector<16xi32>
    %swap3A_483 = vector.shape_cast %add3A_477 : vector<16xi32> to vector<1x16xi32>
    tpu.vector_store %arg16[%swap3A_479, %swap3A_480], %swap3A_483 {strides = array<i32>} : memref<2x96xi32, #tpu.memory_space<vmem>>, vector<1x16xi32>,
    %mul3A_484 = arith.constant 32 : i32
    %mul3A_485 = vector.broadcast %mul3A_484 : i32 to vector<16xi32>
    %mul3A_486 = arith.muli %min3A_430, %mul3A_485 : vector<16xi32>
    %add3A_487 = arith.addi %get3A_336, %mul3A_486 : vector<16xi32>
    %add3A_488 = arith.addi %add3A_487, %min3A_418 : vector<16xi32>
    %swap3A_489 = arith.constant 0 : i32
    %swap3A_490 = arith.index_cast %swap3A_489 : i32 to index
    %swap3A_491 = arith.constant 32 : index
    %swap3A_492 = tpu.vector_load %arg17[%swap3A_490, %swap3A_491] {strides = array<i32>} : memref<2x96xi32, #tpu.memory_space<vmem>>, vector<1x16xi32>,
    %swap3A_493 = vector.shape_cast %swap3A_492 : vector<1x16xi32> to vector<16xi32>
    %swap3A_494 = vector.shape_cast %add3A_488 : vector<16xi32> to vector<1x16xi32>
    tpu.vector_store %arg17[%swap3A_490, %swap3A_491], %swap3A_494 {strides = array<i32>} : memref<2x96xi32, #tpu.memory_space<vmem>>, vector<1x16xi32>,
    %get3A_495 = arith.constant 48 : index
    %get3A_496 = tpu.vector_load %arg7[%get3A_495] {strides = array<i32>} : memref<192xf32, #tpu.memory_space<vmem>>, vector<16xf32>,
    %get3A_497 = vector.shape_cast %get3A_496 : vector<16xf32> to vector<16xf32>
    %get3A_498 = arith.constant 48 : index
    %get3A_499 = tpu.vector_load %arg8[%get3A_498] {strides = array<i32>} : memref<192xf32, #tpu.memory_space<vmem>>, vector<16xf32>,
    %get3A_500 = vector.shape_cast %get3A_499 : vector<16xf32> to vector<16xf32>
    %get3A_501 = arith.constant 48 : index
    %get3A_502 = tpu.vector_load %arg9[%get3A_501] {strides = array<i32>} : memref<192xi32, #tpu.memory_space<vmem>>, vector<16xi32>,
    %get3A_503 = vector.shape_cast %get3A_502 : vector<16xi32> to vector<16xi32>
    %mul3A_504 = arith.constant 1.600000e+01 : f32
    %mul3A_505 = vector.broadcast %mul3A_504 : f32 to vector<16xf32>
    %mul3A_506 = arith.mulf %get3A_497, %mul3A_505 : vector<16xf32>
    %add3A_507 = arith.constant 1.550000e+01 : f32
    %add3A_508 = vector.broadcast %add3A_507 : f32 to vector<16xf32>
    %add3A_509 = arith.addf %mul3A_506, %add3A_508 : vector<16xf32>
    %mul3A_510 = arith.constant 1.600000e+01 : f32
    %mul3A_511 = vector.broadcast %mul3A_510 : f32 to vector<16xf32>
    %mul3A_512 = arith.mulf %get3A_500, %mul3A_511 : vector<16xf32>
    %add3A_513 = arith.constant 1.550000e+01 : f32
    %add3A_514 = vector.broadcast %add3A_513 : f32 to vector<16xf32>
    %add3A_515 = arith.addf %mul3A_512, %add3A_514 : vector<16xf32>
    %convert_element_type3A_516 = arith.fptosi %add3A_509 : vector<16xf32> to vector<16xi32>
    %convert_element_type3A_517 = arith.fptosi %add3A_515 : vector<16xf32> to vector<16xi32>
    %convert_element_type3A_518 = arith.sitofp %convert_element_type3A_516 : vector<16xi32> to vector<16xf32>
    %gt3A_519 = arith.cmpf ogt, %convert_element_type3A_518, %add3A_509 : vector<16xf32>
    %sub3A_520 = arith.constant 1 : i32
    %sub3A_521 = vector.broadcast %sub3A_520 : i32 to vector<16xi32>
    %sub3A_522 = arith.subi %convert_element_type3A_516, %sub3A_521 : vector<16xi32>
    %select_n3A_523 = arith.select %gt3A_519, %sub3A_522, %convert_element_type3A_516 : vector<16xi1>, vector<16xi32>
    %convert_element_type3A_524 = arith.sitofp %convert_element_type3A_517 : vector<16xi32> to vector<16xf32>
    %gt3A_525 = arith.cmpf ogt, %convert_element_type3A_524, %add3A_515 : vector<16xf32>
    %sub3A_526 = arith.constant 1 : i32
    %sub3A_527 = vector.broadcast %sub3A_526 : i32 to vector<16xi32>
    %sub3A_528 = arith.subi %convert_element_type3A_517, %sub3A_527 : vector<16xi32>
    %select_n3A_529 = arith.select %gt3A_525, %sub3A_528, %convert_element_type3A_517 : vector<16xi1>, vector<16xi32>
    %convert_element_type3A_530 = arith.sitofp %select_n3A_523 : vector<16xi32> to vector<16xf32>
    %sub3A_531 = arith.subf %add3A_509, %convert_element_type3A_530 : vector<16xf32>
    %convert_element_type3A_532 = arith.sitofp %select_n3A_529 : vector<16xi32> to vector<16xf32>
    %sub3A_533 = arith.subf %add3A_515, %convert_element_type3A_532 : vector<16xf32>
    %add3A_534 = arith.constant 1 : i32
    %add3A_535 = vector.broadcast %add3A_534 : i32 to vector<16xi32>
    %add3A_536 = arith.addi %select_n3A_523, %add3A_535 : vector<16xi32>
    %add3A_537 = arith.constant 1 : i32
    %add3A_538 = vector.broadcast %add3A_537 : i32 to vector<16xi32>
    %add3A_539 = arith.addi %select_n3A_529, %add3A_538 : vector<16xi32>
    %ge3A_540 = arith.constant 0 : i32
    %ge3A_541 = vector.broadcast %ge3A_540 : i32 to vector<16xi32>
    %ge3A_542 = arith.cmpi sge, %select_n3A_523, %ge3A_541 : vector<16xi32>
    %le3A_543 = arith.constant 31 : i32
    %le3A_544 = vector.broadcast %le3A_543 : i32 to vector<16xi32>
    %le3A_545 = arith.cmpi sle, %select_n3A_523, %le3A_544 : vector<16xi32>
    %and3A_546 = arith.andi %ge3A_542, %le3A_545 : vector<16xi1>
    %ge3A_547 = arith.constant 0 : i32
    %ge3A_548 = vector.broadcast %ge3A_547 : i32 to vector<16xi32>
    %ge3A_549 = arith.cmpi sge, %add3A_536, %ge3A_548 : vector<16xi32>
    %le3A_550 = arith.constant 31 : i32
    %le3A_551 = vector.broadcast %le3A_550 : i32 to vector<16xi32>
    %le3A_552 = arith.cmpi sle, %add3A_536, %le3A_551 : vector<16xi32>
    %and3A_553 = arith.andi %ge3A_549, %le3A_552 : vector<16xi1>
    %ge3A_554 = arith.constant 0 : i32
    %ge3A_555 = vector.broadcast %ge3A_554 : i32 to vector<16xi32>
    %ge3A_556 = arith.cmpi sge, %select_n3A_529, %ge3A_555 : vector<16xi32>
    %le3A_557 = arith.constant 31 : i32
    %le3A_558 = vector.broadcast %le3A_557 : i32 to vector<16xi32>
    %le3A_559 = arith.cmpi sle, %select_n3A_529, %le3A_558 : vector<16xi32>
    %and3A_560 = arith.andi %ge3A_556, %le3A_559 : vector<16xi1>
    %ge3A_561 = arith.constant 0 : i32
    %ge3A_562 = vector.broadcast %ge3A_561 : i32 to vector<16xi32>
    %ge3A_563 = arith.cmpi sge, %add3A_539, %ge3A_562 : vector<16xi32>
    %le3A_564 = arith.constant 31 : i32
    %le3A_565 = vector.broadcast %le3A_564 : i32 to vector<16xi32>
    %le3A_566 = arith.cmpi sle, %add3A_539, %le3A_565 : vector<16xi32>
    %and3A_567 = arith.andi %ge3A_563, %le3A_566 : vector<16xi1>
    %sub3A_568 = arith.subf %broadcast_in_dim3A_3, %sub3A_531 : vector<16xf32>
    %select_n3A_569 = arith.select %and3A_546, %sub3A_568, %broadcast_in_dim3A_5 : vector<16xi1>, vector<16xf32>
    %select_n3A_570 = arith.select %and3A_553, %sub3A_531, %broadcast_in_dim3A_5 : vector<16xi1>, vector<16xf32>
    %sub3A_571 = arith.subf %broadcast_in_dim3A_3, %sub3A_533 : vector<16xf32>
    %select_n3A_572 = arith.select %and3A_560, %sub3A_571, %broadcast_in_dim3A_5 : vector<16xi1>, vector<16xf32>
    %select_n3A_573 = arith.select %and3A_567, %sub3A_533, %broadcast_in_dim3A_5 : vector<16xi1>, vector<16xf32>
    %jit3A_574 = arith.constant 0 : i32
    %jit3A_575 = arith.constant 31 : i32
    %max3A_576 = vector.broadcast %jit3A_574 : i32 to vector<16xi32>
    %max3A_577 = arith.maxsi %max3A_576, %select_n3A_523 : vector<16xi32>
    %min3A_578 = vector.broadcast %jit3A_575 : i32 to vector<16xi32>
    %min3A_579 = arith.minsi %min3A_578, %max3A_577 : vector<16xi32>
    %jit3A_580 = arith.constant 0 : i32
    %jit3A_581 = arith.constant 31 : i32
    %max3A_582 = vector.broadcast %jit3A_580 : i32 to vector<16xi32>
    %max3A_583 = arith.maxsi %max3A_582, %add3A_536 : vector<16xi32>
    %min3A_584 = vector.broadcast %jit3A_581 : i32 to vector<16xi32>
    %min3A_585 = arith.minsi %min3A_584, %max3A_583 : vector<16xi32>
    %jit3A_586 = arith.constant 0 : i32
    %jit3A_587 = arith.constant 31 : i32
    %max3A_588 = vector.broadcast %jit3A_586 : i32 to vector<16xi32>
    %max3A_589 = arith.maxsi %max3A_588, %select_n3A_529 : vector<16xi32>
    %min3A_590 = vector.broadcast %jit3A_587 : i32 to vector<16xi32>
    %min3A_591 = arith.minsi %min3A_590, %max3A_589 : vector<16xi32>
    %jit3A_592 = arith.constant 0 : i32
    %jit3A_593 = arith.constant 31 : i32
    %max3A_594 = vector.broadcast %jit3A_592 : i32 to vector<16xi32>
    %max3A_595 = arith.maxsi %max3A_594, %add3A_539 : vector<16xi32>
    %min3A_596 = vector.broadcast %jit3A_593 : i32 to vector<16xi32>
    %min3A_597 = arith.minsi %min3A_596, %max3A_595 : vector<16xi32>
    %mul3A_598 = arith.mulf %select_n3A_569, %select_n3A_572 : vector<16xf32>
    %swap3A_599 = arith.constant 48 : index
    %swap3A_600 = tpu.vector_load %arg10[%swap3A_599] {strides = array<i32>} : memref<208xf32, #tpu.memory_space<vmem>>, vector<16xf32>,
    %swap3A_601 = vector.shape_cast %swap3A_600 : vector<16xf32> to vector<16xf32>
    %swap3A_602 = vector.shape_cast %mul3A_598 : vector<16xf32> to vector<16xf32>
    tpu.vector_store %arg10[%swap3A_599], %swap3A_602 {strides = array<i32>} : memref<208xf32, #tpu.memory_space<vmem>>, vector<16xf32>,
    %mul3A_603 = arith.mulf %select_n3A_569, %select_n3A_573 : vector<16xf32>
    %swap3A_604 = arith.constant 48 : index
    %swap3A_605 = tpu.vector_load %arg11[%swap3A_604] {strides = array<i32>} : memref<208xf32, #tpu.memory_space<vmem>>, vector<16xf32>,
    %swap3A_606 = vector.shape_cast %swap3A_605 : vector<16xf32> to vector<16xf32>
    %swap3A_607 = vector.shape_cast %mul3A_603 : vector<16xf32> to vector<16xf32>
    tpu.vector_store %arg11[%swap3A_604], %swap3A_607 {strides = array<i32>} : memref<208xf32, #tpu.memory_space<vmem>>, vector<16xf32>,
    %mul3A_608 = arith.mulf %select_n3A_570, %select_n3A_572 : vector<16xf32>
    %swap3A_609 = arith.constant 48 : index
    %swap3A_610 = tpu.vector_load %arg12[%swap3A_609] {strides = array<i32>} : memref<208xf32, #tpu.memory_space<vmem>>, vector<16xf32>,
    %swap3A_611 = vector.shape_cast %swap3A_610 : vector<16xf32> to vector<16xf32>
    %swap3A_612 = vector.shape_cast %mul3A_608 : vector<16xf32> to vector<16xf32>
    tpu.vector_store %arg12[%swap3A_609], %swap3A_612 {strides = array<i32>} : memref<208xf32, #tpu.memory_space<vmem>>, vector<16xf32>,
    %mul3A_613 = arith.mulf %select_n3A_570, %select_n3A_573 : vector<16xf32>
    %swap3A_614 = arith.constant 48 : index
    %swap3A_615 = tpu.vector_load %arg13[%swap3A_614] {strides = array<i32>} : memref<208xf32, #tpu.memory_space<vmem>>, vector<16xf32>,
    %swap3A_616 = vector.shape_cast %swap3A_615 : vector<16xf32> to vector<16xf32>
    %swap3A_617 = vector.shape_cast %mul3A_613 : vector<16xf32> to vector<16xf32>
    tpu.vector_store %arg13[%swap3A_614], %swap3A_617 {strides = array<i32>} : memref<208xf32, #tpu.memory_space<vmem>>, vector<16xf32>,
    %mul3A_618 = arith.constant 32 : i32
    %mul3A_619 = vector.broadcast %mul3A_618 : i32 to vector<16xi32>
    %mul3A_620 = arith.muli %min3A_591, %mul3A_619 : vector<16xi32>
    %add3A_621 = arith.addi %get3A_503, %mul3A_620 : vector<16xi32>
    %add3A_622 = arith.addi %add3A_621, %min3A_579 : vector<16xi32>
    %swap3A_623 = arith.constant 0 : i32
    %swap3A_624 = arith.index_cast %swap3A_623 : i32 to index
    %swap3A_625 = arith.constant 48 : index
    %swap3A_626 = tpu.vector_load %arg14[%swap3A_624, %swap3A_625] {strides = array<i32>} : memref<2x96xi32, #tpu.memory_space<vmem>>, vector<1x16xi32>,
    %swap3A_627 = vector.shape_cast %swap3A_626 : vector<1x16xi32> to vector<16xi32>
    %swap3A_628 = vector.shape_cast %add3A_622 : vector<16xi32> to vector<1x16xi32>
    tpu.vector_store %arg14[%swap3A_624, %swap3A_625], %swap3A_628 {strides = array<i32>} : memref<2x96xi32, #tpu.memory_space<vmem>>, vector<1x16xi32>,
    %mul3A_629 = arith.constant 32 : i32
    %mul3A_630 = vector.broadcast %mul3A_629 : i32 to vector<16xi32>
    %mul3A_631 = arith.muli %min3A_597, %mul3A_630 : vector<16xi32>
    %add3A_632 = arith.addi %get3A_503, %mul3A_631 : vector<16xi32>
    %add3A_633 = arith.addi %add3A_632, %min3A_579 : vector<16xi32>
    %swap3A_634 = arith.constant 0 : i32
    %swap3A_635 = arith.index_cast %swap3A_634 : i32 to index
    %swap3A_636 = arith.constant 48 : index
    %swap3A_637 = tpu.vector_load %arg15[%swap3A_635, %swap3A_636] {strides = array<i32>} : memref<2x96xi32, #tpu.memory_space<vmem>>, vector<1x16xi32>,
    %swap3A_638 = vector.shape_cast %swap3A_637 : vector<1x16xi32> to vector<16xi32>
    %swap3A_639 = vector.shape_cast %add3A_633 : vector<16xi32> to vector<1x16xi32>
    tpu.vector_store %arg15[%swap3A_635, %swap3A_636], %swap3A_639 {strides = array<i32>} : memref<2x96xi32, #tpu.memory_space<vmem>>, vector<1x16xi32>,
    %mul3A_640 = arith.constant 32 : i32
    %mul3A_641 = vector.broadcast %mul3A_640 : i32 to vector<16xi32>
    %mul3A_642 = arith.muli %min3A_591, %mul3A_641 : vector<16xi32>
    %add3A_643 = arith.addi %get3A_503, %mul3A_642 : vector<16xi32>
    %add3A_644 = arith.addi %add3A_643, %min3A_585 : vector<16xi32>
    %swap3A_645 = arith.constant 0 : i32
    %swap3A_646 = arith.index_cast %swap3A_645 : i32 to index
    %swap3A_647 = arith.constant 48 : index
    %swap3A_648 = tpu.vector_load %arg16[%swap3A_646, %swap3A_647] {strides = array<i32>} : memref<2x96xi32, #tpu.memory_space<vmem>>, vector<1x16xi32>,
    %swap3A_649 = vector.shape_cast %swap3A_648 : vector<1x16xi32> to vector<16xi32>
    %swap3A_650 = vector.shape_cast %add3A_644 : vector<16xi32> to vector<1x16xi32>
    tpu.vector_store %arg16[%swap3A_646, %swap3A_647], %swap3A_650 {strides = array<i32>} : memref<2x96xi32, #tpu.memory_space<vmem>>, vector<1x16xi32>,
    %mul3A_651 = arith.constant 32 : i32
    %mul3A_652 = vector.broadcast %mul3A_651 : i32 to vector<16xi32>
    %mul3A_653 = arith.muli %min3A_597, %mul3A_652 : vector<16xi32>
    %add3A_654 = arith.addi %get3A_503, %mul3A_653 : vector<16xi32>
    %add3A_655 = arith.addi %add3A_654, %min3A_585 : vector<16xi32>
    %swap3A_656 = arith.constant 0 : i32
    %swap3A_657 = arith.index_cast %swap3A_656 : i32 to index
    %swap3A_658 = arith.constant 48 : index
    %swap3A_659 = tpu.vector_load %arg17[%swap3A_657, %swap3A_658] {strides = array<i32>} : memref<2x96xi32, #tpu.memory_space<vmem>>, vector<1x16xi32>,
    %swap3A_660 = vector.shape_cast %swap3A_659 : vector<1x16xi32> to vector<16xi32>
    %swap3A_661 = vector.shape_cast %add3A_655 : vector<16xi32> to vector<1x16xi32>
    tpu.vector_store %arg17[%swap3A_657, %swap3A_658], %swap3A_661 {strides = array<i32>} : memref<2x96xi32, #tpu.memory_space<vmem>>, vector<1x16xi32>,
    %get3A_662 = arith.constant 64 : index
    %get3A_663 = tpu.vector_load %arg7[%get3A_662] {strides = array<i32>} : memref<192xf32, #tpu.memory_space<vmem>>, vector<16xf32>,
    %get3A_664 = vector.shape_cast %get3A_663 : vector<16xf32> to vector<16xf32>
    %get3A_665 = arith.constant 64 : index
    %get3A_666 = tpu.vector_load %arg8[%get3A_665] {strides = array<i32>} : memref<192xf32, #tpu.memory_space<vmem>>, vector<16xf32>,
    %get3A_667 = vector.shape_cast %get3A_666 : vector<16xf32> to vector<16xf32>
    %get3A_668 = arith.constant 64 : index
    %get3A_669 = tpu.vector_load %arg9[%get3A_668] {strides = array<i32>} : memref<192xi32, #tpu.memory_space<vmem>>, vector<16xi32>,
    %get3A_670 = vector.shape_cast %get3A_669 : vector<16xi32> to vector<16xi32>
    %mul3A_671 = arith.constant 1.600000e+01 : f32
    %mul3A_672 = vector.broadcast %mul3A_671 : f32 to vector<16xf32>
    %mul3A_673 = arith.mulf %get3A_664, %mul3A_672 : vector<16xf32>
    %add3A_674 = arith.constant 1.550000e+01 : f32
    %add3A_675 = vector.broadcast %add3A_674 : f32 to vector<16xf32>
    %add3A_676 = arith.addf %mul3A_673, %add3A_675 : vector<16xf32>
    %mul3A_677 = arith.constant 1.600000e+01 : f32
    %mul3A_678 = vector.broadcast %mul3A_677 : f32 to vector<16xf32>
    %mul3A_679 = arith.mulf %get3A_667, %mul3A_678 : vector<16xf32>
    %add3A_680 = arith.constant 1.550000e+01 : f32
    %add3A_681 = vector.broadcast %add3A_680 : f32 to vector<16xf32>
    %add3A_682 = arith.addf %mul3A_679, %add3A_681 : vector<16xf32>
    %convert_element_type3A_683 = arith.fptosi %add3A_676 : vector<16xf32> to vector<16xi32>
    %convert_element_type3A_684 = arith.fptosi %add3A_682 : vector<16xf32> to vector<16xi32>
    %convert_element_type3A_685 = arith.sitofp %convert_element_type3A_683 : vector<16xi32> to vector<16xf32>
    %gt3A_686 = arith.cmpf ogt, %convert_element_type3A_685, %add3A_676 : vector<16xf32>
    %sub3A_687 = arith.constant 1 : i32
    %sub3A_688 = vector.broadcast %sub3A_687 : i32 to vector<16xi32>
    %sub3A_689 = arith.subi %convert_element_type3A_683, %sub3A_688 : vector<16xi32>
    %select_n3A_690 = arith.select %gt3A_686, %sub3A_689, %convert_element_type3A_683 : vector<16xi1>, vector<16xi32>
    %convert_element_type3A_691 = arith.sitofp %convert_element_type3A_684 : vector<16xi32> to vector<16xf32>
    %gt3A_692 = arith.cmpf ogt, %convert_element_type3A_691, %add3A_682 : vector<16xf32>
    %sub3A_693 = arith.constant 1 : i32
    %sub3A_694 = vector.broadcast %sub3A_693 : i32 to vector<16xi32>
    %sub3A_695 = arith.subi %convert_element_type3A_684, %sub3A_694 : vector<16xi32>
    %select_n3A_696 = arith.select %gt3A_692, %sub3A_695, %convert_element_type3A_684 : vector<16xi1>, vector<16xi32>
    %convert_element_type3A_697 = arith.sitofp %select_n3A_690 : vector<16xi32> to vector<16xf32>
    %sub3A_698 = arith.subf %add3A_676, %convert_element_type3A_697 : vector<16xf32>
    %convert_element_type3A_699 = arith.sitofp %select_n3A_696 : vector<16xi32> to vector<16xf32>
    %sub3A_700 = arith.subf %add3A_682, %convert_element_type3A_699 : vector<16xf32>
    %add3A_701 = arith.constant 1 : i32
    %add3A_702 = vector.broadcast %add3A_701 : i32 to vector<16xi32>
    %add3A_703 = arith.addi %select_n3A_690, %add3A_702 : vector<16xi32>
    %add3A_704 = arith.constant 1 : i32
    %add3A_705 = vector.broadcast %add3A_704 : i32 to vector<16xi32>
    %add3A_706 = arith.addi %select_n3A_696, %add3A_705 : vector<16xi32>
    %ge3A_707 = arith.constant 0 : i32
    %ge3A_708 = vector.broadcast %ge3A_707 : i32 to vector<16xi32>
    %ge3A_709 = arith.cmpi sge, %select_n3A_690, %ge3A_708 : vector<16xi32>
    %le3A_710 = arith.constant 31 : i32
    %le3A_711 = vector.broadcast %le3A_710 : i32 to vector<16xi32>
    %le3A_712 = arith.cmpi sle, %select_n3A_690, %le3A_711 : vector<16xi32>
    %and3A_713 = arith.andi %ge3A_709, %le3A_712 : vector<16xi1>
    %ge3A_714 = arith.constant 0 : i32
    %ge3A_715 = vector.broadcast %ge3A_714 : i32 to vector<16xi32>
    %ge3A_716 = arith.cmpi sge, %add3A_703, %ge3A_715 : vector<16xi32>
    %le3A_717 = arith.constant 31 : i32
    %le3A_718 = vector.broadcast %le3A_717 : i32 to vector<16xi32>
    %le3A_719 = arith.cmpi sle, %add3A_703, %le3A_718 : vector<16xi32>
    %and3A_720 = arith.andi %ge3A_716, %le3A_719 : vector<16xi1>
    %ge3A_721 = arith.constant 0 : i32
    %ge3A_722 = vector.broadcast %ge3A_721 : i32 to vector<16xi32>
    %ge3A_723 = arith.cmpi sge, %select_n3A_696, %ge3A_722 : vector<16xi32>
    %le3A_724 = arith.constant 31 : i32
    %le3A_725 = vector.broadcast %le3A_724 : i32 to vector<16xi32>
    %le3A_726 = arith.cmpi sle, %select_n3A_696, %le3A_725 : vector<16xi32>
    %and3A_727 = arith.andi %ge3A_723, %le3A_726 : vector<16xi1>
    %ge3A_728 = arith.constant 0 : i32
    %ge3A_729 = vector.broadcast %ge3A_728 : i32 to vector<16xi32>
    %ge3A_730 = arith.cmpi sge, %add3A_706, %ge3A_729 : vector<16xi32>
    %le3A_731 = arith.constant 31 : i32
    %le3A_732 = vector.broadcast %le3A_731 : i32 to vector<16xi32>
    %le3A_733 = arith.cmpi sle, %add3A_706, %le3A_732 : vector<16xi32>
    %and3A_734 = arith.andi %ge3A_730, %le3A_733 : vector<16xi1>
    %sub3A_735 = arith.subf %broadcast_in_dim3A_3, %sub3A_698 : vector<16xf32>
    %select_n3A_736 = arith.select %and3A_713, %sub3A_735, %broadcast_in_dim3A_5 : vector<16xi1>, vector<16xf32>
    %select_n3A_737 = arith.select %and3A_720, %sub3A_698, %broadcast_in_dim3A_5 : vector<16xi1>, vector<16xf32>
    %sub3A_738 = arith.subf %broadcast_in_dim3A_3, %sub3A_700 : vector<16xf32>
    %select_n3A_739 = arith.select %and3A_727, %sub3A_738, %broadcast_in_dim3A_5 : vector<16xi1>, vector<16xf32>
    %select_n3A_740 = arith.select %and3A_734, %sub3A_700, %broadcast_in_dim3A_5 : vector<16xi1>, vector<16xf32>
    %jit3A_741 = arith.constant 0 : i32
    %jit3A_742 = arith.constant 31 : i32
    %max3A_743 = vector.broadcast %jit3A_741 : i32 to vector<16xi32>
    %max3A_744 = arith.maxsi %max3A_743, %select_n3A_690 : vector<16xi32>
    %min3A_745 = vector.broadcast %jit3A_742 : i32 to vector<16xi32>
    %min3A_746 = arith.minsi %min3A_745, %max3A_744 : vector<16xi32>
    %jit3A_747 = arith.constant 0 : i32
    %jit3A_748 = arith.constant 31 : i32
    %max3A_749 = vector.broadcast %jit3A_747 : i32 to vector<16xi32>
    %max3A_750 = arith.maxsi %max3A_749, %add3A_703 : vector<16xi32>
    %min3A_751 = vector.broadcast %jit3A_748 : i32 to vector<16xi32>
    %min3A_752 = arith.minsi %min3A_751, %max3A_750 : vector<16xi32>
    %jit3A_753 = arith.constant 0 : i32
    %jit3A_754 = arith.constant 31 : i32
    %max3A_755 = vector.broadcast %jit3A_753 : i32 to vector<16xi32>
    %max3A_756 = arith.maxsi %max3A_755, %select_n3A_696 : vector<16xi32>
    %min3A_757 = vector.broadcast %jit3A_754 : i32 to vector<16xi32>
    %min3A_758 = arith.minsi %min3A_757, %max3A_756 : vector<16xi32>
    %jit3A_759 = arith.constant 0 : i32
    %jit3A_760 = arith.constant 31 : i32
    %max3A_761 = vector.broadcast %jit3A_759 : i32 to vector<16xi32>
    %max3A_762 = arith.maxsi %max3A_761, %add3A_706 : vector<16xi32>
    %min3A_763 = vector.broadcast %jit3A_760 : i32 to vector<16xi32>
    %min3A_764 = arith.minsi %min3A_763, %max3A_762 : vector<16xi32>
    %mul3A_765 = arith.mulf %select_n3A_736, %select_n3A_739 : vector<16xf32>
    %swap3A_766 = arith.constant 64 : index
    %swap3A_767 = tpu.vector_load %arg10[%swap3A_766] {strides = array<i32>} : memref<208xf32, #tpu.memory_space<vmem>>, vector<16xf32>,
    %swap3A_768 = vector.shape_cast %swap3A_767 : vector<16xf32> to vector<16xf32>
    %swap3A_769 = vector.shape_cast %mul3A_765 : vector<16xf32> to vector<16xf32>
    tpu.vector_store %arg10[%swap3A_766], %swap3A_769 {strides = array<i32>} : memref<208xf32, #tpu.memory_space<vmem>>, vector<16xf32>,
    %mul3A_770 = arith.mulf %select_n3A_736, %select_n3A_740 : vector<16xf32>
    %swap3A_771 = arith.constant 64 : index
    %swap3A_772 = tpu.vector_load %arg11[%swap3A_771] {strides = array<i32>} : memref<208xf32, #tpu.memory_space<vmem>>, vector<16xf32>,
    %swap3A_773 = vector.shape_cast %swap3A_772 : vector<16xf32> to vector<16xf32>
    %swap3A_774 = vector.shape_cast %mul3A_770 : vector<16xf32> to vector<16xf32>
    tpu.vector_store %arg11[%swap3A_771], %swap3A_774 {strides = array<i32>} : memref<208xf32, #tpu.memory_space<vmem>>, vector<16xf32>,
    %mul3A_775 = arith.mulf %select_n3A_737, %select_n3A_739 : vector<16xf32>
    %swap3A_776 = arith.constant 64 : index
    %swap3A_777 = tpu.vector_load %arg12[%swap3A_776] {strides = array<i32>} : memref<208xf32, #tpu.memory_space<vmem>>, vector<16xf32>,
    %swap3A_778 = vector.shape_cast %swap3A_777 : vector<16xf32> to vector<16xf32>
    %swap3A_779 = vector.shape_cast %mul3A_775 : vector<16xf32> to vector<16xf32>
    tpu.vector_store %arg12[%swap3A_776], %swap3A_779 {strides = array<i32>} : memref<208xf32, #tpu.memory_space<vmem>>, vector<16xf32>,
    %mul3A_780 = arith.mulf %select_n3A_737, %select_n3A_740 : vector<16xf32>
    %swap3A_781 = arith.constant 64 : index
    %swap3A_782 = tpu.vector_load %arg13[%swap3A_781] {strides = array<i32>} : memref<208xf32, #tpu.memory_space<vmem>>, vector<16xf32>,
    %swap3A_783 = vector.shape_cast %swap3A_782 : vector<16xf32> to vector<16xf32>
    %swap3A_784 = vector.shape_cast %mul3A_780 : vector<16xf32> to vector<16xf32>
    tpu.vector_store %arg13[%swap3A_781], %swap3A_784 {strides = array<i32>} : memref<208xf32, #tpu.memory_space<vmem>>, vector<16xf32>,
    %mul3A_785 = arith.constant 32 : i32
    %mul3A_786 = vector.broadcast %mul3A_785 : i32 to vector<16xi32>
    %mul3A_787 = arith.muli %min3A_758, %mul3A_786 : vector<16xi32>
    %add3A_788 = arith.addi %get3A_670, %mul3A_787 : vector<16xi32>
    %add3A_789 = arith.addi %add3A_788, %min3A_746 : vector<16xi32>
    %swap3A_790 = arith.constant 0 : i32
    %swap3A_791 = arith.index_cast %swap3A_790 : i32 to index
    %swap3A_792 = arith.constant 64 : index
    %swap3A_793 = tpu.vector_load %arg14[%swap3A_791, %swap3A_792] {strides = array<i32>} : memref<2x96xi32, #tpu.memory_space<vmem>>, vector<1x16xi32>,
    %swap3A_794 = vector.shape_cast %swap3A_793 : vector<1x16xi32> to vector<16xi32>
    %swap3A_795 = vector.shape_cast %add3A_789 : vector<16xi32> to vector<1x16xi32>
    tpu.vector_store %arg14[%swap3A_791, %swap3A_792], %swap3A_795 {strides = array<i32>} : memref<2x96xi32, #tpu.memory_space<vmem>>, vector<1x16xi32>,
    %mul3A_796 = arith.constant 32 : i32
    %mul3A_797 = vector.broadcast %mul3A_796 : i32 to vector<16xi32>
    %mul3A_798 = arith.muli %min3A_764, %mul3A_797 : vector<16xi32>
    %add3A_799 = arith.addi %get3A_670, %mul3A_798 : vector<16xi32>
    %add3A_800 = arith.addi %add3A_799, %min3A_746 : vector<16xi32>
    %swap3A_801 = arith.constant 0 : i32
    %swap3A_802 = arith.index_cast %swap3A_801 : i32 to index
    %swap3A_803 = arith.constant 64 : index
    %swap3A_804 = tpu.vector_load %arg15[%swap3A_802, %swap3A_803] {strides = array<i32>} : memref<2x96xi32, #tpu.memory_space<vmem>>, vector<1x16xi32>,
    %swap3A_805 = vector.shape_cast %swap3A_804 : vector<1x16xi32> to vector<16xi32>
    %swap3A_806 = vector.shape_cast %add3A_800 : vector<16xi32> to vector<1x16xi32>
    tpu.vector_store %arg15[%swap3A_802, %swap3A_803], %swap3A_806 {strides = array<i32>} : memref<2x96xi32, #tpu.memory_space<vmem>>, vector<1x16xi32>,
    %mul3A_807 = arith.constant 32 : i32
    %mul3A_808 = vector.broadcast %mul3A_807 : i32 to vector<16xi32>
    %mul3A_809 = arith.muli %min3A_758, %mul3A_808 : vector<16xi32>
    %add3A_810 = arith.addi %get3A_670, %mul3A_809 : vector<16xi32>
    %add3A_811 = arith.addi %add3A_810, %min3A_752 : vector<16xi32>
    %swap3A_812 = arith.constant 0 : i32
    %swap3A_813 = arith.index_cast %swap3A_812 : i32 to index
    %swap3A_814 = arith.constant 64 : index
    %swap3A_815 = tpu.vector_load %arg16[%swap3A_813, %swap3A_814] {strides = array<i32>} : memref<2x96xi32, #tpu.memory_space<vmem>>, vector<1x16xi32>,
    %swap3A_816 = vector.shape_cast %swap3A_815 : vector<1x16xi32> to vector<16xi32>
    %swap3A_817 = vector.shape_cast %add3A_811 : vector<16xi32> to vector<1x16xi32>
    tpu.vector_store %arg16[%swap3A_813, %swap3A_814], %swap3A_817 {strides = array<i32>} : memref<2x96xi32, #tpu.memory_space<vmem>>, vector<1x16xi32>,
    %mul3A_818 = arith.constant 32 : i32
    %mul3A_819 = vector.broadcast %mul3A_818 : i32 to vector<16xi32>
    %mul3A_820 = arith.muli %min3A_764, %mul3A_819 : vector<16xi32>
    %add3A_821 = arith.addi %get3A_670, %mul3A_820 : vector<16xi32>
    %add3A_822 = arith.addi %add3A_821, %min3A_752 : vector<16xi32>
    %swap3A_823 = arith.constant 0 : i32
    %swap3A_824 = arith.index_cast %swap3A_823 : i32 to index
    %swap3A_825 = arith.constant 64 : index
    %swap3A_826 = tpu.vector_load %arg17[%swap3A_824, %swap3A_825] {strides = array<i32>} : memref<2x96xi32, #tpu.memory_space<vmem>>, vector<1x16xi32>,
    %swap3A_827 = vector.shape_cast %swap3A_826 : vector<1x16xi32> to vector<16xi32>
    %swap3A_828 = vector.shape_cast %add3A_822 : vector<16xi32> to vector<1x16xi32>
    tpu.vector_store %arg17[%swap3A_824, %swap3A_825], %swap3A_828 {strides = array<i32>} : memref<2x96xi32, #tpu.memory_space<vmem>>, vector<1x16xi32>,
    %get3A_829 = arith.constant 80 : index
    %get3A_830 = tpu.vector_load %arg7[%get3A_829] {strides = array<i32>} : memref<192xf32, #tpu.memory_space<vmem>>, vector<16xf32>,
    %get3A_831 = vector.shape_cast %get3A_830 : vector<16xf32> to vector<16xf32>
    %get3A_832 = arith.constant 80 : index
    %get3A_833 = tpu.vector_load %arg8[%get3A_832] {strides = array<i32>} : memref<192xf32, #tpu.memory_space<vmem>>, vector<16xf32>,
    %get3A_834 = vector.shape_cast %get3A_833 : vector<16xf32> to vector<16xf32>
    %get3A_835 = arith.constant 80 : index
    %get3A_836 = tpu.vector_load %arg9[%get3A_835] {strides = array<i32>} : memref<192xi32, #tpu.memory_space<vmem>>, vector<16xi32>,
    %get3A_837 = vector.shape_cast %get3A_836 : vector<16xi32> to vector<16xi32>
    %mul3A_838 = arith.constant 1.600000e+01 : f32
    %mul3A_839 = vector.broadcast %mul3A_838 : f32 to vector<16xf32>
    %mul3A_840 = arith.mulf %get3A_831, %mul3A_839 : vector<16xf32>
    %add3A_841 = arith.constant 1.550000e+01 : f32
    %add3A_842 = vector.broadcast %add3A_841 : f32 to vector<16xf32>
    %add3A_843 = arith.addf %mul3A_840, %add3A_842 : vector<16xf32>
    %mul3A_844 = arith.constant 1.600000e+01 : f32
    %mul3A_845 = vector.broadcast %mul3A_844 : f32 to vector<16xf32>
    %mul3A_846 = arith.mulf %get3A_834, %mul3A_845 : vector<16xf32>
    %add3A_847 = arith.constant 1.550000e+01 : f32
    %add3A_848 = vector.broadcast %add3A_847 : f32 to vector<16xf32>
    %add3A_849 = arith.addf %mul3A_846, %add3A_848 : vector<16xf32>
    %convert_element_type3A_850 = arith.fptosi %add3A_843 : vector<16xf32> to vector<16xi32>
    %convert_element_type3A_851 = arith.fptosi %add3A_849 : vector<16xf32> to vector<16xi32>
    %convert_element_type3A_852 = arith.sitofp %convert_element_type3A_850 : vector<16xi32> to vector<16xf32>
    %gt3A_853 = arith.cmpf ogt, %convert_element_type3A_852, %add3A_843 : vector<16xf32>
    %sub3A_854 = arith.constant 1 : i32
    %sub3A_855 = vector.broadcast %sub3A_854 : i32 to vector<16xi32>
    %sub3A_856 = arith.subi %convert_element_type3A_850, %sub3A_855 : vector<16xi32>
    %select_n3A_857 = arith.select %gt3A_853, %sub3A_856, %convert_element_type3A_850 : vector<16xi1>, vector<16xi32>
    %convert_element_type3A_858 = arith.sitofp %convert_element_type3A_851 : vector<16xi32> to vector<16xf32>
    %gt3A_859 = arith.cmpf ogt, %convert_element_type3A_858, %add3A_849 : vector<16xf32>
    %sub3A_860 = arith.constant 1 : i32
    %sub3A_861 = vector.broadcast %sub3A_860 : i32 to vector<16xi32>
    %sub3A_862 = arith.subi %convert_element_type3A_851, %sub3A_861 : vector<16xi32>
    %select_n3A_863 = arith.select %gt3A_859, %sub3A_862, %convert_element_type3A_851 : vector<16xi1>, vector<16xi32>
    %convert_element_type3A_864 = arith.sitofp %select_n3A_857 : vector<16xi32> to vector<16xf32>
    %sub3A_865 = arith.subf %add3A_843, %convert_element_type3A_864 : vector<16xf32>
    %convert_element_type3A_866 = arith.sitofp %select_n3A_863 : vector<16xi32> to vector<16xf32>
    %sub3A_867 = arith.subf %add3A_849, %convert_element_type3A_866 : vector<16xf32>
    %add3A_868 = arith.constant 1 : i32
    %add3A_869 = vector.broadcast %add3A_868 : i32 to vector<16xi32>
    %add3A_870 = arith.addi %select_n3A_857, %add3A_869 : vector<16xi32>
    %add3A_871 = arith.constant 1 : i32
    %add3A_872 = vector.broadcast %add3A_871 : i32 to vector<16xi32>
    %add3A_873 = arith.addi %select_n3A_863, %add3A_872 : vector<16xi32>
    %ge3A_874 = arith.constant 0 : i32
    %ge3A_875 = vector.broadcast %ge3A_874 : i32 to vector<16xi32>
    %ge3A_876 = arith.cmpi sge, %select_n3A_857, %ge3A_875 : vector<16xi32>
    %le3A_877 = arith.constant 31 : i32
    %le3A_878 = vector.broadcast %le3A_877 : i32 to vector<16xi32>
    %le3A_879 = arith.cmpi sle, %select_n3A_857, %le3A_878 : vector<16xi32>
    %and3A_880 = arith.andi %ge3A_876, %le3A_879 : vector<16xi1>
    %ge3A_881 = arith.constant 0 : i32
    %ge3A_882 = vector.broadcast %ge3A_881 : i32 to vector<16xi32>
    %ge3A_883 = arith.cmpi sge, %add3A_870, %ge3A_882 : vector<16xi32>
    %le3A_884 = arith.constant 31 : i32
    %le3A_885 = vector.broadcast %le3A_884 : i32 to vector<16xi32>
    %le3A_886 = arith.cmpi sle, %add3A_870, %le3A_885 : vector<16xi32>
    %and3A_887 = arith.andi %ge3A_883, %le3A_886 : vector<16xi1>
    %ge3A_888 = arith.constant 0 : i32
    %ge3A_889 = vector.broadcast %ge3A_888 : i32 to vector<16xi32>
    %ge3A_890 = arith.cmpi sge, %select_n3A_863, %ge3A_889 : vector<16xi32>
    %le3A_891 = arith.constant 31 : i32
    %le3A_892 = vector.broadcast %le3A_891 : i32 to vector<16xi32>
    %le3A_893 = arith.cmpi sle, %select_n3A_863, %le3A_892 : vector<16xi32>
    %and3A_894 = arith.andi %ge3A_890, %le3A_893 : vector<16xi1>
    %ge3A_895 = arith.constant 0 : i32
    %ge3A_896 = vector.broadcast %ge3A_895 : i32 to vector<16xi32>
    %ge3A_897 = arith.cmpi sge, %add3A_873, %ge3A_896 : vector<16xi32>
    %le3A_898 = arith.constant 31 : i32
    %le3A_899 = vector.broadcast %le3A_898 : i32 to vector<16xi32>
    %le3A_900 = arith.cmpi sle, %add3A_873, %le3A_899 : vector<16xi32>
    %and3A_901 = arith.andi %ge3A_897, %le3A_900 : vector<16xi1>
    %sub3A_902 = arith.subf %broadcast_in_dim3A_3, %sub3A_865 : vector<16xf32>
    %select_n3A_903 = arith.select %and3A_880, %sub3A_902, %broadcast_in_dim3A_5 : vector<16xi1>, vector<16xf32>
    %select_n3A_904 = arith.select %and3A_887, %sub3A_865, %broadcast_in_dim3A_5 : vector<16xi1>, vector<16xf32>
    %sub3A_905 = arith.subf %broadcast_in_dim3A_3, %sub3A_867 : vector<16xf32>
    %select_n3A_906 = arith.select %and3A_894, %sub3A_905, %broadcast_in_dim3A_5 : vector<16xi1>, vector<16xf32>
    %select_n3A_907 = arith.select %and3A_901, %sub3A_867, %broadcast_in_dim3A_5 : vector<16xi1>, vector<16xf32>
    %jit3A_908 = arith.constant 0 : i32
    %jit3A_909 = arith.constant 31 : i32
    %max3A_910 = vector.broadcast %jit3A_908 : i32 to vector<16xi32>
    %max3A_911 = arith.maxsi %max3A_910, %select_n3A_857 : vector<16xi32>
    %min3A_912 = vector.broadcast %jit3A_909 : i32 to vector<16xi32>
    %min3A_913 = arith.minsi %min3A_912, %max3A_911 : vector<16xi32>
    %jit3A_914 = arith.constant 0 : i32
    %jit3A_915 = arith.constant 31 : i32
    %max3A_916 = vector.broadcast %jit3A_914 : i32 to vector<16xi32>
    %max3A_917 = arith.maxsi %max3A_916, %add3A_870 : vector<16xi32>
    %min3A_918 = vector.broadcast %jit3A_915 : i32 to vector<16xi32>
    %min3A_919 = arith.minsi %min3A_918, %max3A_917 : vector<16xi32>
    %jit3A_920 = arith.constant 0 : i32
    %jit3A_921 = arith.constant 31 : i32
    %max3A_922 = vector.broadcast %jit3A_920 : i32 to vector<16xi32>
    %max3A_923 = arith.maxsi %max3A_922, %select_n3A_863 : vector<16xi32>
    %min3A_924 = vector.broadcast %jit3A_921 : i32 to vector<16xi32>
    %min3A_925 = arith.minsi %min3A_924, %max3A_923 : vector<16xi32>
    %jit3A_926 = arith.constant 0 : i32
    %jit3A_927 = arith.constant 31 : i32
    %max3A_928 = vector.broadcast %jit3A_926 : i32 to vector<16xi32>
    %max3A_929 = arith.maxsi %max3A_928, %add3A_873 : vector<16xi32>
    %min3A_930 = vector.broadcast %jit3A_927 : i32 to vector<16xi32>
    %min3A_931 = arith.minsi %min3A_930, %max3A_929 : vector<16xi32>
    %mul3A_932 = arith.mulf %select_n3A_903, %select_n3A_906 : vector<16xf32>
    %swap3A_933 = arith.constant 80 : index
    %swap3A_934 = tpu.vector_load %arg10[%swap3A_933] {strides = array<i32>} : memref<208xf32, #tpu.memory_space<vmem>>, vector<16xf32>,
    %swap3A_935 = vector.shape_cast %swap3A_934 : vector<16xf32> to vector<16xf32>
    %swap3A_936 = vector.shape_cast %mul3A_932 : vector<16xf32> to vector<16xf32>
    tpu.vector_store %arg10[%swap3A_933], %swap3A_936 {strides = array<i32>} : memref<208xf32, #tpu.memory_space<vmem>>, vector<16xf32>,
    %mul3A_937 = arith.mulf %select_n3A_903, %select_n3A_907 : vector<16xf32>
    %swap3A_938 = arith.constant 80 : index
    %swap3A_939 = tpu.vector_load %arg11[%swap3A_938] {strides = array<i32>} : memref<208xf32, #tpu.memory_space<vmem>>, vector<16xf32>,
    %swap3A_940 = vector.shape_cast %swap3A_939 : vector<16xf32> to vector<16xf32>
    %swap3A_941 = vector.shape_cast %mul3A_937 : vector<16xf32> to vector<16xf32>
    tpu.vector_store %arg11[%swap3A_938], %swap3A_941 {strides = array<i32>} : memref<208xf32, #tpu.memory_space<vmem>>, vector<16xf32>,
    %mul3A_942 = arith.mulf %select_n3A_904, %select_n3A_906 : vector<16xf32>
    %swap3A_943 = arith.constant 80 : index
    %swap3A_944 = tpu.vector_load %arg12[%swap3A_943] {strides = array<i32>} : memref<208xf32, #tpu.memory_space<vmem>>, vector<16xf32>,
    %swap3A_945 = vector.shape_cast %swap3A_944 : vector<16xf32> to vector<16xf32>
    %swap3A_946 = vector.shape_cast %mul3A_942 : vector<16xf32> to vector<16xf32>
    tpu.vector_store %arg12[%swap3A_943], %swap3A_946 {strides = array<i32>} : memref<208xf32, #tpu.memory_space<vmem>>, vector<16xf32>,
    %mul3A_947 = arith.mulf %select_n3A_904, %select_n3A_907 : vector<16xf32>
    %swap3A_948 = arith.constant 80 : index
    %swap3A_949 = tpu.vector_load %arg13[%swap3A_948] {strides = array<i32>} : memref<208xf32, #tpu.memory_space<vmem>>, vector<16xf32>,
    %swap3A_950 = vector.shape_cast %swap3A_949 : vector<16xf32> to vector<16xf32>
    %swap3A_951 = vector.shape_cast %mul3A_947 : vector<16xf32> to vector<16xf32>
    tpu.vector_store %arg13[%swap3A_948], %swap3A_951 {strides = array<i32>} : memref<208xf32, #tpu.memory_space<vmem>>, vector<16xf32>,
    %mul3A_952 = arith.constant 32 : i32
    %mul3A_953 = vector.broadcast %mul3A_952 : i32 to vector<16xi32>
    %mul3A_954 = arith.muli %min3A_925, %mul3A_953 : vector<16xi32>
    %add3A_955 = arith.addi %get3A_837, %mul3A_954 : vector<16xi32>
    %add3A_956 = arith.addi %add3A_955, %min3A_913 : vector<16xi32>
    %swap3A_957 = arith.constant 0 : i32
    %swap3A_958 = arith.index_cast %swap3A_957 : i32 to index
    %swap3A_959 = arith.constant 80 : index
    %swap3A_960 = tpu.vector_load %arg14[%swap3A_958, %swap3A_959] {strides = array<i32>} : memref<2x96xi32, #tpu.memory_space<vmem>>, vector<1x16xi32>,
    %swap3A_961 = vector.shape_cast %swap3A_960 : vector<1x16xi32> to vector<16xi32>
    %swap3A_962 = vector.shape_cast %add3A_956 : vector<16xi32> to vector<1x16xi32>
    tpu.vector_store %arg14[%swap3A_958, %swap3A_959], %swap3A_962 {strides = array<i32>} : memref<2x96xi32, #tpu.memory_space<vmem>>, vector<1x16xi32>,
    %mul3A_963 = arith.constant 32 : i32
    %mul3A_964 = vector.broadcast %mul3A_963 : i32 to vector<16xi32>
    %mul3A_965 = arith.muli %min3A_931, %mul3A_964 : vector<16xi32>
    %add3A_966 = arith.addi %get3A_837, %mul3A_965 : vector<16xi32>
    %add3A_967 = arith.addi %add3A_966, %min3A_913 : vector<16xi32>
    %swap3A_968 = arith.constant 0 : i32
    %swap3A_969 = arith.index_cast %swap3A_968 : i32 to index
    %swap3A_970 = arith.constant 80 : index
    %swap3A_971 = tpu.vector_load %arg15[%swap3A_969, %swap3A_970] {strides = array<i32>} : memref<2x96xi32, #tpu.memory_space<vmem>>, vector<1x16xi32>,
    %swap3A_972 = vector.shape_cast %swap3A_971 : vector<1x16xi32> to vector<16xi32>
    %swap3A_973 = vector.shape_cast %add3A_967 : vector<16xi32> to vector<1x16xi32>
    tpu.vector_store %arg15[%swap3A_969, %swap3A_970], %swap3A_973 {strides = array<i32>} : memref<2x96xi32, #tpu.memory_space<vmem>>, vector<1x16xi32>,
    %mul3A_974 = arith.constant 32 : i32
    %mul3A_975 = vector.broadcast %mul3A_974 : i32 to vector<16xi32>
    %mul3A_976 = arith.muli %min3A_925, %mul3A_975 : vector<16xi32>
    %add3A_977 = arith.addi %get3A_837, %mul3A_976 : vector<16xi32>
    %add3A_978 = arith.addi %add3A_977, %min3A_919 : vector<16xi32>
    %swap3A_979 = arith.constant 0 : i32
    %swap3A_980 = arith.index_cast %swap3A_979 : i32 to index
    %swap3A_981 = arith.constant 80 : index
    %swap3A_982 = tpu.vector_load %arg16[%swap3A_980, %swap3A_981] {strides = array<i32>} : memref<2x96xi32, #tpu.memory_space<vmem>>, vector<1x16xi32>,
    %swap3A_983 = vector.shape_cast %swap3A_982 : vector<1x16xi32> to vector<16xi32>
    %swap3A_984 = vector.shape_cast %add3A_978 : vector<16xi32> to vector<1x16xi32>
    tpu.vector_store %arg16[%swap3A_980, %swap3A_981], %swap3A_984 {strides = array<i32>} : memref<2x96xi32, #tpu.memory_space<vmem>>, vector<1x16xi32>,
    %mul3A_985 = arith.constant 32 : i32
    %mul3A_986 = vector.broadcast %mul3A_985 : i32 to vector<16xi32>
    %mul3A_987 = arith.muli %min3A_931, %mul3A_986 : vector<16xi32>
    %add3A_988 = arith.addi %get3A_837, %mul3A_987 : vector<16xi32>
    %add3A_989 = arith.addi %add3A_988, %min3A_919 : vector<16xi32>
    %swap3A_990 = arith.constant 0 : i32
    %swap3A_991 = arith.index_cast %swap3A_990 : i32 to index
    %swap3A_992 = arith.constant 80 : index
    %swap3A_993 = tpu.vector_load %arg17[%swap3A_991, %swap3A_992] {strides = array<i32>} : memref<2x96xi32, #tpu.memory_space<vmem>>, vector<1x16xi32>,
    %swap3A_994 = vector.shape_cast %swap3A_993 : vector<1x16xi32> to vector<16xi32>
    %swap3A_995 = vector.shape_cast %add3A_989 : vector<16xi32> to vector<1x16xi32>
    tpu.vector_store %arg17[%swap3A_991, %swap3A_992], %swap3A_995 {strides = array<i32>} : memref<2x96xi32, #tpu.memory_space<vmem>>, vector<1x16xi32>,
    %get3A_996 = arith.constant 96 : index
    %get3A_997 = tpu.vector_load %arg7[%get3A_996] {strides = array<i32>} : memref<192xf32, #tpu.memory_space<vmem>>, vector<16xf32>,
    %get3A_998 = vector.shape_cast %get3A_997 : vector<16xf32> to vector<16xf32>
    %get3A_999 = arith.constant 96 : index
    %get3A_1000 = tpu.vector_load %arg8[%get3A_999] {strides = array<i32>} : memref<192xf32, #tpu.memory_space<vmem>>, vector<16xf32>,
    %get3A_1001 = vector.shape_cast %get3A_1000 : vector<16xf32> to vector<16xf32>
    %get3A_1002 = arith.constant 96 : index
    %get3A_1003 = tpu.vector_load %arg9[%get3A_1002] {strides = array<i32>} : memref<192xi32, #tpu.memory_space<vmem>>, vector<16xi32>,
    %get3A_1004 = vector.shape_cast %get3A_1003 : vector<16xi32> to vector<16xi32>
    %mul3A_1005 = arith.constant 1.600000e+01 : f32
    %mul3A_1006 = vector.broadcast %mul3A_1005 : f32 to vector<16xf32>
    %mul3A_1007 = arith.mulf %get3A_998, %mul3A_1006 : vector<16xf32>
    %add3A_1008 = arith.constant 1.550000e+01 : f32
    %add3A_1009 = vector.broadcast %add3A_1008 : f32 to vector<16xf32>
    %add3A_1010 = arith.addf %mul3A_1007, %add3A_1009 : vector<16xf32>
    %mul3A_1011 = arith.constant 1.600000e+01 : f32
    %mul3A_1012 = vector.broadcast %mul3A_1011 : f32 to vector<16xf32>
    %mul3A_1013 = arith.mulf %get3A_1001, %mul3A_1012 : vector<16xf32>
    %add3A_1014 = arith.constant 1.550000e+01 : f32
    %add3A_1015 = vector.broadcast %add3A_1014 : f32 to vector<16xf32>
    %add3A_1016 = arith.addf %mul3A_1013, %add3A_1015 : vector<16xf32>
    %convert_element_type3A_1017 = arith.fptosi %add3A_1010 : vector<16xf32> to vector<16xi32>
    %convert_element_type3A_1018 = arith.fptosi %add3A_1016 : vector<16xf32> to vector<16xi32>
    %convert_element_type3A_1019 = arith.sitofp %convert_element_type3A_1017 : vector<16xi32> to vector<16xf32>
    %gt3A_1020 = arith.cmpf ogt, %convert_element_type3A_1019, %add3A_1010 : vector<16xf32>
    %sub3A_1021 = arith.constant 1 : i32
    %sub3A_1022 = vector.broadcast %sub3A_1021 : i32 to vector<16xi32>
    %sub3A_1023 = arith.subi %convert_element_type3A_1017, %sub3A_1022 : vector<16xi32>
    %select_n3A_1024 = arith.select %gt3A_1020, %sub3A_1023, %convert_element_type3A_1017 : vector<16xi1>, vector<16xi32>
    %convert_element_type3A_1025 = arith.sitofp %convert_element_type3A_1018 : vector<16xi32> to vector<16xf32>
    %gt3A_1026 = arith.cmpf ogt, %convert_element_type3A_1025, %add3A_1016 : vector<16xf32>
    %sub3A_1027 = arith.constant 1 : i32
    %sub3A_1028 = vector.broadcast %sub3A_1027 : i32 to vector<16xi32>
    %sub3A_1029 = arith.subi %convert_element_type3A_1018, %sub3A_1028 : vector<16xi32>
    %select_n3A_1030 = arith.select %gt3A_1026, %sub3A_1029, %convert_element_type3A_1018 : vector<16xi1>, vector<16xi32>
    %convert_element_type3A_1031 = arith.sitofp %select_n3A_1024 : vector<16xi32> to vector<16xf32>
    %sub3A_1032 = arith.subf %add3A_1010, %convert_element_type3A_1031 : vector<16xf32>
    %convert_element_type3A_1033 = arith.sitofp %select_n3A_1030 : vector<16xi32> to vector<16xf32>
    %sub3A_1034 = arith.subf %add3A_1016, %convert_element_type3A_1033 : vector<16xf32>
    %add3A_1035 = arith.constant 1 : i32
    %add3A_1036 = vector.broadcast %add3A_1035 : i32 to vector<16xi32>
    %add3A_1037 = arith.addi %select_n3A_1024, %add3A_1036 : vector<16xi32>
    %add3A_1038 = arith.constant 1 : i32
    %add3A_1039 = vector.broadcast %add3A_1038 : i32 to vector<16xi32>
    %add3A_1040 = arith.addi %select_n3A_1030, %add3A_1039 : vector<16xi32>
    %ge3A_1041 = arith.constant 0 : i32
    %ge3A_1042 = vector.broadcast %ge3A_1041 : i32 to vector<16xi32>
    %ge3A_1043 = arith.cmpi sge, %select_n3A_1024, %ge3A_1042 : vector<16xi32>
    %le3A_1044 = arith.constant 31 : i32
    %le3A_1045 = vector.broadcast %le3A_1044 : i32 to vector<16xi32>
    %le3A_1046 = arith.cmpi sle, %select_n3A_1024, %le3A_1045 : vector<16xi32>
    %and3A_1047 = arith.andi %ge3A_1043, %le3A_1046 : vector<16xi1>
    %ge3A_1048 = arith.constant 0 : i32
    %ge3A_1049 = vector.broadcast %ge3A_1048 : i32 to vector<16xi32>
    %ge3A_1050 = arith.cmpi sge, %add3A_1037, %ge3A_1049 : vector<16xi32>
    %le3A_1051 = arith.constant 31 : i32
    %le3A_1052 = vector.broadcast %le3A_1051 : i32 to vector<16xi32>
    %le3A_1053 = arith.cmpi sle, %add3A_1037, %le3A_1052 : vector<16xi32>
    %and3A_1054 = arith.andi %ge3A_1050, %le3A_1053 : vector<16xi1>
    %ge3A_1055 = arith.constant 0 : i32
    %ge3A_1056 = vector.broadcast %ge3A_1055 : i32 to vector<16xi32>
    %ge3A_1057 = arith.cmpi sge, %select_n3A_1030, %ge3A_1056 : vector<16xi32>
    %le3A_1058 = arith.constant 31 : i32
    %le3A_1059 = vector.broadcast %le3A_1058 : i32 to vector<16xi32>
    %le3A_1060 = arith.cmpi sle, %select_n3A_1030, %le3A_1059 : vector<16xi32>
    %and3A_1061 = arith.andi %ge3A_1057, %le3A_1060 : vector<16xi1>
    %ge3A_1062 = arith.constant 0 : i32
    %ge3A_1063 = vector.broadcast %ge3A_1062 : i32 to vector<16xi32>
    %ge3A_1064 = arith.cmpi sge, %add3A_1040, %ge3A_1063 : vector<16xi32>
    %le3A_1065 = arith.constant 31 : i32
    %le3A_1066 = vector.broadcast %le3A_1065 : i32 to vector<16xi32>
    %le3A_1067 = arith.cmpi sle, %add3A_1040, %le3A_1066 : vector<16xi32>
    %and3A_1068 = arith.andi %ge3A_1064, %le3A_1067 : vector<16xi1>
    %sub3A_1069 = arith.subf %broadcast_in_dim3A_3, %sub3A_1032 : vector<16xf32>
    %select_n3A_1070 = arith.select %and3A_1047, %sub3A_1069, %broadcast_in_dim3A_5 : vector<16xi1>, vector<16xf32>
    %select_n3A_1071 = arith.select %and3A_1054, %sub3A_1032, %broadcast_in_dim3A_5 : vector<16xi1>, vector<16xf32>
    %sub3A_1072 = arith.subf %broadcast_in_dim3A_3, %sub3A_1034 : vector<16xf32>
    %select_n3A_1073 = arith.select %and3A_1061, %sub3A_1072, %broadcast_in_dim3A_5 : vector<16xi1>, vector<16xf32>
    %select_n3A_1074 = arith.select %and3A_1068, %sub3A_1034, %broadcast_in_dim3A_5 : vector<16xi1>, vector<16xf32>
    %jit3A_1075 = arith.constant 0 : i32
    %jit3A_1076 = arith.constant 31 : i32
    %max3A_1077 = vector.broadcast %jit3A_1075 : i32 to vector<16xi32>
    %max3A_1078 = arith.maxsi %max3A_1077, %select_n3A_1024 : vector<16xi32>
    %min3A_1079 = vector.broadcast %jit3A_1076 : i32 to vector<16xi32>
    %min3A_1080 = arith.minsi %min3A_1079, %max3A_1078 : vector<16xi32>
    %jit3A_1081 = arith.constant 0 : i32
    %jit3A_1082 = arith.constant 31 : i32
    %max3A_1083 = vector.broadcast %jit3A_1081 : i32 to vector<16xi32>
    %max3A_1084 = arith.maxsi %max3A_1083, %add3A_1037 : vector<16xi32>
    %min3A_1085 = vector.broadcast %jit3A_1082 : i32 to vector<16xi32>
    %min3A_1086 = arith.minsi %min3A_1085, %max3A_1084 : vector<16xi32>
    %jit3A_1087 = arith.constant 0 : i32
    %jit3A_1088 = arith.constant 31 : i32
    %max3A_1089 = vector.broadcast %jit3A_1087 : i32 to vector<16xi32>
    %max3A_1090 = arith.maxsi %max3A_1089, %select_n3A_1030 : vector<16xi32>
    %min3A_1091 = vector.broadcast %jit3A_1088 : i32 to vector<16xi32>
    %min3A_1092 = arith.minsi %min3A_1091, %max3A_1090 : vector<16xi32>
    %jit3A_1093 = arith.constant 0 : i32
    %jit3A_1094 = arith.constant 31 : i32
    %max3A_1095 = vector.broadcast %jit3A_1093 : i32 to vector<16xi32>
    %max3A_1096 = arith.maxsi %max3A_1095, %add3A_1040 : vector<16xi32>
    %min3A_1097 = vector.broadcast %jit3A_1094 : i32 to vector<16xi32>
    %min3A_1098 = arith.minsi %min3A_1097, %max3A_1096 : vector<16xi32>
    %mul3A_1099 = arith.mulf %select_n3A_1070, %select_n3A_1073 : vector<16xf32>
    %swap3A_1100 = arith.constant 96 : index
    %swap3A_1101 = tpu.vector_load %arg10[%swap3A_1100] {strides = array<i32>} : memref<208xf32, #tpu.memory_space<vmem>>, vector<16xf32>,
    %swap3A_1102 = vector.shape_cast %swap3A_1101 : vector<16xf32> to vector<16xf32>
    %swap3A_1103 = vector.shape_cast %mul3A_1099 : vector<16xf32> to vector<16xf32>
    tpu.vector_store %arg10[%swap3A_1100], %swap3A_1103 {strides = array<i32>} : memref<208xf32, #tpu.memory_space<vmem>>, vector<16xf32>,
    %mul3A_1104 = arith.mulf %select_n3A_1070, %select_n3A_1074 : vector<16xf32>
    %swap3A_1105 = arith.constant 96 : index
    %swap3A_1106 = tpu.vector_load %arg11[%swap3A_1105] {strides = array<i32>} : memref<208xf32, #tpu.memory_space<vmem>>, vector<16xf32>,
    %swap3A_1107 = vector.shape_cast %swap3A_1106 : vector<16xf32> to vector<16xf32>
    %swap3A_1108 = vector.shape_cast %mul3A_1104 : vector<16xf32> to vector<16xf32>
    tpu.vector_store %arg11[%swap3A_1105], %swap3A_1108 {strides = array<i32>} : memref<208xf32, #tpu.memory_space<vmem>>, vector<16xf32>,
    %mul3A_1109 = arith.mulf %select_n3A_1071, %select_n3A_1073 : vector<16xf32>
    %swap3A_1110 = arith.constant 96 : index
    %swap3A_1111 = tpu.vector_load %arg12[%swap3A_1110] {strides = array<i32>} : memref<208xf32, #tpu.memory_space<vmem>>, vector<16xf32>,
    %swap3A_1112 = vector.shape_cast %swap3A_1111 : vector<16xf32> to vector<16xf32>
    %swap3A_1113 = vector.shape_cast %mul3A_1109 : vector<16xf32> to vector<16xf32>
    tpu.vector_store %arg12[%swap3A_1110], %swap3A_1113 {strides = array<i32>} : memref<208xf32, #tpu.memory_space<vmem>>, vector<16xf32>,
    %mul3A_1114 = arith.mulf %select_n3A_1071, %select_n3A_1074 : vector<16xf32>
    %swap3A_1115 = arith.constant 96 : index
    %swap3A_1116 = tpu.vector_load %arg13[%swap3A_1115] {strides = array<i32>} : memref<208xf32, #tpu.memory_space<vmem>>, vector<16xf32>,
    %swap3A_1117 = vector.shape_cast %swap3A_1116 : vector<16xf32> to vector<16xf32>
    %swap3A_1118 = vector.shape_cast %mul3A_1114 : vector<16xf32> to vector<16xf32>
    tpu.vector_store %arg13[%swap3A_1115], %swap3A_1118 {strides = array<i32>} : memref<208xf32, #tpu.memory_space<vmem>>, vector<16xf32>,
    %mul3A_1119 = arith.constant 32 : i32
    %mul3A_1120 = vector.broadcast %mul3A_1119 : i32 to vector<16xi32>
    %mul3A_1121 = arith.muli %min3A_1092, %mul3A_1120 : vector<16xi32>
    %add3A_1122 = arith.addi %get3A_1004, %mul3A_1121 : vector<16xi32>
    %add3A_1123 = arith.addi %add3A_1122, %min3A_1080 : vector<16xi32>
    %swap3A_1124 = arith.constant 1 : i32
    %swap3A_1125 = arith.index_cast %swap3A_1124 : i32 to index
    %swap3A_1126 = arith.constant 0 : index
    %swap3A_1127 = tpu.vector_load %arg14[%swap3A_1125, %swap3A_1126] {strides = array<i32>} : memref<2x96xi32, #tpu.memory_space<vmem>>, vector<1x16xi32>,
    %swap3A_1128 = vector.shape_cast %swap3A_1127 : vector<1x16xi32> to vector<16xi32>
    %swap3A_1129 = vector.shape_cast %add3A_1123 : vector<16xi32> to vector<1x16xi32>
    tpu.vector_store %arg14[%swap3A_1125, %swap3A_1126], %swap3A_1129 {strides = array<i32>} : memref<2x96xi32, #tpu.memory_space<vmem>>, vector<1x16xi32>,
    %mul3A_1130 = arith.constant 32 : i32
    %mul3A_1131 = vector.broadcast %mul3A_1130 : i32 to vector<16xi32>
    %mul3A_1132 = arith.muli %min3A_1098, %mul3A_1131 : vector<16xi32>
    %add3A_1133 = arith.addi %get3A_1004, %mul3A_1132 : vector<16xi32>
    %add3A_1134 = arith.addi %add3A_1133, %min3A_1080 : vector<16xi32>
    %swap3A_1135 = arith.constant 1 : i32
    %swap3A_1136 = arith.index_cast %swap3A_1135 : i32 to index
    %swap3A_1137 = arith.constant 0 : index
    %swap3A_1138 = tpu.vector_load %arg15[%swap3A_1136, %swap3A_1137] {strides = array<i32>} : memref<2x96xi32, #tpu.memory_space<vmem>>, vector<1x16xi32>,
    %swap3A_1139 = vector.shape_cast %swap3A_1138 : vector<1x16xi32> to vector<16xi32>
    %swap3A_1140 = vector.shape_cast %add3A_1134 : vector<16xi32> to vector<1x16xi32>
    tpu.vector_store %arg15[%swap3A_1136, %swap3A_1137], %swap3A_1140 {strides = array<i32>} : memref<2x96xi32, #tpu.memory_space<vmem>>, vector<1x16xi32>,
    %mul3A_1141 = arith.constant 32 : i32
    %mul3A_1142 = vector.broadcast %mul3A_1141 : i32 to vector<16xi32>
    %mul3A_1143 = arith.muli %min3A_1092, %mul3A_1142 : vector<16xi32>
    %add3A_1144 = arith.addi %get3A_1004, %mul3A_1143 : vector<16xi32>
    %add3A_1145 = arith.addi %add3A_1144, %min3A_1086 : vector<16xi32>
    %swap3A_1146 = arith.constant 1 : i32
    %swap3A_1147 = arith.index_cast %swap3A_1146 : i32 to index
    %swap3A_1148 = arith.constant 0 : index
    %swap3A_1149 = tpu.vector_load %arg16[%swap3A_1147, %swap3A_1148] {strides = array<i32>} : memref<2x96xi32, #tpu.memory_space<vmem>>, vector<1x16xi32>,
    %swap3A_1150 = vector.shape_cast %swap3A_1149 : vector<1x16xi32> to vector<16xi32>
    %swap3A_1151 = vector.shape_cast %add3A_1145 : vector<16xi32> to vector<1x16xi32>
    tpu.vector_store %arg16[%swap3A_1147, %swap3A_1148], %swap3A_1151 {strides = array<i32>} : memref<2x96xi32, #tpu.memory_space<vmem>>, vector<1x16xi32>,
    %mul3A_1152 = arith.constant 32 : i32
    %mul3A_1153 = vector.broadcast %mul3A_1152 : i32 to vector<16xi32>
    %mul3A_1154 = arith.muli %min3A_1098, %mul3A_1153 : vector<16xi32>
    %add3A_1155 = arith.addi %get3A_1004, %mul3A_1154 : vector<16xi32>
    %add3A_1156 = arith.addi %add3A_1155, %min3A_1086 : vector<16xi32>
    %swap3A_1157 = arith.constant 1 : i32
    %swap3A_1158 = arith.index_cast %swap3A_1157 : i32 to index
    %swap3A_1159 = arith.constant 0 : index
    %swap3A_1160 = tpu.vector_load %arg17[%swap3A_1158, %swap3A_1159] {strides = array<i32>} : memref<2x96xi32, #tpu.memory_space<vmem>>, vector<1x16xi32>,
    %swap3A_1161 = vector.shape_cast %swap3A_1160 : vector<1x16xi32> to vector<16xi32>
    %swap3A_1162 = vector.shape_cast %add3A_1156 : vector<16xi32> to vector<1x16xi32>
    tpu.vector_store %arg17[%swap3A_1158, %swap3A_1159], %swap3A_1162 {strides = array<i32>} : memref<2x96xi32, #tpu.memory_space<vmem>>, vector<1x16xi32>,
    %get3A_1163 = arith.constant 112 : index
    %get3A_1164 = tpu.vector_load %arg7[%get3A_1163] {strides = array<i32>} : memref<192xf32, #tpu.memory_space<vmem>>, vector<16xf32>,
    %get3A_1165 = vector.shape_cast %get3A_1164 : vector<16xf32> to vector<16xf32>
    %get3A_1166 = arith.constant 112 : index
    %get3A_1167 = tpu.vector_load %arg8[%get3A_1166] {strides = array<i32>} : memref<192xf32, #tpu.memory_space<vmem>>, vector<16xf32>,
    %get3A_1168 = vector.shape_cast %get3A_1167 : vector<16xf32> to vector<16xf32>
    %get3A_1169 = arith.constant 112 : index
    %get3A_1170 = tpu.vector_load %arg9[%get3A_1169] {strides = array<i32>} : memref<192xi32, #tpu.memory_space<vmem>>, vector<16xi32>,
    %get3A_1171 = vector.shape_cast %get3A_1170 : vector<16xi32> to vector<16xi32>
    %mul3A_1172 = arith.constant 1.600000e+01 : f32
    %mul3A_1173 = vector.broadcast %mul3A_1172 : f32 to vector<16xf32>
    %mul3A_1174 = arith.mulf %get3A_1165, %mul3A_1173 : vector<16xf32>
    %add3A_1175 = arith.constant 1.550000e+01 : f32
    %add3A_1176 = vector.broadcast %add3A_1175 : f32 to vector<16xf32>
    %add3A_1177 = arith.addf %mul3A_1174, %add3A_1176 : vector<16xf32>
    %mul3A_1178 = arith.constant 1.600000e+01 : f32
    %mul3A_1179 = vector.broadcast %mul3A_1178 : f32 to vector<16xf32>
    %mul3A_1180 = arith.mulf %get3A_1168, %mul3A_1179 : vector<16xf32>
    %add3A_1181 = arith.constant 1.550000e+01 : f32
    %add3A_1182 = vector.broadcast %add3A_1181 : f32 to vector<16xf32>
    %add3A_1183 = arith.addf %mul3A_1180, %add3A_1182 : vector<16xf32>
    %convert_element_type3A_1184 = arith.fptosi %add3A_1177 : vector<16xf32> to vector<16xi32>
    %convert_element_type3A_1185 = arith.fptosi %add3A_1183 : vector<16xf32> to vector<16xi32>
    %convert_element_type3A_1186 = arith.sitofp %convert_element_type3A_1184 : vector<16xi32> to vector<16xf32>
    %gt3A_1187 = arith.cmpf ogt, %convert_element_type3A_1186, %add3A_1177 : vector<16xf32>
    %sub3A_1188 = arith.constant 1 : i32
    %sub3A_1189 = vector.broadcast %sub3A_1188 : i32 to vector<16xi32>
    %sub3A_1190 = arith.subi %convert_element_type3A_1184, %sub3A_1189 : vector<16xi32>
    %select_n3A_1191 = arith.select %gt3A_1187, %sub3A_1190, %convert_element_type3A_1184 : vector<16xi1>, vector<16xi32>
    %convert_element_type3A_1192 = arith.sitofp %convert_element_type3A_1185 : vector<16xi32> to vector<16xf32>
    %gt3A_1193 = arith.cmpf ogt, %convert_element_type3A_1192, %add3A_1183 : vector<16xf32>
    %sub3A_1194 = arith.constant 1 : i32
    %sub3A_1195 = vector.broadcast %sub3A_1194 : i32 to vector<16xi32>
    %sub3A_1196 = arith.subi %convert_element_type3A_1185, %sub3A_1195 : vector<16xi32>
    %select_n3A_1197 = arith.select %gt3A_1193, %sub3A_1196, %convert_element_type3A_1185 : vector<16xi1>, vector<16xi32>
    %convert_element_type3A_1198 = arith.sitofp %select_n3A_1191 : vector<16xi32> to vector<16xf32>
    %sub3A_1199 = arith.subf %add3A_1177, %convert_element_type3A_1198 : vector<16xf32>
    %convert_element_type3A_1200 = arith.sitofp %select_n3A_1197 : vector<16xi32> to vector<16xf32>
    %sub3A_1201 = arith.subf %add3A_1183, %convert_element_type3A_1200 : vector<16xf32>
    %add3A_1202 = arith.constant 1 : i32
    %add3A_1203 = vector.broadcast %add3A_1202 : i32 to vector<16xi32>
    %add3A_1204 = arith.addi %select_n3A_1191, %add3A_1203 : vector<16xi32>
    %add3A_1205 = arith.constant 1 : i32
    %add3A_1206 = vector.broadcast %add3A_1205 : i32 to vector<16xi32>
    %add3A_1207 = arith.addi %select_n3A_1197, %add3A_1206 : vector<16xi32>
    %ge3A_1208 = arith.constant 0 : i32
    %ge3A_1209 = vector.broadcast %ge3A_1208 : i32 to vector<16xi32>
    %ge3A_1210 = arith.cmpi sge, %select_n3A_1191, %ge3A_1209 : vector<16xi32>
    %le3A_1211 = arith.constant 31 : i32
    %le3A_1212 = vector.broadcast %le3A_1211 : i32 to vector<16xi32>
    %le3A_1213 = arith.cmpi sle, %select_n3A_1191, %le3A_1212 : vector<16xi32>
    %and3A_1214 = arith.andi %ge3A_1210, %le3A_1213 : vector<16xi1>
    %ge3A_1215 = arith.constant 0 : i32
    %ge3A_1216 = vector.broadcast %ge3A_1215 : i32 to vector<16xi32>
    %ge3A_1217 = arith.cmpi sge, %add3A_1204, %ge3A_1216 : vector<16xi32>
    %le3A_1218 = arith.constant 31 : i32
    %le3A_1219 = vector.broadcast %le3A_1218 : i32 to vector<16xi32>
    %le3A_1220 = arith.cmpi sle, %add3A_1204, %le3A_1219 : vector<16xi32>
    %and3A_1221 = arith.andi %ge3A_1217, %le3A_1220 : vector<16xi1>
    %ge3A_1222 = arith.constant 0 : i32
    %ge3A_1223 = vector.broadcast %ge3A_1222 : i32 to vector<16xi32>
    %ge3A_1224 = arith.cmpi sge, %select_n3A_1197, %ge3A_1223 : vector<16xi32>
    %le3A_1225 = arith.constant 31 : i32
    %le3A_1226 = vector.broadcast %le3A_1225 : i32 to vector<16xi32>
    %le3A_1227 = arith.cmpi sle, %select_n3A_1197, %le3A_1226 : vector<16xi32>
    %and3A_1228 = arith.andi %ge3A_1224, %le3A_1227 : vector<16xi1>
    %ge3A_1229 = arith.constant 0 : i32
    %ge3A_1230 = vector.broadcast %ge3A_1229 : i32 to vector<16xi32>
    %ge3A_1231 = arith.cmpi sge, %add3A_1207, %ge3A_1230 : vector<16xi32>
    %le3A_1232 = arith.constant 31 : i32
    %le3A_1233 = vector.broadcast %le3A_1232 : i32 to vector<16xi32>
    %le3A_1234 = arith.cmpi sle, %add3A_1207, %le3A_1233 : vector<16xi32>
    %and3A_1235 = arith.andi %ge3A_1231, %le3A_1234 : vector<16xi1>
    %sub3A_1236 = arith.subf %broadcast_in_dim3A_3, %sub3A_1199 : vector<16xf32>
    %select_n3A_1237 = arith.select %and3A_1214, %sub3A_1236, %broadcast_in_dim3A_5 : vector<16xi1>, vector<16xf32>
    %select_n3A_1238 = arith.select %and3A_1221, %sub3A_1199, %broadcast_in_dim3A_5 : vector<16xi1>, vector<16xf32>
    %sub3A_1239 = arith.subf %broadcast_in_dim3A_3, %sub3A_1201 : vector<16xf32>
    %select_n3A_1240 = arith.select %and3A_1228, %sub3A_1239, %broadcast_in_dim3A_5 : vector<16xi1>, vector<16xf32>
    %select_n3A_1241 = arith.select %and3A_1235, %sub3A_1201, %broadcast_in_dim3A_5 : vector<16xi1>, vector<16xf32>
    %jit3A_1242 = arith.constant 0 : i32
    %jit3A_1243 = arith.constant 31 : i32
    %max3A_1244 = vector.broadcast %jit3A_1242 : i32 to vector<16xi32>
    %max3A_1245 = arith.maxsi %max3A_1244, %select_n3A_1191 : vector<16xi32>
    %min3A_1246 = vector.broadcast %jit3A_1243 : i32 to vector<16xi32>
    %min3A_1247 = arith.minsi %min3A_1246, %max3A_1245 : vector<16xi32>
    %jit3A_1248 = arith.constant 0 : i32
    %jit3A_1249 = arith.constant 31 : i32
    %max3A_1250 = vector.broadcast %jit3A_1248 : i32 to vector<16xi32>
    %max3A_1251 = arith.maxsi %max3A_1250, %add3A_1204 : vector<16xi32>
    %min3A_1252 = vector.broadcast %jit3A_1249 : i32 to vector<16xi32>
    %min3A_1253 = arith.minsi %min3A_1252, %max3A_1251 : vector<16xi32>
    %jit3A_1254 = arith.constant 0 : i32
    %jit3A_1255 = arith.constant 31 : i32
    %max3A_1256 = vector.broadcast %jit3A_1254 : i32 to vector<16xi32>
    %max3A_1257 = arith.maxsi %max3A_1256, %select_n3A_1197 : vector<16xi32>
    %min3A_1258 = vector.broadcast %jit3A_1255 : i32 to vector<16xi32>
    %min3A_1259 = arith.minsi %min3A_1258, %max3A_1257 : vector<16xi32>
    %jit3A_1260 = arith.constant 0 : i32
    %jit3A_1261 = arith.constant 31 : i32
    %max3A_1262 = vector.broadcast %jit3A_1260 : i32 to vector<16xi32>
    %max3A_1263 = arith.maxsi %max3A_1262, %add3A_1207 : vector<16xi32>
    %min3A_1264 = vector.broadcast %jit3A_1261 : i32 to vector<16xi32>
    %min3A_1265 = arith.minsi %min3A_1264, %max3A_1263 : vector<16xi32>
    %mul3A_1266 = arith.mulf %select_n3A_1237, %select_n3A_1240 : vector<16xf32>
    %swap3A_1267 = arith.constant 112 : index
    %swap3A_1268 = tpu.vector_load %arg10[%swap3A_1267] {strides = array<i32>} : memref<208xf32, #tpu.memory_space<vmem>>, vector<16xf32>,
    %swap3A_1269 = vector.shape_cast %swap3A_1268 : vector<16xf32> to vector<16xf32>
    %swap3A_1270 = vector.shape_cast %mul3A_1266 : vector<16xf32> to vector<16xf32>
    tpu.vector_store %arg10[%swap3A_1267], %swap3A_1270 {strides = array<i32>} : memref<208xf32, #tpu.memory_space<vmem>>, vector<16xf32>,
    %mul3A_1271 = arith.mulf %select_n3A_1237, %select_n3A_1241 : vector<16xf32>
    %swap3A_1272 = arith.constant 112 : index
    %swap3A_1273 = tpu.vector_load %arg11[%swap3A_1272] {strides = array<i32>} : memref<208xf32, #tpu.memory_space<vmem>>, vector<16xf32>,
    %swap3A_1274 = vector.shape_cast %swap3A_1273 : vector<16xf32> to vector<16xf32>
    %swap3A_1275 = vector.shape_cast %mul3A_1271 : vector<16xf32> to vector<16xf32>
    tpu.vector_store %arg11[%swap3A_1272], %swap3A_1275 {strides = array<i32>} : memref<208xf32, #tpu.memory_space<vmem>>, vector<16xf32>,
    %mul3A_1276 = arith.mulf %select_n3A_1238, %select_n3A_1240 : vector<16xf32>
    %swap3A_1277 = arith.constant 112 : index
    %swap3A_1278 = tpu.vector_load %arg12[%swap3A_1277] {strides = array<i32>} : memref<208xf32, #tpu.memory_space<vmem>>, vector<16xf32>,
    %swap3A_1279 = vector.shape_cast %swap3A_1278 : vector<16xf32> to vector<16xf32>
    %swap3A_1280 = vector.shape_cast %mul3A_1276 : vector<16xf32> to vector<16xf32>
    tpu.vector_store %arg12[%swap3A_1277], %swap3A_1280 {strides = array<i32>} : memref<208xf32, #tpu.memory_space<vmem>>, vector<16xf32>,
    %mul3A_1281 = arith.mulf %select_n3A_1238, %select_n3A_1241 : vector<16xf32>
    %swap3A_1282 = arith.constant 112 : index
    %swap3A_1283 = tpu.vector_load %arg13[%swap3A_1282] {strides = array<i32>} : memref<208xf32, #tpu.memory_space<vmem>>, vector<16xf32>,
    %swap3A_1284 = vector.shape_cast %swap3A_1283 : vector<16xf32> to vector<16xf32>
    %swap3A_1285 = vector.shape_cast %mul3A_1281 : vector<16xf32> to vector<16xf32>
    tpu.vector_store %arg13[%swap3A_1282], %swap3A_1285 {strides = array<i32>} : memref<208xf32, #tpu.memory_space<vmem>>, vector<16xf32>,
    %mul3A_1286 = arith.constant 32 : i32
    %mul3A_1287 = vector.broadcast %mul3A_1286 : i32 to vector<16xi32>
    %mul3A_1288 = arith.muli %min3A_1259, %mul3A_1287 : vector<16xi32>
    %add3A_1289 = arith.addi %get3A_1171, %mul3A_1288 : vector<16xi32>
    %add3A_1290 = arith.addi %add3A_1289, %min3A_1247 : vector<16xi32>
    %swap3A_1291 = arith.constant 1 : i32
    %swap3A_1292 = arith.index_cast %swap3A_1291 : i32 to index
    %swap3A_1293 = arith.constant 16 : index
    %swap3A_1294 = tpu.vector_load %arg14[%swap3A_1292, %swap3A_1293] {strides = array<i32>} : memref<2x96xi32, #tpu.memory_space<vmem>>, vector<1x16xi32>,
    %swap3A_1295 = vector.shape_cast %swap3A_1294 : vector<1x16xi32> to vector<16xi32>
    %swap3A_1296 = vector.shape_cast %add3A_1290 : vector<16xi32> to vector<1x16xi32>
    tpu.vector_store %arg14[%swap3A_1292, %swap3A_1293], %swap3A_1296 {strides = array<i32>} : memref<2x96xi32, #tpu.memory_space<vmem>>, vector<1x16xi32>,
    %mul3A_1297 = arith.constant 32 : i32
    %mul3A_1298 = vector.broadcast %mul3A_1297 : i32 to vector<16xi32>
    %mul3A_1299 = arith.muli %min3A_1265, %mul3A_1298 : vector<16xi32>
    %add3A_1300 = arith.addi %get3A_1171, %mul3A_1299 : vector<16xi32>
    %add3A_1301 = arith.addi %add3A_1300, %min3A_1247 : vector<16xi32>
    %swap3A_1302 = arith.constant 1 : i32
    %swap3A_1303 = arith.index_cast %swap3A_1302 : i32 to index
    %swap3A_1304 = arith.constant 16 : index
    %swap3A_1305 = tpu.vector_load %arg15[%swap3A_1303, %swap3A_1304] {strides = array<i32>} : memref<2x96xi32, #tpu.memory_space<vmem>>, vector<1x16xi32>,
    %swap3A_1306 = vector.shape_cast %swap3A_1305 : vector<1x16xi32> to vector<16xi32>
    %swap3A_1307 = vector.shape_cast %add3A_1301 : vector<16xi32> to vector<1x16xi32>
    tpu.vector_store %arg15[%swap3A_1303, %swap3A_1304], %swap3A_1307 {strides = array<i32>} : memref<2x96xi32, #tpu.memory_space<vmem>>, vector<1x16xi32>,
    %mul3A_1308 = arith.constant 32 : i32
    %mul3A_1309 = vector.broadcast %mul3A_1308 : i32 to vector<16xi32>
    %mul3A_1310 = arith.muli %min3A_1259, %mul3A_1309 : vector<16xi32>
    %add3A_1311 = arith.addi %get3A_1171, %mul3A_1310 : vector<16xi32>
    %add3A_1312 = arith.addi %add3A_1311, %min3A_1253 : vector<16xi32>
    %swap3A_1313 = arith.constant 1 : i32
    %swap3A_1314 = arith.index_cast %swap3A_1313 : i32 to index
    %swap3A_1315 = arith.constant 16 : index
    %swap3A_1316 = tpu.vector_load %arg16[%swap3A_1314, %swap3A_1315] {strides = array<i32>} : memref<2x96xi32, #tpu.memory_space<vmem>>, vector<1x16xi32>,
    %swap3A_1317 = vector.shape_cast %swap3A_1316 : vector<1x16xi32> to vector<16xi32>
    %swap3A_1318 = vector.shape_cast %add3A_1312 : vector<16xi32> to vector<1x16xi32>
    tpu.vector_store %arg16[%swap3A_1314, %swap3A_1315], %swap3A_1318 {strides = array<i32>} : memref<2x96xi32, #tpu.memory_space<vmem>>, vector<1x16xi32>,
    %mul3A_1319 = arith.constant 32 : i32
    %mul3A_1320 = vector.broadcast %mul3A_1319 : i32 to vector<16xi32>
    %mul3A_1321 = arith.muli %min3A_1265, %mul3A_1320 : vector<16xi32>
    %add3A_1322 = arith.addi %get3A_1171, %mul3A_1321 : vector<16xi32>
    %add3A_1323 = arith.addi %add3A_1322, %min3A_1253 : vector<16xi32>
    %swap3A_1324 = arith.constant 1 : i32
    %swap3A_1325 = arith.index_cast %swap3A_1324 : i32 to index
    %swap3A_1326 = arith.constant 16 : index
    %swap3A_1327 = tpu.vector_load %arg17[%swap3A_1325, %swap3A_1326] {strides = array<i32>} : memref<2x96xi32, #tpu.memory_space<vmem>>, vector<1x16xi32>,
    %swap3A_1328 = vector.shape_cast %swap3A_1327 : vector<1x16xi32> to vector<16xi32>
    %swap3A_1329 = vector.shape_cast %add3A_1323 : vector<16xi32> to vector<1x16xi32>
    tpu.vector_store %arg17[%swap3A_1325, %swap3A_1326], %swap3A_1329 {strides = array<i32>} : memref<2x96xi32, #tpu.memory_space<vmem>>, vector<1x16xi32>,
    %get3A_1330 = arith.constant 128 : index
    %get3A_1331 = tpu.vector_load %arg7[%get3A_1330] {strides = array<i32>} : memref<192xf32, #tpu.memory_space<vmem>>, vector<16xf32>,
    %get3A_1332 = vector.shape_cast %get3A_1331 : vector<16xf32> to vector<16xf32>
    %get3A_1333 = arith.constant 128 : index
    %get3A_1334 = tpu.vector_load %arg8[%get3A_1333] {strides = array<i32>} : memref<192xf32, #tpu.memory_space<vmem>>, vector<16xf32>,
    %get3A_1335 = vector.shape_cast %get3A_1334 : vector<16xf32> to vector<16xf32>
    %get3A_1336 = arith.constant 128 : index
    %get3A_1337 = tpu.vector_load %arg9[%get3A_1336] {strides = array<i32>} : memref<192xi32, #tpu.memory_space<vmem>>, vector<16xi32>,
    %get3A_1338 = vector.shape_cast %get3A_1337 : vector<16xi32> to vector<16xi32>
    %mul3A_1339 = arith.constant 1.600000e+01 : f32
    %mul3A_1340 = vector.broadcast %mul3A_1339 : f32 to vector<16xf32>
    %mul3A_1341 = arith.mulf %get3A_1332, %mul3A_1340 : vector<16xf32>
    %add3A_1342 = arith.constant 1.550000e+01 : f32
    %add3A_1343 = vector.broadcast %add3A_1342 : f32 to vector<16xf32>
    %add3A_1344 = arith.addf %mul3A_1341, %add3A_1343 : vector<16xf32>
    %mul3A_1345 = arith.constant 1.600000e+01 : f32
    %mul3A_1346 = vector.broadcast %mul3A_1345 : f32 to vector<16xf32>
    %mul3A_1347 = arith.mulf %get3A_1335, %mul3A_1346 : vector<16xf32>
    %add3A_1348 = arith.constant 1.550000e+01 : f32
    %add3A_1349 = vector.broadcast %add3A_1348 : f32 to vector<16xf32>
    %add3A_1350 = arith.addf %mul3A_1347, %add3A_1349 : vector<16xf32>
    %convert_element_type3A_1351 = arith.fptosi %add3A_1344 : vector<16xf32> to vector<16xi32>
    %convert_element_type3A_1352 = arith.fptosi %add3A_1350 : vector<16xf32> to vector<16xi32>
    %convert_element_type3A_1353 = arith.sitofp %convert_element_type3A_1351 : vector<16xi32> to vector<16xf32>
    %gt3A_1354 = arith.cmpf ogt, %convert_element_type3A_1353, %add3A_1344 : vector<16xf32>
    %sub3A_1355 = arith.constant 1 : i32
    %sub3A_1356 = vector.broadcast %sub3A_1355 : i32 to vector<16xi32>
    %sub3A_1357 = arith.subi %convert_element_type3A_1351, %sub3A_1356 : vector<16xi32>
    %select_n3A_1358 = arith.select %gt3A_1354, %sub3A_1357, %convert_element_type3A_1351 : vector<16xi1>, vector<16xi32>
    %convert_element_type3A_1359 = arith.sitofp %convert_element_type3A_1352 : vector<16xi32> to vector<16xf32>
    %gt3A_1360 = arith.cmpf ogt, %convert_element_type3A_1359, %add3A_1350 : vector<16xf32>
    %sub3A_1361 = arith.constant 1 : i32
    %sub3A_1362 = vector.broadcast %sub3A_1361 : i32 to vector<16xi32>
    %sub3A_1363 = arith.subi %convert_element_type3A_1352, %sub3A_1362 : vector<16xi32>
    %select_n3A_1364 = arith.select %gt3A_1360, %sub3A_1363, %convert_element_type3A_1352 : vector<16xi1>, vector<16xi32>
    %convert_element_type3A_1365 = arith.sitofp %select_n3A_1358 : vector<16xi32> to vector<16xf32>
    %sub3A_1366 = arith.subf %add3A_1344, %convert_element_type3A_1365 : vector<16xf32>
    %convert_element_type3A_1367 = arith.sitofp %select_n3A_1364 : vector<16xi32> to vector<16xf32>
    %sub3A_1368 = arith.subf %add3A_1350, %convert_element_type3A_1367 : vector<16xf32>
    %add3A_1369 = arith.constant 1 : i32
    %add3A_1370 = vector.broadcast %add3A_1369 : i32 to vector<16xi32>
    %add3A_1371 = arith.addi %select_n3A_1358, %add3A_1370 : vector<16xi32>
    %add3A_1372 = arith.constant 1 : i32
    %add3A_1373 = vector.broadcast %add3A_1372 : i32 to vector<16xi32>
    %add3A_1374 = arith.addi %select_n3A_1364, %add3A_1373 : vector<16xi32>
    %ge3A_1375 = arith.constant 0 : i32
    %ge3A_1376 = vector.broadcast %ge3A_1375 : i32 to vector<16xi32>
    %ge3A_1377 = arith.cmpi sge, %select_n3A_1358, %ge3A_1376 : vector<16xi32>
    %le3A_1378 = arith.constant 31 : i32
    %le3A_1379 = vector.broadcast %le3A_1378 : i32 to vector<16xi32>
    %le3A_1380 = arith.cmpi sle, %select_n3A_1358, %le3A_1379 : vector<16xi32>
    %and3A_1381 = arith.andi %ge3A_1377, %le3A_1380 : vector<16xi1>
    %ge3A_1382 = arith.constant 0 : i32
    %ge3A_1383 = vector.broadcast %ge3A_1382 : i32 to vector<16xi32>
    %ge3A_1384 = arith.cmpi sge, %add3A_1371, %ge3A_1383 : vector<16xi32>
    %le3A_1385 = arith.constant 31 : i32
    %le3A_1386 = vector.broadcast %le3A_1385 : i32 to vector<16xi32>
    %le3A_1387 = arith.cmpi sle, %add3A_1371, %le3A_1386 : vector<16xi32>
    %and3A_1388 = arith.andi %ge3A_1384, %le3A_1387 : vector<16xi1>
    %ge3A_1389 = arith.constant 0 : i32
    %ge3A_1390 = vector.broadcast %ge3A_1389 : i32 to vector<16xi32>
    %ge3A_1391 = arith.cmpi sge, %select_n3A_1364, %ge3A_1390 : vector<16xi32>
    %le3A_1392 = arith.constant 31 : i32
    %le3A_1393 = vector.broadcast %le3A_1392 : i32 to vector<16xi32>
    %le3A_1394 = arith.cmpi sle, %select_n3A_1364, %le3A_1393 : vector<16xi32>
    %and3A_1395 = arith.andi %ge3A_1391, %le3A_1394 : vector<16xi1>
    %ge3A_1396 = arith.constant 0 : i32
    %ge3A_1397 = vector.broadcast %ge3A_1396 : i32 to vector<16xi32>
    %ge3A_1398 = arith.cmpi sge, %add3A_1374, %ge3A_1397 : vector<16xi32>
    %le3A_1399 = arith.constant 31 : i32
    %le3A_1400 = vector.broadcast %le3A_1399 : i32 to vector<16xi32>
    %le3A_1401 = arith.cmpi sle, %add3A_1374, %le3A_1400 : vector<16xi32>
    %and3A_1402 = arith.andi %ge3A_1398, %le3A_1401 : vector<16xi1>
    %sub3A_1403 = arith.subf %broadcast_in_dim3A_3, %sub3A_1366 : vector<16xf32>
    %select_n3A_1404 = arith.select %and3A_1381, %sub3A_1403, %broadcast_in_dim3A_5 : vector<16xi1>, vector<16xf32>
    %select_n3A_1405 = arith.select %and3A_1388, %sub3A_1366, %broadcast_in_dim3A_5 : vector<16xi1>, vector<16xf32>
    %sub3A_1406 = arith.subf %broadcast_in_dim3A_3, %sub3A_1368 : vector<16xf32>
    %select_n3A_1407 = arith.select %and3A_1395, %sub3A_1406, %broadcast_in_dim3A_5 : vector<16xi1>, vector<16xf32>
    %select_n3A_1408 = arith.select %and3A_1402, %sub3A_1368, %broadcast_in_dim3A_5 : vector<16xi1>, vector<16xf32>
    %jit3A_1409 = arith.constant 0 : i32
    %jit3A_1410 = arith.constant 31 : i32
    %max3A_1411 = vector.broadcast %jit3A_1409 : i32 to vector<16xi32>
    %max3A_1412 = arith.maxsi %max3A_1411, %select_n3A_1358 : vector<16xi32>
    %min3A_1413 = vector.broadcast %jit3A_1410 : i32 to vector<16xi32>
    %min3A_1414 = arith.minsi %min3A_1413, %max3A_1412 : vector<16xi32>
    %jit3A_1415 = arith.constant 0 : i32
    %jit3A_1416 = arith.constant 31 : i32
    %max3A_1417 = vector.broadcast %jit3A_1415 : i32 to vector<16xi32>
    %max3A_1418 = arith.maxsi %max3A_1417, %add3A_1371 : vector<16xi32>
    %min3A_1419 = vector.broadcast %jit3A_1416 : i32 to vector<16xi32>
    %min3A_1420 = arith.minsi %min3A_1419, %max3A_1418 : vector<16xi32>
    %jit3A_1421 = arith.constant 0 : i32
    %jit3A_1422 = arith.constant 31 : i32
    %max3A_1423 = vector.broadcast %jit3A_1421 : i32 to vector<16xi32>
    %max3A_1424 = arith.maxsi %max3A_1423, %select_n3A_1364 : vector<16xi32>
    %min3A_1425 = vector.broadcast %jit3A_1422 : i32 to vector<16xi32>
    %min3A_1426 = arith.minsi %min3A_1425, %max3A_1424 : vector<16xi32>
    %jit3A_1427 = arith.constant 0 : i32
    %jit3A_1428 = arith.constant 31 : i32
    %max3A_1429 = vector.broadcast %jit3A_1427 : i32 to vector<16xi32>
    %max3A_1430 = arith.maxsi %max3A_1429, %add3A_1374 : vector<16xi32>
    %min3A_1431 = vector.broadcast %jit3A_1428 : i32 to vector<16xi32>
    %min3A_1432 = arith.minsi %min3A_1431, %max3A_1430 : vector<16xi32>
    %mul3A_1433 = arith.mulf %select_n3A_1404, %select_n3A_1407 : vector<16xf32>
    %swap3A_1434 = arith.constant 128 : index
    %swap3A_1435 = tpu.vector_load %arg10[%swap3A_1434] {strides = array<i32>} : memref<208xf32, #tpu.memory_space<vmem>>, vector<16xf32>,
    %swap3A_1436 = vector.shape_cast %swap3A_1435 : vector<16xf32> to vector<16xf32>
    %swap3A_1437 = vector.shape_cast %mul3A_1433 : vector<16xf32> to vector<16xf32>
    tpu.vector_store %arg10[%swap3A_1434], %swap3A_1437 {strides = array<i32>} : memref<208xf32, #tpu.memory_space<vmem>>, vector<16xf32>,
    %mul3A_1438 = arith.mulf %select_n3A_1404, %select_n3A_1408 : vector<16xf32>
    %swap3A_1439 = arith.constant 128 : index
    %swap3A_1440 = tpu.vector_load %arg11[%swap3A_1439] {strides = array<i32>} : memref<208xf32, #tpu.memory_space<vmem>>, vector<16xf32>,
    %swap3A_1441 = vector.shape_cast %swap3A_1440 : vector<16xf32> to vector<16xf32>
    %swap3A_1442 = vector.shape_cast %mul3A_1438 : vector<16xf32> to vector<16xf32>
    tpu.vector_store %arg11[%swap3A_1439], %swap3A_1442 {strides = array<i32>} : memref<208xf32, #tpu.memory_space<vmem>>, vector<16xf32>,
    %mul3A_1443 = arith.mulf %select_n3A_1405, %select_n3A_1407 : vector<16xf32>
    %swap3A_1444 = arith.constant 128 : index
    %swap3A_1445 = tpu.vector_load %arg12[%swap3A_1444] {strides = array<i32>} : memref<208xf32, #tpu.memory_space<vmem>>, vector<16xf32>,
    %swap3A_1446 = vector.shape_cast %swap3A_1445 : vector<16xf32> to vector<16xf32>
    %swap3A_1447 = vector.shape_cast %mul3A_1443 : vector<16xf32> to vector<16xf32>
    tpu.vector_store %arg12[%swap3A_1444], %swap3A_1447 {strides = array<i32>} : memref<208xf32, #tpu.memory_space<vmem>>, vector<16xf32>,
    %mul3A_1448 = arith.mulf %select_n3A_1405, %select_n3A_1408 : vector<16xf32>
    %swap3A_1449 = arith.constant 128 : index
    %swap3A_1450 = tpu.vector_load %arg13[%swap3A_1449] {strides = array<i32>} : memref<208xf32, #tpu.memory_space<vmem>>, vector<16xf32>,
    %swap3A_1451 = vector.shape_cast %swap3A_1450 : vector<16xf32> to vector<16xf32>
    %swap3A_1452 = vector.shape_cast %mul3A_1448 : vector<16xf32> to vector<16xf32>
    tpu.vector_store %arg13[%swap3A_1449], %swap3A_1452 {strides = array<i32>} : memref<208xf32, #tpu.memory_space<vmem>>, vector<16xf32>,
    %mul3A_1453 = arith.constant 32 : i32
    %mul3A_1454 = vector.broadcast %mul3A_1453 : i32 to vector<16xi32>
    %mul3A_1455 = arith.muli %min3A_1426, %mul3A_1454 : vector<16xi32>
    %add3A_1456 = arith.addi %get3A_1338, %mul3A_1455 : vector<16xi32>
    %add3A_1457 = arith.addi %add3A_1456, %min3A_1414 : vector<16xi32>
    %swap3A_1458 = arith.constant 1 : i32
    %swap3A_1459 = arith.index_cast %swap3A_1458 : i32 to index
    %swap3A_1460 = arith.constant 32 : index
    %swap3A_1461 = tpu.vector_load %arg14[%swap3A_1459, %swap3A_1460] {strides = array<i32>} : memref<2x96xi32, #tpu.memory_space<vmem>>, vector<1x16xi32>,
    %swap3A_1462 = vector.shape_cast %swap3A_1461 : vector<1x16xi32> to vector<16xi32>
    %swap3A_1463 = vector.shape_cast %add3A_1457 : vector<16xi32> to vector<1x16xi32>
    tpu.vector_store %arg14[%swap3A_1459, %swap3A_1460], %swap3A_1463 {strides = array<i32>} : memref<2x96xi32, #tpu.memory_space<vmem>>, vector<1x16xi32>,
    %mul3A_1464 = arith.constant 32 : i32
    %mul3A_1465 = vector.broadcast %mul3A_1464 : i32 to vector<16xi32>
    %mul3A_1466 = arith.muli %min3A_1432, %mul3A_1465 : vector<16xi32>
    %add3A_1467 = arith.addi %get3A_1338, %mul3A_1466 : vector<16xi32>
    %add3A_1468 = arith.addi %add3A_1467, %min3A_1414 : vector<16xi32>
    %swap3A_1469 = arith.constant 1 : i32
    %swap3A_1470 = arith.index_cast %swap3A_1469 : i32 to index
    %swap3A_1471 = arith.constant 32 : index
    %swap3A_1472 = tpu.vector_load %arg15[%swap3A_1470, %swap3A_1471] {strides = array<i32>} : memref<2x96xi32, #tpu.memory_space<vmem>>, vector<1x16xi32>,
    %swap3A_1473 = vector.shape_cast %swap3A_1472 : vector<1x16xi32> to vector<16xi32>
    %swap3A_1474 = vector.shape_cast %add3A_1468 : vector<16xi32> to vector<1x16xi32>
    tpu.vector_store %arg15[%swap3A_1470, %swap3A_1471], %swap3A_1474 {strides = array<i32>} : memref<2x96xi32, #tpu.memory_space<vmem>>, vector<1x16xi32>,
    %mul3A_1475 = arith.constant 32 : i32
    %mul3A_1476 = vector.broadcast %mul3A_1475 : i32 to vector<16xi32>
    %mul3A_1477 = arith.muli %min3A_1426, %mul3A_1476 : vector<16xi32>
    %add3A_1478 = arith.addi %get3A_1338, %mul3A_1477 : vector<16xi32>
    %add3A_1479 = arith.addi %add3A_1478, %min3A_1420 : vector<16xi32>
    %swap3A_1480 = arith.constant 1 : i32
    %swap3A_1481 = arith.index_cast %swap3A_1480 : i32 to index
    %swap3A_1482 = arith.constant 32 : index
    %swap3A_1483 = tpu.vector_load %arg16[%swap3A_1481, %swap3A_1482] {strides = array<i32>} : memref<2x96xi32, #tpu.memory_space<vmem>>, vector<1x16xi32>,
    %swap3A_1484 = vector.shape_cast %swap3A_1483 : vector<1x16xi32> to vector<16xi32>
    %swap3A_1485 = vector.shape_cast %add3A_1479 : vector<16xi32> to vector<1x16xi32>
    tpu.vector_store %arg16[%swap3A_1481, %swap3A_1482], %swap3A_1485 {strides = array<i32>} : memref<2x96xi32, #tpu.memory_space<vmem>>, vector<1x16xi32>,
    %mul3A_1486 = arith.constant 32 : i32
    %mul3A_1487 = vector.broadcast %mul3A_1486 : i32 to vector<16xi32>
    %mul3A_1488 = arith.muli %min3A_1432, %mul3A_1487 : vector<16xi32>
    %add3A_1489 = arith.addi %get3A_1338, %mul3A_1488 : vector<16xi32>
    %add3A_1490 = arith.addi %add3A_1489, %min3A_1420 : vector<16xi32>
    %swap3A_1491 = arith.constant 1 : i32
    %swap3A_1492 = arith.index_cast %swap3A_1491 : i32 to index
    %swap3A_1493 = arith.constant 32 : index
    %swap3A_1494 = tpu.vector_load %arg17[%swap3A_1492, %swap3A_1493] {strides = array<i32>} : memref<2x96xi32, #tpu.memory_space<vmem>>, vector<1x16xi32>,
    %swap3A_1495 = vector.shape_cast %swap3A_1494 : vector<1x16xi32> to vector<16xi32>
    %swap3A_1496 = vector.shape_cast %add3A_1490 : vector<16xi32> to vector<1x16xi32>
    tpu.vector_store %arg17[%swap3A_1492, %swap3A_1493], %swap3A_1496 {strides = array<i32>} : memref<2x96xi32, #tpu.memory_space<vmem>>, vector<1x16xi32>,
    %get3A_1497 = arith.constant 144 : index
    %get3A_1498 = tpu.vector_load %arg7[%get3A_1497] {strides = array<i32>} : memref<192xf32, #tpu.memory_space<vmem>>, vector<16xf32>,
    %get3A_1499 = vector.shape_cast %get3A_1498 : vector<16xf32> to vector<16xf32>
    %get3A_1500 = arith.constant 144 : index
    %get3A_1501 = tpu.vector_load %arg8[%get3A_1500] {strides = array<i32>} : memref<192xf32, #tpu.memory_space<vmem>>, vector<16xf32>,
    %get3A_1502 = vector.shape_cast %get3A_1501 : vector<16xf32> to vector<16xf32>
    %get3A_1503 = arith.constant 144 : index
    %get3A_1504 = tpu.vector_load %arg9[%get3A_1503] {strides = array<i32>} : memref<192xi32, #tpu.memory_space<vmem>>, vector<16xi32>,
    %get3A_1505 = vector.shape_cast %get3A_1504 : vector<16xi32> to vector<16xi32>
    %mul3A_1506 = arith.constant 1.600000e+01 : f32
    %mul3A_1507 = vector.broadcast %mul3A_1506 : f32 to vector<16xf32>
    %mul3A_1508 = arith.mulf %get3A_1499, %mul3A_1507 : vector<16xf32>
    %add3A_1509 = arith.constant 1.550000e+01 : f32
    %add3A_1510 = vector.broadcast %add3A_1509 : f32 to vector<16xf32>
    %add3A_1511 = arith.addf %mul3A_1508, %add3A_1510 : vector<16xf32>
    %mul3A_1512 = arith.constant 1.600000e+01 : f32
    %mul3A_1513 = vector.broadcast %mul3A_1512 : f32 to vector<16xf32>
    %mul3A_1514 = arith.mulf %get3A_1502, %mul3A_1513 : vector<16xf32>
    %add3A_1515 = arith.constant 1.550000e+01 : f32
    %add3A_1516 = vector.broadcast %add3A_1515 : f32 to vector<16xf32>
    %add3A_1517 = arith.addf %mul3A_1514, %add3A_1516 : vector<16xf32>
    %convert_element_type3A_1518 = arith.fptosi %add3A_1511 : vector<16xf32> to vector<16xi32>
    %convert_element_type3A_1519 = arith.fptosi %add3A_1517 : vector<16xf32> to vector<16xi32>
    %convert_element_type3A_1520 = arith.sitofp %convert_element_type3A_1518 : vector<16xi32> to vector<16xf32>
    %gt3A_1521 = arith.cmpf ogt, %convert_element_type3A_1520, %add3A_1511 : vector<16xf32>
    %sub3A_1522 = arith.constant 1 : i32
    %sub3A_1523 = vector.broadcast %sub3A_1522 : i32 to vector<16xi32>
    %sub3A_1524 = arith.subi %convert_element_type3A_1518, %sub3A_1523 : vector<16xi32>
    %select_n3A_1525 = arith.select %gt3A_1521, %sub3A_1524, %convert_element_type3A_1518 : vector<16xi1>, vector<16xi32>
    %convert_element_type3A_1526 = arith.sitofp %convert_element_type3A_1519 : vector<16xi32> to vector<16xf32>
    %gt3A_1527 = arith.cmpf ogt, %convert_element_type3A_1526, %add3A_1517 : vector<16xf32>
    %sub3A_1528 = arith.constant 1 : i32
    %sub3A_1529 = vector.broadcast %sub3A_1528 : i32 to vector<16xi32>
    %sub3A_1530 = arith.subi %convert_element_type3A_1519, %sub3A_1529 : vector<16xi32>
    %select_n3A_1531 = arith.select %gt3A_1527, %sub3A_1530, %convert_element_type3A_1519 : vector<16xi1>, vector<16xi32>
    %convert_element_type3A_1532 = arith.sitofp %select_n3A_1525 : vector<16xi32> to vector<16xf32>
    %sub3A_1533 = arith.subf %add3A_1511, %convert_element_type3A_1532 : vector<16xf32>
    %convert_element_type3A_1534 = arith.sitofp %select_n3A_1531 : vector<16xi32> to vector<16xf32>
    %sub3A_1535 = arith.subf %add3A_1517, %convert_element_type3A_1534 : vector<16xf32>
    %add3A_1536 = arith.constant 1 : i32
    %add3A_1537 = vector.broadcast %add3A_1536 : i32 to vector<16xi32>
    %add3A_1538 = arith.addi %select_n3A_1525, %add3A_1537 : vector<16xi32>
    %add3A_1539 = arith.constant 1 : i32
    %add3A_1540 = vector.broadcast %add3A_1539 : i32 to vector<16xi32>
    %add3A_1541 = arith.addi %select_n3A_1531, %add3A_1540 : vector<16xi32>
    %ge3A_1542 = arith.constant 0 : i32
    %ge3A_1543 = vector.broadcast %ge3A_1542 : i32 to vector<16xi32>
    %ge3A_1544 = arith.cmpi sge, %select_n3A_1525, %ge3A_1543 : vector<16xi32>
    %le3A_1545 = arith.constant 31 : i32
    %le3A_1546 = vector.broadcast %le3A_1545 : i32 to vector<16xi32>
    %le3A_1547 = arith.cmpi sle, %select_n3A_1525, %le3A_1546 : vector<16xi32>
    %and3A_1548 = arith.andi %ge3A_1544, %le3A_1547 : vector<16xi1>
    %ge3A_1549 = arith.constant 0 : i32
    %ge3A_1550 = vector.broadcast %ge3A_1549 : i32 to vector<16xi32>
    %ge3A_1551 = arith.cmpi sge, %add3A_1538, %ge3A_1550 : vector<16xi32>
    %le3A_1552 = arith.constant 31 : i32
    %le3A_1553 = vector.broadcast %le3A_1552 : i32 to vector<16xi32>
    %le3A_1554 = arith.cmpi sle, %add3A_1538, %le3A_1553 : vector<16xi32>
    %and3A_1555 = arith.andi %ge3A_1551, %le3A_1554 : vector<16xi1>
    %ge3A_1556 = arith.constant 0 : i32
    %ge3A_1557 = vector.broadcast %ge3A_1556 : i32 to vector<16xi32>
    %ge3A_1558 = arith.cmpi sge, %select_n3A_1531, %ge3A_1557 : vector<16xi32>
    %le3A_1559 = arith.constant 31 : i32
    %le3A_1560 = vector.broadcast %le3A_1559 : i32 to vector<16xi32>
    %le3A_1561 = arith.cmpi sle, %select_n3A_1531, %le3A_1560 : vector<16xi32>
    %and3A_1562 = arith.andi %ge3A_1558, %le3A_1561 : vector<16xi1>
    %ge3A_1563 = arith.constant 0 : i32
    %ge3A_1564 = vector.broadcast %ge3A_1563 : i32 to vector<16xi32>
    %ge3A_1565 = arith.cmpi sge, %add3A_1541, %ge3A_1564 : vector<16xi32>
    %le3A_1566 = arith.constant 31 : i32
    %le3A_1567 = vector.broadcast %le3A_1566 : i32 to vector<16xi32>
    %le3A_1568 = arith.cmpi sle, %add3A_1541, %le3A_1567 : vector<16xi32>
    %and3A_1569 = arith.andi %ge3A_1565, %le3A_1568 : vector<16xi1>
    %sub3A_1570 = arith.subf %broadcast_in_dim3A_3, %sub3A_1533 : vector<16xf32>
    %select_n3A_1571 = arith.select %and3A_1548, %sub3A_1570, %broadcast_in_dim3A_5 : vector<16xi1>, vector<16xf32>
    %select_n3A_1572 = arith.select %and3A_1555, %sub3A_1533, %broadcast_in_dim3A_5 : vector<16xi1>, vector<16xf32>
    %sub3A_1573 = arith.subf %broadcast_in_dim3A_3, %sub3A_1535 : vector<16xf32>
    %select_n3A_1574 = arith.select %and3A_1562, %sub3A_1573, %broadcast_in_dim3A_5 : vector<16xi1>, vector<16xf32>
    %select_n3A_1575 = arith.select %and3A_1569, %sub3A_1535, %broadcast_in_dim3A_5 : vector<16xi1>, vector<16xf32>
    %jit3A_1576 = arith.constant 0 : i32
    %jit3A_1577 = arith.constant 31 : i32
    %max3A_1578 = vector.broadcast %jit3A_1576 : i32 to vector<16xi32>
    %max3A_1579 = arith.maxsi %max3A_1578, %select_n3A_1525 : vector<16xi32>
    %min3A_1580 = vector.broadcast %jit3A_1577 : i32 to vector<16xi32>
    %min3A_1581 = arith.minsi %min3A_1580, %max3A_1579 : vector<16xi32>
    %jit3A_1582 = arith.constant 0 : i32
    %jit3A_1583 = arith.constant 31 : i32
    %max3A_1584 = vector.broadcast %jit3A_1582 : i32 to vector<16xi32>
    %max3A_1585 = arith.maxsi %max3A_1584, %add3A_1538 : vector<16xi32>
    %min3A_1586 = vector.broadcast %jit3A_1583 : i32 to vector<16xi32>
    %min3A_1587 = arith.minsi %min3A_1586, %max3A_1585 : vector<16xi32>
    %jit3A_1588 = arith.constant 0 : i32
    %jit3A_1589 = arith.constant 31 : i32
    %max3A_1590 = vector.broadcast %jit3A_1588 : i32 to vector<16xi32>
    %max3A_1591 = arith.maxsi %max3A_1590, %select_n3A_1531 : vector<16xi32>
    %min3A_1592 = vector.broadcast %jit3A_1589 : i32 to vector<16xi32>
    %min3A_1593 = arith.minsi %min3A_1592, %max3A_1591 : vector<16xi32>
    %jit3A_1594 = arith.constant 0 : i32
    %jit3A_1595 = arith.constant 31 : i32
    %max3A_1596 = vector.broadcast %jit3A_1594 : i32 to vector<16xi32>
    %max3A_1597 = arith.maxsi %max3A_1596, %add3A_1541 : vector<16xi32>
    %min3A_1598 = vector.broadcast %jit3A_1595 : i32 to vector<16xi32>
    %min3A_1599 = arith.minsi %min3A_1598, %max3A_1597 : vector<16xi32>
    %mul3A_1600 = arith.mulf %select_n3A_1571, %select_n3A_1574 : vector<16xf32>
    %swap3A_1601 = arith.constant 144 : index
    %swap3A_1602 = tpu.vector_load %arg10[%swap3A_1601] {strides = array<i32>} : memref<208xf32, #tpu.memory_space<vmem>>, vector<16xf32>,
    %swap3A_1603 = vector.shape_cast %swap3A_1602 : vector<16xf32> to vector<16xf32>
    %swap3A_1604 = vector.shape_cast %mul3A_1600 : vector<16xf32> to vector<16xf32>
    tpu.vector_store %arg10[%swap3A_1601], %swap3A_1604 {strides = array<i32>} : memref<208xf32, #tpu.memory_space<vmem>>, vector<16xf32>,
    %mul3A_1605 = arith.mulf %select_n3A_1571, %select_n3A_1575 : vector<16xf32>
    %swap3A_1606 = arith.constant 144 : index
    %swap3A_1607 = tpu.vector_load %arg11[%swap3A_1606] {strides = array<i32>} : memref<208xf32, #tpu.memory_space<vmem>>, vector<16xf32>,
    %swap3A_1608 = vector.shape_cast %swap3A_1607 : vector<16xf32> to vector<16xf32>
    %swap3A_1609 = vector.shape_cast %mul3A_1605 : vector<16xf32> to vector<16xf32>
    tpu.vector_store %arg11[%swap3A_1606], %swap3A_1609 {strides = array<i32>} : memref<208xf32, #tpu.memory_space<vmem>>, vector<16xf32>,
    %mul3A_1610 = arith.mulf %select_n3A_1572, %select_n3A_1574 : vector<16xf32>
    %swap3A_1611 = arith.constant 144 : index
    %swap3A_1612 = tpu.vector_load %arg12[%swap3A_1611] {strides = array<i32>} : memref<208xf32, #tpu.memory_space<vmem>>, vector<16xf32>,
    %swap3A_1613 = vector.shape_cast %swap3A_1612 : vector<16xf32> to vector<16xf32>
    %swap3A_1614 = vector.shape_cast %mul3A_1610 : vector<16xf32> to vector<16xf32>
    tpu.vector_store %arg12[%swap3A_1611], %swap3A_1614 {strides = array<i32>} : memref<208xf32, #tpu.memory_space<vmem>>, vector<16xf32>,
    %mul3A_1615 = arith.mulf %select_n3A_1572, %select_n3A_1575 : vector<16xf32>
    %swap3A_1616 = arith.constant 144 : index
    %swap3A_1617 = tpu.vector_load %arg13[%swap3A_1616] {strides = array<i32>} : memref<208xf32, #tpu.memory_space<vmem>>, vector<16xf32>,
    %swap3A_1618 = vector.shape_cast %swap3A_1617 : vector<16xf32> to vector<16xf32>
    %swap3A_1619 = vector.shape_cast %mul3A_1615 : vector<16xf32> to vector<16xf32>
    tpu.vector_store %arg13[%swap3A_1616], %swap3A_1619 {strides = array<i32>} : memref<208xf32, #tpu.memory_space<vmem>>, vector<16xf32>,
    %mul3A_1620 = arith.constant 32 : i32
    %mul3A_1621 = vector.broadcast %mul3A_1620 : i32 to vector<16xi32>
    %mul3A_1622 = arith.muli %min3A_1593, %mul3A_1621 : vector<16xi32>
    %add3A_1623 = arith.addi %get3A_1505, %mul3A_1622 : vector<16xi32>
    %add3A_1624 = arith.addi %add3A_1623, %min3A_1581 : vector<16xi32>
    %swap3A_1625 = arith.constant 1 : i32
    %swap3A_1626 = arith.index_cast %swap3A_1625 : i32 to index
    %swap3A_1627 = arith.constant 48 : index
    %swap3A_1628 = tpu.vector_load %arg14[%swap3A_1626, %swap3A_1627] {strides = array<i32>} : memref<2x96xi32, #tpu.memory_space<vmem>>, vector<1x16xi32>,
    %swap3A_1629 = vector.shape_cast %swap3A_1628 : vector<1x16xi32> to vector<16xi32>
    %swap3A_1630 = vector.shape_cast %add3A_1624 : vector<16xi32> to vector<1x16xi32>
    tpu.vector_store %arg14[%swap3A_1626, %swap3A_1627], %swap3A_1630 {strides = array<i32>} : memref<2x96xi32, #tpu.memory_space<vmem>>, vector<1x16xi32>,
    %mul3A_1631 = arith.constant 32 : i32
    %mul3A_1632 = vector.broadcast %mul3A_1631 : i32 to vector<16xi32>
    %mul3A_1633 = arith.muli %min3A_1599, %mul3A_1632 : vector<16xi32>
    %add3A_1634 = arith.addi %get3A_1505, %mul3A_1633 : vector<16xi32>
    %add3A_1635 = arith.addi %add3A_1634, %min3A_1581 : vector<16xi32>
    %swap3A_1636 = arith.constant 1 : i32
    %swap3A_1637 = arith.index_cast %swap3A_1636 : i32 to index
    %swap3A_1638 = arith.constant 48 : index
    %swap3A_1639 = tpu.vector_load %arg15[%swap3A_1637, %swap3A_1638] {strides = array<i32>} : memref<2x96xi32, #tpu.memory_space<vmem>>, vector<1x16xi32>,
    %swap3A_1640 = vector.shape_cast %swap3A_1639 : vector<1x16xi32> to vector<16xi32>
    %swap3A_1641 = vector.shape_cast %add3A_1635 : vector<16xi32> to vector<1x16xi32>
    tpu.vector_store %arg15[%swap3A_1637, %swap3A_1638], %swap3A_1641 {strides = array<i32>} : memref<2x96xi32, #tpu.memory_space<vmem>>, vector<1x16xi32>,
    %mul3A_1642 = arith.constant 32 : i32
    %mul3A_1643 = vector.broadcast %mul3A_1642 : i32 to vector<16xi32>
    %mul3A_1644 = arith.muli %min3A_1593, %mul3A_1643 : vector<16xi32>
    %add3A_1645 = arith.addi %get3A_1505, %mul3A_1644 : vector<16xi32>
    %add3A_1646 = arith.addi %add3A_1645, %min3A_1587 : vector<16xi32>
    %swap3A_1647 = arith.constant 1 : i32
    %swap3A_1648 = arith.index_cast %swap3A_1647 : i32 to index
    %swap3A_1649 = arith.constant 48 : index
    %swap3A_1650 = tpu.vector_load %arg16[%swap3A_1648, %swap3A_1649] {strides = array<i32>} : memref<2x96xi32, #tpu.memory_space<vmem>>, vector<1x16xi32>,
    %swap3A_1651 = vector.shape_cast %swap3A_1650 : vector<1x16xi32> to vector<16xi32>
    %swap3A_1652 = vector.shape_cast %add3A_1646 : vector<16xi32> to vector<1x16xi32>
    tpu.vector_store %arg16[%swap3A_1648, %swap3A_1649], %swap3A_1652 {strides = array<i32>} : memref<2x96xi32, #tpu.memory_space<vmem>>, vector<1x16xi32>,
    %mul3A_1653 = arith.constant 32 : i32
    %mul3A_1654 = vector.broadcast %mul3A_1653 : i32 to vector<16xi32>
    %mul3A_1655 = arith.muli %min3A_1599, %mul3A_1654 : vector<16xi32>
    %add3A_1656 = arith.addi %get3A_1505, %mul3A_1655 : vector<16xi32>
    %add3A_1657 = arith.addi %add3A_1656, %min3A_1587 : vector<16xi32>
    %swap3A_1658 = arith.constant 1 : i32
    %swap3A_1659 = arith.index_cast %swap3A_1658 : i32 to index
    %swap3A_1660 = arith.constant 48 : index
    %swap3A_1661 = tpu.vector_load %arg17[%swap3A_1659, %swap3A_1660] {strides = array<i32>} : memref<2x96xi32, #tpu.memory_space<vmem>>, vector<1x16xi32>,
    %swap3A_1662 = vector.shape_cast %swap3A_1661 : vector<1x16xi32> to vector<16xi32>
    %swap3A_1663 = vector.shape_cast %add3A_1657 : vector<16xi32> to vector<1x16xi32>
    tpu.vector_store %arg17[%swap3A_1659, %swap3A_1660], %swap3A_1663 {strides = array<i32>} : memref<2x96xi32, #tpu.memory_space<vmem>>, vector<1x16xi32>,
    %get3A_1664 = arith.constant 160 : index
    %get3A_1665 = tpu.vector_load %arg7[%get3A_1664] {strides = array<i32>} : memref<192xf32, #tpu.memory_space<vmem>>, vector<16xf32>,
    %get3A_1666 = vector.shape_cast %get3A_1665 : vector<16xf32> to vector<16xf32>
    %get3A_1667 = arith.constant 160 : index
    %get3A_1668 = tpu.vector_load %arg8[%get3A_1667] {strides = array<i32>} : memref<192xf32, #tpu.memory_space<vmem>>, vector<16xf32>,
    %get3A_1669 = vector.shape_cast %get3A_1668 : vector<16xf32> to vector<16xf32>
    %get3A_1670 = arith.constant 160 : index
    %get3A_1671 = tpu.vector_load %arg9[%get3A_1670] {strides = array<i32>} : memref<192xi32, #tpu.memory_space<vmem>>, vector<16xi32>,
    %get3A_1672 = vector.shape_cast %get3A_1671 : vector<16xi32> to vector<16xi32>
    %mul3A_1673 = arith.constant 1.600000e+01 : f32
    %mul3A_1674 = vector.broadcast %mul3A_1673 : f32 to vector<16xf32>
    %mul3A_1675 = arith.mulf %get3A_1666, %mul3A_1674 : vector<16xf32>
    %add3A_1676 = arith.constant 1.550000e+01 : f32
    %add3A_1677 = vector.broadcast %add3A_1676 : f32 to vector<16xf32>
    %add3A_1678 = arith.addf %mul3A_1675, %add3A_1677 : vector<16xf32>
    %mul3A_1679 = arith.constant 1.600000e+01 : f32
    %mul3A_1680 = vector.broadcast %mul3A_1679 : f32 to vector<16xf32>
    %mul3A_1681 = arith.mulf %get3A_1669, %mul3A_1680 : vector<16xf32>
    %add3A_1682 = arith.constant 1.550000e+01 : f32
    %add3A_1683 = vector.broadcast %add3A_1682 : f32 to vector<16xf32>
    %add3A_1684 = arith.addf %mul3A_1681, %add3A_1683 : vector<16xf32>
    %convert_element_type3A_1685 = arith.fptosi %add3A_1678 : vector<16xf32> to vector<16xi32>
    %convert_element_type3A_1686 = arith.fptosi %add3A_1684 : vector<16xf32> to vector<16xi32>
    %convert_element_type3A_1687 = arith.sitofp %convert_element_type3A_1685 : vector<16xi32> to vector<16xf32>
    %gt3A_1688 = arith.cmpf ogt, %convert_element_type3A_1687, %add3A_1678 : vector<16xf32>
    %sub3A_1689 = arith.constant 1 : i32
    %sub3A_1690 = vector.broadcast %sub3A_1689 : i32 to vector<16xi32>
    %sub3A_1691 = arith.subi %convert_element_type3A_1685, %sub3A_1690 : vector<16xi32>
    %select_n3A_1692 = arith.select %gt3A_1688, %sub3A_1691, %convert_element_type3A_1685 : vector<16xi1>, vector<16xi32>
    %convert_element_type3A_1693 = arith.sitofp %convert_element_type3A_1686 : vector<16xi32> to vector<16xf32>
    %gt3A_1694 = arith.cmpf ogt, %convert_element_type3A_1693, %add3A_1684 : vector<16xf32>
    %sub3A_1695 = arith.constant 1 : i32
    %sub3A_1696 = vector.broadcast %sub3A_1695 : i32 to vector<16xi32>
    %sub3A_1697 = arith.subi %convert_element_type3A_1686, %sub3A_1696 : vector<16xi32>
    %select_n3A_1698 = arith.select %gt3A_1694, %sub3A_1697, %convert_element_type3A_1686 : vector<16xi1>, vector<16xi32>
    %convert_element_type3A_1699 = arith.sitofp %select_n3A_1692 : vector<16xi32> to vector<16xf32>
    %sub3A_1700 = arith.subf %add3A_1678, %convert_element_type3A_1699 : vector<16xf32>
    %convert_element_type3A_1701 = arith.sitofp %select_n3A_1698 : vector<16xi32> to vector<16xf32>
    %sub3A_1702 = arith.subf %add3A_1684, %convert_element_type3A_1701 : vector<16xf32>
    %add3A_1703 = arith.constant 1 : i32
    %add3A_1704 = vector.broadcast %add3A_1703 : i32 to vector<16xi32>
    %add3A_1705 = arith.addi %select_n3A_1692, %add3A_1704 : vector<16xi32>
    %add3A_1706 = arith.constant 1 : i32
    %add3A_1707 = vector.broadcast %add3A_1706 : i32 to vector<16xi32>
    %add3A_1708 = arith.addi %select_n3A_1698, %add3A_1707 : vector<16xi32>
    %ge3A_1709 = arith.constant 0 : i32
    %ge3A_1710 = vector.broadcast %ge3A_1709 : i32 to vector<16xi32>
    %ge3A_1711 = arith.cmpi sge, %select_n3A_1692, %ge3A_1710 : vector<16xi32>
    %le3A_1712 = arith.constant 31 : i32
    %le3A_1713 = vector.broadcast %le3A_1712 : i32 to vector<16xi32>
    %le3A_1714 = arith.cmpi sle, %select_n3A_1692, %le3A_1713 : vector<16xi32>
    %and3A_1715 = arith.andi %ge3A_1711, %le3A_1714 : vector<16xi1>
    %ge3A_1716 = arith.constant 0 : i32
    %ge3A_1717 = vector.broadcast %ge3A_1716 : i32 to vector<16xi32>
    %ge3A_1718 = arith.cmpi sge, %add3A_1705, %ge3A_1717 : vector<16xi32>
    %le3A_1719 = arith.constant 31 : i32
    %le3A_1720 = vector.broadcast %le3A_1719 : i32 to vector<16xi32>
    %le3A_1721 = arith.cmpi sle, %add3A_1705, %le3A_1720 : vector<16xi32>
    %and3A_1722 = arith.andi %ge3A_1718, %le3A_1721 : vector<16xi1>
    %ge3A_1723 = arith.constant 0 : i32
    %ge3A_1724 = vector.broadcast %ge3A_1723 : i32 to vector<16xi32>
    %ge3A_1725 = arith.cmpi sge, %select_n3A_1698, %ge3A_1724 : vector<16xi32>
    %le3A_1726 = arith.constant 31 : i32
    %le3A_1727 = vector.broadcast %le3A_1726 : i32 to vector<16xi32>
    %le3A_1728 = arith.cmpi sle, %select_n3A_1698, %le3A_1727 : vector<16xi32>
    %and3A_1729 = arith.andi %ge3A_1725, %le3A_1728 : vector<16xi1>
    %ge3A_1730 = arith.constant 0 : i32
    %ge3A_1731 = vector.broadcast %ge3A_1730 : i32 to vector<16xi32>
    %ge3A_1732 = arith.cmpi sge, %add3A_1708, %ge3A_1731 : vector<16xi32>
    %le3A_1733 = arith.constant 31 : i32
    %le3A_1734 = vector.broadcast %le3A_1733 : i32 to vector<16xi32>
    %le3A_1735 = arith.cmpi sle, %add3A_1708, %le3A_1734 : vector<16xi32>
    %and3A_1736 = arith.andi %ge3A_1732, %le3A_1735 : vector<16xi1>
    %sub3A_1737 = arith.subf %broadcast_in_dim3A_3, %sub3A_1700 : vector<16xf32>
    %select_n3A_1738 = arith.select %and3A_1715, %sub3A_1737, %broadcast_in_dim3A_5 : vector<16xi1>, vector<16xf32>
    %select_n3A_1739 = arith.select %and3A_1722, %sub3A_1700, %broadcast_in_dim3A_5 : vector<16xi1>, vector<16xf32>
    %sub3A_1740 = arith.subf %broadcast_in_dim3A_3, %sub3A_1702 : vector<16xf32>
    %select_n3A_1741 = arith.select %and3A_1729, %sub3A_1740, %broadcast_in_dim3A_5 : vector<16xi1>, vector<16xf32>
    %select_n3A_1742 = arith.select %and3A_1736, %sub3A_1702, %broadcast_in_dim3A_5 : vector<16xi1>, vector<16xf32>
    %jit3A_1743 = arith.constant 0 : i32
    %jit3A_1744 = arith.constant 31 : i32
    %max3A_1745 = vector.broadcast %jit3A_1743 : i32 to vector<16xi32>
    %max3A_1746 = arith.maxsi %max3A_1745, %select_n3A_1692 : vector<16xi32>
    %min3A_1747 = vector.broadcast %jit3A_1744 : i32 to vector<16xi32>
    %min3A_1748 = arith.minsi %min3A_1747, %max3A_1746 : vector<16xi32>
    %jit3A_1749 = arith.constant 0 : i32
    %jit3A_1750 = arith.constant 31 : i32
    %max3A_1751 = vector.broadcast %jit3A_1749 : i32 to vector<16xi32>
    %max3A_1752 = arith.maxsi %max3A_1751, %add3A_1705 : vector<16xi32>
    %min3A_1753 = vector.broadcast %jit3A_1750 : i32 to vector<16xi32>
    %min3A_1754 = arith.minsi %min3A_1753, %max3A_1752 : vector<16xi32>
    %jit3A_1755 = arith.constant 0 : i32
    %jit3A_1756 = arith.constant 31 : i32
    %max3A_1757 = vector.broadcast %jit3A_1755 : i32 to vector<16xi32>
    %max3A_1758 = arith.maxsi %max3A_1757, %select_n3A_1698 : vector<16xi32>
    %min3A_1759 = vector.broadcast %jit3A_1756 : i32 to vector<16xi32>
    %min3A_1760 = arith.minsi %min3A_1759, %max3A_1758 : vector<16xi32>
    %jit3A_1761 = arith.constant 0 : i32
    %jit3A_1762 = arith.constant 31 : i32
    %max3A_1763 = vector.broadcast %jit3A_1761 : i32 to vector<16xi32>
    %max3A_1764 = arith.maxsi %max3A_1763, %add3A_1708 : vector<16xi32>
    %min3A_1765 = vector.broadcast %jit3A_1762 : i32 to vector<16xi32>
    %min3A_1766 = arith.minsi %min3A_1765, %max3A_1764 : vector<16xi32>
    %mul3A_1767 = arith.mulf %select_n3A_1738, %select_n3A_1741 : vector<16xf32>
    %swap3A_1768 = arith.constant 160 : index
    %swap3A_1769 = tpu.vector_load %arg10[%swap3A_1768] {strides = array<i32>} : memref<208xf32, #tpu.memory_space<vmem>>, vector<16xf32>,
    %swap3A_1770 = vector.shape_cast %swap3A_1769 : vector<16xf32> to vector<16xf32>
    %swap3A_1771 = vector.shape_cast %mul3A_1767 : vector<16xf32> to vector<16xf32>
    tpu.vector_store %arg10[%swap3A_1768], %swap3A_1771 {strides = array<i32>} : memref<208xf32, #tpu.memory_space<vmem>>, vector<16xf32>,
    %mul3A_1772 = arith.mulf %select_n3A_1738, %select_n3A_1742 : vector<16xf32>
    %swap3A_1773 = arith.constant 160 : index
    %swap3A_1774 = tpu.vector_load %arg11[%swap3A_1773] {strides = array<i32>} : memref<208xf32, #tpu.memory_space<vmem>>, vector<16xf32>,
    %swap3A_1775 = vector.shape_cast %swap3A_1774 : vector<16xf32> to vector<16xf32>
    %swap3A_1776 = vector.shape_cast %mul3A_1772 : vector<16xf32> to vector<16xf32>
    tpu.vector_store %arg11[%swap3A_1773], %swap3A_1776 {strides = array<i32>} : memref<208xf32, #tpu.memory_space<vmem>>, vector<16xf32>,
    %mul3A_1777 = arith.mulf %select_n3A_1739, %select_n3A_1741 : vector<16xf32>
    %swap3A_1778 = arith.constant 160 : index
    %swap3A_1779 = tpu.vector_load %arg12[%swap3A_1778] {strides = array<i32>} : memref<208xf32, #tpu.memory_space<vmem>>, vector<16xf32>,
    %swap3A_1780 = vector.shape_cast %swap3A_1779 : vector<16xf32> to vector<16xf32>
    %swap3A_1781 = vector.shape_cast %mul3A_1777 : vector<16xf32> to vector<16xf32>
    tpu.vector_store %arg12[%swap3A_1778], %swap3A_1781 {strides = array<i32>} : memref<208xf32, #tpu.memory_space<vmem>>, vector<16xf32>,
    %mul3A_1782 = arith.mulf %select_n3A_1739, %select_n3A_1742 : vector<16xf32>
    %swap3A_1783 = arith.constant 160 : index
    %swap3A_1784 = tpu.vector_load %arg13[%swap3A_1783] {strides = array<i32>} : memref<208xf32, #tpu.memory_space<vmem>>, vector<16xf32>,
    %swap3A_1785 = vector.shape_cast %swap3A_1784 : vector<16xf32> to vector<16xf32>
    %swap3A_1786 = vector.shape_cast %mul3A_1782 : vector<16xf32> to vector<16xf32>
    tpu.vector_store %arg13[%swap3A_1783], %swap3A_1786 {strides = array<i32>} : memref<208xf32, #tpu.memory_space<vmem>>, vector<16xf32>,
    %mul3A_1787 = arith.constant 32 : i32
    %mul3A_1788 = vector.broadcast %mul3A_1787 : i32 to vector<16xi32>
    %mul3A_1789 = arith.muli %min3A_1760, %mul3A_1788 : vector<16xi32>
    %add3A_1790 = arith.addi %get3A_1672, %mul3A_1789 : vector<16xi32>
    %add3A_1791 = arith.addi %add3A_1790, %min3A_1748 : vector<16xi32>
    %swap3A_1792 = arith.constant 1 : i32
    %swap3A_1793 = arith.index_cast %swap3A_1792 : i32 to index
    %swap3A_1794 = arith.constant 64 : index
    %swap3A_1795 = tpu.vector_load %arg14[%swap3A_1793, %swap3A_1794] {strides = array<i32>} : memref<2x96xi32, #tpu.memory_space<vmem>>, vector<1x16xi32>,
    %swap3A_1796 = vector.shape_cast %swap3A_1795 : vector<1x16xi32> to vector<16xi32>
    %swap3A_1797 = vector.shape_cast %add3A_1791 : vector<16xi32> to vector<1x16xi32>
    tpu.vector_store %arg14[%swap3A_1793, %swap3A_1794], %swap3A_1797 {strides = array<i32>} : memref<2x96xi32, #tpu.memory_space<vmem>>, vector<1x16xi32>,
    %mul3A_1798 = arith.constant 32 : i32
    %mul3A_1799 = vector.broadcast %mul3A_1798 : i32 to vector<16xi32>
    %mul3A_1800 = arith.muli %min3A_1766, %mul3A_1799 : vector<16xi32>
    %add3A_1801 = arith.addi %get3A_1672, %mul3A_1800 : vector<16xi32>
    %add3A_1802 = arith.addi %add3A_1801, %min3A_1748 : vector<16xi32>
    %swap3A_1803 = arith.constant 1 : i32
    %swap3A_1804 = arith.index_cast %swap3A_1803 : i32 to index
    %swap3A_1805 = arith.constant 64 : index
    %swap3A_1806 = tpu.vector_load %arg15[%swap3A_1804, %swap3A_1805] {strides = array<i32>} : memref<2x96xi32, #tpu.memory_space<vmem>>, vector<1x16xi32>,
    %swap3A_1807 = vector.shape_cast %swap3A_1806 : vector<1x16xi32> to vector<16xi32>
    %swap3A_1808 = vector.shape_cast %add3A_1802 : vector<16xi32> to vector<1x16xi32>
    tpu.vector_store %arg15[%swap3A_1804, %swap3A_1805], %swap3A_1808 {strides = array<i32>} : memref<2x96xi32, #tpu.memory_space<vmem>>, vector<1x16xi32>,
    %mul3A_1809 = arith.constant 32 : i32
    %mul3A_1810 = vector.broadcast %mul3A_1809 : i32 to vector<16xi32>
    %mul3A_1811 = arith.muli %min3A_1760, %mul3A_1810 : vector<16xi32>
    %add3A_1812 = arith.addi %get3A_1672, %mul3A_1811 : vector<16xi32>
    %add3A_1813 = arith.addi %add3A_1812, %min3A_1754 : vector<16xi32>
    %swap3A_1814 = arith.constant 1 : i32
    %swap3A_1815 = arith.index_cast %swap3A_1814 : i32 to index
    %swap3A_1816 = arith.constant 64 : index
    %swap3A_1817 = tpu.vector_load %arg16[%swap3A_1815, %swap3A_1816] {strides = array<i32>} : memref<2x96xi32, #tpu.memory_space<vmem>>, vector<1x16xi32>,
    %swap3A_1818 = vector.shape_cast %swap3A_1817 : vector<1x16xi32> to vector<16xi32>
    %swap3A_1819 = vector.shape_cast %add3A_1813 : vector<16xi32> to vector<1x16xi32>
    tpu.vector_store %arg16[%swap3A_1815, %swap3A_1816], %swap3A_1819 {strides = array<i32>} : memref<2x96xi32, #tpu.memory_space<vmem>>, vector<1x16xi32>,
    %mul3A_1820 = arith.constant 32 : i32
    %mul3A_1821 = vector.broadcast %mul3A_1820 : i32 to vector<16xi32>
    %mul3A_1822 = arith.muli %min3A_1766, %mul3A_1821 : vector<16xi32>
    %add3A_1823 = arith.addi %get3A_1672, %mul3A_1822 : vector<16xi32>
    %add3A_1824 = arith.addi %add3A_1823, %min3A_1754 : vector<16xi32>
    %swap3A_1825 = arith.constant 1 : i32
    %swap3A_1826 = arith.index_cast %swap3A_1825 : i32 to index
    %swap3A_1827 = arith.constant 64 : index
    %swap3A_1828 = tpu.vector_load %arg17[%swap3A_1826, %swap3A_1827] {strides = array<i32>} : memref<2x96xi32, #tpu.memory_space<vmem>>, vector<1x16xi32>,
    %swap3A_1829 = vector.shape_cast %swap3A_1828 : vector<1x16xi32> to vector<16xi32>
    %swap3A_1830 = vector.shape_cast %add3A_1824 : vector<16xi32> to vector<1x16xi32>
    tpu.vector_store %arg17[%swap3A_1826, %swap3A_1827], %swap3A_1830 {strides = array<i32>} : memref<2x96xi32, #tpu.memory_space<vmem>>, vector<1x16xi32>,
    %get3A_1831 = arith.constant 176 : index
    %get3A_1832 = tpu.vector_load %arg7[%get3A_1831] {strides = array<i32>} : memref<192xf32, #tpu.memory_space<vmem>>, vector<16xf32>,
    %get3A_1833 = vector.shape_cast %get3A_1832 : vector<16xf32> to vector<16xf32>
    %get3A_1834 = arith.constant 176 : index
    %get3A_1835 = tpu.vector_load %arg8[%get3A_1834] {strides = array<i32>} : memref<192xf32, #tpu.memory_space<vmem>>, vector<16xf32>,
    %get3A_1836 = vector.shape_cast %get3A_1835 : vector<16xf32> to vector<16xf32>
    %get3A_1837 = arith.constant 176 : index
    %get3A_1838 = tpu.vector_load %arg9[%get3A_1837] {strides = array<i32>} : memref<192xi32, #tpu.memory_space<vmem>>, vector<16xi32>,
    %get3A_1839 = vector.shape_cast %get3A_1838 : vector<16xi32> to vector<16xi32>
    %mul3A_1840 = arith.constant 1.600000e+01 : f32
    %mul3A_1841 = vector.broadcast %mul3A_1840 : f32 to vector<16xf32>
    %mul3A_1842 = arith.mulf %get3A_1833, %mul3A_1841 : vector<16xf32>
    %add3A_1843 = arith.constant 1.550000e+01 : f32
    %add3A_1844 = vector.broadcast %add3A_1843 : f32 to vector<16xf32>
    %add3A_1845 = arith.addf %mul3A_1842, %add3A_1844 : vector<16xf32>
    %mul3A_1846 = arith.constant 1.600000e+01 : f32
    %mul3A_1847 = vector.broadcast %mul3A_1846 : f32 to vector<16xf32>
    %mul3A_1848 = arith.mulf %get3A_1836, %mul3A_1847 : vector<16xf32>
    %add3A_1849 = arith.constant 1.550000e+01 : f32
    %add3A_1850 = vector.broadcast %add3A_1849 : f32 to vector<16xf32>
    %add3A_1851 = arith.addf %mul3A_1848, %add3A_1850 : vector<16xf32>
    %convert_element_type3A_1852 = arith.fptosi %add3A_1845 : vector<16xf32> to vector<16xi32>
    %convert_element_type3A_1853 = arith.fptosi %add3A_1851 : vector<16xf32> to vector<16xi32>
    %convert_element_type3A_1854 = arith.sitofp %convert_element_type3A_1852 : vector<16xi32> to vector<16xf32>
    %gt3A_1855 = arith.cmpf ogt, %convert_element_type3A_1854, %add3A_1845 : vector<16xf32>
    %sub3A_1856 = arith.constant 1 : i32
    %sub3A_1857 = vector.broadcast %sub3A_1856 : i32 to vector<16xi32>
    %sub3A_1858 = arith.subi %convert_element_type3A_1852, %sub3A_1857 : vector<16xi32>
    %select_n3A_1859 = arith.select %gt3A_1855, %sub3A_1858, %convert_element_type3A_1852 : vector<16xi1>, vector<16xi32>
    %convert_element_type3A_1860 = arith.sitofp %convert_element_type3A_1853 : vector<16xi32> to vector<16xf32>
    %gt3A_1861 = arith.cmpf ogt, %convert_element_type3A_1860, %add3A_1851 : vector<16xf32>
    %sub3A_1862 = arith.constant 1 : i32
    %sub3A_1863 = vector.broadcast %sub3A_1862 : i32 to vector<16xi32>
    %sub3A_1864 = arith.subi %convert_element_type3A_1853, %sub3A_1863 : vector<16xi32>
    %select_n3A_1865 = arith.select %gt3A_1861, %sub3A_1864, %convert_element_type3A_1853 : vector<16xi1>, vector<16xi32>
    %convert_element_type3A_1866 = arith.sitofp %select_n3A_1859 : vector<16xi32> to vector<16xf32>
    %sub3A_1867 = arith.subf %add3A_1845, %convert_element_type3A_1866 : vector<16xf32>
    %convert_element_type3A_1868 = arith.sitofp %select_n3A_1865 : vector<16xi32> to vector<16xf32>
    %sub3A_1869 = arith.subf %add3A_1851, %convert_element_type3A_1868 : vector<16xf32>
    %add3A_1870 = arith.constant 1 : i32
    %add3A_1871 = vector.broadcast %add3A_1870 : i32 to vector<16xi32>
    %add3A_1872 = arith.addi %select_n3A_1859, %add3A_1871 : vector<16xi32>
    %add3A_1873 = arith.constant 1 : i32
    %add3A_1874 = vector.broadcast %add3A_1873 : i32 to vector<16xi32>
    %add3A_1875 = arith.addi %select_n3A_1865, %add3A_1874 : vector<16xi32>
    %ge3A_1876 = arith.constant 0 : i32
    %ge3A_1877 = vector.broadcast %ge3A_1876 : i32 to vector<16xi32>
    %ge3A_1878 = arith.cmpi sge, %select_n3A_1859, %ge3A_1877 : vector<16xi32>
    %le3A_1879 = arith.constant 31 : i32
    %le3A_1880 = vector.broadcast %le3A_1879 : i32 to vector<16xi32>
    %le3A_1881 = arith.cmpi sle, %select_n3A_1859, %le3A_1880 : vector<16xi32>
    %and3A_1882 = arith.andi %ge3A_1878, %le3A_1881 : vector<16xi1>
    %ge3A_1883 = arith.constant 0 : i32
    %ge3A_1884 = vector.broadcast %ge3A_1883 : i32 to vector<16xi32>
    %ge3A_1885 = arith.cmpi sge, %add3A_1872, %ge3A_1884 : vector<16xi32>
    %le3A_1886 = arith.constant 31 : i32
    %le3A_1887 = vector.broadcast %le3A_1886 : i32 to vector<16xi32>
    %le3A_1888 = arith.cmpi sle, %add3A_1872, %le3A_1887 : vector<16xi32>
    %and3A_1889 = arith.andi %ge3A_1885, %le3A_1888 : vector<16xi1>
    %ge3A_1890 = arith.constant 0 : i32
    %ge3A_1891 = vector.broadcast %ge3A_1890 : i32 to vector<16xi32>
    %ge3A_1892 = arith.cmpi sge, %select_n3A_1865, %ge3A_1891 : vector<16xi32>
    %le3A_1893 = arith.constant 31 : i32
    %le3A_1894 = vector.broadcast %le3A_1893 : i32 to vector<16xi32>
    %le3A_1895 = arith.cmpi sle, %select_n3A_1865, %le3A_1894 : vector<16xi32>
    %and3A_1896 = arith.andi %ge3A_1892, %le3A_1895 : vector<16xi1>
    %ge3A_1897 = arith.constant 0 : i32
    %ge3A_1898 = vector.broadcast %ge3A_1897 : i32 to vector<16xi32>
    %ge3A_1899 = arith.cmpi sge, %add3A_1875, %ge3A_1898 : vector<16xi32>
    %le3A_1900 = arith.constant 31 : i32
    %le3A_1901 = vector.broadcast %le3A_1900 : i32 to vector<16xi32>
    %le3A_1902 = arith.cmpi sle, %add3A_1875, %le3A_1901 : vector<16xi32>
    %and3A_1903 = arith.andi %ge3A_1899, %le3A_1902 : vector<16xi1>
    %sub3A_1904 = arith.subf %broadcast_in_dim3A_3, %sub3A_1867 : vector<16xf32>
    %select_n3A_1905 = arith.select %and3A_1882, %sub3A_1904, %broadcast_in_dim3A_5 : vector<16xi1>, vector<16xf32>
    %select_n3A_1906 = arith.select %and3A_1889, %sub3A_1867, %broadcast_in_dim3A_5 : vector<16xi1>, vector<16xf32>
    %sub3A_1907 = arith.subf %broadcast_in_dim3A_3, %sub3A_1869 : vector<16xf32>
    %select_n3A_1908 = arith.select %and3A_1896, %sub3A_1907, %broadcast_in_dim3A_5 : vector<16xi1>, vector<16xf32>
    %select_n3A_1909 = arith.select %and3A_1903, %sub3A_1869, %broadcast_in_dim3A_5 : vector<16xi1>, vector<16xf32>
    %jit3A_1910 = arith.constant 0 : i32
    %jit3A_1911 = arith.constant 31 : i32
    %max3A_1912 = vector.broadcast %jit3A_1910 : i32 to vector<16xi32>
    %max3A_1913 = arith.maxsi %max3A_1912, %select_n3A_1859 : vector<16xi32>
    %min3A_1914 = vector.broadcast %jit3A_1911 : i32 to vector<16xi32>
    %min3A_1915 = arith.minsi %min3A_1914, %max3A_1913 : vector<16xi32>
    %jit3A_1916 = arith.constant 0 : i32
    %jit3A_1917 = arith.constant 31 : i32
    %max3A_1918 = vector.broadcast %jit3A_1916 : i32 to vector<16xi32>
    %max3A_1919 = arith.maxsi %max3A_1918, %add3A_1872 : vector<16xi32>
    %min3A_1920 = vector.broadcast %jit3A_1917 : i32 to vector<16xi32>
    %min3A_1921 = arith.minsi %min3A_1920, %max3A_1919 : vector<16xi32>
    %jit3A_1922 = arith.constant 0 : i32
    %jit3A_1923 = arith.constant 31 : i32
    %max3A_1924 = vector.broadcast %jit3A_1922 : i32 to vector<16xi32>
    %max3A_1925 = arith.maxsi %max3A_1924, %select_n3A_1865 : vector<16xi32>
    %min3A_1926 = vector.broadcast %jit3A_1923 : i32 to vector<16xi32>
    %min3A_1927 = arith.minsi %min3A_1926, %max3A_1925 : vector<16xi32>
    %jit3A_1928 = arith.constant 0 : i32
    %jit3A_1929 = arith.constant 31 : i32
    %max3A_1930 = vector.broadcast %jit3A_1928 : i32 to vector<16xi32>
    %max3A_1931 = arith.maxsi %max3A_1930, %add3A_1875 : vector<16xi32>
    %min3A_1932 = vector.broadcast %jit3A_1929 : i32 to vector<16xi32>
    %min3A_1933 = arith.minsi %min3A_1932, %max3A_1931 : vector<16xi32>
    %mul3A_1934 = arith.mulf %select_n3A_1905, %select_n3A_1908 : vector<16xf32>
    %swap3A_1935 = arith.constant 176 : index
    %swap3A_1936 = tpu.vector_load %arg10[%swap3A_1935] {strides = array<i32>} : memref<208xf32, #tpu.memory_space<vmem>>, vector<16xf32>,
    %swap3A_1937 = vector.shape_cast %swap3A_1936 : vector<16xf32> to vector<16xf32>
    %swap3A_1938 = vector.shape_cast %mul3A_1934 : vector<16xf32> to vector<16xf32>
    tpu.vector_store %arg10[%swap3A_1935], %swap3A_1938 {strides = array<i32>} : memref<208xf32, #tpu.memory_space<vmem>>, vector<16xf32>,
    %mul3A_1939 = arith.mulf %select_n3A_1905, %select_n3A_1909 : vector<16xf32>
    %swap3A_1940 = arith.constant 176 : index
    %swap3A_1941 = tpu.vector_load %arg11[%swap3A_1940] {strides = array<i32>} : memref<208xf32, #tpu.memory_space<vmem>>, vector<16xf32>,
    %swap3A_1942 = vector.shape_cast %swap3A_1941 : vector<16xf32> to vector<16xf32>
    %swap3A_1943 = vector.shape_cast %mul3A_1939 : vector<16xf32> to vector<16xf32>
    tpu.vector_store %arg11[%swap3A_1940], %swap3A_1943 {strides = array<i32>} : memref<208xf32, #tpu.memory_space<vmem>>, vector<16xf32>,
    %mul3A_1944 = arith.mulf %select_n3A_1906, %select_n3A_1908 : vector<16xf32>
    %swap3A_1945 = arith.constant 176 : index
    %swap3A_1946 = tpu.vector_load %arg12[%swap3A_1945] {strides = array<i32>} : memref<208xf32, #tpu.memory_space<vmem>>, vector<16xf32>,
    %swap3A_1947 = vector.shape_cast %swap3A_1946 : vector<16xf32> to vector<16xf32>
    %swap3A_1948 = vector.shape_cast %mul3A_1944 : vector<16xf32> to vector<16xf32>
    tpu.vector_store %arg12[%swap3A_1945], %swap3A_1948 {strides = array<i32>} : memref<208xf32, #tpu.memory_space<vmem>>, vector<16xf32>,
    %mul3A_1949 = arith.mulf %select_n3A_1906, %select_n3A_1909 : vector<16xf32>
    %swap3A_1950 = arith.constant 176 : index
    %swap3A_1951 = tpu.vector_load %arg13[%swap3A_1950] {strides = array<i32>} : memref<208xf32, #tpu.memory_space<vmem>>, vector<16xf32>,
    %swap3A_1952 = vector.shape_cast %swap3A_1951 : vector<16xf32> to vector<16xf32>
    %swap3A_1953 = vector.shape_cast %mul3A_1949 : vector<16xf32> to vector<16xf32>
    tpu.vector_store %arg13[%swap3A_1950], %swap3A_1953 {strides = array<i32>} : memref<208xf32, #tpu.memory_space<vmem>>, vector<16xf32>,
    %mul3A_1954 = arith.constant 32 : i32
    %mul3A_1955 = vector.broadcast %mul3A_1954 : i32 to vector<16xi32>
    %mul3A_1956 = arith.muli %min3A_1927, %mul3A_1955 : vector<16xi32>
    %add3A_1957 = arith.addi %get3A_1839, %mul3A_1956 : vector<16xi32>
    %add3A_1958 = arith.addi %add3A_1957, %min3A_1915 : vector<16xi32>
    %swap3A_1959 = arith.constant 1 : i32
    %swap3A_1960 = arith.index_cast %swap3A_1959 : i32 to index
    %swap3A_1961 = arith.constant 80 : index
    %swap3A_1962 = tpu.vector_load %arg14[%swap3A_1960, %swap3A_1961] {strides = array<i32>} : memref<2x96xi32, #tpu.memory_space<vmem>>, vector<1x16xi32>,
    %swap3A_1963 = vector.shape_cast %swap3A_1962 : vector<1x16xi32> to vector<16xi32>
    %swap3A_1964 = vector.shape_cast %add3A_1958 : vector<16xi32> to vector<1x16xi32>
    tpu.vector_store %arg14[%swap3A_1960, %swap3A_1961], %swap3A_1964 {strides = array<i32>} : memref<2x96xi32, #tpu.memory_space<vmem>>, vector<1x16xi32>,
    %mul3A_1965 = arith.constant 32 : i32
    %mul3A_1966 = vector.broadcast %mul3A_1965 : i32 to vector<16xi32>
    %mul3A_1967 = arith.muli %min3A_1933, %mul3A_1966 : vector<16xi32>
    %add3A_1968 = arith.addi %get3A_1839, %mul3A_1967 : vector<16xi32>
    %add3A_1969 = arith.addi %add3A_1968, %min3A_1915 : vector<16xi32>
    %swap3A_1970 = arith.constant 1 : i32
    %swap3A_1971 = arith.index_cast %swap3A_1970 : i32 to index
    %swap3A_1972 = arith.constant 80 : index
    %swap3A_1973 = tpu.vector_load %arg15[%swap3A_1971, %swap3A_1972] {strides = array<i32>} : memref<2x96xi32, #tpu.memory_space<vmem>>, vector<1x16xi32>,
    %swap3A_1974 = vector.shape_cast %swap3A_1973 : vector<1x16xi32> to vector<16xi32>
    %swap3A_1975 = vector.shape_cast %add3A_1969 : vector<16xi32> to vector<1x16xi32>
    tpu.vector_store %arg15[%swap3A_1971, %swap3A_1972], %swap3A_1975 {strides = array<i32>} : memref<2x96xi32, #tpu.memory_space<vmem>>, vector<1x16xi32>,
    %mul3A_1976 = arith.constant 32 : i32
    %mul3A_1977 = vector.broadcast %mul3A_1976 : i32 to vector<16xi32>
    %mul3A_1978 = arith.muli %min3A_1927, %mul3A_1977 : vector<16xi32>
    %add3A_1979 = arith.addi %get3A_1839, %mul3A_1978 : vector<16xi32>
    %add3A_1980 = arith.addi %add3A_1979, %min3A_1921 : vector<16xi32>
    %swap3A_1981 = arith.constant 1 : i32
    %swap3A_1982 = arith.index_cast %swap3A_1981 : i32 to index
    %swap3A_1983 = arith.constant 80 : index
    %swap3A_1984 = tpu.vector_load %arg16[%swap3A_1982, %swap3A_1983] {strides = array<i32>} : memref<2x96xi32, #tpu.memory_space<vmem>>, vector<1x16xi32>,
    %swap3A_1985 = vector.shape_cast %swap3A_1984 : vector<1x16xi32> to vector<16xi32>
    %swap3A_1986 = vector.shape_cast %add3A_1980 : vector<16xi32> to vector<1x16xi32>
    tpu.vector_store %arg16[%swap3A_1982, %swap3A_1983], %swap3A_1986 {strides = array<i32>} : memref<2x96xi32, #tpu.memory_space<vmem>>, vector<1x16xi32>,
    %mul3A_1987 = arith.constant 32 : i32
    %mul3A_1988 = vector.broadcast %mul3A_1987 : i32 to vector<16xi32>
    %mul3A_1989 = arith.muli %min3A_1933, %mul3A_1988 : vector<16xi32>
    %add3A_1990 = arith.addi %get3A_1839, %mul3A_1989 : vector<16xi32>
    %add3A_1991 = arith.addi %add3A_1990, %min3A_1921 : vector<16xi32>
    %swap3A_1992 = arith.constant 1 : i32
    %swap3A_1993 = arith.index_cast %swap3A_1992 : i32 to index
    %swap3A_1994 = arith.constant 80 : index
    %swap3A_1995 = tpu.vector_load %arg17[%swap3A_1993, %swap3A_1994] {strides = array<i32>} : memref<2x96xi32, #tpu.memory_space<vmem>>, vector<1x16xi32>,
    %swap3A_1996 = vector.shape_cast %swap3A_1995 : vector<1x16xi32> to vector<16xi32>
    %swap3A_1997 = vector.shape_cast %add3A_1991 : vector<16xi32> to vector<1x16xi32>
    tpu.vector_store %arg17[%swap3A_1993, %swap3A_1994], %swap3A_1997 {strides = array<i32>} : memref<2x96xi32, #tpu.memory_space<vmem>>, vector<1x16xi32>,
    %dma_start3A = arith.constant 0 : i32
    %dma_start3A_1998 = arith.constant 0 : i32
    %dma_start3A_1999 = tpu.memref_slice %arg14[%dma_start3A, %dma_start3A_1998] : memref<2x96xi32, #tpu.memory_space<vmem>> -> memref<1x96xi32, #tpu.memory_space<vmem>>
    %dma_start3A_2000 = tpu.memref_squeeze %dma_start3A_1999 : memref<1x96xi32, #tpu.memory_space<vmem>> -> memref<96xi32, #tpu.memory_space<vmem>>
    %dma_start3A_2001 = arith.constant 0 : i32
    %dma_start3A_2002 = arith.constant 0 : i32
    %dma_start3A_2003 = tpu.memref_slice %arg2[%dma_start3A_2001, %dma_start3A_2002] : memref<131072x256xf32, #tpu.memory_space<hbm>> -> memref<131072x256xf32, #tpu.memory_space<hbm>>
    tpu.enqueue_indirect_dma source(%dma_start3A_2003 : memref<131072x256xf32, #tpu.memory_space<hbm>>) target(%arg18 : memref<96x256xf32, #tpu.memory_space<vmem>>) offsets(%dma_start3A_2000 : memref<96xi32, #tpu.memory_space<vmem>>) semaphore(%arg23 : memref<!tpu.dma_semaphore, #tpu.memory_space<semaphore_mem>>)
    %dma_start3A_2004 = arith.constant 0 : i32
    %dma_start3A_2005 = arith.constant 0 : i32
    %dma_start3A_2006 = tpu.memref_slice %arg15[%dma_start3A_2004, %dma_start3A_2005] : memref<2x96xi32, #tpu.memory_space<vmem>> -> memref<1x96xi32, #tpu.memory_space<vmem>>
    %dma_start3A_2007 = tpu.memref_squeeze %dma_start3A_2006 : memref<1x96xi32, #tpu.memory_space<vmem>> -> memref<96xi32, #tpu.memory_space<vmem>>
    %dma_start3A_2008 = arith.constant 0 : i32
    %dma_start3A_2009 = arith.constant 0 : i32
    %dma_start3A_2010 = tpu.memref_slice %arg2[%dma_start3A_2008, %dma_start3A_2009] : memref<131072x256xf32, #tpu.memory_space<hbm>> -> memref<131072x256xf32, #tpu.memory_space<hbm>>
    tpu.enqueue_indirect_dma source(%dma_start3A_2010 : memref<131072x256xf32, #tpu.memory_space<hbm>>) target(%arg19 : memref<96x256xf32, #tpu.memory_space<vmem>>) offsets(%dma_start3A_2007 : memref<96xi32, #tpu.memory_space<vmem>>) semaphore(%arg23 : memref<!tpu.dma_semaphore, #tpu.memory_space<semaphore_mem>>)
    %dma_start3A_2011 = arith.constant 0 : i32
    %dma_start3A_2012 = arith.constant 0 : i32
    %dma_start3A_2013 = tpu.memref_slice %arg16[%dma_start3A_2011, %dma_start3A_2012] : memref<2x96xi32, #tpu.memory_space<vmem>> -> memref<1x96xi32, #tpu.memory_space<vmem>>
    %dma_start3A_2014 = tpu.memref_squeeze %dma_start3A_2013 : memref<1x96xi32, #tpu.memory_space<vmem>> -> memref<96xi32, #tpu.memory_space<vmem>>
    %dma_start3A_2015 = arith.constant 0 : i32
    %dma_start3A_2016 = arith.constant 0 : i32
    %dma_start3A_2017 = tpu.memref_slice %arg2[%dma_start3A_2015, %dma_start3A_2016] : memref<131072x256xf32, #tpu.memory_space<hbm>> -> memref<131072x256xf32, #tpu.memory_space<hbm>>
    tpu.enqueue_indirect_dma source(%dma_start3A_2017 : memref<131072x256xf32, #tpu.memory_space<hbm>>) target(%arg20 : memref<96x256xf32, #tpu.memory_space<vmem>>) offsets(%dma_start3A_2014 : memref<96xi32, #tpu.memory_space<vmem>>) semaphore(%arg23 : memref<!tpu.dma_semaphore, #tpu.memory_space<semaphore_mem>>)
    %dma_start3A_2018 = arith.constant 0 : i32
    %dma_start3A_2019 = arith.constant 0 : i32
    %dma_start3A_2020 = tpu.memref_slice %arg17[%dma_start3A_2018, %dma_start3A_2019] : memref<2x96xi32, #tpu.memory_space<vmem>> -> memref<1x96xi32, #tpu.memory_space<vmem>>
    %dma_start3A_2021 = tpu.memref_squeeze %dma_start3A_2020 : memref<1x96xi32, #tpu.memory_space<vmem>> -> memref<96xi32, #tpu.memory_space<vmem>>
    %dma_start3A_2022 = arith.constant 0 : i32
    %dma_start3A_2023 = arith.constant 0 : i32
    %dma_start3A_2024 = tpu.memref_slice %arg2[%dma_start3A_2022, %dma_start3A_2023] : memref<131072x256xf32, #tpu.memory_space<hbm>> -> memref<131072x256xf32, #tpu.memory_space<hbm>>
    tpu.enqueue_indirect_dma source(%dma_start3A_2024 : memref<131072x256xf32, #tpu.memory_space<hbm>>) target(%arg21 : memref<96x256xf32, #tpu.memory_space<vmem>>) offsets(%dma_start3A_2021 : memref<96xi32, #tpu.memory_space<vmem>>) semaphore(%arg23 : memref<!tpu.dma_semaphore, #tpu.memory_space<semaphore_mem>>)
    %dma_wait3A = arith.constant 0 : i32
    %dma_wait3A_2025 = arith.constant 0 : i32
    %dma_wait3A_2026 = tpu.memref_slice %arg14[%dma_wait3A, %dma_wait3A_2025] : memref<2x96xi32, #tpu.memory_space<vmem>> -> memref<1x96xi32, #tpu.memory_space<vmem>>
    %dma_wait3A_2027 = tpu.memref_squeeze %dma_wait3A_2026 : memref<1x96xi32, #tpu.memory_space<vmem>> -> memref<96xi32, #tpu.memory_space<vmem>>
    %dma_wait3A_2028 = arith.constant 0 : i32
    %dma_wait3A_2029 = arith.constant 0 : i32
    %dma_wait3A_2030 = tpu.memref_slice %arg2[%dma_wait3A_2028, %dma_wait3A_2029] : memref<131072x256xf32, #tpu.memory_space<hbm>> -> memref<131072x256xf32, #tpu.memory_space<hbm>>
    tpu.wait_indirect_dma semaphore(%arg23 : memref<!tpu.dma_semaphore, #tpu.memory_space<semaphore_mem>>) src(%dma_wait3A_2030 : memref<131072x256xf32, #tpu.memory_space<hbm>>) dst(%arg18 : memref<96x256xf32, #tpu.memory_space<vmem>>)
    %dma_wait3A_2031 = arith.constant 0 : i32
    %dma_wait3A_2032 = arith.constant 0 : i32
    %dma_wait3A_2033 = tpu.memref_slice %arg15[%dma_wait3A_2031, %dma_wait3A_2032] : memref<2x96xi32, #tpu.memory_space<vmem>> -> memref<1x96xi32, #tpu.memory_space<vmem>>
    %dma_wait3A_2034 = tpu.memref_squeeze %dma_wait3A_2033 : memref<1x96xi32, #tpu.memory_space<vmem>> -> memref<96xi32, #tpu.memory_space<vmem>>
    %dma_wait3A_2035 = arith.constant 0 : i32
    %dma_wait3A_2036 = arith.constant 0 : i32
    %dma_wait3A_2037 = tpu.memref_slice %arg2[%dma_wait3A_2035, %dma_wait3A_2036] : memref<131072x256xf32, #tpu.memory_space<hbm>> -> memref<131072x256xf32, #tpu.memory_space<hbm>>
    tpu.wait_indirect_dma semaphore(%arg23 : memref<!tpu.dma_semaphore, #tpu.memory_space<semaphore_mem>>) src(%dma_wait3A_2037 : memref<131072x256xf32, #tpu.memory_space<hbm>>) dst(%arg19 : memref<96x256xf32, #tpu.memory_space<vmem>>)
    %dma_wait3A_2038 = arith.constant 0 : i32
    %dma_wait3A_2039 = arith.constant 0 : i32
    %dma_wait3A_2040 = tpu.memref_slice %arg16[%dma_wait3A_2038, %dma_wait3A_2039] : memref<2x96xi32, #tpu.memory_space<vmem>> -> memref<1x96xi32, #tpu.memory_space<vmem>>
    %dma_wait3A_2041 = tpu.memref_squeeze %dma_wait3A_2040 : memref<1x96xi32, #tpu.memory_space<vmem>> -> memref<96xi32, #tpu.memory_space<vmem>>
    %dma_wait3A_2042 = arith.constant 0 : i32
    %dma_wait3A_2043 = arith.constant 0 : i32
    %dma_wait3A_2044 = tpu.memref_slice %arg2[%dma_wait3A_2042, %dma_wait3A_2043] : memref<131072x256xf32, #tpu.memory_space<hbm>> -> memref<131072x256xf32, #tpu.memory_space<hbm>>
    tpu.wait_indirect_dma semaphore(%arg23 : memref<!tpu.dma_semaphore, #tpu.memory_space<semaphore_mem>>) src(%dma_wait3A_2044 : memref<131072x256xf32, #tpu.memory_space<hbm>>) dst(%arg20 : memref<96x256xf32, #tpu.memory_space<vmem>>)
    %dma_wait3A_2045 = arith.constant 0 : i32
    %dma_wait3A_2046 = arith.constant 0 : i32
    %dma_wait3A_2047 = tpu.memref_slice %arg17[%dma_wait3A_2045, %dma_wait3A_2046] : memref<2x96xi32, #tpu.memory_space<vmem>> -> memref<1x96xi32, #tpu.memory_space<vmem>>
    %dma_wait3A_2048 = tpu.memref_squeeze %dma_wait3A_2047 : memref<1x96xi32, #tpu.memory_space<vmem>> -> memref<96xi32, #tpu.memory_space<vmem>>
    %dma_wait3A_2049 = arith.constant 0 : i32
    %dma_wait3A_2050 = arith.constant 0 : i32
    %dma_wait3A_2051 = tpu.memref_slice %arg2[%dma_wait3A_2049, %dma_wait3A_2050] : memref<131072x256xf32, #tpu.memory_space<hbm>> -> memref<131072x256xf32, #tpu.memory_space<hbm>>
    tpu.wait_indirect_dma semaphore(%arg23 : memref<!tpu.dma_semaphore, #tpu.memory_space<semaphore_mem>>) src(%dma_wait3A_2051 : memref<131072x256xf32, #tpu.memory_space<hbm>>) dst(%arg21 : memref<96x256xf32, #tpu.memory_space<vmem>>)
    %broadcast_in_dim3A_2052 = arith.constant 0 : i32
    %broadcast_in_dim3A_2053 = vector.broadcast %broadcast_in_dim3A_2052 : i32 to vector<16x1xi32>
    %scan3A = arith.constant 0 : i32
    %scan3A_2054 = arith.constant 0 : i32
    %scan3A_2055 = arith.constant 96 : i32
    %scan3A_2056 = arith.addi %scan3A_2054, %scan3A_2055 : i32
    %scan3A_2057 = arith.constant 1 : i32
    scf.for %scan3A_2127 = %scan3A_2054 to %scan3A_2056 step %scan3A_2057  : i32 {
      %add3A_2128 = arith.constant 0 : i32
      %add3A_2129 = arith.addi %add3A_2128, %scan3A_2127 : i32
      %get3A_2130 = arith.index_cast %add3A_2129 : i32 to index
      %get3A_2131 = tpu.vector_load %arg10[%get3A_2130] {strides = array<i32>} : memref<208xf32, #tpu.memory_space<vmem>>, vector<16xf32>,
      %get3A_2132 = vector.shape_cast %get3A_2131 : vector<16xf32> to vector<16xf32>
      %gather3A = vector.shape_cast %broadcast_in_dim3A_2053 : vector<16x1xi32> to vector<16xi32>
      %gather3A_2133 = tpu.dynamic_gather %get3A_2132[%gather3A] in [0] : vector<16xf32>, vector<16xi32> -> vector<16xf32>
      %add3A_2134 = arith.constant 0 : i32
      %add3A_2135 = arith.addi %add3A_2134, %scan3A_2127 : i32
      %get3A_2136 = arith.index_cast %add3A_2135 : i32 to index
      %get3A_2137 = tpu.vector_load %arg11[%get3A_2136] {strides = array<i32>} : memref<208xf32, #tpu.memory_space<vmem>>, vector<16xf32>,
      %get3A_2138 = vector.shape_cast %get3A_2137 : vector<16xf32> to vector<16xf32>
      %gather3A_2139 = vector.shape_cast %broadcast_in_dim3A_2053 : vector<16x1xi32> to vector<16xi32>
      %gather3A_2140 = tpu.dynamic_gather %get3A_2138[%gather3A_2139] in [0] : vector<16xf32>, vector<16xi32> -> vector<16xf32>
      %add3A_2141 = arith.constant 0 : i32
      %add3A_2142 = arith.addi %add3A_2141, %scan3A_2127 : i32
      %get3A_2143 = arith.index_cast %add3A_2142 : i32 to index
      %get3A_2144 = tpu.vector_load %arg12[%get3A_2143] {strides = array<i32>} : memref<208xf32, #tpu.memory_space<vmem>>, vector<16xf32>,
      %get3A_2145 = vector.shape_cast %get3A_2144 : vector<16xf32> to vector<16xf32>
      %gather3A_2146 = vector.shape_cast %broadcast_in_dim3A_2053 : vector<16x1xi32> to vector<16xi32>
      %gather3A_2147 = tpu.dynamic_gather %get3A_2145[%gather3A_2146] in [0] : vector<16xf32>, vector<16xi32> -> vector<16xf32>
      %add3A_2148 = arith.constant 0 : i32
      %add3A_2149 = arith.addi %add3A_2148, %scan3A_2127 : i32
      %get3A_2150 = arith.index_cast %add3A_2149 : i32 to index
      %get3A_2151 = tpu.vector_load %arg13[%get3A_2150] {strides = array<i32>} : memref<208xf32, #tpu.memory_space<vmem>>, vector<16xf32>,
      %get3A_2152 = vector.shape_cast %get3A_2151 : vector<16xf32> to vector<16xf32>
      %gather3A_2153 = vector.shape_cast %broadcast_in_dim3A_2053 : vector<16x1xi32> to vector<16xi32>
      %gather3A_2154 = tpu.dynamic_gather %get3A_2152[%gather3A_2153] in [0] : vector<16xf32>, vector<16xi32> -> vector<16xf32>
      %get3A_2155 = arith.index_cast %scan3A_2127 : i32 to index
      %get3A_2156 = arith.constant 0 : index
      %get3A_2157 = tpu.vector_load %arg18[%get3A_2155, %get3A_2156] {strides = array<i32>} : memref<96x256xf32, #tpu.memory_space<vmem>>, vector<1x16xf32>,
      %get3A_2158 = vector.shape_cast %get3A_2157 : vector<1x16xf32> to vector<16xf32>
      %mul3A_2159 = arith.mulf %get3A_2158, %gather3A_2133 : vector<16xf32>
      %get3A_2160 = arith.index_cast %scan3A_2127 : i32 to index
      %get3A_2161 = arith.constant 0 : index
      %get3A_2162 = tpu.vector_load %arg19[%get3A_2160, %get3A_2161] {strides = array<i32>} : memref<96x256xf32, #tpu.memory_space<vmem>>, vector<1x16xf32>,
      %get3A_2163 = vector.shape_cast %get3A_2162 : vector<1x16xf32> to vector<16xf32>
      %mul3A_2164 = arith.mulf %get3A_2163, %gather3A_2140 : vector<16xf32>
      %add3A_2165 = arith.addf %mul3A_2159, %mul3A_2164 : vector<16xf32>
      %get3A_2166 = arith.index_cast %scan3A_2127 : i32 to index
      %get3A_2167 = arith.constant 0 : index
      %get3A_2168 = tpu.vector_load %arg20[%get3A_2166, %get3A_2167] {strides = array<i32>} : memref<96x256xf32, #tpu.memory_space<vmem>>, vector<1x16xf32>,
      %get3A_2169 = vector.shape_cast %get3A_2168 : vector<1x16xf32> to vector<16xf32>
      %mul3A_2170 = arith.mulf %get3A_2169, %gather3A_2147 : vector<16xf32>
      %add3A_2171 = arith.addf %add3A_2165, %mul3A_2170 : vector<16xf32>
      %get3A_2172 = arith.index_cast %scan3A_2127 : i32 to index
      %get3A_2173 = arith.constant 0 : index
      %get3A_2174 = tpu.vector_load %arg21[%get3A_2172, %get3A_2173] {strides = array<i32>} : memref<96x256xf32, #tpu.memory_space<vmem>>, vector<1x16xf32>,
      %get3A_2175 = vector.shape_cast %get3A_2174 : vector<1x16xf32> to vector<16xf32>
      %mul3A_2176 = arith.mulf %get3A_2175, %gather3A_2154 : vector<16xf32>
      %add3A_2177 = arith.addf %add3A_2171, %mul3A_2176 : vector<16xf32>
      %swap3A_2178 = arith.index_cast %scan3A_2127 : i32 to index
      %swap3A_2179 = arith.constant 0 : index
      %swap3A_2180 = tpu.vector_load %arg22[%swap3A_2178, %swap3A_2179] {strides = array<i32>} : memref<96x256xf32, #tpu.memory_space<vmem>>, vector<1x16xf32>,
      %swap3A_2181 = vector.shape_cast %swap3A_2180 : vector<1x16xf32> to vector<16xf32>
      %swap3A_2182 = vector.shape_cast %add3A_2177 : vector<16xf32> to vector<1x16xf32>
      tpu.vector_store %arg22[%swap3A_2178, %swap3A_2179], %swap3A_2182 {strides = array<i32>} : memref<96x256xf32, #tpu.memory_space<vmem>>, vector<1x16xf32>,
      %get3A_2183 = arith.index_cast %scan3A_2127 : i32 to index
      %get3A_2184 = arith.constant 16 : index
      %get3A_2185 = tpu.vector_load %arg18[%get3A_2183, %get3A_2184] {strides = array<i32>} : memref<96x256xf32, #tpu.memory_space<vmem>>, vector<1x16xf32>,
      %get3A_2186 = vector.shape_cast %get3A_2185 : vector<1x16xf32> to vector<16xf32>
      %mul3A_2187 = arith.mulf %get3A_2186, %gather3A_2133 : vector<16xf32>
      %get3A_2188 = arith.index_cast %scan3A_2127 : i32 to index
      %get3A_2189 = arith.constant 16 : index
      %get3A_2190 = tpu.vector_load %arg19[%get3A_2188, %get3A_2189] {strides = array<i32>} : memref<96x256xf32, #tpu.memory_space<vmem>>, vector<1x16xf32>,
      %get3A_2191 = vector.shape_cast %get3A_2190 : vector<1x16xf32> to vector<16xf32>
      %mul3A_2192 = arith.mulf %get3A_2191, %gather3A_2140 : vector<16xf32>
      %add3A_2193 = arith.addf %mul3A_2187, %mul3A_2192 : vector<16xf32>
      %get3A_2194 = arith.index_cast %scan3A_2127 : i32 to index
      %get3A_2195 = arith.constant 16 : index
      %get3A_2196 = tpu.vector_load %arg20[%get3A_2194, %get3A_2195] {strides = array<i32>} : memref<96x256xf32, #tpu.memory_space<vmem>>, vector<1x16xf32>,
      %get3A_2197 = vector.shape_cast %get3A_2196 : vector<1x16xf32> to vector<16xf32>
      %mul3A_2198 = arith.mulf %get3A_2197, %gather3A_2147 : vector<16xf32>
      %add3A_2199 = arith.addf %add3A_2193, %mul3A_2198 : vector<16xf32>
      %get3A_2200 = arith.index_cast %scan3A_2127 : i32 to index
      %get3A_2201 = arith.constant 16 : index
      %get3A_2202 = tpu.vector_load %arg21[%get3A_2200, %get3A_2201] {strides = array<i32>} : memref<96x256xf32, #tpu.memory_space<vmem>>, vector<1x16xf32>,
      %get3A_2203 = vector.shape_cast %get3A_2202 : vector<1x16xf32> to vector<16xf32>
      %mul3A_2204 = arith.mulf %get3A_2203, %gather3A_2154 : vector<16xf32>
      %add3A_2205 = arith.addf %add3A_2199, %mul3A_2204 : vector<16xf32>
      %swap3A_2206 = arith.index_cast %scan3A_2127 : i32 to index
      %swap3A_2207 = arith.constant 16 : index
      %swap3A_2208 = tpu.vector_load %arg22[%swap3A_2206, %swap3A_2207] {strides = array<i32>} : memref<96x256xf32, #tpu.memory_space<vmem>>, vector<1x16xf32>,
      %swap3A_2209 = vector.shape_cast %swap3A_2208 : vector<1x16xf32> to vector<16xf32>
      %swap3A_2210 = vector.shape_cast %add3A_2205 : vector<16xf32> to vector<1x16xf32>
      tpu.vector_store %arg22[%swap3A_2206, %swap3A_2207], %swap3A_2210 {strides = array<i32>} : memref<96x256xf32, #tpu.memory_space<vmem>>, vector<1x16xf32>,
      %get3A_2211 = arith.index_cast %scan3A_2127 : i32 to index
      %get3A_2212 = arith.constant 32 : index
      %get3A_2213 = tpu.vector_load %arg18[%get3A_2211, %get3A_2212] {strides = array<i32>} : memref<96x256xf32, #tpu.memory_space<vmem>>, vector<1x16xf32>,
      %get3A_2214 = vector.shape_cast %get3A_2213 : vector<1x16xf32> to vector<16xf32>
      %mul3A_2215 = arith.mulf %get3A_2214, %gather3A_2133 : vector<16xf32>
      %get3A_2216 = arith.index_cast %scan3A_2127 : i32 to index
      %get3A_2217 = arith.constant 32 : index
      %get3A_2218 = tpu.vector_load %arg19[%get3A_2216, %get3A_2217] {strides = array<i32>} : memref<96x256xf32, #tpu.memory_space<vmem>>, vector<1x16xf32>,
      %get3A_2219 = vector.shape_cast %get3A_2218 : vector<1x16xf32> to vector<16xf32>
      %mul3A_2220 = arith.mulf %get3A_2219, %gather3A_2140 : vector<16xf32>
      %add3A_2221 = arith.addf %mul3A_2215, %mul3A_2220 : vector<16xf32>
      %get3A_2222 = arith.index_cast %scan3A_2127 : i32 to index
      %get3A_2223 = arith.constant 32 : index
      %get3A_2224 = tpu.vector_load %arg20[%get3A_2222, %get3A_2223] {strides = array<i32>} : memref<96x256xf32, #tpu.memory_space<vmem>>, vector<1x16xf32>,
      %get3A_2225 = vector.shape_cast %get3A_2224 : vector<1x16xf32> to vector<16xf32>
      %mul3A_2226 = arith.mulf %get3A_2225, %gather3A_2147 : vector<16xf32>
      %add3A_2227 = arith.addf %add3A_2221, %mul3A_2226 : vector<16xf32>
      %get3A_2228 = arith.index_cast %scan3A_2127 : i32 to index
      %get3A_2229 = arith.constant 32 : index
      %get3A_2230 = tpu.vector_load %arg21[%get3A_2228, %get3A_2229] {strides = array<i32>} : memref<96x256xf32, #tpu.memory_space<vmem>>, vector<1x16xf32>,
      %get3A_2231 = vector.shape_cast %get3A_2230 : vector<1x16xf32> to vector<16xf32>
      %mul3A_2232 = arith.mulf %get3A_2231, %gather3A_2154 : vector<16xf32>
      %add3A_2233 = arith.addf %add3A_2227, %mul3A_2232 : vector<16xf32>
      %swap3A_2234 = arith.index_cast %scan3A_2127 : i32 to index
      %swap3A_2235 = arith.constant 32 : index
      %swap3A_2236 = tpu.vector_load %arg22[%swap3A_2234, %swap3A_2235] {strides = array<i32>} : memref<96x256xf32, #tpu.memory_space<vmem>>, vector<1x16xf32>,
      %swap3A_2237 = vector.shape_cast %swap3A_2236 : vector<1x16xf32> to vector<16xf32>
      %swap3A_2238 = vector.shape_cast %add3A_2233 : vector<16xf32> to vector<1x16xf32>
      tpu.vector_store %arg22[%swap3A_2234, %swap3A_2235], %swap3A_2238 {strides = array<i32>} : memref<96x256xf32, #tpu.memory_space<vmem>>, vector<1x16xf32>,
      %get3A_2239 = arith.index_cast %scan3A_2127 : i32 to index
      %get3A_2240 = arith.constant 48 : index
      %get3A_2241 = tpu.vector_load %arg18[%get3A_2239, %get3A_2240] {strides = array<i32>} : memref<96x256xf32, #tpu.memory_space<vmem>>, vector<1x16xf32>,
      %get3A_2242 = vector.shape_cast %get3A_2241 : vector<1x16xf32> to vector<16xf32>
      %mul3A_2243 = arith.mulf %get3A_2242, %gather3A_2133 : vector<16xf32>
      %get3A_2244 = arith.index_cast %scan3A_2127 : i32 to index
      %get3A_2245 = arith.constant 48 : index
      %get3A_2246 = tpu.vector_load %arg19[%get3A_2244, %get3A_2245] {strides = array<i32>} : memref<96x256xf32, #tpu.memory_space<vmem>>, vector<1x16xf32>,
      %get3A_2247 = vector.shape_cast %get3A_2246 : vector<1x16xf32> to vector<16xf32>
      %mul3A_2248 = arith.mulf %get3A_2247, %gather3A_2140 : vector<16xf32>
      %add3A_2249 = arith.addf %mul3A_2243, %mul3A_2248 : vector<16xf32>
      %get3A_2250 = arith.index_cast %scan3A_2127 : i32 to index
      %get3A_2251 = arith.constant 48 : index
      %get3A_2252 = tpu.vector_load %arg20[%get3A_2250, %get3A_2251] {strides = array<i32>} : memref<96x256xf32, #tpu.memory_space<vmem>>, vector<1x16xf32>,
      %get3A_2253 = vector.shape_cast %get3A_2252 : vector<1x16xf32> to vector<16xf32>
      %mul3A_2254 = arith.mulf %get3A_2253, %gather3A_2147 : vector<16xf32>
      %add3A_2255 = arith.addf %add3A_2249, %mul3A_2254 : vector<16xf32>
      %get3A_2256 = arith.index_cast %scan3A_2127 : i32 to index
      %get3A_2257 = arith.constant 48 : index
      %get3A_2258 = tpu.vector_load %arg21[%get3A_2256, %get3A_2257] {strides = array<i32>} : memref<96x256xf32, #tpu.memory_space<vmem>>, vector<1x16xf32>,
      %get3A_2259 = vector.shape_cast %get3A_2258 : vector<1x16xf32> to vector<16xf32>
      %mul3A_2260 = arith.mulf %get3A_2259, %gather3A_2154 : vector<16xf32>
      %add3A_2261 = arith.addf %add3A_2255, %mul3A_2260 : vector<16xf32>
      %swap3A_2262 = arith.index_cast %scan3A_2127 : i32 to index
      %swap3A_2263 = arith.constant 48 : index
      %swap3A_2264 = tpu.vector_load %arg22[%swap3A_2262, %swap3A_2263] {strides = array<i32>} : memref<96x256xf32, #tpu.memory_space<vmem>>, vector<1x16xf32>,
      %swap3A_2265 = vector.shape_cast %swap3A_2264 : vector<1x16xf32> to vector<16xf32>
      %swap3A_2266 = vector.shape_cast %add3A_2261 : vector<16xf32> to vector<1x16xf32>
      tpu.vector_store %arg22[%swap3A_2262, %swap3A_2263], %swap3A_2266 {strides = array<i32>} : memref<96x256xf32, #tpu.memory_space<vmem>>, vector<1x16xf32>,
      %get3A_2267 = arith.index_cast %scan3A_2127 : i32 to index
      %get3A_2268 = arith.constant 64 : index
      %get3A_2269 = tpu.vector_load %arg18[%get3A_2267, %get3A_2268] {strides = array<i32>} : memref<96x256xf32, #tpu.memory_space<vmem>>, vector<1x16xf32>,
      %get3A_2270 = vector.shape_cast %get3A_2269 : vector<1x16xf32> to vector<16xf32>
      %mul3A_2271 = arith.mulf %get3A_2270, %gather3A_2133 : vector<16xf32>
      %get3A_2272 = arith.index_cast %scan3A_2127 : i32 to index
      %get3A_2273 = arith.constant 64 : index
      %get3A_2274 = tpu.vector_load %arg19[%get3A_2272, %get3A_2273] {strides = array<i32>} : memref<96x256xf32, #tpu.memory_space<vmem>>, vector<1x16xf32>,
      %get3A_2275 = vector.shape_cast %get3A_2274 : vector<1x16xf32> to vector<16xf32>
      %mul3A_2276 = arith.mulf %get3A_2275, %gather3A_2140 : vector<16xf32>
      %add3A_2277 = arith.addf %mul3A_2271, %mul3A_2276 : vector<16xf32>
      %get3A_2278 = arith.index_cast %scan3A_2127 : i32 to index
      %get3A_2279 = arith.constant 64 : index
      %get3A_2280 = tpu.vector_load %arg20[%get3A_2278, %get3A_2279] {strides = array<i32>} : memref<96x256xf32, #tpu.memory_space<vmem>>, vector<1x16xf32>,
      %get3A_2281 = vector.shape_cast %get3A_2280 : vector<1x16xf32> to vector<16xf32>
      %mul3A_2282 = arith.mulf %get3A_2281, %gather3A_2147 : vector<16xf32>
      %add3A_2283 = arith.addf %add3A_2277, %mul3A_2282 : vector<16xf32>
      %get3A_2284 = arith.index_cast %scan3A_2127 : i32 to index
      %get3A_2285 = arith.constant 64 : index
      %get3A_2286 = tpu.vector_load %arg21[%get3A_2284, %get3A_2285] {strides = array<i32>} : memref<96x256xf32, #tpu.memory_space<vmem>>, vector<1x16xf32>,
      %get3A_2287 = vector.shape_cast %get3A_2286 : vector<1x16xf32> to vector<16xf32>
      %mul3A_2288 = arith.mulf %get3A_2287, %gather3A_2154 : vector<16xf32>
      %add3A_2289 = arith.addf %add3A_2283, %mul3A_2288 : vector<16xf32>
      %swap3A_2290 = arith.index_cast %scan3A_2127 : i32 to index
      %swap3A_2291 = arith.constant 64 : index
      %swap3A_2292 = tpu.vector_load %arg22[%swap3A_2290, %swap3A_2291] {strides = array<i32>} : memref<96x256xf32, #tpu.memory_space<vmem>>, vector<1x16xf32>,
      %swap3A_2293 = vector.shape_cast %swap3A_2292 : vector<1x16xf32> to vector<16xf32>
      %swap3A_2294 = vector.shape_cast %add3A_2289 : vector<16xf32> to vector<1x16xf32>
      tpu.vector_store %arg22[%swap3A_2290, %swap3A_2291], %swap3A_2294 {strides = array<i32>} : memref<96x256xf32, #tpu.memory_space<vmem>>, vector<1x16xf32>,
      %get3A_2295 = arith.index_cast %scan3A_2127 : i32 to index
      %get3A_2296 = arith.constant 80 : index
      %get3A_2297 = tpu.vector_load %arg18[%get3A_2295, %get3A_2296] {strides = array<i32>} : memref<96x256xf32, #tpu.memory_space<vmem>>, vector<1x16xf32>,
      %get3A_2298 = vector.shape_cast %get3A_2297 : vector<1x16xf32> to vector<16xf32>
      %mul3A_2299 = arith.mulf %get3A_2298, %gather3A_2133 : vector<16xf32>
      %get3A_2300 = arith.index_cast %scan3A_2127 : i32 to index
      %get3A_2301 = arith.constant 80 : index
      %get3A_2302 = tpu.vector_load %arg19[%get3A_2300, %get3A_2301] {strides = array<i32>} : memref<96x256xf32, #tpu.memory_space<vmem>>, vector<1x16xf32>,
      %get3A_2303 = vector.shape_cast %get3A_2302 : vector<1x16xf32> to vector<16xf32>
      %mul3A_2304 = arith.mulf %get3A_2303, %gather3A_2140 : vector<16xf32>
      %add3A_2305 = arith.addf %mul3A_2299, %mul3A_2304 : vector<16xf32>
      %get3A_2306 = arith.index_cast %scan3A_2127 : i32 to index
      %get3A_2307 = arith.constant 80 : index
      %get3A_2308 = tpu.vector_load %arg20[%get3A_2306, %get3A_2307] {strides = array<i32>} : memref<96x256xf32, #tpu.memory_space<vmem>>, vector<1x16xf32>,
      %get3A_2309 = vector.shape_cast %get3A_2308 : vector<1x16xf32> to vector<16xf32>
      %mul3A_2310 = arith.mulf %get3A_2309, %gather3A_2147 : vector<16xf32>
      %add3A_2311 = arith.addf %add3A_2305, %mul3A_2310 : vector<16xf32>
      %get3A_2312 = arith.index_cast %scan3A_2127 : i32 to index
      %get3A_2313 = arith.constant 80 : index
      %get3A_2314 = tpu.vector_load %arg21[%get3A_2312, %get3A_2313] {strides = array<i32>} : memref<96x256xf32, #tpu.memory_space<vmem>>, vector<1x16xf32>,
      %get3A_2315 = vector.shape_cast %get3A_2314 : vector<1x16xf32> to vector<16xf32>
      %mul3A_2316 = arith.mulf %get3A_2315, %gather3A_2154 : vector<16xf32>
      %add3A_2317 = arith.addf %add3A_2311, %mul3A_2316 : vector<16xf32>
      %swap3A_2318 = arith.index_cast %scan3A_2127 : i32 to index
      %swap3A_2319 = arith.constant 80 : index
      %swap3A_2320 = tpu.vector_load %arg22[%swap3A_2318, %swap3A_2319] {strides = array<i32>} : memref<96x256xf32, #tpu.memory_space<vmem>>, vector<1x16xf32>,
      %swap3A_2321 = vector.shape_cast %swap3A_2320 : vector<1x16xf32> to vector<16xf32>
      %swap3A_2322 = vector.shape_cast %add3A_2317 : vector<16xf32> to vector<1x16xf32>
      tpu.vector_store %arg22[%swap3A_2318, %swap3A_2319], %swap3A_2322 {strides = array<i32>} : memref<96x256xf32, #tpu.memory_space<vmem>>, vector<1x16xf32>,
      %get3A_2323 = arith.index_cast %scan3A_2127 : i32 to index
      %get3A_2324 = arith.constant 96 : index
      %get3A_2325 = tpu.vector_load %arg18[%get3A_2323, %get3A_2324] {strides = array<i32>} : memref<96x256xf32, #tpu.memory_space<vmem>>, vector<1x16xf32>,
      %get3A_2326 = vector.shape_cast %get3A_2325 : vector<1x16xf32> to vector<16xf32>
      %mul3A_2327 = arith.mulf %get3A_2326, %gather3A_2133 : vector<16xf32>
      %get3A_2328 = arith.index_cast %scan3A_2127 : i32 to index
      %get3A_2329 = arith.constant 96 : index
      %get3A_2330 = tpu.vector_load %arg19[%get3A_2328, %get3A_2329] {strides = array<i32>} : memref<96x256xf32, #tpu.memory_space<vmem>>, vector<1x16xf32>,
      %get3A_2331 = vector.shape_cast %get3A_2330 : vector<1x16xf32> to vector<16xf32>
      %mul3A_2332 = arith.mulf %get3A_2331, %gather3A_2140 : vector<16xf32>
      %add3A_2333 = arith.addf %mul3A_2327, %mul3A_2332 : vector<16xf32>
      %get3A_2334 = arith.index_cast %scan3A_2127 : i32 to index
      %get3A_2335 = arith.constant 96 : index
      %get3A_2336 = tpu.vector_load %arg20[%get3A_2334, %get3A_2335] {strides = array<i32>} : memref<96x256xf32, #tpu.memory_space<vmem>>, vector<1x16xf32>,
      %get3A_2337 = vector.shape_cast %get3A_2336 : vector<1x16xf32> to vector<16xf32>
      %mul3A_2338 = arith.mulf %get3A_2337, %gather3A_2147 : vector<16xf32>
      %add3A_2339 = arith.addf %add3A_2333, %mul3A_2338 : vector<16xf32>
      %get3A_2340 = arith.index_cast %scan3A_2127 : i32 to index
      %get3A_2341 = arith.constant 96 : index
      %get3A_2342 = tpu.vector_load %arg21[%get3A_2340, %get3A_2341] {strides = array<i32>} : memref<96x256xf32, #tpu.memory_space<vmem>>, vector<1x16xf32>,
      %get3A_2343 = vector.shape_cast %get3A_2342 : vector<1x16xf32> to vector<16xf32>
      %mul3A_2344 = arith.mulf %get3A_2343, %gather3A_2154 : vector<16xf32>
      %add3A_2345 = arith.addf %add3A_2339, %mul3A_2344 : vector<16xf32>
      %swap3A_2346 = arith.index_cast %scan3A_2127 : i32 to index
      %swap3A_2347 = arith.constant 96 : index
      %swap3A_2348 = tpu.vector_load %arg22[%swap3A_2346, %swap3A_2347] {strides = array<i32>} : memref<96x256xf32, #tpu.memory_space<vmem>>, vector<1x16xf32>,
      %swap3A_2349 = vector.shape_cast %swap3A_2348 : vector<1x16xf32> to vector<16xf32>
      %swap3A_2350 = vector.shape_cast %add3A_2345 : vector<16xf32> to vector<1x16xf32>
      tpu.vector_store %arg22[%swap3A_2346, %swap3A_2347], %swap3A_2350 {strides = array<i32>} : memref<96x256xf32, #tpu.memory_space<vmem>>, vector<1x16xf32>,
      %get3A_2351 = arith.index_cast %scan3A_2127 : i32 to index
      %get3A_2352 = arith.constant 112 : index
      %get3A_2353 = tpu.vector_load %arg18[%get3A_2351, %get3A_2352] {strides = array<i32>} : memref<96x256xf32, #tpu.memory_space<vmem>>, vector<1x16xf32>,
      %get3A_2354 = vector.shape_cast %get3A_2353 : vector<1x16xf32> to vector<16xf32>
      %mul3A_2355 = arith.mulf %get3A_2354, %gather3A_2133 : vector<16xf32>
      %get3A_2356 = arith.index_cast %scan3A_2127 : i32 to index
      %get3A_2357 = arith.constant 112 : index
      %get3A_2358 = tpu.vector_load %arg19[%get3A_2356, %get3A_2357] {strides = array<i32>} : memref<96x256xf32, #tpu.memory_space<vmem>>, vector<1x16xf32>,
      %get3A_2359 = vector.shape_cast %get3A_2358 : vector<1x16xf32> to vector<16xf32>
      %mul3A_2360 = arith.mulf %get3A_2359, %gather3A_2140 : vector<16xf32>
      %add3A_2361 = arith.addf %mul3A_2355, %mul3A_2360 : vector<16xf32>
      %get3A_2362 = arith.index_cast %scan3A_2127 : i32 to index
      %get3A_2363 = arith.constant 112 : index
      %get3A_2364 = tpu.vector_load %arg20[%get3A_2362, %get3A_2363] {strides = array<i32>} : memref<96x256xf32, #tpu.memory_space<vmem>>, vector<1x16xf32>,
      %get3A_2365 = vector.shape_cast %get3A_2364 : vector<1x16xf32> to vector<16xf32>
      %mul3A_2366 = arith.mulf %get3A_2365, %gather3A_2147 : vector<16xf32>
      %add3A_2367 = arith.addf %add3A_2361, %mul3A_2366 : vector<16xf32>
      %get3A_2368 = arith.index_cast %scan3A_2127 : i32 to index
      %get3A_2369 = arith.constant 112 : index
      %get3A_2370 = tpu.vector_load %arg21[%get3A_2368, %get3A_2369] {strides = array<i32>} : memref<96x256xf32, #tpu.memory_space<vmem>>, vector<1x16xf32>,
      %get3A_2371 = vector.shape_cast %get3A_2370 : vector<1x16xf32> to vector<16xf32>
      %mul3A_2372 = arith.mulf %get3A_2371, %gather3A_2154 : vector<16xf32>
      %add3A_2373 = arith.addf %add3A_2367, %mul3A_2372 : vector<16xf32>
      %swap3A_2374 = arith.index_cast %scan3A_2127 : i32 to index
      %swap3A_2375 = arith.constant 112 : index
      %swap3A_2376 = tpu.vector_load %arg22[%swap3A_2374, %swap3A_2375] {strides = array<i32>} : memref<96x256xf32, #tpu.memory_space<vmem>>, vector<1x16xf32>,
      %swap3A_2377 = vector.shape_cast %swap3A_2376 : vector<1x16xf32> to vector<16xf32>
      %swap3A_2378 = vector.shape_cast %add3A_2373 : vector<16xf32> to vector<1x16xf32>
      tpu.vector_store %arg22[%swap3A_2374, %swap3A_2375], %swap3A_2378 {strides = array<i32>} : memref<96x256xf32, #tpu.memory_space<vmem>>, vector<1x16xf32>,
      %get3A_2379 = arith.index_cast %scan3A_2127 : i32 to index
      %get3A_2380 = arith.constant 128 : index
      %get3A_2381 = tpu.vector_load %arg18[%get3A_2379, %get3A_2380] {strides = array<i32>} : memref<96x256xf32, #tpu.memory_space<vmem>>, vector<1x16xf32>,
      %get3A_2382 = vector.shape_cast %get3A_2381 : vector<1x16xf32> to vector<16xf32>
      %mul3A_2383 = arith.mulf %get3A_2382, %gather3A_2133 : vector<16xf32>
      %get3A_2384 = arith.index_cast %scan3A_2127 : i32 to index
      %get3A_2385 = arith.constant 128 : index
      %get3A_2386 = tpu.vector_load %arg19[%get3A_2384, %get3A_2385] {strides = array<i32>} : memref<96x256xf32, #tpu.memory_space<vmem>>, vector<1x16xf32>,
      %get3A_2387 = vector.shape_cast %get3A_2386 : vector<1x16xf32> to vector<16xf32>
      %mul3A_2388 = arith.mulf %get3A_2387, %gather3A_2140 : vector<16xf32>
      %add3A_2389 = arith.addf %mul3A_2383, %mul3A_2388 : vector<16xf32>
      %get3A_2390 = arith.index_cast %scan3A_2127 : i32 to index
      %get3A_2391 = arith.constant 128 : index
      %get3A_2392 = tpu.vector_load %arg20[%get3A_2390, %get3A_2391] {strides = array<i32>} : memref<96x256xf32, #tpu.memory_space<vmem>>, vector<1x16xf32>,
      %get3A_2393 = vector.shape_cast %get3A_2392 : vector<1x16xf32> to vector<16xf32>
      %mul3A_2394 = arith.mulf %get3A_2393, %gather3A_2147 : vector<16xf32>
      %add3A_2395 = arith.addf %add3A_2389, %mul3A_2394 : vector<16xf32>
      %get3A_2396 = arith.index_cast %scan3A_2127 : i32 to index
      %get3A_2397 = arith.constant 128 : index
      %get3A_2398 = tpu.vector_load %arg21[%get3A_2396, %get3A_2397] {strides = array<i32>} : memref<96x256xf32, #tpu.memory_space<vmem>>, vector<1x16xf32>,
      %get3A_2399 = vector.shape_cast %get3A_2398 : vector<1x16xf32> to vector<16xf32>
      %mul3A_2400 = arith.mulf %get3A_2399, %gather3A_2154 : vector<16xf32>
      %add3A_2401 = arith.addf %add3A_2395, %mul3A_2400 : vector<16xf32>
      %swap3A_2402 = arith.index_cast %scan3A_2127 : i32 to index
      %swap3A_2403 = arith.constant 128 : index
      %swap3A_2404 = tpu.vector_load %arg22[%swap3A_2402, %swap3A_2403] {strides = array<i32>} : memref<96x256xf32, #tpu.memory_space<vmem>>, vector<1x16xf32>,
      %swap3A_2405 = vector.shape_cast %swap3A_2404 : vector<1x16xf32> to vector<16xf32>
      %swap3A_2406 = vector.shape_cast %add3A_2401 : vector<16xf32> to vector<1x16xf32>
      tpu.vector_store %arg22[%swap3A_2402, %swap3A_2403], %swap3A_2406 {strides = array<i32>} : memref<96x256xf32, #tpu.memory_space<vmem>>, vector<1x16xf32>,
      %get3A_2407 = arith.index_cast %scan3A_2127 : i32 to index
      %get3A_2408 = arith.constant 144 : index
      %get3A_2409 = tpu.vector_load %arg18[%get3A_2407, %get3A_2408] {strides = array<i32>} : memref<96x256xf32, #tpu.memory_space<vmem>>, vector<1x16xf32>,
      %get3A_2410 = vector.shape_cast %get3A_2409 : vector<1x16xf32> to vector<16xf32>
      %mul3A_2411 = arith.mulf %get3A_2410, %gather3A_2133 : vector<16xf32>
      %get3A_2412 = arith.index_cast %scan3A_2127 : i32 to index
      %get3A_2413 = arith.constant 144 : index
      %get3A_2414 = tpu.vector_load %arg19[%get3A_2412, %get3A_2413] {strides = array<i32>} : memref<96x256xf32, #tpu.memory_space<vmem>>, vector<1x16xf32>,
      %get3A_2415 = vector.shape_cast %get3A_2414 : vector<1x16xf32> to vector<16xf32>
      %mul3A_2416 = arith.mulf %get3A_2415, %gather3A_2140 : vector<16xf32>
      %add3A_2417 = arith.addf %mul3A_2411, %mul3A_2416 : vector<16xf32>
      %get3A_2418 = arith.index_cast %scan3A_2127 : i32 to index
      %get3A_2419 = arith.constant 144 : index
      %get3A_2420 = tpu.vector_load %arg20[%get3A_2418, %get3A_2419] {strides = array<i32>} : memref<96x256xf32, #tpu.memory_space<vmem>>, vector<1x16xf32>,
      %get3A_2421 = vector.shape_cast %get3A_2420 : vector<1x16xf32> to vector<16xf32>
      %mul3A_2422 = arith.mulf %get3A_2421, %gather3A_2147 : vector<16xf32>
      %add3A_2423 = arith.addf %add3A_2417, %mul3A_2422 : vector<16xf32>
      %get3A_2424 = arith.index_cast %scan3A_2127 : i32 to index
      %get3A_2425 = arith.constant 144 : index
      %get3A_2426 = tpu.vector_load %arg21[%get3A_2424, %get3A_2425] {strides = array<i32>} : memref<96x256xf32, #tpu.memory_space<vmem>>, vector<1x16xf32>,
      %get3A_2427 = vector.shape_cast %get3A_2426 : vector<1x16xf32> to vector<16xf32>
      %mul3A_2428 = arith.mulf %get3A_2427, %gather3A_2154 : vector<16xf32>
      %add3A_2429 = arith.addf %add3A_2423, %mul3A_2428 : vector<16xf32>
      %swap3A_2430 = arith.index_cast %scan3A_2127 : i32 to index
      %swap3A_2431 = arith.constant 144 : index
      %swap3A_2432 = tpu.vector_load %arg22[%swap3A_2430, %swap3A_2431] {strides = array<i32>} : memref<96x256xf32, #tpu.memory_space<vmem>>, vector<1x16xf32>,
      %swap3A_2433 = vector.shape_cast %swap3A_2432 : vector<1x16xf32> to vector<16xf32>
      %swap3A_2434 = vector.shape_cast %add3A_2429 : vector<16xf32> to vector<1x16xf32>
      tpu.vector_store %arg22[%swap3A_2430, %swap3A_2431], %swap3A_2434 {strides = array<i32>} : memref<96x256xf32, #tpu.memory_space<vmem>>, vector<1x16xf32>,
      %get3A_2435 = arith.index_cast %scan3A_2127 : i32 to index
      %get3A_2436 = arith.constant 160 : index
      %get3A_2437 = tpu.vector_load %arg18[%get3A_2435, %get3A_2436] {strides = array<i32>} : memref<96x256xf32, #tpu.memory_space<vmem>>, vector<1x16xf32>,
      %get3A_2438 = vector.shape_cast %get3A_2437 : vector<1x16xf32> to vector<16xf32>
      %mul3A_2439 = arith.mulf %get3A_2438, %gather3A_2133 : vector<16xf32>
      %get3A_2440 = arith.index_cast %scan3A_2127 : i32 to index
      %get3A_2441 = arith.constant 160 : index
      %get3A_2442 = tpu.vector_load %arg19[%get3A_2440, %get3A_2441] {strides = array<i32>} : memref<96x256xf32, #tpu.memory_space<vmem>>, vector<1x16xf32>,
      %get3A_2443 = vector.shape_cast %get3A_2442 : vector<1x16xf32> to vector<16xf32>
      %mul3A_2444 = arith.mulf %get3A_2443, %gather3A_2140 : vector<16xf32>
      %add3A_2445 = arith.addf %mul3A_2439, %mul3A_2444 : vector<16xf32>
      %get3A_2446 = arith.index_cast %scan3A_2127 : i32 to index
      %get3A_2447 = arith.constant 160 : index
      %get3A_2448 = tpu.vector_load %arg20[%get3A_2446, %get3A_2447] {strides = array<i32>} : memref<96x256xf32, #tpu.memory_space<vmem>>, vector<1x16xf32>,
      %get3A_2449 = vector.shape_cast %get3A_2448 : vector<1x16xf32> to vector<16xf32>
      %mul3A_2450 = arith.mulf %get3A_2449, %gather3A_2147 : vector<16xf32>
      %add3A_2451 = arith.addf %add3A_2445, %mul3A_2450 : vector<16xf32>
      %get3A_2452 = arith.index_cast %scan3A_2127 : i32 to index
      %get3A_2453 = arith.constant 160 : index
      %get3A_2454 = tpu.vector_load %arg21[%get3A_2452, %get3A_2453] {strides = array<i32>} : memref<96x256xf32, #tpu.memory_space<vmem>>, vector<1x16xf32>,
      %get3A_2455 = vector.shape_cast %get3A_2454 : vector<1x16xf32> to vector<16xf32>
      %mul3A_2456 = arith.mulf %get3A_2455, %gather3A_2154 : vector<16xf32>
      %add3A_2457 = arith.addf %add3A_2451, %mul3A_2456 : vector<16xf32>
      %swap3A_2458 = arith.index_cast %scan3A_2127 : i32 to index
      %swap3A_2459 = arith.constant 160 : index
      %swap3A_2460 = tpu.vector_load %arg22[%swap3A_2458, %swap3A_2459] {strides = array<i32>} : memref<96x256xf32, #tpu.memory_space<vmem>>, vector<1x16xf32>,
      %swap3A_2461 = vector.shape_cast %swap3A_2460 : vector<1x16xf32> to vector<16xf32>
      %swap3A_2462 = vector.shape_cast %add3A_2457 : vector<16xf32> to vector<1x16xf32>
      tpu.vector_store %arg22[%swap3A_2458, %swap3A_2459], %swap3A_2462 {strides = array<i32>} : memref<96x256xf32, #tpu.memory_space<vmem>>, vector<1x16xf32>,
      %get3A_2463 = arith.index_cast %scan3A_2127 : i32 to index
      %get3A_2464 = arith.constant 176 : index
      %get3A_2465 = tpu.vector_load %arg18[%get3A_2463, %get3A_2464] {strides = array<i32>} : memref<96x256xf32, #tpu.memory_space<vmem>>, vector<1x16xf32>,
      %get3A_2466 = vector.shape_cast %get3A_2465 : vector<1x16xf32> to vector<16xf32>
      %mul3A_2467 = arith.mulf %get3A_2466, %gather3A_2133 : vector<16xf32>
      %get3A_2468 = arith.index_cast %scan3A_2127 : i32 to index
      %get3A_2469 = arith.constant 176 : index
      %get3A_2470 = tpu.vector_load %arg19[%get3A_2468, %get3A_2469] {strides = array<i32>} : memref<96x256xf32, #tpu.memory_space<vmem>>, vector<1x16xf32>,
      %get3A_2471 = vector.shape_cast %get3A_2470 : vector<1x16xf32> to vector<16xf32>
      %mul3A_2472 = arith.mulf %get3A_2471, %gather3A_2140 : vector<16xf32>
      %add3A_2473 = arith.addf %mul3A_2467, %mul3A_2472 : vector<16xf32>
      %get3A_2474 = arith.index_cast %scan3A_2127 : i32 to index
      %get3A_2475 = arith.constant 176 : index
      %get3A_2476 = tpu.vector_load %arg20[%get3A_2474, %get3A_2475] {strides = array<i32>} : memref<96x256xf32, #tpu.memory_space<vmem>>, vector<1x16xf32>,
      %get3A_2477 = vector.shape_cast %get3A_2476 : vector<1x16xf32> to vector<16xf32>
      %mul3A_2478 = arith.mulf %get3A_2477, %gather3A_2147 : vector<16xf32>
      %add3A_2479 = arith.addf %add3A_2473, %mul3A_2478 : vector<16xf32>
      %get3A_2480 = arith.index_cast %scan3A_2127 : i32 to index
      %get3A_2481 = arith.constant 176 : index
      %get3A_2482 = tpu.vector_load %arg21[%get3A_2480, %get3A_2481] {strides = array<i32>} : memref<96x256xf32, #tpu.memory_space<vmem>>, vector<1x16xf32>,
      %get3A_2483 = vector.shape_cast %get3A_2482 : vector<1x16xf32> to vector<16xf32>
      %mul3A_2484 = arith.mulf %get3A_2483, %gather3A_2154 : vector<16xf32>
      %add3A_2485 = arith.addf %add3A_2479, %mul3A_2484 : vector<16xf32>
      %swap3A_2486 = arith.index_cast %scan3A_2127 : i32 to index
      %swap3A_2487 = arith.constant 176 : index
      %swap3A_2488 = tpu.vector_load %arg22[%swap3A_2486, %swap3A_2487] {strides = array<i32>} : memref<96x256xf32, #tpu.memory_space<vmem>>, vector<1x16xf32>,
      %swap3A_2489 = vector.shape_cast %swap3A_2488 : vector<1x16xf32> to vector<16xf32>
      %swap3A_2490 = vector.shape_cast %add3A_2485 : vector<16xf32> to vector<1x16xf32>
      tpu.vector_store %arg22[%swap3A_2486, %swap3A_2487], %swap3A_2490 {strides = array<i32>} : memref<96x256xf32, #tpu.memory_space<vmem>>, vector<1x16xf32>,
      %get3A_2491 = arith.index_cast %scan3A_2127 : i32 to index
      %get3A_2492 = arith.constant 192 : index
      %get3A_2493 = tpu.vector_load %arg18[%get3A_2491, %get3A_2492] {strides = array<i32>} : memref<96x256xf32, #tpu.memory_space<vmem>>, vector<1x16xf32>,
      %get3A_2494 = vector.shape_cast %get3A_2493 : vector<1x16xf32> to vector<16xf32>
      %mul3A_2495 = arith.mulf %get3A_2494, %gather3A_2133 : vector<16xf32>
      %get3A_2496 = arith.index_cast %scan3A_2127 : i32 to index
      %get3A_2497 = arith.constant 192 : index
      %get3A_2498 = tpu.vector_load %arg19[%get3A_2496, %get3A_2497] {strides = array<i32>} : memref<96x256xf32, #tpu.memory_space<vmem>>, vector<1x16xf32>,
      %get3A_2499 = vector.shape_cast %get3A_2498 : vector<1x16xf32> to vector<16xf32>
      %mul3A_2500 = arith.mulf %get3A_2499, %gather3A_2140 : vector<16xf32>
      %add3A_2501 = arith.addf %mul3A_2495, %mul3A_2500 : vector<16xf32>
      %get3A_2502 = arith.index_cast %scan3A_2127 : i32 to index
      %get3A_2503 = arith.constant 192 : index
      %get3A_2504 = tpu.vector_load %arg20[%get3A_2502, %get3A_2503] {strides = array<i32>} : memref<96x256xf32, #tpu.memory_space<vmem>>, vector<1x16xf32>,
      %get3A_2505 = vector.shape_cast %get3A_2504 : vector<1x16xf32> to vector<16xf32>
      %mul3A_2506 = arith.mulf %get3A_2505, %gather3A_2147 : vector<16xf32>
      %add3A_2507 = arith.addf %add3A_2501, %mul3A_2506 : vector<16xf32>
      %get3A_2508 = arith.index_cast %scan3A_2127 : i32 to index
      %get3A_2509 = arith.constant 192 : index
      %get3A_2510 = tpu.vector_load %arg21[%get3A_2508, %get3A_2509] {strides = array<i32>} : memref<96x256xf32, #tpu.memory_space<vmem>>, vector<1x16xf32>,
      %get3A_2511 = vector.shape_cast %get3A_2510 : vector<1x16xf32> to vector<16xf32>
      %mul3A_2512 = arith.mulf %get3A_2511, %gather3A_2154 : vector<16xf32>
      %add3A_2513 = arith.addf %add3A_2507, %mul3A_2512 : vector<16xf32>
      %swap3A_2514 = arith.index_cast %scan3A_2127 : i32 to index
      %swap3A_2515 = arith.constant 192 : index
      %swap3A_2516 = tpu.vector_load %arg22[%swap3A_2514, %swap3A_2515] {strides = array<i32>} : memref<96x256xf32, #tpu.memory_space<vmem>>, vector<1x16xf32>,
      %swap3A_2517 = vector.shape_cast %swap3A_2516 : vector<1x16xf32> to vector<16xf32>
      %swap3A_2518 = vector.shape_cast %add3A_2513 : vector<16xf32> to vector<1x16xf32>
      tpu.vector_store %arg22[%swap3A_2514, %swap3A_2515], %swap3A_2518 {strides = array<i32>} : memref<96x256xf32, #tpu.memory_space<vmem>>, vector<1x16xf32>,
      %get3A_2519 = arith.index_cast %scan3A_2127 : i32 to index
      %get3A_2520 = arith.constant 208 : index
      %get3A_2521 = tpu.vector_load %arg18[%get3A_2519, %get3A_2520] {strides = array<i32>} : memref<96x256xf32, #tpu.memory_space<vmem>>, vector<1x16xf32>,
      %get3A_2522 = vector.shape_cast %get3A_2521 : vector<1x16xf32> to vector<16xf32>
      %mul3A_2523 = arith.mulf %get3A_2522, %gather3A_2133 : vector<16xf32>
      %get3A_2524 = arith.index_cast %scan3A_2127 : i32 to index
      %get3A_2525 = arith.constant 208 : index
      %get3A_2526 = tpu.vector_load %arg19[%get3A_2524, %get3A_2525] {strides = array<i32>} : memref<96x256xf32, #tpu.memory_space<vmem>>, vector<1x16xf32>,
      %get3A_2527 = vector.shape_cast %get3A_2526 : vector<1x16xf32> to vector<16xf32>
      %mul3A_2528 = arith.mulf %get3A_2527, %gather3A_2140 : vector<16xf32>
      %add3A_2529 = arith.addf %mul3A_2523, %mul3A_2528 : vector<16xf32>
      %get3A_2530 = arith.index_cast %scan3A_2127 : i32 to index
      %get3A_2531 = arith.constant 208 : index
      %get3A_2532 = tpu.vector_load %arg20[%get3A_2530, %get3A_2531] {strides = array<i32>} : memref<96x256xf32, #tpu.memory_space<vmem>>, vector<1x16xf32>,
      %get3A_2533 = vector.shape_cast %get3A_2532 : vector<1x16xf32> to vector<16xf32>
      %mul3A_2534 = arith.mulf %get3A_2533, %gather3A_2147 : vector<16xf32>
      %add3A_2535 = arith.addf %add3A_2529, %mul3A_2534 : vector<16xf32>
      %get3A_2536 = arith.index_cast %scan3A_2127 : i32 to index
      %get3A_2537 = arith.constant 208 : index
      %get3A_2538 = tpu.vector_load %arg21[%get3A_2536, %get3A_2537] {strides = array<i32>} : memref<96x256xf32, #tpu.memory_space<vmem>>, vector<1x16xf32>,
      %get3A_2539 = vector.shape_cast %get3A_2538 : vector<1x16xf32> to vector<16xf32>
      %mul3A_2540 = arith.mulf %get3A_2539, %gather3A_2154 : vector<16xf32>
      %add3A_2541 = arith.addf %add3A_2535, %mul3A_2540 : vector<16xf32>
      %swap3A_2542 = arith.index_cast %scan3A_2127 : i32 to index
      %swap3A_2543 = arith.constant 208 : index
      %swap3A_2544 = tpu.vector_load %arg22[%swap3A_2542, %swap3A_2543] {strides = array<i32>} : memref<96x256xf32, #tpu.memory_space<vmem>>, vector<1x16xf32>,
      %swap3A_2545 = vector.shape_cast %swap3A_2544 : vector<1x16xf32> to vector<16xf32>
      %swap3A_2546 = vector.shape_cast %add3A_2541 : vector<16xf32> to vector<1x16xf32>
      tpu.vector_store %arg22[%swap3A_2542, %swap3A_2543], %swap3A_2546 {strides = array<i32>} : memref<96x256xf32, #tpu.memory_space<vmem>>, vector<1x16xf32>,
      %get3A_2547 = arith.index_cast %scan3A_2127 : i32 to index
      %get3A_2548 = arith.constant 224 : index
      %get3A_2549 = tpu.vector_load %arg18[%get3A_2547, %get3A_2548] {strides = array<i32>} : memref<96x256xf32, #tpu.memory_space<vmem>>, vector<1x16xf32>,
      %get3A_2550 = vector.shape_cast %get3A_2549 : vector<1x16xf32> to vector<16xf32>
      %mul3A_2551 = arith.mulf %get3A_2550, %gather3A_2133 : vector<16xf32>
      %get3A_2552 = arith.index_cast %scan3A_2127 : i32 to index
      %get3A_2553 = arith.constant 224 : index
      %get3A_2554 = tpu.vector_load %arg19[%get3A_2552, %get3A_2553] {strides = array<i32>} : memref<96x256xf32, #tpu.memory_space<vmem>>, vector<1x16xf32>,
      %get3A_2555 = vector.shape_cast %get3A_2554 : vector<1x16xf32> to vector<16xf32>
      %mul3A_2556 = arith.mulf %get3A_2555, %gather3A_2140 : vector<16xf32>
      %add3A_2557 = arith.addf %mul3A_2551, %mul3A_2556 : vector<16xf32>
      %get3A_2558 = arith.index_cast %scan3A_2127 : i32 to index
      %get3A_2559 = arith.constant 224 : index
      %get3A_2560 = tpu.vector_load %arg20[%get3A_2558, %get3A_2559] {strides = array<i32>} : memref<96x256xf32, #tpu.memory_space<vmem>>, vector<1x16xf32>,
      %get3A_2561 = vector.shape_cast %get3A_2560 : vector<1x16xf32> to vector<16xf32>
      %mul3A_2562 = arith.mulf %get3A_2561, %gather3A_2147 : vector<16xf32>
      %add3A_2563 = arith.addf %add3A_2557, %mul3A_2562 : vector<16xf32>
      %get3A_2564 = arith.index_cast %scan3A_2127 : i32 to index
      %get3A_2565 = arith.constant 224 : index
      %get3A_2566 = tpu.vector_load %arg21[%get3A_2564, %get3A_2565] {strides = array<i32>} : memref<96x256xf32, #tpu.memory_space<vmem>>, vector<1x16xf32>,
      %get3A_2567 = vector.shape_cast %get3A_2566 : vector<1x16xf32> to vector<16xf32>
      %mul3A_2568 = arith.mulf %get3A_2567, %gather3A_2154 : vector<16xf32>
      %add3A_2569 = arith.addf %add3A_2563, %mul3A_2568 : vector<16xf32>
      %swap3A_2570 = arith.index_cast %scan3A_2127 : i32 to index
      %swap3A_2571 = arith.constant 224 : index
      %swap3A_2572 = tpu.vector_load %arg22[%swap3A_2570, %swap3A_2571] {strides = array<i32>} : memref<96x256xf32, #tpu.memory_space<vmem>>, vector<1x16xf32>,
      %swap3A_2573 = vector.shape_cast %swap3A_2572 : vector<1x16xf32> to vector<16xf32>
      %swap3A_2574 = vector.shape_cast %add3A_2569 : vector<16xf32> to vector<1x16xf32>
      tpu.vector_store %arg22[%swap3A_2570, %swap3A_2571], %swap3A_2574 {strides = array<i32>} : memref<96x256xf32, #tpu.memory_space<vmem>>, vector<1x16xf32>,
      %get3A_2575 = arith.index_cast %scan3A_2127 : i32 to index
      %get3A_2576 = arith.constant 240 : index
      %get3A_2577 = tpu.vector_load %arg18[%get3A_2575, %get3A_2576] {strides = array<i32>} : memref<96x256xf32, #tpu.memory_space<vmem>>, vector<1x16xf32>,
      %get3A_2578 = vector.shape_cast %get3A_2577 : vector<1x16xf32> to vector<16xf32>
      %mul3A_2579 = arith.mulf %get3A_2578, %gather3A_2133 : vector<16xf32>
      %get3A_2580 = arith.index_cast %scan3A_2127 : i32 to index
      %get3A_2581 = arith.constant 240 : index
      %get3A_2582 = tpu.vector_load %arg19[%get3A_2580, %get3A_2581] {strides = array<i32>} : memref<96x256xf32, #tpu.memory_space<vmem>>, vector<1x16xf32>,
      %get3A_2583 = vector.shape_cast %get3A_2582 : vector<1x16xf32> to vector<16xf32>
      %mul3A_2584 = arith.mulf %get3A_2583, %gather3A_2140 : vector<16xf32>
      %add3A_2585 = arith.addf %mul3A_2579, %mul3A_2584 : vector<16xf32>
      %get3A_2586 = arith.index_cast %scan3A_2127 : i32 to index
      %get3A_2587 = arith.constant 240 : index
      %get3A_2588 = tpu.vector_load %arg20[%get3A_2586, %get3A_2587] {strides = array<i32>} : memref<96x256xf32, #tpu.memory_space<vmem>>, vector<1x16xf32>,
      %get3A_2589 = vector.shape_cast %get3A_2588 : vector<1x16xf32> to vector<16xf32>
      %mul3A_2590 = arith.mulf %get3A_2589, %gather3A_2147 : vector<16xf32>
      %add3A_2591 = arith.addf %add3A_2585, %mul3A_2590 : vector<16xf32>
      %get3A_2592 = arith.index_cast %scan3A_2127 : i32 to index
      %get3A_2593 = arith.constant 240 : index
      %get3A_2594 = tpu.vector_load %arg21[%get3A_2592, %get3A_2593] {strides = array<i32>} : memref<96x256xf32, #tpu.memory_space<vmem>>, vector<1x16xf32>,
      %get3A_2595 = vector.shape_cast %get3A_2594 : vector<1x16xf32> to vector<16xf32>
      %mul3A_2596 = arith.mulf %get3A_2595, %gather3A_2154 : vector<16xf32>
      %add3A_2597 = arith.addf %add3A_2591, %mul3A_2596 : vector<16xf32>
      %swap3A_2598 = arith.index_cast %scan3A_2127 : i32 to index
      %swap3A_2599 = arith.constant 240 : index
      %swap3A_2600 = tpu.vector_load %arg22[%swap3A_2598, %swap3A_2599] {strides = array<i32>} : memref<96x256xf32, #tpu.memory_space<vmem>>, vector<1x16xf32>,
      %swap3A_2601 = vector.shape_cast %swap3A_2600 : vector<1x16xf32> to vector<16xf32>
      %swap3A_2602 = vector.shape_cast %add3A_2597 : vector<16xf32> to vector<1x16xf32>
      tpu.vector_store %arg22[%swap3A_2598, %swap3A_2599], %swap3A_2602 {strides = array<i32>} : memref<96x256xf32, #tpu.memory_space<vmem>>, vector<1x16xf32>,
    }
    %scan3A_2058 = arith.constant 96 : i32
    %add3A_2059 = arith.constant 0 : i32
    %add3A_2060 = arith.addi %mul3A_2, %add3A_2059 : i32
    "tpu.region"() ({
      %run_scoped3A = tpu.sem_alloc : memref<!tpu.dma_semaphore, #tpu.memory_space<semaphore_mem>>
      %dma_start3A_2127 = arith.constant 0 : i32
      %dma_start3A_2128 = tpu.memref_slice %arg6[%add3A_2060, %dma_start3A_2127] : memref<6144x256xf32, #tpu.memory_space<hbm>> -> memref<96x256xf32, #tpu.memory_space<hbm>>
      %dma_start3A_2129 = arith.constant 0 : i32
      %dma_start3A_2130 = tpu.memref_slice %arg6[%add3A_2060, %dma_start3A_2129] : memref<6144x256xf32, #tpu.memory_space<hbm>> -> memref<96x256xf32, #tpu.memory_space<hbm>>
      tpu.enqueue_dma source(%arg22 : memref<96x256xf32, #tpu.memory_space<vmem>>) target(%dma_start3A_2130 : memref<96x256xf32, #tpu.memory_space<hbm>>) target_semaphore(%run_scoped3A : memref<!tpu.dma_semaphore, #tpu.memory_space<semaphore_mem>>)
      %dma_wait3A_2131 = arith.constant 0 : i32
      %dma_wait3A_2132 = tpu.memref_slice %arg6[%add3A_2060, %dma_wait3A_2131] : memref<6144x256xf32, #tpu.memory_space<hbm>> -> memref<96x256xf32, #tpu.memory_space<hbm>>
      %dma_wait3A_2133 = arith.constant 0 : i32
      %dma_wait3A_2134 = tpu.memref_slice %arg6[%add3A_2060, %dma_wait3A_2133] : memref<6144x256xf32, #tpu.memory_space<hbm>> -> memref<96x256xf32, #tpu.memory_space<hbm>>
      tpu.wait_dma2 semaphore(%run_scoped3A : memref<!tpu.dma_semaphore, #tpu.memory_space<semaphore_mem>>) src(%arg22 : memref<96x256xf32, #tpu.memory_space<vmem>>) dst(%dma_wait3A_2134 : memref<96x256xf32, #tpu.memory_space<hbm>>)
      tpu.yield
    }) : () -> ()
    %dma_start3A_2061 = arith.constant 1 : i32
    %dma_start3A_2062 = arith.constant 0 : i32
    %dma_start3A_2063 = tpu.memref_slice %arg14[%dma_start3A_2061, %dma_start3A_2062] : memref<2x96xi32, #tpu.memory_space<vmem>> -> memref<1x96xi32, #tpu.memory_space<vmem>>
    %dma_start3A_2064 = tpu.memref_squeeze %dma_start3A_2063 : memref<1x96xi32, #tpu.memory_space<vmem>> -> memref<96xi32, #tpu.memory_space<vmem>>
    %dma_start3A_2065 = arith.constant 0 : i32
    %dma_start3A_2066 = arith.constant 0 : i32
    %dma_start3A_2067 = tpu.memref_slice %arg2[%dma_start3A_2065, %dma_start3A_2066] : memref<131072x256xf32, #tpu.memory_space<hbm>> -> memref<131072x256xf32, #tpu.memory_space<hbm>>
    tpu.enqueue_indirect_dma source(%dma_start3A_2067 : memref<131072x256xf32, #tpu.memory_space<hbm>>) target(%arg18 : memref<96x256xf32, #tpu.memory_space<vmem>>) offsets(%dma_start3A_2064 : memref<96xi32, #tpu.memory_space<vmem>>) semaphore(%arg23 : memref<!tpu.dma_semaphore, #tpu.memory_space<semaphore_mem>>)
    %dma_start3A_2068 = arith.constant 1 : i32
    %dma_start3A_2069 = arith.constant 0 : i32
    %dma_start3A_2070 = tpu.memref_slice %arg15[%dma_start3A_2068, %dma_start3A_2069] : memref<2x96xi32, #tpu.memory_space<vmem>> -> memref<1x96xi32, #tpu.memory_space<vmem>>
    %dma_start3A_2071 = tpu.memref_squeeze %dma_start3A_2070 : memref<1x96xi32, #tpu.memory_space<vmem>> -> memref<96xi32, #tpu.memory_space<vmem>>
    %dma_start3A_2072 = arith.constant 0 : i32
    %dma_start3A_2073 = arith.constant 0 : i32
    %dma_start3A_2074 = tpu.memref_slice %arg2[%dma_start3A_2072, %dma_start3A_2073] : memref<131072x256xf32, #tpu.memory_space<hbm>> -> memref<131072x256xf32, #tpu.memory_space<hbm>>
    tpu.enqueue_indirect_dma source(%dma_start3A_2074 : memref<131072x256xf32, #tpu.memory_space<hbm>>) target(%arg19 : memref<96x256xf32, #tpu.memory_space<vmem>>) offsets(%dma_start3A_2071 : memref<96xi32, #tpu.memory_space<vmem>>) semaphore(%arg23 : memref<!tpu.dma_semaphore, #tpu.memory_space<semaphore_mem>>)
    %dma_start3A_2075 = arith.constant 1 : i32
    %dma_start3A_2076 = arith.constant 0 : i32
    %dma_start3A_2077 = tpu.memref_slice %arg16[%dma_start3A_2075, %dma_start3A_2076] : memref<2x96xi32, #tpu.memory_space<vmem>> -> memref<1x96xi32, #tpu.memory_space<vmem>>
    %dma_start3A_2078 = tpu.memref_squeeze %dma_start3A_2077 : memref<1x96xi32, #tpu.memory_space<vmem>> -> memref<96xi32, #tpu.memory_space<vmem>>
    %dma_start3A_2079 = arith.constant 0 : i32
    %dma_start3A_2080 = arith.constant 0 : i32
    %dma_start3A_2081 = tpu.memref_slice %arg2[%dma_start3A_2079, %dma_start3A_2080] : memref<131072x256xf32, #tpu.memory_space<hbm>> -> memref<131072x256xf32, #tpu.memory_space<hbm>>
    tpu.enqueue_indirect_dma source(%dma_start3A_2081 : memref<131072x256xf32, #tpu.memory_space<hbm>>) target(%arg20 : memref<96x256xf32, #tpu.memory_space<vmem>>) offsets(%dma_start3A_2078 : memref<96xi32, #tpu.memory_space<vmem>>) semaphore(%arg23 : memref<!tpu.dma_semaphore, #tpu.memory_space<semaphore_mem>>)
    %dma_start3A_2082 = arith.constant 1 : i32
    %dma_start3A_2083 = arith.constant 0 : i32
    %dma_start3A_2084 = tpu.memref_slice %arg17[%dma_start3A_2082, %dma_start3A_2083] : memref<2x96xi32, #tpu.memory_space<vmem>> -> memref<1x96xi32, #tpu.memory_space<vmem>>
    %dma_start3A_2085 = tpu.memref_squeeze %dma_start3A_2084 : memref<1x96xi32, #tpu.memory_space<vmem>> -> memref<96xi32, #tpu.memory_space<vmem>>
    %dma_start3A_2086 = arith.constant 0 : i32
    %dma_start3A_2087 = arith.constant 0 : i32
    %dma_start3A_2088 = tpu.memref_slice %arg2[%dma_start3A_2086, %dma_start3A_2087] : memref<131072x256xf32, #tpu.memory_space<hbm>> -> memref<131072x256xf32, #tpu.memory_space<hbm>>
    tpu.enqueue_indirect_dma source(%dma_start3A_2088 : memref<131072x256xf32, #tpu.memory_space<hbm>>) target(%arg21 : memref<96x256xf32, #tpu.memory_space<vmem>>) offsets(%dma_start3A_2085 : memref<96xi32, #tpu.memory_space<vmem>>) semaphore(%arg23 : memref<!tpu.dma_semaphore, #tpu.memory_space<semaphore_mem>>)
    %dma_wait3A_2089 = arith.constant 1 : i32
    %dma_wait3A_2090 = arith.constant 0 : i32
    %dma_wait3A_2091 = tpu.memref_slice %arg14[%dma_wait3A_2089, %dma_wait3A_2090] : memref<2x96xi32, #tpu.memory_space<vmem>> -> memref<1x96xi32, #tpu.memory_space<vmem>>
    %dma_wait3A_2092 = tpu.memref_squeeze %dma_wait3A_2091 : memref<1x96xi32, #tpu.memory_space<vmem>> -> memref<96xi32, #tpu.memory_space<vmem>>
    %dma_wait3A_2093 = arith.constant 0 : i32
    %dma_wait3A_2094 = arith.constant 0 : i32
    %dma_wait3A_2095 = tpu.memref_slice %arg2[%dma_wait3A_2093, %dma_wait3A_2094] : memref<131072x256xf32, #tpu.memory_space<hbm>> -> memref<131072x256xf32, #tpu.memory_space<hbm>>
    tpu.wait_indirect_dma semaphore(%arg23 : memref<!tpu.dma_semaphore, #tpu.memory_space<semaphore_mem>>) src(%dma_wait3A_2095 : memref<131072x256xf32, #tpu.memory_space<hbm>>) dst(%arg18 : memref<96x256xf32, #tpu.memory_space<vmem>>)
    %dma_wait3A_2096 = arith.constant 1 : i32
    %dma_wait3A_2097 = arith.constant 0 : i32
    %dma_wait3A_2098 = tpu.memref_slice %arg15[%dma_wait3A_2096, %dma_wait3A_2097] : memref<2x96xi32, #tpu.memory_space<vmem>> -> memref<1x96xi32, #tpu.memory_space<vmem>>
    %dma_wait3A_2099 = tpu.memref_squeeze %dma_wait3A_2098 : memref<1x96xi32, #tpu.memory_space<vmem>> -> memref<96xi32, #tpu.memory_space<vmem>>
    %dma_wait3A_2100 = arith.constant 0 : i32
    %dma_wait3A_2101 = arith.constant 0 : i32
    %dma_wait3A_2102 = tpu.memref_slice %arg2[%dma_wait3A_2100, %dma_wait3A_2101] : memref<131072x256xf32, #tpu.memory_space<hbm>> -> memref<131072x256xf32, #tpu.memory_space<hbm>>
    tpu.wait_indirect_dma semaphore(%arg23 : memref<!tpu.dma_semaphore, #tpu.memory_space<semaphore_mem>>) src(%dma_wait3A_2102 : memref<131072x256xf32, #tpu.memory_space<hbm>>) dst(%arg19 : memref<96x256xf32, #tpu.memory_space<vmem>>)
    %dma_wait3A_2103 = arith.constant 1 : i32
    %dma_wait3A_2104 = arith.constant 0 : i32
    %dma_wait3A_2105 = tpu.memref_slice %arg16[%dma_wait3A_2103, %dma_wait3A_2104] : memref<2x96xi32, #tpu.memory_space<vmem>> -> memref<1x96xi32, #tpu.memory_space<vmem>>
    %dma_wait3A_2106 = tpu.memref_squeeze %dma_wait3A_2105 : memref<1x96xi32, #tpu.memory_space<vmem>> -> memref<96xi32, #tpu.memory_space<vmem>>
    %dma_wait3A_2107 = arith.constant 0 : i32
    %dma_wait3A_2108 = arith.constant 0 : i32
    %dma_wait3A_2109 = tpu.memref_slice %arg2[%dma_wait3A_2107, %dma_wait3A_2108] : memref<131072x256xf32, #tpu.memory_space<hbm>> -> memref<131072x256xf32, #tpu.memory_space<hbm>>
    tpu.wait_indirect_dma semaphore(%arg23 : memref<!tpu.dma_semaphore, #tpu.memory_space<semaphore_mem>>) src(%dma_wait3A_2109 : memref<131072x256xf32, #tpu.memory_space<hbm>>) dst(%arg20 : memref<96x256xf32, #tpu.memory_space<vmem>>)
    %dma_wait3A_2110 = arith.constant 1 : i32
    %dma_wait3A_2111 = arith.constant 0 : i32
    %dma_wait3A_2112 = tpu.memref_slice %arg17[%dma_wait3A_2110, %dma_wait3A_2111] : memref<2x96xi32, #tpu.memory_space<vmem>> -> memref<1x96xi32, #tpu.memory_space<vmem>>
    %dma_wait3A_2113 = tpu.memref_squeeze %dma_wait3A_2112 : memref<1x96xi32, #tpu.memory_space<vmem>> -> memref<96xi32, #tpu.memory_space<vmem>>
    %dma_wait3A_2114 = arith.constant 0 : i32
    %dma_wait3A_2115 = arith.constant 0 : i32
    %dma_wait3A_2116 = tpu.memref_slice %arg2[%dma_wait3A_2114, %dma_wait3A_2115] : memref<131072x256xf32, #tpu.memory_space<hbm>> -> memref<131072x256xf32, #tpu.memory_space<hbm>>
    tpu.wait_indirect_dma semaphore(%arg23 : memref<!tpu.dma_semaphore, #tpu.memory_space<semaphore_mem>>) src(%dma_wait3A_2116 : memref<131072x256xf32, #tpu.memory_space<hbm>>) dst(%arg21 : memref<96x256xf32, #tpu.memory_space<vmem>>)
    %broadcast_in_dim3A_2117 = arith.constant 0 : i32
    %broadcast_in_dim3A_2118 = vector.broadcast %broadcast_in_dim3A_2117 : i32 to vector<16x1xi32>
    %scan3A_2119 = arith.constant 0 : i32
    %scan3A_2120 = arith.constant 0 : i32
    %scan3A_2121 = arith.constant 96 : i32
    %scan3A_2122 = arith.addi %scan3A_2120, %scan3A_2121 : i32
    %scan3A_2123 = arith.constant 1 : i32
    scf.for %scan3A_2127 = %scan3A_2120 to %scan3A_2122 step %scan3A_2123  : i32 {
      %add3A_2128 = arith.constant 96 : i32
      %add3A_2129 = arith.addi %add3A_2128, %scan3A_2127 : i32
      %get3A_2130 = arith.index_cast %add3A_2129 : i32 to index
      %get3A_2131 = tpu.vector_load %arg10[%get3A_2130] {strides = array<i32>} : memref<208xf32, #tpu.memory_space<vmem>>, vector<16xf32>,
      %get3A_2132 = vector.shape_cast %get3A_2131 : vector<16xf32> to vector<16xf32>
      %gather3A = vector.shape_cast %broadcast_in_dim3A_2118 : vector<16x1xi32> to vector<16xi32>
      %gather3A_2133 = tpu.dynamic_gather %get3A_2132[%gather3A] in [0] : vector<16xf32>, vector<16xi32> -> vector<16xf32>
      %add3A_2134 = arith.constant 96 : i32
      %add3A_2135 = arith.addi %add3A_2134, %scan3A_2127 : i32
      %get3A_2136 = arith.index_cast %add3A_2135 : i32 to index
      %get3A_2137 = tpu.vector_load %arg11[%get3A_2136] {strides = array<i32>} : memref<208xf32, #tpu.memory_space<vmem>>, vector<16xf32>,
      %get3A_2138 = vector.shape_cast %get3A_2137 : vector<16xf32> to vector<16xf32>
      %gather3A_2139 = vector.shape_cast %broadcast_in_dim3A_2118 : vector<16x1xi32> to vector<16xi32>
      %gather3A_2140 = tpu.dynamic_gather %get3A_2138[%gather3A_2139] in [0] : vector<16xf32>, vector<16xi32> -> vector<16xf32>
      %add3A_2141 = arith.constant 96 : i32
      %add3A_2142 = arith.addi %add3A_2141, %scan3A_2127 : i32
      %get3A_2143 = arith.index_cast %add3A_2142 : i32 to index
      %get3A_2144 = tpu.vector_load %arg12[%get3A_2143] {strides = array<i32>} : memref<208xf32, #tpu.memory_space<vmem>>, vector<16xf32>,
      %get3A_2145 = vector.shape_cast %get3A_2144 : vector<16xf32> to vector<16xf32>
      %gather3A_2146 = vector.shape_cast %broadcast_in_dim3A_2118 : vector<16x1xi32> to vector<16xi32>
      %gather3A_2147 = tpu.dynamic_gather %get3A_2145[%gather3A_2146] in [0] : vector<16xf32>, vector<16xi32> -> vector<16xf32>
      %add3A_2148 = arith.constant 96 : i32
      %add3A_2149 = arith.addi %add3A_2148, %scan3A_2127 : i32
      %get3A_2150 = arith.index_cast %add3A_2149 : i32 to index
      %get3A_2151 = tpu.vector_load %arg13[%get3A_2150] {strides = array<i32>} : memref<208xf32, #tpu.memory_space<vmem>>, vector<16xf32>,
      %get3A_2152 = vector.shape_cast %get3A_2151 : vector<16xf32> to vector<16xf32>
      %gather3A_2153 = vector.shape_cast %broadcast_in_dim3A_2118 : vector<16x1xi32> to vector<16xi32>
      %gather3A_2154 = tpu.dynamic_gather %get3A_2152[%gather3A_2153] in [0] : vector<16xf32>, vector<16xi32> -> vector<16xf32>
      %get3A_2155 = arith.index_cast %scan3A_2127 : i32 to index
      %get3A_2156 = arith.constant 0 : index
      %get3A_2157 = tpu.vector_load %arg18[%get3A_2155, %get3A_2156] {strides = array<i32>} : memref<96x256xf32, #tpu.memory_space<vmem>>, vector<1x16xf32>,
      %get3A_2158 = vector.shape_cast %get3A_2157 : vector<1x16xf32> to vector<16xf32>
      %mul3A_2159 = arith.mulf %get3A_2158, %gather3A_2133 : vector<16xf32>
      %get3A_2160 = arith.index_cast %scan3A_2127 : i32 to index
      %get3A_2161 = arith.constant 0 : index
      %get3A_2162 = tpu.vector_load %arg19[%get3A_2160, %get3A_2161] {strides = array<i32>} : memref<96x256xf32, #tpu.memory_space<vmem>>, vector<1x16xf32>,
      %get3A_2163 = vector.shape_cast %get3A_2162 : vector<1x16xf32> to vector<16xf32>
      %mul3A_2164 = arith.mulf %get3A_2163, %gather3A_2140 : vector<16xf32>
      %add3A_2165 = arith.addf %mul3A_2159, %mul3A_2164 : vector<16xf32>
      %get3A_2166 = arith.index_cast %scan3A_2127 : i32 to index
      %get3A_2167 = arith.constant 0 : index
      %get3A_2168 = tpu.vector_load %arg20[%get3A_2166, %get3A_2167] {strides = array<i32>} : memref<96x256xf32, #tpu.memory_space<vmem>>, vector<1x16xf32>,
      %get3A_2169 = vector.shape_cast %get3A_2168 : vector<1x16xf32> to vector<16xf32>
      %mul3A_2170 = arith.mulf %get3A_2169, %gather3A_2147 : vector<16xf32>
      %add3A_2171 = arith.addf %add3A_2165, %mul3A_2170 : vector<16xf32>
      %get3A_2172 = arith.index_cast %scan3A_2127 : i32 to index
      %get3A_2173 = arith.constant 0 : index
      %get3A_2174 = tpu.vector_load %arg21[%get3A_2172, %get3A_2173] {strides = array<i32>} : memref<96x256xf32, #tpu.memory_space<vmem>>, vector<1x16xf32>,
      %get3A_2175 = vector.shape_cast %get3A_2174 : vector<1x16xf32> to vector<16xf32>
      %mul3A_2176 = arith.mulf %get3A_2175, %gather3A_2154 : vector<16xf32>
      %add3A_2177 = arith.addf %add3A_2171, %mul3A_2176 : vector<16xf32>
      %swap3A_2178 = arith.index_cast %scan3A_2127 : i32 to index
      %swap3A_2179 = arith.constant 0 : index
      %swap3A_2180 = tpu.vector_load %arg22[%swap3A_2178, %swap3A_2179] {strides = array<i32>} : memref<96x256xf32, #tpu.memory_space<vmem>>, vector<1x16xf32>,
      %swap3A_2181 = vector.shape_cast %swap3A_2180 : vector<1x16xf32> to vector<16xf32>
      %swap3A_2182 = vector.shape_cast %add3A_2177 : vector<16xf32> to vector<1x16xf32>
      tpu.vector_store %arg22[%swap3A_2178, %swap3A_2179], %swap3A_2182 {strides = array<i32>} : memref<96x256xf32, #tpu.memory_space<vmem>>, vector<1x16xf32>,
      %get3A_2183 = arith.index_cast %scan3A_2127 : i32 to index
      %get3A_2184 = arith.constant 16 : index
      %get3A_2185 = tpu.vector_load %arg18[%get3A_2183, %get3A_2184] {strides = array<i32>} : memref<96x256xf32, #tpu.memory_space<vmem>>, vector<1x16xf32>,
      %get3A_2186 = vector.shape_cast %get3A_2185 : vector<1x16xf32> to vector<16xf32>
      %mul3A_2187 = arith.mulf %get3A_2186, %gather3A_2133 : vector<16xf32>
      %get3A_2188 = arith.index_cast %scan3A_2127 : i32 to index
      %get3A_2189 = arith.constant 16 : index
      %get3A_2190 = tpu.vector_load %arg19[%get3A_2188, %get3A_2189] {strides = array<i32>} : memref<96x256xf32, #tpu.memory_space<vmem>>, vector<1x16xf32>,
      %get3A_2191 = vector.shape_cast %get3A_2190 : vector<1x16xf32> to vector<16xf32>
      %mul3A_2192 = arith.mulf %get3A_2191, %gather3A_2140 : vector<16xf32>
      %add3A_2193 = arith.addf %mul3A_2187, %mul3A_2192 : vector<16xf32>
      %get3A_2194 = arith.index_cast %scan3A_2127 : i32 to index
      %get3A_2195 = arith.constant 16 : index
      %get3A_2196 = tpu.vector_load %arg20[%get3A_2194, %get3A_2195] {strides = array<i32>} : memref<96x256xf32, #tpu.memory_space<vmem>>, vector<1x16xf32>,
      %get3A_2197 = vector.shape_cast %get3A_2196 : vector<1x16xf32> to vector<16xf32>
      %mul3A_2198 = arith.mulf %get3A_2197, %gather3A_2147 : vector<16xf32>
      %add3A_2199 = arith.addf %add3A_2193, %mul3A_2198 : vector<16xf32>
      %get3A_2200 = arith.index_cast %scan3A_2127 : i32 to index
      %get3A_2201 = arith.constant 16 : index
      %get3A_2202 = tpu.vector_load %arg21[%get3A_2200, %get3A_2201] {strides = array<i32>} : memref<96x256xf32, #tpu.memory_space<vmem>>, vector<1x16xf32>,
      %get3A_2203 = vector.shape_cast %get3A_2202 : vector<1x16xf32> to vector<16xf32>
      %mul3A_2204 = arith.mulf %get3A_2203, %gather3A_2154 : vector<16xf32>
      %add3A_2205 = arith.addf %add3A_2199, %mul3A_2204 : vector<16xf32>
      %swap3A_2206 = arith.index_cast %scan3A_2127 : i32 to index
      %swap3A_2207 = arith.constant 16 : index
      %swap3A_2208 = tpu.vector_load %arg22[%swap3A_2206, %swap3A_2207] {strides = array<i32>} : memref<96x256xf32, #tpu.memory_space<vmem>>, vector<1x16xf32>,
      %swap3A_2209 = vector.shape_cast %swap3A_2208 : vector<1x16xf32> to vector<16xf32>
      %swap3A_2210 = vector.shape_cast %add3A_2205 : vector<16xf32> to vector<1x16xf32>
      tpu.vector_store %arg22[%swap3A_2206, %swap3A_2207], %swap3A_2210 {strides = array<i32>} : memref<96x256xf32, #tpu.memory_space<vmem>>, vector<1x16xf32>,
      %get3A_2211 = arith.index_cast %scan3A_2127 : i32 to index
      %get3A_2212 = arith.constant 32 : index
      %get3A_2213 = tpu.vector_load %arg18[%get3A_2211, %get3A_2212] {strides = array<i32>} : memref<96x256xf32, #tpu.memory_space<vmem>>, vector<1x16xf32>,
      %get3A_2214 = vector.shape_cast %get3A_2213 : vector<1x16xf32> to vector<16xf32>
      %mul3A_2215 = arith.mulf %get3A_2214, %gather3A_2133 : vector<16xf32>
      %get3A_2216 = arith.index_cast %scan3A_2127 : i32 to index
      %get3A_2217 = arith.constant 32 : index
      %get3A_2218 = tpu.vector_load %arg19[%get3A_2216, %get3A_2217] {strides = array<i32>} : memref<96x256xf32, #tpu.memory_space<vmem>>, vector<1x16xf32>,
      %get3A_2219 = vector.shape_cast %get3A_2218 : vector<1x16xf32> to vector<16xf32>
      %mul3A_2220 = arith.mulf %get3A_2219, %gather3A_2140 : vector<16xf32>
      %add3A_2221 = arith.addf %mul3A_2215, %mul3A_2220 : vector<16xf32>
      %get3A_2222 = arith.index_cast %scan3A_2127 : i32 to index
      %get3A_2223 = arith.constant 32 : index
      %get3A_2224 = tpu.vector_load %arg20[%get3A_2222, %get3A_2223] {strides = array<i32>} : memref<96x256xf32, #tpu.memory_space<vmem>>, vector<1x16xf32>,
      %get3A_2225 = vector.shape_cast %get3A_2224 : vector<1x16xf32> to vector<16xf32>
      %mul3A_2226 = arith.mulf %get3A_2225, %gather3A_2147 : vector<16xf32>
      %add3A_2227 = arith.addf %add3A_2221, %mul3A_2226 : vector<16xf32>
      %get3A_2228 = arith.index_cast %scan3A_2127 : i32 to index
      %get3A_2229 = arith.constant 32 : index
      %get3A_2230 = tpu.vector_load %arg21[%get3A_2228, %get3A_2229] {strides = array<i32>} : memref<96x256xf32, #tpu.memory_space<vmem>>, vector<1x16xf32>,
      %get3A_2231 = vector.shape_cast %get3A_2230 : vector<1x16xf32> to vector<16xf32>
      %mul3A_2232 = arith.mulf %get3A_2231, %gather3A_2154 : vector<16xf32>
      %add3A_2233 = arith.addf %add3A_2227, %mul3A_2232 : vector<16xf32>
      %swap3A_2234 = arith.index_cast %scan3A_2127 : i32 to index
      %swap3A_2235 = arith.constant 32 : index
      %swap3A_2236 = tpu.vector_load %arg22[%swap3A_2234, %swap3A_2235] {strides = array<i32>} : memref<96x256xf32, #tpu.memory_space<vmem>>, vector<1x16xf32>,
      %swap3A_2237 = vector.shape_cast %swap3A_2236 : vector<1x16xf32> to vector<16xf32>
      %swap3A_2238 = vector.shape_cast %add3A_2233 : vector<16xf32> to vector<1x16xf32>
      tpu.vector_store %arg22[%swap3A_2234, %swap3A_2235], %swap3A_2238 {strides = array<i32>} : memref<96x256xf32, #tpu.memory_space<vmem>>, vector<1x16xf32>,
      %get3A_2239 = arith.index_cast %scan3A_2127 : i32 to index
      %get3A_2240 = arith.constant 48 : index
      %get3A_2241 = tpu.vector_load %arg18[%get3A_2239, %get3A_2240] {strides = array<i32>} : memref<96x256xf32, #tpu.memory_space<vmem>>, vector<1x16xf32>,
      %get3A_2242 = vector.shape_cast %get3A_2241 : vector<1x16xf32> to vector<16xf32>
      %mul3A_2243 = arith.mulf %get3A_2242, %gather3A_2133 : vector<16xf32>
      %get3A_2244 = arith.index_cast %scan3A_2127 : i32 to index
      %get3A_2245 = arith.constant 48 : index
      %get3A_2246 = tpu.vector_load %arg19[%get3A_2244, %get3A_2245] {strides = array<i32>} : memref<96x256xf32, #tpu.memory_space<vmem>>, vector<1x16xf32>,
      %get3A_2247 = vector.shape_cast %get3A_2246 : vector<1x16xf32> to vector<16xf32>
      %mul3A_2248 = arith.mulf %get3A_2247, %gather3A_2140 : vector<16xf32>
      %add3A_2249 = arith.addf %mul3A_2243, %mul3A_2248 : vector<16xf32>
      %get3A_2250 = arith.index_cast %scan3A_2127 : i32 to index
      %get3A_2251 = arith.constant 48 : index
      %get3A_2252 = tpu.vector_load %arg20[%get3A_2250, %get3A_2251] {strides = array<i32>} : memref<96x256xf32, #tpu.memory_space<vmem>>, vector<1x16xf32>,
      %get3A_2253 = vector.shape_cast %get3A_2252 : vector<1x16xf32> to vector<16xf32>
      %mul3A_2254 = arith.mulf %get3A_2253, %gather3A_2147 : vector<16xf32>
      %add3A_2255 = arith.addf %add3A_2249, %mul3A_2254 : vector<16xf32>
      %get3A_2256 = arith.index_cast %scan3A_2127 : i32 to index
      %get3A_2257 = arith.constant 48 : index
      %get3A_2258 = tpu.vector_load %arg21[%get3A_2256, %get3A_2257] {strides = array<i32>} : memref<96x256xf32, #tpu.memory_space<vmem>>, vector<1x16xf32>,
      %get3A_2259 = vector.shape_cast %get3A_2258 : vector<1x16xf32> to vector<16xf32>
      %mul3A_2260 = arith.mulf %get3A_2259, %gather3A_2154 : vector<16xf32>
      %add3A_2261 = arith.addf %add3A_2255, %mul3A_2260 : vector<16xf32>
      %swap3A_2262 = arith.index_cast %scan3A_2127 : i32 to index
      %swap3A_2263 = arith.constant 48 : index
      %swap3A_2264 = tpu.vector_load %arg22[%swap3A_2262, %swap3A_2263] {strides = array<i32>} : memref<96x256xf32, #tpu.memory_space<vmem>>, vector<1x16xf32>,
      %swap3A_2265 = vector.shape_cast %swap3A_2264 : vector<1x16xf32> to vector<16xf32>
      %swap3A_2266 = vector.shape_cast %add3A_2261 : vector<16xf32> to vector<1x16xf32>
      tpu.vector_store %arg22[%swap3A_2262, %swap3A_2263], %swap3A_2266 {strides = array<i32>} : memref<96x256xf32, #tpu.memory_space<vmem>>, vector<1x16xf32>,
      %get3A_2267 = arith.index_cast %scan3A_2127 : i32 to index
      %get3A_2268 = arith.constant 64 : index
      %get3A_2269 = tpu.vector_load %arg18[%get3A_2267, %get3A_2268] {strides = array<i32>} : memref<96x256xf32, #tpu.memory_space<vmem>>, vector<1x16xf32>,
      %get3A_2270 = vector.shape_cast %get3A_2269 : vector<1x16xf32> to vector<16xf32>
      %mul3A_2271 = arith.mulf %get3A_2270, %gather3A_2133 : vector<16xf32>
      %get3A_2272 = arith.index_cast %scan3A_2127 : i32 to index
      %get3A_2273 = arith.constant 64 : index
      %get3A_2274 = tpu.vector_load %arg19[%get3A_2272, %get3A_2273] {strides = array<i32>} : memref<96x256xf32, #tpu.memory_space<vmem>>, vector<1x16xf32>,
      %get3A_2275 = vector.shape_cast %get3A_2274 : vector<1x16xf32> to vector<16xf32>
      %mul3A_2276 = arith.mulf %get3A_2275, %gather3A_2140 : vector<16xf32>
      %add3A_2277 = arith.addf %mul3A_2271, %mul3A_2276 : vector<16xf32>
      %get3A_2278 = arith.index_cast %scan3A_2127 : i32 to index
      %get3A_2279 = arith.constant 64 : index
      %get3A_2280 = tpu.vector_load %arg20[%get3A_2278, %get3A_2279] {strides = array<i32>} : memref<96x256xf32, #tpu.memory_space<vmem>>, vector<1x16xf32>,
      %get3A_2281 = vector.shape_cast %get3A_2280 : vector<1x16xf32> to vector<16xf32>
      %mul3A_2282 = arith.mulf %get3A_2281, %gather3A_2147 : vector<16xf32>
      %add3A_2283 = arith.addf %add3A_2277, %mul3A_2282 : vector<16xf32>
      %get3A_2284 = arith.index_cast %scan3A_2127 : i32 to index
      %get3A_2285 = arith.constant 64 : index
      %get3A_2286 = tpu.vector_load %arg21[%get3A_2284, %get3A_2285] {strides = array<i32>} : memref<96x256xf32, #tpu.memory_space<vmem>>, vector<1x16xf32>,
      %get3A_2287 = vector.shape_cast %get3A_2286 : vector<1x16xf32> to vector<16xf32>
      %mul3A_2288 = arith.mulf %get3A_2287, %gather3A_2154 : vector<16xf32>
      %add3A_2289 = arith.addf %add3A_2283, %mul3A_2288 : vector<16xf32>
      %swap3A_2290 = arith.index_cast %scan3A_2127 : i32 to index
      %swap3A_2291 = arith.constant 64 : index
      %swap3A_2292 = tpu.vector_load %arg22[%swap3A_2290, %swap3A_2291] {strides = array<i32>} : memref<96x256xf32, #tpu.memory_space<vmem>>, vector<1x16xf32>,
      %swap3A_2293 = vector.shape_cast %swap3A_2292 : vector<1x16xf32> to vector<16xf32>
      %swap3A_2294 = vector.shape_cast %add3A_2289 : vector<16xf32> to vector<1x16xf32>
      tpu.vector_store %arg22[%swap3A_2290, %swap3A_2291], %swap3A_2294 {strides = array<i32>} : memref<96x256xf32, #tpu.memory_space<vmem>>, vector<1x16xf32>,
      %get3A_2295 = arith.index_cast %scan3A_2127 : i32 to index
      %get3A_2296 = arith.constant 80 : index
      %get3A_2297 = tpu.vector_load %arg18[%get3A_2295, %get3A_2296] {strides = array<i32>} : memref<96x256xf32, #tpu.memory_space<vmem>>, vector<1x16xf32>,
      %get3A_2298 = vector.shape_cast %get3A_2297 : vector<1x16xf32> to vector<16xf32>
      %mul3A_2299 = arith.mulf %get3A_2298, %gather3A_2133 : vector<16xf32>
      %get3A_2300 = arith.index_cast %scan3A_2127 : i32 to index
      %get3A_2301 = arith.constant 80 : index
      %get3A_2302 = tpu.vector_load %arg19[%get3A_2300, %get3A_2301] {strides = array<i32>} : memref<96x256xf32, #tpu.memory_space<vmem>>, vector<1x16xf32>,
      %get3A_2303 = vector.shape_cast %get3A_2302 : vector<1x16xf32> to vector<16xf32>
      %mul3A_2304 = arith.mulf %get3A_2303, %gather3A_2140 : vector<16xf32>
      %add3A_2305 = arith.addf %mul3A_2299, %mul3A_2304 : vector<16xf32>
      %get3A_2306 = arith.index_cast %scan3A_2127 : i32 to index
      %get3A_2307 = arith.constant 80 : index
      %get3A_2308 = tpu.vector_load %arg20[%get3A_2306, %get3A_2307] {strides = array<i32>} : memref<96x256xf32, #tpu.memory_space<vmem>>, vector<1x16xf32>,
      %get3A_2309 = vector.shape_cast %get3A_2308 : vector<1x16xf32> to vector<16xf32>
      %mul3A_2310 = arith.mulf %get3A_2309, %gather3A_2147 : vector<16xf32>
      %add3A_2311 = arith.addf %add3A_2305, %mul3A_2310 : vector<16xf32>
      %get3A_2312 = arith.index_cast %scan3A_2127 : i32 to index
      %get3A_2313 = arith.constant 80 : index
      %get3A_2314 = tpu.vector_load %arg21[%get3A_2312, %get3A_2313] {strides = array<i32>} : memref<96x256xf32, #tpu.memory_space<vmem>>, vector<1x16xf32>,
      %get3A_2315 = vector.shape_cast %get3A_2314 : vector<1x16xf32> to vector<16xf32>
      %mul3A_2316 = arith.mulf %get3A_2315, %gather3A_2154 : vector<16xf32>
      %add3A_2317 = arith.addf %add3A_2311, %mul3A_2316 : vector<16xf32>
      %swap3A_2318 = arith.index_cast %scan3A_2127 : i32 to index
      %swap3A_2319 = arith.constant 80 : index
      %swap3A_2320 = tpu.vector_load %arg22[%swap3A_2318, %swap3A_2319] {strides = array<i32>} : memref<96x256xf32, #tpu.memory_space<vmem>>, vector<1x16xf32>,
      %swap3A_2321 = vector.shape_cast %swap3A_2320 : vector<1x16xf32> to vector<16xf32>
      %swap3A_2322 = vector.shape_cast %add3A_2317 : vector<16xf32> to vector<1x16xf32>
      tpu.vector_store %arg22[%swap3A_2318, %swap3A_2319], %swap3A_2322 {strides = array<i32>} : memref<96x256xf32, #tpu.memory_space<vmem>>, vector<1x16xf32>,
      %get3A_2323 = arith.index_cast %scan3A_2127 : i32 to index
      %get3A_2324 = arith.constant 96 : index
      %get3A_2325 = tpu.vector_load %arg18[%get3A_2323, %get3A_2324] {strides = array<i32>} : memref<96x256xf32, #tpu.memory_space<vmem>>, vector<1x16xf32>,
      %get3A_2326 = vector.shape_cast %get3A_2325 : vector<1x16xf32> to vector<16xf32>
      %mul3A_2327 = arith.mulf %get3A_2326, %gather3A_2133 : vector<16xf32>
      %get3A_2328 = arith.index_cast %scan3A_2127 : i32 to index
      %get3A_2329 = arith.constant 96 : index
      %get3A_2330 = tpu.vector_load %arg19[%get3A_2328, %get3A_2329] {strides = array<i32>} : memref<96x256xf32, #tpu.memory_space<vmem>>, vector<1x16xf32>,
      %get3A_2331 = vector.shape_cast %get3A_2330 : vector<1x16xf32> to vector<16xf32>
      %mul3A_2332 = arith.mulf %get3A_2331, %gather3A_2140 : vector<16xf32>
      %add3A_2333 = arith.addf %mul3A_2327, %mul3A_2332 : vector<16xf32>
      %get3A_2334 = arith.index_cast %scan3A_2127 : i32 to index
      %get3A_2335 = arith.constant 96 : index
      %get3A_2336 = tpu.vector_load %arg20[%get3A_2334, %get3A_2335] {strides = array<i32>} : memref<96x256xf32, #tpu.memory_space<vmem>>, vector<1x16xf32>,
      %get3A_2337 = vector.shape_cast %get3A_2336 : vector<1x16xf32> to vector<16xf32>
      %mul3A_2338 = arith.mulf %get3A_2337, %gather3A_2147 : vector<16xf32>
      %add3A_2339 = arith.addf %add3A_2333, %mul3A_2338 : vector<16xf32>
      %get3A_2340 = arith.index_cast %scan3A_2127 : i32 to index
      %get3A_2341 = arith.constant 96 : index
      %get3A_2342 = tpu.vector_load %arg21[%get3A_2340, %get3A_2341] {strides = array<i32>} : memref<96x256xf32, #tpu.memory_space<vmem>>, vector<1x16xf32>,
      %get3A_2343 = vector.shape_cast %get3A_2342 : vector<1x16xf32> to vector<16xf32>
      %mul3A_2344 = arith.mulf %get3A_2343, %gather3A_2154 : vector<16xf32>
      %add3A_2345 = arith.addf %add3A_2339, %mul3A_2344 : vector<16xf32>
      %swap3A_2346 = arith.index_cast %scan3A_2127 : i32 to index
      %swap3A_2347 = arith.constant 96 : index
      %swap3A_2348 = tpu.vector_load %arg22[%swap3A_2346, %swap3A_2347] {strides = array<i32>} : memref<96x256xf32, #tpu.memory_space<vmem>>, vector<1x16xf32>,
      %swap3A_2349 = vector.shape_cast %swap3A_2348 : vector<1x16xf32> to vector<16xf32>
      %swap3A_2350 = vector.shape_cast %add3A_2345 : vector<16xf32> to vector<1x16xf32>
      tpu.vector_store %arg22[%swap3A_2346, %swap3A_2347], %swap3A_2350 {strides = array<i32>} : memref<96x256xf32, #tpu.memory_space<vmem>>, vector<1x16xf32>,
      %get3A_2351 = arith.index_cast %scan3A_2127 : i32 to index
      %get3A_2352 = arith.constant 112 : index
      %get3A_2353 = tpu.vector_load %arg18[%get3A_2351, %get3A_2352] {strides = array<i32>} : memref<96x256xf32, #tpu.memory_space<vmem>>, vector<1x16xf32>,
      %get3A_2354 = vector.shape_cast %get3A_2353 : vector<1x16xf32> to vector<16xf32>
      %mul3A_2355 = arith.mulf %get3A_2354, %gather3A_2133 : vector<16xf32>
      %get3A_2356 = arith.index_cast %scan3A_2127 : i32 to index
      %get3A_2357 = arith.constant 112 : index
      %get3A_2358 = tpu.vector_load %arg19[%get3A_2356, %get3A_2357] {strides = array<i32>} : memref<96x256xf32, #tpu.memory_space<vmem>>, vector<1x16xf32>,
      %get3A_2359 = vector.shape_cast %get3A_2358 : vector<1x16xf32> to vector<16xf32>
      %mul3A_2360 = arith.mulf %get3A_2359, %gather3A_2140 : vector<16xf32>
      %add3A_2361 = arith.addf %mul3A_2355, %mul3A_2360 : vector<16xf32>
      %get3A_2362 = arith.index_cast %scan3A_2127 : i32 to index
      %get3A_2363 = arith.constant 112 : index
      %get3A_2364 = tpu.vector_load %arg20[%get3A_2362, %get3A_2363] {strides = array<i32>} : memref<96x256xf32, #tpu.memory_space<vmem>>, vector<1x16xf32>,
      %get3A_2365 = vector.shape_cast %get3A_2364 : vector<1x16xf32> to vector<16xf32>
      %mul3A_2366 = arith.mulf %get3A_2365, %gather3A_2147 : vector<16xf32>
      %add3A_2367 = arith.addf %add3A_2361, %mul3A_2366 : vector<16xf32>
      %get3A_2368 = arith.index_cast %scan3A_2127 : i32 to index
      %get3A_2369 = arith.constant 112 : index
      %get3A_2370 = tpu.vector_load %arg21[%get3A_2368, %get3A_2369] {strides = array<i32>} : memref<96x256xf32, #tpu.memory_space<vmem>>, vector<1x16xf32>,
      %get3A_2371 = vector.shape_cast %get3A_2370 : vector<1x16xf32> to vector<16xf32>
      %mul3A_2372 = arith.mulf %get3A_2371, %gather3A_2154 : vector<16xf32>
      %add3A_2373 = arith.addf %add3A_2367, %mul3A_2372 : vector<16xf32>
      %swap3A_2374 = arith.index_cast %scan3A_2127 : i32 to index
      %swap3A_2375 = arith.constant 112 : index
      %swap3A_2376 = tpu.vector_load %arg22[%swap3A_2374, %swap3A_2375] {strides = array<i32>} : memref<96x256xf32, #tpu.memory_space<vmem>>, vector<1x16xf32>,
      %swap3A_2377 = vector.shape_cast %swap3A_2376 : vector<1x16xf32> to vector<16xf32>
      %swap3A_2378 = vector.shape_cast %add3A_2373 : vector<16xf32> to vector<1x16xf32>
      tpu.vector_store %arg22[%swap3A_2374, %swap3A_2375], %swap3A_2378 {strides = array<i32>} : memref<96x256xf32, #tpu.memory_space<vmem>>, vector<1x16xf32>,
      %get3A_2379 = arith.index_cast %scan3A_2127 : i32 to index
      %get3A_2380 = arith.constant 128 : index
      %get3A_2381 = tpu.vector_load %arg18[%get3A_2379, %get3A_2380] {strides = array<i32>} : memref<96x256xf32, #tpu.memory_space<vmem>>, vector<1x16xf32>,
      %get3A_2382 = vector.shape_cast %get3A_2381 : vector<1x16xf32> to vector<16xf32>
      %mul3A_2383 = arith.mulf %get3A_2382, %gather3A_2133 : vector<16xf32>
      %get3A_2384 = arith.index_cast %scan3A_2127 : i32 to index
      %get3A_2385 = arith.constant 128 : index
      %get3A_2386 = tpu.vector_load %arg19[%get3A_2384, %get3A_2385] {strides = array<i32>} : memref<96x256xf32, #tpu.memory_space<vmem>>, vector<1x16xf32>,
      %get3A_2387 = vector.shape_cast %get3A_2386 : vector<1x16xf32> to vector<16xf32>
      %mul3A_2388 = arith.mulf %get3A_2387, %gather3A_2140 : vector<16xf32>
      %add3A_2389 = arith.addf %mul3A_2383, %mul3A_2388 : vector<16xf32>
      %get3A_2390 = arith.index_cast %scan3A_2127 : i32 to index
      %get3A_2391 = arith.constant 128 : index
      %get3A_2392 = tpu.vector_load %arg20[%get3A_2390, %get3A_2391] {strides = array<i32>} : memref<96x256xf32, #tpu.memory_space<vmem>>, vector<1x16xf32>,
      %get3A_2393 = vector.shape_cast %get3A_2392 : vector<1x16xf32> to vector<16xf32>
      %mul3A_2394 = arith.mulf %get3A_2393, %gather3A_2147 : vector<16xf32>
      %add3A_2395 = arith.addf %add3A_2389, %mul3A_2394 : vector<16xf32>
      %get3A_2396 = arith.index_cast %scan3A_2127 : i32 to index
      %get3A_2397 = arith.constant 128 : index
      %get3A_2398 = tpu.vector_load %arg21[%get3A_2396, %get3A_2397] {strides = array<i32>} : memref<96x256xf32, #tpu.memory_space<vmem>>, vector<1x16xf32>,
      %get3A_2399 = vector.shape_cast %get3A_2398 : vector<1x16xf32> to vector<16xf32>
      %mul3A_2400 = arith.mulf %get3A_2399, %gather3A_2154 : vector<16xf32>
      %add3A_2401 = arith.addf %add3A_2395, %mul3A_2400 : vector<16xf32>
      %swap3A_2402 = arith.index_cast %scan3A_2127 : i32 to index
      %swap3A_2403 = arith.constant 128 : index
      %swap3A_2404 = tpu.vector_load %arg22[%swap3A_2402, %swap3A_2403] {strides = array<i32>} : memref<96x256xf32, #tpu.memory_space<vmem>>, vector<1x16xf32>,
      %swap3A_2405 = vector.shape_cast %swap3A_2404 : vector<1x16xf32> to vector<16xf32>
      %swap3A_2406 = vector.shape_cast %add3A_2401 : vector<16xf32> to vector<1x16xf32>
      tpu.vector_store %arg22[%swap3A_2402, %swap3A_2403], %swap3A_2406 {strides = array<i32>} : memref<96x256xf32, #tpu.memory_space<vmem>>, vector<1x16xf32>,
      %get3A_2407 = arith.index_cast %scan3A_2127 : i32 to index
      %get3A_2408 = arith.constant 144 : index
      %get3A_2409 = tpu.vector_load %arg18[%get3A_2407, %get3A_2408] {strides = array<i32>} : memref<96x256xf32, #tpu.memory_space<vmem>>, vector<1x16xf32>,
      %get3A_2410 = vector.shape_cast %get3A_2409 : vector<1x16xf32> to vector<16xf32>
      %mul3A_2411 = arith.mulf %get3A_2410, %gather3A_2133 : vector<16xf32>
      %get3A_2412 = arith.index_cast %scan3A_2127 : i32 to index
      %get3A_2413 = arith.constant 144 : index
      %get3A_2414 = tpu.vector_load %arg19[%get3A_2412, %get3A_2413] {strides = array<i32>} : memref<96x256xf32, #tpu.memory_space<vmem>>, vector<1x16xf32>,
      %get3A_2415 = vector.shape_cast %get3A_2414 : vector<1x16xf32> to vector<16xf32>
      %mul3A_2416 = arith.mulf %get3A_2415, %gather3A_2140 : vector<16xf32>
      %add3A_2417 = arith.addf %mul3A_2411, %mul3A_2416 : vector<16xf32>
      %get3A_2418 = arith.index_cast %scan3A_2127 : i32 to index
      %get3A_2419 = arith.constant 144 : index
      %get3A_2420 = tpu.vector_load %arg20[%get3A_2418, %get3A_2419] {strides = array<i32>} : memref<96x256xf32, #tpu.memory_space<vmem>>, vector<1x16xf32>,
      %get3A_2421 = vector.shape_cast %get3A_2420 : vector<1x16xf32> to vector<16xf32>
      %mul3A_2422 = arith.mulf %get3A_2421, %gather3A_2147 : vector<16xf32>
      %add3A_2423 = arith.addf %add3A_2417, %mul3A_2422 : vector<16xf32>
      %get3A_2424 = arith.index_cast %scan3A_2127 : i32 to index
      %get3A_2425 = arith.constant 144 : index
      %get3A_2426 = tpu.vector_load %arg21[%get3A_2424, %get3A_2425] {strides = array<i32>} : memref<96x256xf32, #tpu.memory_space<vmem>>, vector<1x16xf32>,
      %get3A_2427 = vector.shape_cast %get3A_2426 : vector<1x16xf32> to vector<16xf32>
      %mul3A_2428 = arith.mulf %get3A_2427, %gather3A_2154 : vector<16xf32>
      %add3A_2429 = arith.addf %add3A_2423, %mul3A_2428 : vector<16xf32>
      %swap3A_2430 = arith.index_cast %scan3A_2127 : i32 to index
      %swap3A_2431 = arith.constant 144 : index
      %swap3A_2432 = tpu.vector_load %arg22[%swap3A_2430, %swap3A_2431] {strides = array<i32>} : memref<96x256xf32, #tpu.memory_space<vmem>>, vector<1x16xf32>,
      %swap3A_2433 = vector.shape_cast %swap3A_2432 : vector<1x16xf32> to vector<16xf32>
      %swap3A_2434 = vector.shape_cast %add3A_2429 : vector<16xf32> to vector<1x16xf32>
      tpu.vector_store %arg22[%swap3A_2430, %swap3A_2431], %swap3A_2434 {strides = array<i32>} : memref<96x256xf32, #tpu.memory_space<vmem>>, vector<1x16xf32>,
      %get3A_2435 = arith.index_cast %scan3A_2127 : i32 to index
      %get3A_2436 = arith.constant 160 : index
      %get3A_2437 = tpu.vector_load %arg18[%get3A_2435, %get3A_2436] {strides = array<i32>} : memref<96x256xf32, #tpu.memory_space<vmem>>, vector<1x16xf32>,
      %get3A_2438 = vector.shape_cast %get3A_2437 : vector<1x16xf32> to vector<16xf32>
      %mul3A_2439 = arith.mulf %get3A_2438, %gather3A_2133 : vector<16xf32>
      %get3A_2440 = arith.index_cast %scan3A_2127 : i32 to index
      %get3A_2441 = arith.constant 160 : index
      %get3A_2442 = tpu.vector_load %arg19[%get3A_2440, %get3A_2441] {strides = array<i32>} : memref<96x256xf32, #tpu.memory_space<vmem>>, vector<1x16xf32>,
      %get3A_2443 = vector.shape_cast %get3A_2442 : vector<1x16xf32> to vector<16xf32>
      %mul3A_2444 = arith.mulf %get3A_2443, %gather3A_2140 : vector<16xf32>
      %add3A_2445 = arith.addf %mul3A_2439, %mul3A_2444 : vector<16xf32>
      %get3A_2446 = arith.index_cast %scan3A_2127 : i32 to index
      %get3A_2447 = arith.constant 160 : index
      %get3A_2448 = tpu.vector_load %arg20[%get3A_2446, %get3A_2447] {strides = array<i32>} : memref<96x256xf32, #tpu.memory_space<vmem>>, vector<1x16xf32>,
      %get3A_2449 = vector.shape_cast %get3A_2448 : vector<1x16xf32> to vector<16xf32>
      %mul3A_2450 = arith.mulf %get3A_2449, %gather3A_2147 : vector<16xf32>
      %add3A_2451 = arith.addf %add3A_2445, %mul3A_2450 : vector<16xf32>
      %get3A_2452 = arith.index_cast %scan3A_2127 : i32 to index
      %get3A_2453 = arith.constant 160 : index
      %get3A_2454 = tpu.vector_load %arg21[%get3A_2452, %get3A_2453] {strides = array<i32>} : memref<96x256xf32, #tpu.memory_space<vmem>>, vector<1x16xf32>,
      %get3A_2455 = vector.shape_cast %get3A_2454 : vector<1x16xf32> to vector<16xf32>
      %mul3A_2456 = arith.mulf %get3A_2455, %gather3A_2154 : vector<16xf32>
      %add3A_2457 = arith.addf %add3A_2451, %mul3A_2456 : vector<16xf32>
      %swap3A_2458 = arith.index_cast %scan3A_2127 : i32 to index
      %swap3A_2459 = arith.constant 160 : index
      %swap3A_2460 = tpu.vector_load %arg22[%swap3A_2458, %swap3A_2459] {strides = array<i32>} : memref<96x256xf32, #tpu.memory_space<vmem>>, vector<1x16xf32>,
      %swap3A_2461 = vector.shape_cast %swap3A_2460 : vector<1x16xf32> to vector<16xf32>
      %swap3A_2462 = vector.shape_cast %add3A_2457 : vector<16xf32> to vector<1x16xf32>
      tpu.vector_store %arg22[%swap3A_2458, %swap3A_2459], %swap3A_2462 {strides = array<i32>} : memref<96x256xf32, #tpu.memory_space<vmem>>, vector<1x16xf32>,
      %get3A_2463 = arith.index_cast %scan3A_2127 : i32 to index
      %get3A_2464 = arith.constant 176 : index
      %get3A_2465 = tpu.vector_load %arg18[%get3A_2463, %get3A_2464] {strides = array<i32>} : memref<96x256xf32, #tpu.memory_space<vmem>>, vector<1x16xf32>,
      %get3A_2466 = vector.shape_cast %get3A_2465 : vector<1x16xf32> to vector<16xf32>
      %mul3A_2467 = arith.mulf %get3A_2466, %gather3A_2133 : vector<16xf32>
      %get3A_2468 = arith.index_cast %scan3A_2127 : i32 to index
      %get3A_2469 = arith.constant 176 : index
      %get3A_2470 = tpu.vector_load %arg19[%get3A_2468, %get3A_2469] {strides = array<i32>} : memref<96x256xf32, #tpu.memory_space<vmem>>, vector<1x16xf32>,
      %get3A_2471 = vector.shape_cast %get3A_2470 : vector<1x16xf32> to vector<16xf32>
      %mul3A_2472 = arith.mulf %get3A_2471, %gather3A_2140 : vector<16xf32>
      %add3A_2473 = arith.addf %mul3A_2467, %mul3A_2472 : vector<16xf32>
      %get3A_2474 = arith.index_cast %scan3A_2127 : i32 to index
      %get3A_2475 = arith.constant 176 : index
      %get3A_2476 = tpu.vector_load %arg20[%get3A_2474, %get3A_2475] {strides = array<i32>} : memref<96x256xf32, #tpu.memory_space<vmem>>, vector<1x16xf32>,
      %get3A_2477 = vector.shape_cast %get3A_2476 : vector<1x16xf32> to vector<16xf32>
      %mul3A_2478 = arith.mulf %get3A_2477, %gather3A_2147 : vector<16xf32>
      %add3A_2479 = arith.addf %add3A_2473, %mul3A_2478 : vector<16xf32>
      %get3A_2480 = arith.index_cast %scan3A_2127 : i32 to index
      %get3A_2481 = arith.constant 176 : index
      %get3A_2482 = tpu.vector_load %arg21[%get3A_2480, %get3A_2481] {strides = array<i32>} : memref<96x256xf32, #tpu.memory_space<vmem>>, vector<1x16xf32>,
      %get3A_2483 = vector.shape_cast %get3A_2482 : vector<1x16xf32> to vector<16xf32>
      %mul3A_2484 = arith.mulf %get3A_2483, %gather3A_2154 : vector<16xf32>
      %add3A_2485 = arith.addf %add3A_2479, %mul3A_2484 : vector<16xf32>
      %swap3A_2486 = arith.index_cast %scan3A_2127 : i32 to index
      %swap3A_2487 = arith.constant 176 : index
      %swap3A_2488 = tpu.vector_load %arg22[%swap3A_2486, %swap3A_2487] {strides = array<i32>} : memref<96x256xf32, #tpu.memory_space<vmem>>, vector<1x16xf32>,
      %swap3A_2489 = vector.shape_cast %swap3A_2488 : vector<1x16xf32> to vector<16xf32>
      %swap3A_2490 = vector.shape_cast %add3A_2485 : vector<16xf32> to vector<1x16xf32>
      tpu.vector_store %arg22[%swap3A_2486, %swap3A_2487], %swap3A_2490 {strides = array<i32>} : memref<96x256xf32, #tpu.memory_space<vmem>>, vector<1x16xf32>,
      %get3A_2491 = arith.index_cast %scan3A_2127 : i32 to index
      %get3A_2492 = arith.constant 192 : index
      %get3A_2493 = tpu.vector_load %arg18[%get3A_2491, %get3A_2492] {strides = array<i32>} : memref<96x256xf32, #tpu.memory_space<vmem>>, vector<1x16xf32>,
      %get3A_2494 = vector.shape_cast %get3A_2493 : vector<1x16xf32> to vector<16xf32>
      %mul3A_2495 = arith.mulf %get3A_2494, %gather3A_2133 : vector<16xf32>
      %get3A_2496 = arith.index_cast %scan3A_2127 : i32 to index
      %get3A_2497 = arith.constant 192 : index
      %get3A_2498 = tpu.vector_load %arg19[%get3A_2496, %get3A_2497] {strides = array<i32>} : memref<96x256xf32, #tpu.memory_space<vmem>>, vector<1x16xf32>,
      %get3A_2499 = vector.shape_cast %get3A_2498 : vector<1x16xf32> to vector<16xf32>
      %mul3A_2500 = arith.mulf %get3A_2499, %gather3A_2140 : vector<16xf32>
      %add3A_2501 = arith.addf %mul3A_2495, %mul3A_2500 : vector<16xf32>
      %get3A_2502 = arith.index_cast %scan3A_2127 : i32 to index
      %get3A_2503 = arith.constant 192 : index
      %get3A_2504 = tpu.vector_load %arg20[%get3A_2502, %get3A_2503] {strides = array<i32>} : memref<96x256xf32, #tpu.memory_space<vmem>>, vector<1x16xf32>,
      %get3A_2505 = vector.shape_cast %get3A_2504 : vector<1x16xf32> to vector<16xf32>
      %mul3A_2506 = arith.mulf %get3A_2505, %gather3A_2147 : vector<16xf32>
      %add3A_2507 = arith.addf %add3A_2501, %mul3A_2506 : vector<16xf32>
      %get3A_2508 = arith.index_cast %scan3A_2127 : i32 to index
      %get3A_2509 = arith.constant 192 : index
      %get3A_2510 = tpu.vector_load %arg21[%get3A_2508, %get3A_2509] {strides = array<i32>} : memref<96x256xf32, #tpu.memory_space<vmem>>, vector<1x16xf32>,
      %get3A_2511 = vector.shape_cast %get3A_2510 : vector<1x16xf32> to vector<16xf32>
      %mul3A_2512 = arith.mulf %get3A_2511, %gather3A_2154 : vector<16xf32>
      %add3A_2513 = arith.addf %add3A_2507, %mul3A_2512 : vector<16xf32>
      %swap3A_2514 = arith.index_cast %scan3A_2127 : i32 to index
      %swap3A_2515 = arith.constant 192 : index
      %swap3A_2516 = tpu.vector_load %arg22[%swap3A_2514, %swap3A_2515] {strides = array<i32>} : memref<96x256xf32, #tpu.memory_space<vmem>>, vector<1x16xf32>,
      %swap3A_2517 = vector.shape_cast %swap3A_2516 : vector<1x16xf32> to vector<16xf32>
      %swap3A_2518 = vector.shape_cast %add3A_2513 : vector<16xf32> to vector<1x16xf32>
      tpu.vector_store %arg22[%swap3A_2514, %swap3A_2515], %swap3A_2518 {strides = array<i32>} : memref<96x256xf32, #tpu.memory_space<vmem>>, vector<1x16xf32>,
      %get3A_2519 = arith.index_cast %scan3A_2127 : i32 to index
      %get3A_2520 = arith.constant 208 : index
      %get3A_2521 = tpu.vector_load %arg18[%get3A_2519, %get3A_2520] {strides = array<i32>} : memref<96x256xf32, #tpu.memory_space<vmem>>, vector<1x16xf32>,
      %get3A_2522 = vector.shape_cast %get3A_2521 : vector<1x16xf32> to vector<16xf32>
      %mul3A_2523 = arith.mulf %get3A_2522, %gather3A_2133 : vector<16xf32>
      %get3A_2524 = arith.index_cast %scan3A_2127 : i32 to index
      %get3A_2525 = arith.constant 208 : index
      %get3A_2526 = tpu.vector_load %arg19[%get3A_2524, %get3A_2525] {strides = array<i32>} : memref<96x256xf32, #tpu.memory_space<vmem>>, vector<1x16xf32>,
      %get3A_2527 = vector.shape_cast %get3A_2526 : vector<1x16xf32> to vector<16xf32>
      %mul3A_2528 = arith.mulf %get3A_2527, %gather3A_2140 : vector<16xf32>
      %add3A_2529 = arith.addf %mul3A_2523, %mul3A_2528 : vector<16xf32>
      %get3A_2530 = arith.index_cast %scan3A_2127 : i32 to index
      %get3A_2531 = arith.constant 208 : index
      %get3A_2532 = tpu.vector_load %arg20[%get3A_2530, %get3A_2531] {strides = array<i32>} : memref<96x256xf32, #tpu.memory_space<vmem>>, vector<1x16xf32>,
      %get3A_2533 = vector.shape_cast %get3A_2532 : vector<1x16xf32> to vector<16xf32>
      %mul3A_2534 = arith.mulf %get3A_2533, %gather3A_2147 : vector<16xf32>
      %add3A_2535 = arith.addf %add3A_2529, %mul3A_2534 : vector<16xf32>
      %get3A_2536 = arith.index_cast %scan3A_2127 : i32 to index
      %get3A_2537 = arith.constant 208 : index
      %get3A_2538 = tpu.vector_load %arg21[%get3A_2536, %get3A_2537] {strides = array<i32>} : memref<96x256xf32, #tpu.memory_space<vmem>>, vector<1x16xf32>,
      %get3A_2539 = vector.shape_cast %get3A_2538 : vector<1x16xf32> to vector<16xf32>
      %mul3A_2540 = arith.mulf %get3A_2539, %gather3A_2154 : vector<16xf32>
      %add3A_2541 = arith.addf %add3A_2535, %mul3A_2540 : vector<16xf32>
      %swap3A_2542 = arith.index_cast %scan3A_2127 : i32 to index
      %swap3A_2543 = arith.constant 208 : index
      %swap3A_2544 = tpu.vector_load %arg22[%swap3A_2542, %swap3A_2543] {strides = array<i32>} : memref<96x256xf32, #tpu.memory_space<vmem>>, vector<1x16xf32>,
      %swap3A_2545 = vector.shape_cast %swap3A_2544 : vector<1x16xf32> to vector<16xf32>
      %swap3A_2546 = vector.shape_cast %add3A_2541 : vector<16xf32> to vector<1x16xf32>
      tpu.vector_store %arg22[%swap3A_2542, %swap3A_2543], %swap3A_2546 {strides = array<i32>} : memref<96x256xf32, #tpu.memory_space<vmem>>, vector<1x16xf32>,
      %get3A_2547 = arith.index_cast %scan3A_2127 : i32 to index
      %get3A_2548 = arith.constant 224 : index
      %get3A_2549 = tpu.vector_load %arg18[%get3A_2547, %get3A_2548] {strides = array<i32>} : memref<96x256xf32, #tpu.memory_space<vmem>>, vector<1x16xf32>,
      %get3A_2550 = vector.shape_cast %get3A_2549 : vector<1x16xf32> to vector<16xf32>
      %mul3A_2551 = arith.mulf %get3A_2550, %gather3A_2133 : vector<16xf32>
      %get3A_2552 = arith.index_cast %scan3A_2127 : i32 to index
      %get3A_2553 = arith.constant 224 : index
      %get3A_2554 = tpu.vector_load %arg19[%get3A_2552, %get3A_2553] {strides = array<i32>} : memref<96x256xf32, #tpu.memory_space<vmem>>, vector<1x16xf32>,
      %get3A_2555 = vector.shape_cast %get3A_2554 : vector<1x16xf32> to vector<16xf32>
      %mul3A_2556 = arith.mulf %get3A_2555, %gather3A_2140 : vector<16xf32>
      %add3A_2557 = arith.addf %mul3A_2551, %mul3A_2556 : vector<16xf32>
      %get3A_2558 = arith.index_cast %scan3A_2127 : i32 to index
      %get3A_2559 = arith.constant 224 : index
      %get3A_2560 = tpu.vector_load %arg20[%get3A_2558, %get3A_2559] {strides = array<i32>} : memref<96x256xf32, #tpu.memory_space<vmem>>, vector<1x16xf32>,
      %get3A_2561 = vector.shape_cast %get3A_2560 : vector<1x16xf32> to vector<16xf32>
      %mul3A_2562 = arith.mulf %get3A_2561, %gather3A_2147 : vector<16xf32>
      %add3A_2563 = arith.addf %add3A_2557, %mul3A_2562 : vector<16xf32>
      %get3A_2564 = arith.index_cast %scan3A_2127 : i32 to index
      %get3A_2565 = arith.constant 224 : index
      %get3A_2566 = tpu.vector_load %arg21[%get3A_2564, %get3A_2565] {strides = array<i32>} : memref<96x256xf32, #tpu.memory_space<vmem>>, vector<1x16xf32>,
      %get3A_2567 = vector.shape_cast %get3A_2566 : vector<1x16xf32> to vector<16xf32>
      %mul3A_2568 = arith.mulf %get3A_2567, %gather3A_2154 : vector<16xf32>
      %add3A_2569 = arith.addf %add3A_2563, %mul3A_2568 : vector<16xf32>
      %swap3A_2570 = arith.index_cast %scan3A_2127 : i32 to index
      %swap3A_2571 = arith.constant 224 : index
      %swap3A_2572 = tpu.vector_load %arg22[%swap3A_2570, %swap3A_2571] {strides = array<i32>} : memref<96x256xf32, #tpu.memory_space<vmem>>, vector<1x16xf32>,
      %swap3A_2573 = vector.shape_cast %swap3A_2572 : vector<1x16xf32> to vector<16xf32>
      %swap3A_2574 = vector.shape_cast %add3A_2569 : vector<16xf32> to vector<1x16xf32>
      tpu.vector_store %arg22[%swap3A_2570, %swap3A_2571], %swap3A_2574 {strides = array<i32>} : memref<96x256xf32, #tpu.memory_space<vmem>>, vector<1x16xf32>,
      %get3A_2575 = arith.index_cast %scan3A_2127 : i32 to index
      %get3A_2576 = arith.constant 240 : index
      %get3A_2577 = tpu.vector_load %arg18[%get3A_2575, %get3A_2576] {strides = array<i32>} : memref<96x256xf32, #tpu.memory_space<vmem>>, vector<1x16xf32>,
      %get3A_2578 = vector.shape_cast %get3A_2577 : vector<1x16xf32> to vector<16xf32>
      %mul3A_2579 = arith.mulf %get3A_2578, %gather3A_2133 : vector<16xf32>
      %get3A_2580 = arith.index_cast %scan3A_2127 : i32 to index
      %get3A_2581 = arith.constant 240 : index
      %get3A_2582 = tpu.vector_load %arg19[%get3A_2580, %get3A_2581] {strides = array<i32>} : memref<96x256xf32, #tpu.memory_space<vmem>>, vector<1x16xf32>,
      %get3A_2583 = vector.shape_cast %get3A_2582 : vector<1x16xf32> to vector<16xf32>
      %mul3A_2584 = arith.mulf %get3A_2583, %gather3A_2140 : vector<16xf32>
      %add3A_2585 = arith.addf %mul3A_2579, %mul3A_2584 : vector<16xf32>
      %get3A_2586 = arith.index_cast %scan3A_2127 : i32 to index
      %get3A_2587 = arith.constant 240 : index
      %get3A_2588 = tpu.vector_load %arg20[%get3A_2586, %get3A_2587] {strides = array<i32>} : memref<96x256xf32, #tpu.memory_space<vmem>>, vector<1x16xf32>,
      %get3A_2589 = vector.shape_cast %get3A_2588 : vector<1x16xf32> to vector<16xf32>
      %mul3A_2590 = arith.mulf %get3A_2589, %gather3A_2147 : vector<16xf32>
      %add3A_2591 = arith.addf %add3A_2585, %mul3A_2590 : vector<16xf32>
      %get3A_2592 = arith.index_cast %scan3A_2127 : i32 to index
      %get3A_2593 = arith.constant 240 : index
      %get3A_2594 = tpu.vector_load %arg21[%get3A_2592, %get3A_2593] {strides = array<i32>} : memref<96x256xf32, #tpu.memory_space<vmem>>, vector<1x16xf32>,
      %get3A_2595 = vector.shape_cast %get3A_2594 : vector<1x16xf32> to vector<16xf32>
      %mul3A_2596 = arith.mulf %get3A_2595, %gather3A_2154 : vector<16xf32>
      %add3A_2597 = arith.addf %add3A_2591, %mul3A_2596 : vector<16xf32>
      %swap3A_2598 = arith.index_cast %scan3A_2127 : i32 to index
      %swap3A_2599 = arith.constant 240 : index
      %swap3A_2600 = tpu.vector_load %arg22[%swap3A_2598, %swap3A_2599] {strides = array<i32>} : memref<96x256xf32, #tpu.memory_space<vmem>>, vector<1x16xf32>,
      %swap3A_2601 = vector.shape_cast %swap3A_2600 : vector<1x16xf32> to vector<16xf32>
      %swap3A_2602 = vector.shape_cast %add3A_2597 : vector<16xf32> to vector<1x16xf32>
      tpu.vector_store %arg22[%swap3A_2598, %swap3A_2599], %swap3A_2602 {strides = array<i32>} : memref<96x256xf32, #tpu.memory_space<vmem>>, vector<1x16xf32>,
    }
    %scan3A_2124 = arith.constant 96 : i32
    %add3A_2125 = arith.constant 96 : i32
    %add3A_2126 = arith.addi %mul3A_2, %add3A_2125 : i32
    "tpu.region"() ({
      %run_scoped3A = tpu.sem_alloc : memref<!tpu.dma_semaphore, #tpu.memory_space<semaphore_mem>>
      %dma_start3A_2127 = arith.constant 0 : i32
      %dma_start3A_2128 = tpu.memref_slice %arg6[%add3A_2126, %dma_start3A_2127] : memref<6144x256xf32, #tpu.memory_space<hbm>> -> memref<96x256xf32, #tpu.memory_space<hbm>>
      %dma_start3A_2129 = arith.constant 0 : i32
      %dma_start3A_2130 = tpu.memref_slice %arg6[%add3A_2126, %dma_start3A_2129] : memref<6144x256xf32, #tpu.memory_space<hbm>> -> memref<96x256xf32, #tpu.memory_space<hbm>>
      tpu.enqueue_dma source(%arg22 : memref<96x256xf32, #tpu.memory_space<vmem>>) target(%dma_start3A_2130 : memref<96x256xf32, #tpu.memory_space<hbm>>) target_semaphore(%run_scoped3A : memref<!tpu.dma_semaphore, #tpu.memory_space<semaphore_mem>>)
      %dma_wait3A_2131 = arith.constant 0 : i32
      %dma_wait3A_2132 = tpu.memref_slice %arg6[%add3A_2126, %dma_wait3A_2131] : memref<6144x256xf32, #tpu.memory_space<hbm>> -> memref<96x256xf32, #tpu.memory_space<hbm>>
      %dma_wait3A_2133 = arith.constant 0 : i32
      %dma_wait3A_2134 = tpu.memref_slice %arg6[%add3A_2126, %dma_wait3A_2133] : memref<6144x256xf32, #tpu.memory_space<hbm>> -> memref<96x256xf32, #tpu.memory_space<hbm>>
      tpu.wait_dma2 semaphore(%run_scoped3A : memref<!tpu.dma_semaphore, #tpu.memory_space<semaphore_mem>>) src(%arg22 : memref<96x256xf32, #tpu.memory_space<vmem>>) dst(%dma_wait3A_2134 : memref<96x256xf32, #tpu.memory_space<hbm>>)
      tpu.yield
    }) : () -> ()
    return
  }
}

module attributes {stable_mosaic.version = 14 : i64} {
  func.func @_tc_body(%arg0: i32, %arg1: memref<6144x256xf32, #tpu.memory_space<vmem>>, %arg2: memref<256x128xf32, #tpu.memory_space<vmem>>, %arg3: memref<256x128xf32, #tpu.memory_space<vmem>>, %arg4: memref<1x128xf32, #tpu.memory_space<vmem>>, %arg5: memref<1x128xf32, #tpu.memory_space<vmem>>, %arg6: memref<1x128xf32, #tpu.memory_space<vmem>>, %arg7: memref<1x128xf32, #tpu.memory_space<vmem>>, %arg8: memref<128x128xf32, #tpu.memory_space<vmem>>, %arg9: memref<128x128xf32, #tpu.memory_space<vmem>>, %arg10: memref<1x128xf32, #tpu.memory_space<vmem>>, %arg11: memref<1x128xf32, #tpu.memory_space<vmem>>, %arg12: memref<2688x128xf32, #tpu.memory_space<vmem>>, %arg13: memref<2688x128xf32, #tpu.memory_space<vmem>>, %arg14: memref<2688x128xf32, #tpu.memory_space<vmem>>, %arg15: memref<2688x128xf32, #tpu.memory_space<vmem>>, %arg16: memref<8x128xf32, #tpu.memory_space<vmem>>) attributes {dimension_semantics = [#tpu.dimension_semantics<arbitrary>], iteration_bounds = array<i64: 2>, scalar_prefetch = 0 : i64, scratch_operands = 3 : i64, tpu.core_type = #tpu.core_type<tc>, window_params = [{pipeline_mode = #tpu.pipeline_mode<synchronous>, transform_indices = @transform_0, window_bounds = array<i64: 6144, 256>}, {pipeline_mode = #tpu.pipeline_mode<synchronous>, transform_indices = @transform_1, window_bounds = array<i64: 256, 128>}, {pipeline_mode = #tpu.pipeline_mode<synchronous>, transform_indices = @transform_2, window_bounds = array<i64: 256, 128>}, {pipeline_mode = #tpu.pipeline_mode<synchronous>, transform_indices = @transform_3, window_bounds = array<i64: 1, 128>}, {pipeline_mode = #tpu.pipeline_mode<synchronous>, transform_indices = @transform_4, window_bounds = array<i64: 1, 128>}, {pipeline_mode = #tpu.pipeline_mode<synchronous>, transform_indices = @transform_5, window_bounds = array<i64: 1, 128>}, {pipeline_mode = #tpu.pipeline_mode<synchronous>, transform_indices = @transform_6, window_bounds = array<i64: 1, 128>}, {pipeline_mode = #tpu.pipeline_mode<synchronous>, transform_indices = @transform_7, window_bounds = array<i64: 128, 128>}, {pipeline_mode = #tpu.pipeline_mode<synchronous>, transform_indices = @transform_8, window_bounds = array<i64: 128, 128>}, {pipeline_mode = #tpu.pipeline_mode<synchronous>, transform_indices = @transform_9, window_bounds = array<i64: 1, 128>}, {pipeline_mode = #tpu.pipeline_mode<synchronous>, transform_indices = @transform_10, window_bounds = array<i64: 1, 128>}, {pipeline_mode = #tpu.pipeline_mode<synchronous>, transform_indices = @transform_11, window_bounds = array<i64: 2688, 128>}, {pipeline_mode = #tpu.pipeline_mode<synchronous>, transform_indices = @transform_12, window_bounds = array<i64: 2688, 128>}]} {
    %eq3A = arith.constant 0 : i32
    %eq3A_0 = arith.cmpi eq, %arg0, %eq3A : i32
    %convert_element_type3A = arith.extui %eq3A_0 : i1 to i32
    %cond3A = arith.constant 0 : i32
    %cond3A_1 = arith.cmpi ne, %convert_element_type3A, %cond3A : i32
    scf.if %cond3A_1 {
      %get3A = arith.constant 0 : index
      %get3A_7 = arith.constant 0 : index
      %get3A_8 = vector.load %arg1[%get3A, %get3A_7] : memref<6144x256xf32, #tpu.memory_space<vmem>>, vector<2688x256xf32>
      %get3A_9 = arith.constant 2688 : index
      %get3A_10 = arith.constant 0 : index
      %get3A_11 = vector.load %arg1[%get3A_9, %get3A_10] : memref<6144x256xf32, #tpu.memory_space<vmem>>, vector<2688x256xf32>
      %get3A_12 = arith.constant 0 : index
      %get3A_13 = arith.constant 0 : index
      %get3A_14 = vector.load %arg2[%get3A_12, %get3A_13] : memref<256x128xf32, #tpu.memory_space<vmem>>, vector<256x128xf32>
      %dot_general3A = arith.constant dense<0.000000e+00> : vector<2688x128xf32>
      %dot_general3A_15 = tpu.matmul %get3A_8, %get3A_14, %dot_general3A {dimension_numbers = #tpu.dot_dimension_numbers<[1], [0], [0], [1], [0, 0, 1, 1], [], []>, transpose_lhs_hint = false} : vector<2688x256xf32>, vector<256x128xf32>, vector<2688x128xf32> -> vector<2688x128xf32>
      %get3A_16 = arith.constant 0 : index
      %get3A_17 = arith.constant 0 : index
      %get3A_18 = vector.load %arg3[%get3A_16, %get3A_17] : memref<256x128xf32, #tpu.memory_space<vmem>>, vector<256x128xf32>
      %dot_general3A_19 = arith.constant dense<0.000000e+00> : vector<2688x128xf32>
      %dot_general3A_20 = tpu.matmul %get3A_11, %get3A_18, %dot_general3A_19 {dimension_numbers = #tpu.dot_dimension_numbers<[1], [0], [0], [1], [0, 0, 1, 1], [], []>, transpose_lhs_hint = false} : vector<2688x256xf32>, vector<256x128xf32>, vector<2688x128xf32> -> vector<2688x128xf32>
      %swap3A = arith.constant 0 : index
      %swap3A_21 = arith.constant 0 : index
      %swap3A_22 = vector.load %arg14[%swap3A, %swap3A_21] : memref<2688x128xf32, #tpu.memory_space<vmem>>, vector<2688x128xf32>
      tpu.vector_store %arg14[%swap3A, %swap3A_21], %dot_general3A_15 {strides = array<i32>} : memref<2688x128xf32, #tpu.memory_space<vmem>>, vector<2688x128xf32>,
      %swap3A_23 = arith.constant 0 : index
      %swap3A_24 = arith.constant 0 : index
      %swap3A_25 = vector.load %arg15[%swap3A_23, %swap3A_24] : memref<2688x128xf32, #tpu.memory_space<vmem>>, vector<2688x128xf32>
      tpu.vector_store %arg15[%swap3A_23, %swap3A_24], %dot_general3A_20 {strides = array<i32>} : memref<2688x128xf32, #tpu.memory_space<vmem>>, vector<2688x128xf32>,
      %reduce_sum3A = arith.constant dense<0.000000e+00> : vector<128xf32>
      %reduce_sum3A_26 = vector.multi_reduction <add>, %dot_general3A_15, %reduce_sum3A [0] : vector<2688x128xf32> to vector<128xf32>
      %broadcast_in_dim3A = vector.shape_cast %reduce_sum3A_26 : vector<128xf32> to vector<1x128xf32>
      %swap3A_27 = arith.constant 0 : index
      %swap3A_28 = arith.constant 0 : index
      %swap3A_29 = vector.load %arg16[%swap3A_27, %swap3A_28] : memref<8x128xf32, #tpu.memory_space<vmem>>, vector<1x128xf32>
      tpu.vector_store %arg16[%swap3A_27, %swap3A_28], %broadcast_in_dim3A {strides = array<i32>} : memref<8x128xf32, #tpu.memory_space<vmem>>, vector<1x128xf32>,
      %mul3A = arith.mulf %dot_general3A_15, %dot_general3A_15 : vector<2688x128xf32>
      %reduce_sum3A_30 = arith.constant dense<0.000000e+00> : vector<128xf32>
      %reduce_sum3A_31 = vector.multi_reduction <add>, %mul3A, %reduce_sum3A_30 [0] : vector<2688x128xf32> to vector<128xf32>
      %broadcast_in_dim3A_32 = vector.shape_cast %reduce_sum3A_31 : vector<128xf32> to vector<1x128xf32>
      %swap3A_33 = arith.constant 1 : index
      %swap3A_34 = arith.constant 0 : index
      %swap3A_35 = vector.load %arg16[%swap3A_33, %swap3A_34] : memref<8x128xf32, #tpu.memory_space<vmem>>, vector<1x128xf32>
      tpu.vector_store %arg16[%swap3A_33, %swap3A_34], %broadcast_in_dim3A_32 {strides = array<i32>} : memref<8x128xf32, #tpu.memory_space<vmem>>, vector<1x128xf32>,
      %reduce_sum3A_36 = arith.constant dense<0.000000e+00> : vector<128xf32>
      %reduce_sum3A_37 = vector.multi_reduction <add>, %dot_general3A_20, %reduce_sum3A_36 [0] : vector<2688x128xf32> to vector<128xf32>
      %broadcast_in_dim3A_38 = vector.shape_cast %reduce_sum3A_37 : vector<128xf32> to vector<1x128xf32>
      %swap3A_39 = arith.constant 2 : index
      %swap3A_40 = arith.constant 0 : index
      %swap3A_41 = vector.load %arg16[%swap3A_39, %swap3A_40] : memref<8x128xf32, #tpu.memory_space<vmem>>, vector<1x128xf32>
      tpu.vector_store %arg16[%swap3A_39, %swap3A_40], %broadcast_in_dim3A_38 {strides = array<i32>} : memref<8x128xf32, #tpu.memory_space<vmem>>, vector<1x128xf32>,
      %mul3A_42 = arith.mulf %dot_general3A_20, %dot_general3A_20 : vector<2688x128xf32>
      %reduce_sum3A_43 = arith.constant dense<0.000000e+00> : vector<128xf32>
      %reduce_sum3A_44 = vector.multi_reduction <add>, %mul3A_42, %reduce_sum3A_43 [0] : vector<2688x128xf32> to vector<128xf32>
      %broadcast_in_dim3A_45 = vector.shape_cast %reduce_sum3A_44 : vector<128xf32> to vector<1x128xf32>
      %swap3A_46 = arith.constant 3 : index
      %swap3A_47 = arith.constant 0 : index
      %swap3A_48 = vector.load %arg16[%swap3A_46, %swap3A_47] : memref<8x128xf32, #tpu.memory_space<vmem>>, vector<1x128xf32>
      tpu.vector_store %arg16[%swap3A_46, %swap3A_47], %broadcast_in_dim3A_45 {strides = array<i32>} : memref<8x128xf32, #tpu.memory_space<vmem>>, vector<1x128xf32>,
    } else {
    }
    %eq3A_2 = arith.constant 1 : i32
    %eq3A_3 = arith.cmpi eq, %arg0, %eq3A_2 : i32
    %convert_element_type3A_4 = arith.extui %eq3A_3 : i1 to i32
    %cond3A_5 = arith.constant 0 : i32
    %cond3A_6 = arith.cmpi ne, %convert_element_type3A_4, %cond3A_5 : i32
    scf.if %cond3A_6 {
      %get3A = arith.constant 0 : index
      %get3A_7 = arith.constant 0 : index
      %get3A_8 = vector.load %arg16[%get3A, %get3A_7] : memref<8x128xf32, #tpu.memory_space<vmem>>, vector<1x128xf32>
      %div3A = arith.constant 2.688000e+03 : f32
      %div3A_9 = vector.broadcast %div3A : f32 to vector<1x128xf32>
      %div3A_10 = arith.divf %get3A_8, %div3A_9 : vector<1x128xf32>
      %get3A_11 = arith.constant 1 : index
      %get3A_12 = arith.constant 0 : index
      %get3A_13 = vector.load %arg16[%get3A_11, %get3A_12] : memref<8x128xf32, #tpu.memory_space<vmem>>, vector<1x128xf32>
      %div3A_14 = arith.constant 2.688000e+03 : f32
      %div3A_15 = vector.broadcast %div3A_14 : f32 to vector<1x128xf32>
      %div3A_16 = arith.divf %get3A_13, %div3A_15 : vector<1x128xf32>
      %mul3A = arith.mulf %div3A_10, %div3A_10 : vector<1x128xf32>
      %sub3A = arith.subf %div3A_16, %mul3A : vector<1x128xf32>
      %get3A_17 = arith.constant 0 : index
      %get3A_18 = arith.constant 0 : index
      %get3A_19 = vector.load %arg4[%get3A_17, %get3A_18] : memref<1x128xf32, #tpu.memory_space<vmem>>, vector<1x128xf32>
      %add3A = arith.constant 9.99999974E-6 : f32
      %add3A_20 = vector.broadcast %add3A : f32 to vector<1x128xf32>
      %add3A_21 = arith.addf %sub3A, %add3A_20 : vector<1x128xf32>
      %rsqrt3A = math.rsqrt %add3A_21 : vector<1x128xf32>
      %mul3A_22 = arith.mulf %get3A_19, %rsqrt3A : vector<1x128xf32>
      %get3A_23 = arith.constant 0 : index
      %get3A_24 = arith.constant 0 : index
      %get3A_25 = vector.load %arg6[%get3A_23, %get3A_24] : memref<1x128xf32, #tpu.memory_space<vmem>>, vector<1x128xf32>
      %mul3A_26 = arith.mulf %div3A_10, %mul3A_22 : vector<1x128xf32>
      %sub3A_27 = arith.subf %get3A_25, %mul3A_26 : vector<1x128xf32>
      %get3A_28 = arith.constant 0 : index
      %get3A_29 = arith.constant 0 : index
      %get3A_30 = vector.load %arg14[%get3A_28, %get3A_29] : memref<2688x128xf32, #tpu.memory_space<vmem>>, vector<2688x128xf32>
      %mul3A_31 = vector.broadcast %mul3A_22 : vector<1x128xf32> to vector<2688x128xf32>
      %mul3A_32 = arith.mulf %get3A_30, %mul3A_31 : vector<2688x128xf32>
      %add3A_33 = vector.broadcast %sub3A_27 : vector<1x128xf32> to vector<2688x128xf32>
      %add3A_34 = arith.addf %mul3A_32, %add3A_33 : vector<2688x128xf32>
      %max3A = arith.constant 0.000000e+00 : f32
      %max3A_35 = vector.broadcast %max3A : f32 to vector<2688x128xf32>
      %max3A_36 = arith.maximumf %add3A_34, %max3A_35 : vector<2688x128xf32>
      %get3A_37 = arith.constant 0 : index
      %get3A_38 = arith.constant 0 : index
      %get3A_39 = vector.load %arg8[%get3A_37, %get3A_38] : memref<128x128xf32, #tpu.memory_space<vmem>>, vector<128x128xf32>
      %dot_general3A = arith.constant dense<0.000000e+00> : vector<2688x128xf32>
      %dot_general3A_40 = tpu.matmul %max3A_36, %get3A_39, %dot_general3A {dimension_numbers = #tpu.dot_dimension_numbers<[1], [1], [0], [0], [0, 0, 1, 0], [], []>, transpose_lhs_hint = false} : vector<2688x128xf32>, vector<128x128xf32>, vector<2688x128xf32> -> vector<2688x128xf32>
      %get3A_41 = arith.constant 0 : index
      %get3A_42 = arith.constant 0 : index
      %get3A_43 = vector.load %arg10[%get3A_41, %get3A_42] : memref<1x128xf32, #tpu.memory_space<vmem>>, vector<1x128xf32>
      %add3A_44 = vector.broadcast %get3A_43 : vector<1x128xf32> to vector<2688x128xf32>
      %add3A_45 = arith.addf %dot_general3A_40, %add3A_44 : vector<2688x128xf32>
      %swap3A = arith.constant 0 : index
      %swap3A_46 = arith.constant 0 : index
      %swap3A_47 = vector.load %arg12[%swap3A, %swap3A_46] : memref<2688x128xf32, #tpu.memory_space<vmem>>, vector<2688x128xf32>
      tpu.vector_store %arg12[%swap3A, %swap3A_46], %add3A_45 {strides = array<i32>} : memref<2688x128xf32, #tpu.memory_space<vmem>>, vector<2688x128xf32>,
      %get3A_48 = arith.constant 2 : index
      %get3A_49 = arith.constant 0 : index
      %get3A_50 = vector.load %arg16[%get3A_48, %get3A_49] : memref<8x128xf32, #tpu.memory_space<vmem>>, vector<1x128xf32>
      %div3A_51 = arith.constant 2.688000e+03 : f32
      %div3A_52 = vector.broadcast %div3A_51 : f32 to vector<1x128xf32>
      %div3A_53 = arith.divf %get3A_50, %div3A_52 : vector<1x128xf32>
      %get3A_54 = arith.constant 3 : index
      %get3A_55 = arith.constant 0 : index
      %get3A_56 = vector.load %arg16[%get3A_54, %get3A_55] : memref<8x128xf32, #tpu.memory_space<vmem>>, vector<1x128xf32>
      %div3A_57 = arith.constant 2.688000e+03 : f32
      %div3A_58 = vector.broadcast %div3A_57 : f32 to vector<1x128xf32>
      %div3A_59 = arith.divf %get3A_56, %div3A_58 : vector<1x128xf32>
      %mul3A_60 = arith.mulf %div3A_53, %div3A_53 : vector<1x128xf32>
      %sub3A_61 = arith.subf %div3A_59, %mul3A_60 : vector<1x128xf32>
      %get3A_62 = arith.constant 0 : index
      %get3A_63 = arith.constant 0 : index
      %get3A_64 = vector.load %arg5[%get3A_62, %get3A_63] : memref<1x128xf32, #tpu.memory_space<vmem>>, vector<1x128xf32>
      %add3A_65 = arith.constant 9.99999974E-6 : f32
      %add3A_66 = vector.broadcast %add3A_65 : f32 to vector<1x128xf32>
      %add3A_67 = arith.addf %sub3A_61, %add3A_66 : vector<1x128xf32>
      %rsqrt3A_68 = math.rsqrt %add3A_67 : vector<1x128xf32>
      %mul3A_69 = arith.mulf %get3A_64, %rsqrt3A_68 : vector<1x128xf32>
      %get3A_70 = arith.constant 0 : index
      %get3A_71 = arith.constant 0 : index
      %get3A_72 = vector.load %arg7[%get3A_70, %get3A_71] : memref<1x128xf32, #tpu.memory_space<vmem>>, vector<1x128xf32>
      %mul3A_73 = arith.mulf %div3A_53, %mul3A_69 : vector<1x128xf32>
      %sub3A_74 = arith.subf %get3A_72, %mul3A_73 : vector<1x128xf32>
      %get3A_75 = arith.constant 0 : index
      %get3A_76 = arith.constant 0 : index
      %get3A_77 = vector.load %arg15[%get3A_75, %get3A_76] : memref<2688x128xf32, #tpu.memory_space<vmem>>, vector<2688x128xf32>
      %mul3A_78 = vector.broadcast %mul3A_69 : vector<1x128xf32> to vector<2688x128xf32>
      %mul3A_79 = arith.mulf %get3A_77, %mul3A_78 : vector<2688x128xf32>
      %add3A_80 = vector.broadcast %sub3A_74 : vector<1x128xf32> to vector<2688x128xf32>
      %add3A_81 = arith.addf %mul3A_79, %add3A_80 : vector<2688x128xf32>
      %max3A_82 = arith.constant 0.000000e+00 : f32
      %max3A_83 = vector.broadcast %max3A_82 : f32 to vector<2688x128xf32>
      %max3A_84 = arith.maximumf %add3A_81, %max3A_83 : vector<2688x128xf32>
      %get3A_85 = arith.constant 0 : index
      %get3A_86 = arith.constant 0 : index
      %get3A_87 = vector.load %arg9[%get3A_85, %get3A_86] : memref<128x128xf32, #tpu.memory_space<vmem>>, vector<128x128xf32>
      %dot_general3A_88 = arith.constant dense<0.000000e+00> : vector<2688x128xf32>
      %dot_general3A_89 = tpu.matmul %max3A_84, %get3A_87, %dot_general3A_88 {dimension_numbers = #tpu.dot_dimension_numbers<[1], [1], [0], [0], [0, 0, 1, 0], [], []>, transpose_lhs_hint = false} : vector<2688x128xf32>, vector<128x128xf32>, vector<2688x128xf32> -> vector<2688x128xf32>
      %get3A_90 = arith.constant 0 : index
      %get3A_91 = arith.constant 0 : index
      %get3A_92 = vector.load %arg11[%get3A_90, %get3A_91] : memref<1x128xf32, #tpu.memory_space<vmem>>, vector<1x128xf32>
      %add3A_93 = vector.broadcast %get3A_92 : vector<1x128xf32> to vector<2688x128xf32>
      %add3A_94 = arith.addf %dot_general3A_89, %add3A_93 : vector<2688x128xf32>
      %swap3A_95 = arith.constant 0 : index
      %swap3A_96 = arith.constant 0 : index
      %swap3A_97 = vector.load %arg13[%swap3A_95, %swap3A_96] : memref<2688x128xf32, #tpu.memory_space<vmem>>, vector<2688x128xf32>
      tpu.vector_store %arg13[%swap3A_95, %swap3A_96], %add3A_94 {strides = array<i32>} : memref<2688x128xf32, #tpu.memory_space<vmem>>, vector<2688x128xf32>,
    } else {
    }
    return
  }
  func.func @transform_0(%arg0: i32) -> (i32, i32) {
    %c0_i32 = arith.constant 0 : i32
    %c0_i32_0 = arith.constant 0 : i32
    %c0_i32_1 = arith.constant 0 : i32
    return %c0_i32, %c0_i32_0 : i32, i32
  }
  func.func @transform_1(%arg0: i32) -> (i32, i32) {
    %c0_i32 = arith.constant 0 : i32
    %c0_i32_0 = arith.constant 0 : i32
    %c0_i32_1 = arith.constant 0 : i32
    return %c0_i32, %c0_i32_0 : i32, i32
  }
  func.func @transform_2(%arg0: i32) -> (i32, i32) {
    %c0_i32 = arith.constant 0 : i32
    %c0_i32_0 = arith.constant 0 : i32
    %c0_i32_1 = arith.constant 0 : i32
    return %c0_i32, %c0_i32_0 : i32, i32
  }
  func.func @transform_3(%arg0: i32) -> (i32, i32) {
    %c0_i32 = arith.constant 0 : i32
    %c0_i32_0 = arith.constant 0 : i32
    %c0_i32_1 = arith.constant 0 : i32
    return %c0_i32, %c0_i32_0 : i32, i32
  }
  func.func @transform_4(%arg0: i32) -> (i32, i32) {
    %c0_i32 = arith.constant 0 : i32
    %c0_i32_0 = arith.constant 0 : i32
    %c0_i32_1 = arith.constant 0 : i32
    return %c0_i32, %c0_i32_0 : i32, i32
  }
  func.func @transform_5(%arg0: i32) -> (i32, i32) {
    %c0_i32 = arith.constant 0 : i32
    %c0_i32_0 = arith.constant 0 : i32
    %c0_i32_1 = arith.constant 0 : i32
    return %c0_i32, %c0_i32_0 : i32, i32
  }
  func.func @transform_6(%arg0: i32) -> (i32, i32) {
    %c0_i32 = arith.constant 0 : i32
    %c0_i32_0 = arith.constant 0 : i32
    %c0_i32_1 = arith.constant 0 : i32
    return %c0_i32, %c0_i32_0 : i32, i32
  }
  func.func @transform_7(%arg0: i32) -> (i32, i32) {
    %c0_i32 = arith.constant 0 : i32
    %c0_i32_0 = arith.constant 0 : i32
    %c0_i32_1 = arith.constant 0 : i32
    return %c0_i32, %c0_i32_0 : i32, i32
  }
  func.func @transform_8(%arg0: i32) -> (i32, i32) {
    %c0_i32 = arith.constant 0 : i32
    %c0_i32_0 = arith.constant 0 : i32
    %c0_i32_1 = arith.constant 0 : i32
    return %c0_i32, %c0_i32_0 : i32, i32
  }
  func.func @transform_9(%arg0: i32) -> (i32, i32) {
    %c0_i32 = arith.constant 0 : i32
    %c0_i32_0 = arith.constant 0 : i32
    %c0_i32_1 = arith.constant 0 : i32
    return %c0_i32, %c0_i32_0 : i32, i32
  }
  func.func @transform_10(%arg0: i32) -> (i32, i32) {
    %c0_i32 = arith.constant 0 : i32
    %c0_i32_0 = arith.constant 0 : i32
    %c0_i32_1 = arith.constant 0 : i32
    return %c0_i32, %c0_i32_0 : i32, i32
  }
  func.func @transform_11(%arg0: i32) -> (i32, i32) {
    %c0_i32 = arith.constant 0 : i32
    %c0_i32_0 = arith.constant 0 : i32
    %c0_i32_1 = arith.constant 0 : i32
    return %c0_i32, %c0_i32_0 : i32, i32
  }
  func.func @transform_12(%arg0: i32) -> (i32, i32) {
    %c0_i32 = arith.constant 0 : i32
    %c0_i32_0 = arith.constant 0 : i32
    %c0_i32_1 = arith.constant 0 : i32
    return %c0_i32, %c0_i32_0 : i32, i32
  }
}

</mosaic_0001>

<sc_bundles>
// kernel: kernel.4.cloned.1.call-start
scs
__scs_entry_jumppad:
0x0: {  	(pc) =	sbr.rel $0x88, $3  }
0x1: {  	(tag) =	ssettag $0x0;
	lr =	simm.s32 $0x1  }
0x2: {  	[smem:$0x3F94] =	sst lr;
	_ =	strace $0xD0000000  }
0x3: {  	_ = 	snop  }
0x4: {  	_ = 	snop  }
0x5: {  	_ = 	snop  }
0x6: {  	_ = 	snop  }
0x7: {  	_ = 	snop  }
__scs_overlays_trampoline_lowered:
0x8: {  	[smem:$0x3FA3] =	sst s0  }
0x9: {  	[smem:$0x3FA4] =	sst s1  }
0xa: {  	[smem:$0x3FA5] =	sst s2  }
0xb: {  	[smem:$0x3FA6] =	sst s3  }
0xc: {  	[smem:$0x3FA7] =	sst s4  }
0xd: {  	[smem:$0x3FA8] =	sst s5  }
0xe: {  	[smem:$0x3FA9] =	sst s6  }
0xf: {  	[smem:$0x3FAA] =	sst s7  }
0x10: {  	[smem:$0x3FAB] =	sst s8  }
0x11: {  	[smem:$0x3FAC] =	sst s9;
	s0 =	simm.s32 @!p0 $0x0  }
0x12: {  	s1 =	sld [smem:$0x3F92];
	s0 =	simm.s32 @p0 $0x1  }
0x13: {  	[smem:$0x3FAD] =	sst s0;
	s0 =	simm.s32 @!p1 $0x0  }
0x14: {  	s2 =	sld [smem:$0x3F91];
	s0 =	simm.s32 @p1 $0x1  }
0x15: {  	[smem:$0x3FAE] =	sst s0;
	s0 =	simm.s32 @!p2 $0x0  }
0x16: {  	s3 =	sld [smem:$0x3FDB];
	s0 =	simm.s32 @p2 $0x1  }
0x17: {  	s4 =	simm.s32 $0x1BF5;
	[smem:$0x3FB0] =	sst s0  }
0x18: {  	s0 =	sld [smem:$0x3F93];
	_ =	swait.ge [sflag:s4], $0x0  }
0x19: {  	s7 =	sld [smem:$0x3F94]  }
0x1a: {  	s8 =	sadd.s32 $0xFFFFE003, lr  }
0x1b: {  	s9 =	sadd.s32 $0xFFFFFEF7, lr;
	s5 =	simm.s32 $0xFFFFFFFF;
	p2 =	slt.u32 s8, $0xFFFFF086  }
0x1c: {  	p1 =	slt.u32 s9, $0xF7A;
	s5 =	simm.s32 @!p2 $0x0  }
0x1d: {  	s5 =	simm.s32 @p1 $0x1;
	p0 =	seq.s32 s7, s2  }
0x1e: {  	s7 =	smul.u32 @!p0 $0xF7A, s2;
	p2 =	seq.s32 @!p0 s5, $0x0  }
0x1f: {  	s9 =	smul.u32 $0xF7A, s1;
	s8 =	simm.s32 @!p0 $0x1BF5;
	p2 =	por !p2, p0  }
0x20: {  	[sflag:s8] =	ssyncset.s32 @!p0 $0xFFFFF086;
	s6 =	sadd.s32 @!p0 s3, s7;
	s7 =	simm.s32 @!p0 $0x108  }
0x21: {  	s3 =	sadd.s32 s3, s9;
	s6 =	sadd.s32 @!p0 $0x88, s6;
	s7 =	simm.s32 @p2 $0x1082  }
0x22: {  	[simem:s7], [sflag:s8] =	dma.local @!p0 [hbm:s6], $0xF7A  }
0x23: {  	s9 =	sor.u32 $0xD0000000, s2;
	s6 =	simm.s32 $0x108;
	_ =	swait.ge @!p0 [sflag:s8], $0x0  }
0x24: {  	s3 =	sadd.s32 $0x88, s3;
	s6 =	simm.s32 @!p1 $0x1082;
	[sflag:s4] =	ssyncset.s32 $0xFFFFF086  }
0x25: {  	[simem:s6], [sflag:s4] =	dma.local [hbm:s3], $0xF7A  }
0x26: {  	[smem:$0x3F94] =	sst s1;
	(tag) =	ssettag s2;
	_ =	strace s9  }
0x27: {  	s1 =	sld [smem:$0x3FA4]  }
0x28: {  	s2 =	sld [smem:$0x3FA5]  }
0x29: {  	s4 =	sld [smem:$0x3FA7]  }
0x2a: {  	p0 =	seq.s32 s5, $0x0;
	s5 =	sld [smem:$0x3FA8]  }
0x2b: {  	s6 =	sld [smem:$0x3FA9]  }
0x2c: {  	s7 =	sld [smem:$0x3FAA]  }
0x2d: {  	s3 =	simm.s32 $0x108;
	s8 =	sld [smem:$0x3FAB]  }
0x2e: {  	s3 =	simm.s32 @!p0 $0x1082;
	s9 =	sld [smem:$0x3FAC]  }
0x2f: {  	lr =	sadd.s32 s0, s3;
	s0 =	sld [smem:$0x3FA3]  }
0x30: {  	s3 =	sld [smem:$0x3FA6]  }
0x31: {  	[smem:$0x3FAF] =	sst s10  }
0x32: {  	s10 =	sld [smem:$0x3FAD];
	_ =	sdelay $0x3  }
0x33: {  	p0 =	seq.s32 s10, $0x1;
	s10 =	sld [smem:$0x3FAF];
	_ =	sdelay $0x3  }
0x34: {  	[smem:$0x3FAF] =	sst s10  }
0x35: {  	s10 =	sld [smem:$0x3FAE];
	_ =	sdelay $0x3  }
0x36: {  	p1 =	seq.s32 s10, $0x1;
	s10 =	sld [smem:$0x3FAF];
	_ =	sdelay $0x3  }
0x37: {  	[smem:$0x3FAF] =	sst s10  }
0x38: {  	s10 =	sld [smem:$0x3FB0]  }
0x39: {  	_ = 	snop;
	(pc) =	sbr.ind lr, $3  }
0x3a: {  	_ = 	snop  }
0x3b: {  	_ = 	snop  }
0x3c: {  	p2 =	seq.s32 s10, $0x1;
	s10 =	sld [smem:$0x3FAF]  }
0x3d: {  	_ =	shalt  }
0x3e: {  	_ =	shalt  }
0x3f: {  	_ =	shalt  }
0x40: {  	_ =	shalt  }
0x41: {  	_ =	shalt  }
0x42: {  	_ =	shalt  }
0x43: {  	_ =	shalt  }
0x44: {  	_ =	shalt  }
0x45: {  	_ =	shalt  }
0x46: {  	_ =	shalt  }
0x47: {  	_ =	shalt  }
0x48: {  	_ =	shalt  }
0x49: {  	_ =	shalt  }
0x4a: {  	_ =	shalt  }
0x4b: {  	_ =	shalt  }
0x4c: {  	_ =	shalt  }
0x4d: {  	_ =	shalt  }
0x4e: {  	_ =	shalt  }
0x4f: {  	_ =	shalt  }
0x50: {  	_ =	shalt  }
0x51: {  	_ =	shalt  }
0x52: {  	_ =	shalt  }
0x53: {  	_ =	shalt  }
0x54: {  	_ =	shalt  }
0x55: {  	_ =	shalt  }
0x56: {  	_ =	shalt  }
0x57: {  	_ =	shalt  }
0x58: {  	_ =	shalt  }
0x59: {  	_ =	shalt  }
0x5a: {  	_ =	shalt  }
0x5b: {  	_ =	shalt  }
0x5c: {  	_ =	shalt  }
0x5d: {  	_ =	shalt  }
0x5e: {  	_ =	shalt  }
0x5f: {  	_ =	shalt  }
0x60: {  	_ =	shalt  }
0x61: {  	_ =	shalt  }
0x62: {  	_ =	shalt  }
0x63: {  	_ =	shalt  }
0x64: {  	_ =	shalt  }
0x65: {  	_ =	shalt  }
0x66: {  	_ =	shalt  }
0x67: {  	_ =	shalt  }
0x68: {  	_ =	shalt  }
0x69: {  	_ =	shalt  }
0x6a: {  	_ =	shalt  }
0x6b: {  	_ =	shalt  }
0x6c: {  	_ =	shalt  }
0x6d: {  	_ =	shalt  }
0x6e: {  	_ =	shalt  }
0x6f: {  	_ =	shalt  }
0x70: {  	_ =	shalt  }
0x71: {  	_ =	shalt  }
0x72: {  	_ =	shalt  }
0x73: {  	_ =	shalt  }
0x74: {  	_ =	shalt  }
0x75: {  	_ =	shalt  }
0x76: {  	_ =	shalt  }
0x77: {  	_ =	shalt  }
0x78: {  	_ =	shalt  }
0x79: {  	_ =	shalt  }
0x7a: {  	_ =	shalt  }
0x7b: {  	_ =	shalt  }
0x7c: {  	_ =	shalt  }
0x7d: {  	_ =	shalt  }
0x7e: {  	_ =	shalt  }
0x7f: {  	_ =	shalt  }
0x80: {  	_ =	shalt  }
0x81: {  	_ =	shalt  }
0x82: {  	_ =	shalt  }
0x83: {  	_ =	shalt  }
0x84: {  	_ =	shalt  }
0x85: {  	_ =	shalt  }
0x86: {  	_ =	shalt  }
0x87: {  	_ =	shalt  }
.Lfunc_end0:
.L_simem_size_0:
called_computation_lowered:
.L_overlay_start_0:
0x88: {  	s2 =	sld [smem:$0x3FD9]  }
0x89: {  	s3 =	sld [smem:$0x3FFE];
	_ =	sdelay $0x1  }
0x8a: {  	s1 =	srdreg.scid  }
0x8b: {  	s0 =	sand.u32 $0x1, s1  }
0x8c: {  	s14 =	sshll.u32 s0, $0xA;
	s2 =	sadd.s32 s3, s2  }
0x8d: {  	s2 =	sadd.s32 s2, s14  }
0x8e: {  	[smem:$0x3FBB] =	sst s2  }
0x8f: {  	_ = 	snop  }
0x90: {  	s2 =	sld [smem:$0x3FD0];
	_ =	sdelay $0x2  }
0x91: {  	s4 =	simm.s32 $0xA;
	s5 =	simm.s32 $0x10;
	s15 =	sld [smem:$0x3FC9]  }
0x92: {  	[smem:s5], [sflag:s4] =	dma.local [hbm:s2], $0x1  }
0x93: {  	_ =	swait.eq [sflag:s4], $0x1  }
0x94: {  	[sflag:s4] =	ssyncset.done $0x0  }
0x95: {  	s16 =	sld [smem:$0x10];
	[sflag:s4] =	ssyncadd.s32 $0xFFFFFFFF  }
0x96: {  	s17 =	sld [smem:$0x11];
	(tm) =	ssettm $0x1  }
0x97: {  	s18 =	sld [smem:$0x3FFB];
	_ =	sdelay $0x3  }
0x98: {  	_ =	strace s18  }
0x99: {  	s5 =	sld [smem:$0x3FFC];
	_ =	sdelay $0x3  }
0x9a: {  	_ =	strace s5  }
0x9b: {  	s5 =	sld [smem:$0x3FFD];
	_ =	sdelay $0x3  }
0x9c: {  	_ =	strace s5  }
0x9d: {  	_ =	strace $0x8FFFFFFF  }
0x9e: {  	s19 =	sld [smem:$0x3FDB];
	_ =	sdelay $0x1  }
0x9f: {  	s6 =	simm.s32 $_scs_section_size  }
0xa0: {  	s7 =	simm.s32 $_size__tile_overlayer_lowered;
	s8 =	simm.s32 $_tile_overlayer_lowered  }
0xa1: {  	s22 =	simm.s32 $0x1BFF;
	s21 =	sshll.u32 s8, $0x1;
	s5 =	sadd.s32 s6, s19  }
0xa2: {  	s9 =	simm.s32 $0x0;
	s20 =	sshll.u32 s7, $0x1;
	s7 =	sadd.s32 s21, s5  }
0xa3: {  	[timem:s9], [sflag:s22] =	dma.local [hbm:s7], s20  }
0xa4: {  	_ =	swait.ge [sflag:s22], s20  }
0xa5: {  	s6 =	ssub.s32 $0x0, s20;
	[sflag:s22] =	ssyncset.done $0x0  }
0xa6: {  	[sflag:s22] =	ssyncadd.s32 s6;
	_ =	sdelay $0x1  }
0xa7: {  	s23 =	simm.s32 $0x1B8B  }
0xa8: {  	_ =	swait.ge [sflag:s23], $0x1  }
0xa9: {  	[sflag:s23] =	ssyncset.done $0x0  }
0xaa: {  	s25 =	simm.s32 $0x1B8E;
	s24 =	sld [smem:$0x3FFE];
	[sflag:s23] =	ssyncadd.s32 $0xFFFFFFFF  }
0xab: {  	s26 =	simm.s32 $execute0_lowered;
	[smem:$0x3FD2] =	sst s25  }
0xac: {  	s7 =	sshll.u32 s26, $0x1;
	_ =	strace $0x80000046;
	[dreg:$0x1] =	wrdreg $0xFFFFFFFF  }
0xad: {  	s28 =	simm.s32 $_size_execute0_lowered;
	s5 =	sadd.s32 s5, s7;
	[dreg:$0x0] =	wrdreg $0x0  }
0xae: {  	s7 =	sshll.u32 s28, $0x1;
	[dreg:$0x2] =	wrdreg s5  }
0xaf: {  	[dreg:$0x3] =	wrdreg s7  }
0xb0: {  	[dreg:$0x4] =	wrdreg $0xC0  }
0xb1: {  	_ =	task [dreg:s9], $0x5FFFF  }
0xb2: {  	[dreg:$0x1] =	wrdreg $0xFFFFFFFF  }
0xb3: {  	[dreg:$0x0] =	wrdreg $0x60  }
0xb4: {  	[dreg:$0x2] =	wrdreg s15  }
0xb5: {  	[dreg:$0x3] =	wrdreg s16  }
0xb6: {  	[dreg:$0x4] =	wrdreg s17  }
0xb7: {  	[dreg:$0x5] =	wrdreg s24  }
0xb8: {  	[dreg:$0x6] =	wrdreg $0x9  }
0xb9: {  	_ =	task.clear_ibuf [dreg:s9], $0x7FFFF;
	_ =	strace $0x90000046  }
0xba: {  	s29 =	simm.s32 $0x9;
	_ =	strace $0x80000048  }
0xbb: {  	_ =	swait.ge [sflag:s29], $0x1  }
0xbc: {  	[sflag:s29] =	ssyncadd.s32 $0xFFFFFFFF  }
0xbd: {  	_ =	strace $0x90000048  }
0xbe: {  	_ =	sfence  }
0xbf: {  	s30 =	sld [smem:$0x0];
	_ =	sdelay $0x2  }
0xc0: {  	s31 =	sshll.u32 s1, $0xD;
	s1 =	sshrl.u32 s1, $0x2  }
0xc1: {  	s3 =	sand.u32 $0x4000, s31;
	s1 =	sadd.s32 s1, s30  }
0xc2: {  	s0 =	sor.u32 s3, s0;
	s1 =	sshll.u32 s1, $0x11  }
0xc3: {  	s0 =	sor.u32 s1, s0  }
0xc4: {  	s0 =	sadd.s32 $0x8F2B, s0  }
0xc5: {  	[sflag:s0] =	ssyncadd.remote.s32 $0x1  }
0xc6: {  	_ =	sfence.sel $0xFFFF  }
0xc7: {  	[dreg:$0x0] =	wrdreg $0xFFFFFFFF;
	(pc) =	sbr.abs _section_cstart, $3  }
0xc8: {  	[dreg:$0x1] =	wrdreg $0xFFFFFFFF  }
0xc9: {  	_ =	task.clear_ibuf [dreg:s9], $0x2FFFF;
	_ =	strace $0x9FFFFFFF  }
0xca: {  	(tm) =	ssettm $0x7FFFFFFF  }
0xcb: {  	_ =	shalt  }
tec
execute0_lowered:
.L_overlay_start_1:
0x0: {  	(tag) =	ssettag $0x1  }
0x1: {  	s1 =	rddreg [dreg:$0x0]  }
0x2: {  	s0 =	rddreg [dreg:$0x1]  }
0x3: {  	s2 =	rddreg [dreg:$0x2];
	s3 =	srdreg.scid  }
0x4: {  	s6 =	stileid.u32;
	s4 =	rddreg [dreg:$0x3]  }
0x5: {  	s28 =	simm.s32 $0x12B00;
	s29 =	simm.s32 $0x13300;
	s30 =	simm.s32 $0x13B00  }
0x6: {  	s31 =	simm.s32 $0x14300;
	s11 =	simm.s32 $0x15B00;
	s12 =	simm.s32 $0x16300  }
0x7: {  	s13 =	simm.s32 $0x16B00;
	s14 =	simm.s32 $0x17300;
	s15 =	simm.s32 $0x17B00  }
0x8: {  	s16 =	simm.s32 $0x18300;
	s5 =	sand.u32 $0x1, s3;
	s6 =	sshll.u32 s6, $0x1  }
0x9: {  	s17 =	simm.s32 $0x18B00;
	s18 =	simm.s32 $0x0;
	s6 =	sor.u32 s5, s6  }
0xa: {  	s3 =	simm.s32 $0x0;
	s5 =	ssub.s32 $0x2, s5;
	s7 =	smul.u32 $0x18, s6  }
0xb: {  	[smem:$0x7FF] =	sst s3;
	s8 =	sshrl.u32 s5, $0x1;
	s9 =	smul.u32 $0xC000, s6  }
0xc: {  	_ =	strace $0x80000047;
	s22 =	smul.u32 $0x1800, s6;
	s5 =	ssub.s32 s5, s8  }
0xd: {  	s10 =	sadd.s32 s7, s4;
	s4 =	sadd.s32 $0x2600, s4;
	s0 =	sadd.s32 s0, s7  }
0xe: {  	s23 =	sshrl.u32 s9, $0x3;
	s2 =	sadd.s32 s2, s7;
	[dreg:$0x5] =	wrdreg s0  }
0xf: {  	s9 =	smax.u32 s5, $0x1;
	[dreg:$0x6] =	wrdreg s2;
	s24 =	sadd.s32 $0x2200, s10  }
0x10: {  	v3 =	vlaneseq.u32;
	s25 =	sadd.s32 s4, s23;
	s0 =	sadd.s32 s4, s22;
	s10 =	simm.s32 $0x2  }
0x11: {  	v1 =	vand.u32 $0x7, v3;
	s2 =	simm.s32 $0x14B00;
	s4 =	simm.s32 $0x1;
	[dreg:$0x7] =	wrdreg s24  }
0x12: {  	v2 =	vshrl.u32 v3, $0x3;
	[tilespmem:$0x1FFE0] =	vst v1;
	v1 =	vor.u32 $0x8, v3;
	[dreg:$0x8] =	wrdreg s0;
	s26 =	sadd.s32 $0xC00, s25;
	s25 =	simm.s32 $0x11B00  }
0x13: {  	v0 =	vimm.s32 $0x0;
	vm0 =	vmmov $0xffff;
	v2 =	vmul.u32 $0x8, v2;
	[tilespmem:$0x1FFF0] =	vst v1;
	s0 =	simm.s32 $0x15300;
	[dreg:$0x9] =	wrdreg s26;
	s26 =	simm.s32 $0x12300  }
.LBB2_1:
0x14: {  	s5 =	rddreg [dreg:$0x5]  }
0x15: {  	[tilespmem:s3], [sflag:$0x2] =	stream.linear.gather [hbm4b:s5+s3], $0xC0, $0x38;
	[tilespmem:$0x1EB00] =	vst v63  }
0x16: {  	_ =	swait.ge [sflag:s10], $0xC0  }
0x17: {  	[sflag:s10] =	ssyncset.done $0x0  }
0x18: {  	s6 =	simm.s32 $0x100;
	s8 =	rddreg [dreg:$0x6];
	[sflag:s10] =	ssyncadd.s32 $0xFFFFFF40  }
0x19: {  	[tilespmem:s6], [sflag:$0x2] =	stream.linear.gather [hbm4b:s8+s3], $0xC0, $0x38;
	[tilespmem:$0x1EB00] =	vst v63  }
0x1a: {  	_ =	swait.ge [sflag:s10], $0xC0  }
0x1b: {  	[sflag:s10] =	ssyncset.done $0x0  }
0x1c: {  	s20 =	simm.s32 $0x200;
	s19 =	rddreg [dreg:$0x7];
	[sflag:s10] =	ssyncadd.s32 $0xFFFFFF40  }
0x1d: {  	[tilespmem:s20], [sflag:$0x2] =	stream.linear.gather [hbm4b:s19+s3], $0xC0, $0x38;
	[tilespmem:$0x1EB00] =	vst v63  }
0x1e: {  	_ =	swait.ge [sflag:s10], $0xC0  }
0x1f: {  	[sflag:s10] =	ssyncset.done $0x0  }
0x20: {  	[sflag:s10] =	ssyncadd.s32 $0xFFFFFF40  }
0x21: {  	v4 =	vld [tilespmem:$0x0]  }
0x22: {  	v5 =	vld [tilespmem:$0x100];
	_ =	sdelay $0x2  }
0x23: {  	v13 =	vld [tilespmem:$0x110]  }
0x24: {  	v4 =	vmul.f32 $1.600000000e+01, v4  }
0x25: {  	v5 =	vmul.f32 $1.600000000e+01, v5  }
0x26: {  	v29 =	vld [tilespmem:$0x130];
	v4 =	vadd.f32 $1.550000000e+01, v4  }
0x27: {  	v5 =	vadd.f32 $1.550000000e+01, v5  }
0x28: {  	v37 =	vld [tilespmem:$0x140];
	v13 =	vmul.f32 $1.600000000e+01, v13;
	v6 =	vtrunc.f32 v4  }
0x29: {  	v8 =	vtrunc.f32 v5;
	v7 =	vcvt.f32.s32 v6;
	vm1 =	vlt.f32 v4, v6  }
0x2a: {  	v6 =	vcvt.f32.s32 v8;
	v9 =	vsel vm1, $0xFFFFFFFF, v0;
	vm1 =	vlt.f32 v5, v8  }
0x2b: {  	v29 =	vmul.f32 $1.600000000e+01, v29;
	v7 =	vadd.s32 v7, v9;
	v8 =	vsel vm1, $0xFFFFFFFF, v0  }
0x2c: {  	v13 =	vadd.f32 $1.550000000e+01, v13;
	v6 =	vadd.s32 v6, v8;
	v8 =	vcvt.s32.f32 v7  }
0x2d: {  	v52 =	vmul.f32 $1.600000000e+01, v37;
	v9 =	vcvt.s32.f32 v6  }
0x2e: {  	v29 =	vadd.f32 $1.550000000e+01, v29;
	v17 =	vtrunc.f32 v13;
	v4 =	vsub.f32 v4, v8  }
0x2f: {  	v12 =	vld [tilespmem:$0x10];
	vm1 =	vlt.u32 v7, $0x20;
	vm3 =	vlt.u32 v6, $0x20;
	v5 =	vsub.f32 v5, v9  }
0x30: {  	v8 =	vadd.s32 $0x1, v7;
	v9 =	vadd.s32 $0x1, v6;
	v10 =	vsub.f32 $1.000000000e+00, v4  }
0x31: {  	vm2 =	vlt.u32 v8, $0x20;
	vm4 =	vlt.u32 v9, $0x20;
	v11 =	vsub.f32 $1.000000000e+00, v5  }
0x32: {  	v14 =	vnsel vm2, $0x0, v4;
	v10 =	vnsel vm1, $0x0, v10;
	vm1 =	vgt.s32 v7, $0x0  }
0x33: {  	v4 =	vnsel vm3, $0x0, v11;
	v7 =	vnsel vm1, $0x0, v7;
	vm1 =	vgt.s32 v8, $0x0  }
0x34: {  	v11 =	vmul.f32 $1.600000000e+01, v12;
	v15 =	vmin.u32 v7, $0x1F;
	v7 =	vnsel vm1, $0x0, v8  }
0x35: {  	v5 =	vnsel vm4, $0x0, v5;
	vm1 =	vgt.s32 v6, $0x0;
	v8 =	vmin.u32 v7, $0x1F  }
0x36: {  	v6 =	vnsel vm1, $0x0, v6;
	vm1 =	vgt.s32 v9, $0x0;
	v16 =	vadd.f32 $1.550000000e+01, v11  }
0x37: {  	v7 =	vmul.f32 v4, v10;
	v4 =	vmul.f32 v4, v14;
	v12 =	vmin.u32 v6, $0x1F  }
0x38: {  	v9 =	vnsel vm1, $0x0, v9;
	v6 =	vmul.f32 v5, v10;
	v10 =	vld [tilespmem:$0x200];
	v11 =	vtrunc.f32 v16  }
0x39: {  	v5 =	vmul.f32 v5, v14;
	v14 =	vcvt.f32.s32 v11;
	vm1 =	vlt.f32 v16, v11  }
0x3a: {  	v11 =	vcvt.f32.s32 v17;
	v18 =	vsel vm1, $0xFFFFFFFF, v0;
	vm1 =	vlt.f32 v13, v17  }
0x3b: {  	v9 =	vmin.u32 v9, $0x1F;
	v12 =	vshll.u32 v12, $0x5;
	v17 =	vsel vm1, $0xFFFFFFFF, v0  }
0x3c: {  	v9 =	vshll.u32 v9, $0x5;
	v14 =	vadd.s32 v14, v18;
	v17 =	vadd.s32 v11, v17  }
0x3d: {  	v18 =	vcvt.s32.f32 v14;
	v12 =	vadd.s32 v10, v12;
	v19 =	vadd.s32 v10, v9  }
0x3e: {  	vm1 =	vlt.u32 v14, $0x20;
	v20 =	vcvt.s32.f32 v17;
	v11 =	vadd.s32 v15, v12  }
0x3f: {  	v10 =	vadd.s32 v15, v19;
	v9 =	vadd.s32 v8, v12;
	v15 =	vsub.f32 v16, v18  }
0x40: {  	v21 =	vld [tilespmem:$0x120];
	v8 =	vadd.s32 v8, v19;
	vm3 =	vlt.u32 v17, $0x20;
	v12 =	vsub.f32 v13, v20  }
0x41: {  	v16 =	vadd.s32 $0x1, v17;
	v13 =	vadd.s32 $0x1, v14;
	v20 =	vld [tilespmem:$0x20];
	v18 =	vsub.f32 $1.000000000e+00, v15  }
0x42: {  	vm13 =	vlt.u32 v16, $0x20;
	vm2 =	vlt.u32 v13, $0x20;
	v19 =	vsub.f32 $1.000000000e+00, v12  }
0x43: {  	v15 =	vnsel vm2, $0x0, v15;
	v18 =	vnsel vm1, $0x0, v18;
	vm1 =	vgt.s32 v14, $0x0  }
0x44: {  	v22 =	vnsel vm13, $0x0, v12;
	v12 =	vnsel vm1, $0x0, v14;
	vm1 =	vgt.s32 v13, $0x0  }
0x45: {  	v19 =	vnsel vm3, $0x0, v19;
	v23 =	vmin.u32 v12, $0x1F;
	v12 =	vnsel vm1, $0x0, v13  }
0x46: {  	vm1 =	vgt.s32 v17, $0x0;
	v13 =	vmul.f32 $1.600000000e+01, v20;
	v20 =	vmul.f32 $1.600000000e+01, v21  }
0x47: {  	v24 =	vmin.u32 v12, $0x1F;
	v12 =	vnsel vm1, $0x0, v17;
	vm1 =	vgt.s32 v16, $0x0  }
0x48: {  	v14 =	vmul.f32 v22, v18;
	v17 =	vmin.u32 v12, $0x1F;
	v21 =	vnsel vm1, $0x0, v16  }
0x49: {  	v16 =	vmul.f32 v19, v18;
	v25 =	vadd.f32 $1.550000000e+01, v13;
	v20 =	vadd.f32 $1.550000000e+01, v20;
	v18 =	vld [tilespmem:$0x210]  }
0x4a: {  	v12 =	vmul.f32 v19, v15;
	v13 =	vmul.f32 v22, v15;
	v19 =	vmin.u32 v21, $0x1F  }
0x4b: {  	v17 =	vshll.u32 v17, $0x5;
	v15 =	vtrunc.f32 v25;
	v22 =	vtrunc.f32 v20  }
0x4c: {  	v19 =	vshll.u32 v19, $0x5;
	v21 =	vcvt.f32.s32 v15;
	vm1 =	vlt.f32 v25, v15  }
0x4d: {  	v15 =	vcvt.f32.s32 v22;
	v26 =	vsel vm1, $0xFFFFFFFF, v0;
	vm1 =	vlt.f32 v20, v22  }
0x4e: {  	v21 =	vadd.s32 v21, v26;
	v22 =	vsel vm1, $0xFFFFFFFF, v0;
	v17 =	vadd.s32 v18, v17  }
0x4f: {  	v26 =	vadd.s32 v18, v19;
	v22 =	vadd.s32 v15, v22;
	v15 =	vcvt.s32.f32 v21  }
0x50: {  	v19 =	vadd.s32 v23, v17;
	v18 =	vadd.s32 v23, v26;
	v27 =	vcvt.s32.f32 v22  }
0x51: {  	v17 =	vadd.s32 v24, v17;
	vm1 =	vlt.u32 v21, $0x20;
	v23 =	vsub.f32 v25, v15  }
0x52: {  	v28 =	vld [tilespmem:$0x30];
	vm3 =	vlt.u32 v22, $0x20;
	v15 =	vadd.s32 v24, v26;
	v20 =	vsub.f32 v20, v27  }
0x53: {  	v24 =	vadd.s32 $0x1, v21;
	v25 =	vadd.s32 $0x1, v22;
	v26 =	vsub.f32 $1.000000000e+00, v23  }
0x54: {  	vm2 =	vlt.u32 v24, $0x20;
	vm14 =	vlt.u32 v25, $0x20;
	v27 =	vsub.f32 $1.000000000e+00, v20  }
0x55: {  	v23 =	vnsel vm2, $0x0, v23;
	v26 =	vnsel vm1, $0x0, v26;
	vm1 =	vgt.s32 v21, $0x0  }
0x56: {  	v30 =	vnsel vm14, $0x0, v20;
	v27 =	vnsel vm3, $0x0, v27;
	v20 =	vnsel vm1, $0x0, v21  }
0x57: {  	vm1 =	vgt.s32 v24, $0x0;
	v21 =	vmul.f32 $1.600000000e+01, v28;
	v31 =	vmin.u32 v20, $0x1F  }
0x58: {  	v20 =	vnsel vm1, $0x0, v24;
	vm1 =	vgt.s32 v22, $0x0;
	v24 =	vmul.f32 v27, v26  }
0x59: {  	v32 =	vmin.u32 v20, $0x1F;
	v20 =	vnsel vm1, $0x0, v22;
	vm1 =	vgt.s32 v25, $0x0  }
0x5a: {  	v33 =	vadd.f32 $1.550000000e+01, v21;
	v22 =	vmul.f32 v30, v26;
	v21 =	vmul.f32 v30, v23  }
0x5b: {  	v26 =	vld [tilespmem:$0x220];
	v30 =	vtrunc.f32 v29;
	v28 =	vmin.u32 v20, $0x1F;
	v25 =	vnsel vm1, $0x0, v25  }
0x5c: {  	v20 =	vmul.f32 v27, v23;
	v25 =	vmin.u32 v25, $0x1F;
	v23 =	vtrunc.f32 v33  }
0x5d: {  	v28 =	vshll.u32 v28, $0x5;
	v27 =	vcvt.f32.s32 v23;
	vm1 =	vlt.f32 v33, v23  }
0x5e: {  	v23 =	vcvt.f32.s32 v30;
	v34 =	vsel vm1, $0xFFFFFFFF, v0;
	vm1 =	vlt.f32 v29, v30  }
0x5f: {  	v25 =	vshll.u32 v25, $0x5;
	v30 =	vadd.s32 v27, v34;
	v27 =	vsel vm1, $0xFFFFFFFF, v0  }
0x60: {  	v28 =	vadd.s32 v26, v28;
	v35 =	vadd.s32 v26, v25;
	v48 =	vadd.s32 v23, v27  }
0x61: {  	v45 =	vld [tilespmem:$0x150];
	v23 =	vcvt.s32.f32 v30;
	v27 =	vadd.s32 v31, v28;
	v26 =	vadd.s32 v31, v35  }
0x62: {  	v25 =	vadd.s32 v32, v28;
	vm1 =	vlt.u32 v30, $0x20;
	v36 =	vcvt.s32.f32 v48  }
0x63: {  	v49 =	vadd.s32 $0x1, v48;
	vm3 =	vlt.u32 v48, $0x20;
	v31 =	vsub.f32 v33, v23  }
0x64: {  	v23 =	vadd.s32 v32, v35;
	vm15 =	vlt.u32 v49, $0x20;
	v28 =	vsub.f32 v29, v36  }
0x65: {  	v51 =	vld [tilespmem:$0x40];
	v29 =	vadd.s32 $0x1, v30;
	v36 =	vadd.f32 $1.550000000e+01, v52;
	v33 =	vsub.f32 $1.000000000e+00, v31  }
0x66: {  	v52 =	vmul.f32 $1.600000000e+01, v45;
	vm2 =	vlt.u32 v29, $0x20;
	v50 =	vsub.f32 $1.000000000e+00, v28  }
0x67: {  	v63 =	vld [tilespmem:$0x50];
	v31 =	vnsel vm2, $0x0, v31;
	v33 =	vnsel vm1, $0x0, v33;
	vm1 =	vgt.s32 v30, $0x0  }
0x68: {  	v28 =	vnsel vm15, $0x0, v28;
	v41 =	vtrunc.f32 v36;
	v30 =	vnsel vm1, $0x0, v30  }
0x69: {  	v35 =	vnsel vm3, $0x0, v50;
	vm1 =	vgt.s32 v29, $0x0;
	v38 =	vmin.u32 v30, $0x1F  }
0x6a: {  	v29 =	vnsel vm1, $0x0, v29;
	vm1 =	vgt.s32 v48, $0x0;
	v30 =	vmul.f32 $1.600000000e+01, v51  }
0x6b: {  	v54 =	vld [tilespmem:$0x230];
	v32 =	vmul.f32 v35, v33;
	v39 =	vmin.u32 v29, $0x1F;
	v29 =	vnsel vm1, $0x0, v48  }
0x6c: {  	v51 =	vmul.f32 $1.600000000e+01, v63;
	vm1 =	vgt.s32 v49, $0x0;
	v34 =	vmin.u32 v29, $0x1F  }
0x6d: {  	v53 =	vnsel vm1, $0x0, v49;
	v40 =	vadd.f32 $1.550000000e+01, v30;
	v30 =	vmul.f32 v28, v33  }
0x6e: {  	v29 =	vmul.f32 v35, v31;
	v28 =	vmul.f32 v28, v31;
	v55 =	vmin.u32 v53, $0x1F  }
0x6f: {  	v34 =	vshll.u32 v34, $0x5;
	v31 =	vtrunc.f32 v40;
	v35 =	vshll.u32 v55, $0x5  }
0x70: {  	v57 =	vadd.s32 v54, v34;
	v56 =	vcvt.f32.s32 v31;
	vm1 =	vlt.f32 v40, v31  }
0x71: {  	v31 =	vcvt.f32.s32 v41;
	v42 =	vsel vm1, $0xFFFFFFFF, v0;
	vm1 =	vlt.f32 v36, v41  }
0x72: {  	v43 =	vadd.s32 v54, v35;
	v35 =	vadd.s32 v38, v57;
	v41 =	vsel vm1, $0xFFFFFFFF, v0  }
0x73: {  	v33 =	vadd.s32 v39, v57;
	v37 =	vadd.s32 v56, v42;
	v41 =	vadd.s32 v31, v41  }
0x74: {  	v34 =	vadd.s32 v38, v43;
	v31 =	vcvt.s32.f32 v37;
	v44 =	vcvt.s32.f32 v41  }
0x75: {  	v59 =	vadd.s32 $0x1, v37;
	vm1 =	vlt.u32 v37, $0x20;
	v60 =	vadd.s32 $0x1, v41  }
0x76: {  	vm2 =	vlt.u32 v59, $0x20;
	v58 =	vsub.f32 v40, v31;
	v36 =	vsub.f32 v36, v44  }
0x77: {  	vm3 =	vlt.u32 v41, $0x20;
	v31 =	vadd.s32 v39, v43;
	v44 =	vadd.f32 $1.550000000e+01, v52  }
0x78: {  	vm8 =	vlt.u32 v60, $0x20;
	v61 =	vsub.f32 $1.000000000e+00, v58;
	v62 =	vsub.f32 $1.000000000e+00, v36  }
0x79: {  	[tilespmem:$0xA30] =	vst v31;
	v31 =	vld [tilespmem:$0xA0];
	v46 =	vnsel vm2, $0x0, v58;
	v47 =	vnsel vm8, $0x0, v36;
	v58 =	vtrunc.f32 v44  }
0x7a: {  	v42 =	vnsel vm1, $0x0, v61;
	vm1 =	vgt.s32 v37, $0x0;
	v43 =	vnsel vm3, $0x0, v62  }
0x7b: {  	v48 =	vnsel vm1, $0x0, v37;
	vm1 =	vgt.s32 v59, $0x0;
	v38 =	vmul.f32 v47, v42  }
0x7c: {  	v37 =	vmul.f32 v47, v46;
	v48 =	vmin.u32 v48, $0x1F;
	v49 =	vnsel vm1, $0x0, v59  }
0x7d: {  	vm1 =	vgt.s32 v41, $0x0;
	v40 =	vmul.f32 v43, v42;
	v36 =	vmul.f32 v43, v46  }
0x7e: {  	v54 =	vld [tilespmem:$0x240];
	v59 =	vcvt.f32.s32 v58;
	v31 =	vmul.f32 $1.600000000e+01, v31;
	v39 =	vmin.u32 v49, $0x1F  }
0x7f: {  	v50 =	vnsel vm1, $0x0, v41;
	vm1 =	vgt.s32 v60, $0x0;
	v49 =	vadd.f32 $1.550000000e+01, v51  }
0x80: {  	v41 =	vmin.u32 v50, $0x1F;
	v53 =	vnsel vm1, $0x0, v60;
	v31 =	vadd.f32 $1.550000000e+01, v31  }
0x81: {  	v55 =	vmin.u32 v53, $0x1F;
	v56 =	vtrunc.f32 v49;
	v41 =	vshll.u32 v41, $0x5  }
0x82: {  	v57 =	vcvt.f32.s32 v56;
	vm1 =	vlt.f32 v49, v56;
	v43 =	vshll.u32 v55, $0x5  }
0x83: {  	v41 =	vadd.s32 v54, v41;
	v50 =	vsel vm1, $0xFFFFFFFF, v0;
	vm1 =	vlt.f32 v44, v58  }
0x84: {  	v53 =	vld [tilespmem:$0x160];
	v61 =	vadd.s32 v54, v43;
	v43 =	vadd.s32 v48, v41;
	v41 =	vadd.s32 v39, v41  }
0x85: {  	v52 =	vld [tilespmem:$0x60];
	v46 =	vadd.s32 v57, v50;
	v47 =	vsel vm1, $0xFFFFFFFF, v0;
	v42 =	vadd.s32 v48, v61  }
0x86: {  	v39 =	vadd.s32 v39, v61;
	v45 =	vadd.s32 v59, v47;
	v60 =	vcvt.s32.f32 v46  }
0x87: {  	v62 =	vadd.s32 $0x1, v46;
	vm1 =	vlt.u32 v46, $0x20;
	v51 =	vcvt.s32.f32 v45  }
0x88: {  	v63 =	vadd.s32 $0x1, v45;
	vm2 =	vlt.u32 v62, $0x20;
	v47 =	vsub.f32 v49, v60  }
0x89: {  	vm3 =	vlt.u32 v45, $0x20;
	v53 =	vmul.f32 $1.600000000e+01, v53;
	v44 =	vsub.f32 v44, v51  }
0x8a: {  	vm9 =	vlt.u32 v63, $0x20;
	v60 =	vmul.f32 $1.600000000e+01, v52;
	v56 =	vsub.f32 $1.000000000e+00, v47  }
0x8b: {  	v53 =	vadd.f32 $1.550000000e+01, v53;
	v47 =	vnsel vm2, $0x0, v47;
	v51 =	vsub.f32 $1.000000000e+00, v44  }
0x8c: {  	v54 =	vnsel vm9, $0x0, v44;
	v50 =	vnsel vm1, $0x0, v56;
	vm1 =	vgt.s32 v46, $0x0  }
0x8d: {  	v51 =	vnsel vm3, $0x0, v51;
	v57 =	vnsel vm1, $0x0, v46;
	vm1 =	vgt.s32 v62, $0x0  }
0x8e: {  	v46 =	vmul.f32 v54, v50;
	v55 =	vmin.u32 v57, $0x1F;
	v58 =	vnsel vm1, $0x0, v62  }
0x8f: {  	vm1 =	vgt.s32 v45, $0x0;
	v48 =	vmul.f32 v51, v50;
	v57 =	vadd.f32 $1.550000000e+01, v60  }
0x90: {  	v44 =	vmul.f32 v51, v47;
	v56 =	vmin.u32 v58, $0x1F;
	v59 =	vnsel vm1, $0x0, v45  }
0x91: {  	v50 =	vld [tilespmem:$0x250];
	vm1 =	vgt.s32 v63, $0x0;
	v45 =	vmul.f32 v54, v47;
	v52 =	vmin.u32 v59, $0x1F  }
0x92: {  	v49 =	vnsel vm1, $0x0, v63;
	v61 =	vtrunc.f32 v57;
	v63 =	vtrunc.f32 v53  }
0x93: {  	v49 =	vmin.u32 v49, $0x1F;
	v62 =	vcvt.f32.s32 v61;
	vm1 =	vlt.f32 v57, v61  }
0x94: {  	v60 =	vcvt.f32.s32 v63;
	v58 =	vsel vm1, $0xFFFFFFFF, v0;
	vm1 =	vlt.f32 v53, v63  }
0x95: {  	v52 =	vshll.u32 v52, $0x5;
	v49 =	vshll.u32 v49, $0x5;
	v61 =	vsel vm1, $0xFFFFFFFF, v0  }
0x96: {  	v54 =	vadd.s32 v62, v58;
	v52 =	vadd.s32 v50, v52;
	v58 =	vadd.s32 v60, v61  }
0x97: {  	v59 =	vadd.s32 v50, v49;
	v47 =	vcvt.s32.f32 v54;
	v60 =	vcvt.s32.f32 v58  }
0x98: {  	v51 =	vadd.s32 v55, v52;
	v50 =	vadd.s32 v55, v59;
	v49 =	vadd.s32 v56, v52  }
0x99: {  	vm1 =	vlt.u32 v54, $0x20;
	v55 =	vsub.f32 v57, v47;
	v52 =	vsub.f32 v53, v60;
	v53 =	vld [tilespmem:$0x70]  }
0x9a: {  	vm3 =	vlt.u32 v58, $0x20;
	v47 =	vadd.s32 v56, v59;
	v56 =	vadd.s32 $0x1, v54  }
0x9b: {  	v57 =	vadd.s32 $0x1, v58;
	vm2 =	vlt.u32 v56, $0x20;
	v59 =	vsub.f32 $1.000000000e+00, v55  }
0x9c: {  	v61 =	vld [tilespmem:$0x170];
	vm10 =	vlt.u32 v57, $0x20;
	v62 =	vnsel vm2, $0x0, v55;
	v60 =	vsub.f32 $1.000000000e+00, v52  }
0x9d: {  	v52 =	vnsel vm10, $0x0, v52;
	v59 =	vnsel vm1, $0x0, v59;
	vm1 =	vgt.s32 v54, $0x0  }
0x9e: {  	v54 =	vnsel vm1, $0x0, v54;
	vm1 =	vgt.s32 v56, $0x0;
	v53 =	vmul.f32 $1.600000000e+01, v53  }
0x9f: {  	v60 =	vnsel vm3, $0x0, v60;
	v63 =	vmin.u32 v54, $0x1F;
	v56 =	vnsel vm1, $0x0, v56  }
0xa0: {  	v55 =	vmul.f32 v60, v59;
	v54 =	vmul.f32 v52, v59;
	v59 =	vadd.f32 $1.550000000e+01, v53  }
0xa1: {  	vm1 =	vgt.s32 v58, $0x0;
	v53 =	vmul.f32 v60, v62;
	v60 =	vmul.f32 $1.600000000e+01, v61  }
0xa2: {  	v52 =	vmul.f32 v52, v62;
	v58 =	vnsel vm1, $0x0, v58;
	v61 =	vtrunc.f32 v59  }
0xa3: {  	v60 =	vadd.f32 $1.550000000e+01, v60;
	v62 =	vcvt.f32.s32 v61;
	vm1 =	vlt.f32 v59, v61  }
0xa4: {  	[tilespmem:$0x300] =	vst v7;
	v56 =	vmin.u32 v56, $0x1F;
	v58 =	vmin.u32 v58, $0x1F;
	v1 =	vsel vm1, $0xFFFFFFFF, v0  }
0xa5: {  	[tilespmem:$0x500] =	vst v4;
	v61 =	vld [tilespmem:$0x260];
	vm1 =	vgt.s32 v57, $0x0;
	v7 =	vtrunc.f32 v60;
	v1 =	vadd.s32 v62, v1  }
0xa6: {  	[tilespmem:$0x400] =	vst v6;
	v6 =	vnsel vm1, $0x0, v57;
	vm1 =	vlt.f32 v60, v7;
	v7 =	vcvt.f32.s32 v7  }
0xa7: {  	[tilespmem:$0x600] =	vst v5;
	v4 =	vmin.u32 v6, $0x1F;
	v6 =	vshll.u32 v58, $0x5;
	v62 =	vsel vm1, $0xFFFFFFFF, v0  }
0xa8: {  	[tilespmem:$0xA00] =	vst v8;
	v5 =	vcvt.s32.f32 v1;
	v8 =	vadd.s32 $0x1, v1;
	vm1 =	vlt.u32 v1, $0x20  }
0xa9: {  	v4 =	vshll.u32 v4, $0x5;
	v57 =	vadd.s32 v7, v62;
	vm2 =	vlt.u32 v8, $0x20  }
0xaa: {  	[tilespmem:$0x700] =	vst v11;
	v11 =	vadd.s32 v61, v6;
	v4 =	vadd.s32 v61, v4;
	v62 =	vcvt.s32.f32 v57  }
0xab: {  	[tilespmem:$0x800] =	vst v10;
	v10 =	vsub.f32 v59, v5;
	vm3 =	vlt.u32 v57, $0x20;
	v7 =	vadd.s32 v63, v11  }
0xac: {  	[tilespmem:$0x900] =	vst v9;
	v6 =	vadd.s32 v63, v4;
	v5 =	vadd.s32 v56, v11;
	v9 =	vsub.f32 v60, v62  }
0xad: {  	[tilespmem:$0x310] =	vst v16;
	v4 =	vadd.s32 v56, v4;
	v11 =	vadd.s32 $0x1, v57;
	v63 =	vld [tilespmem:$0x180];
	v61 =	vsub.f32 $1.000000000e+00, v10  }
0xae: {  	[tilespmem:$0x510] =	vst v12;
	v62 =	vld [tilespmem:$0x80];
	vm11 =	vlt.u32 v11, $0x20;
	v12 =	vnsel vm2, $0x0, v10;
	v16 =	vsub.f32 $1.000000000e+00, v9  }
0xaf: {  	[tilespmem:$0x410] =	vst v14;
	v14 =	vnsel vm1, $0x0, v61;
	vm1 =	vgt.s32 v1, $0x0;
	v9 =	vnsel vm11, $0x0, v9  }
0xb0: {  	v1 =	vnsel vm1, $0x0, v1;
	vm1 =	vgt.s32 v8, $0x0;
	v16 =	vnsel vm3, $0x0, v16  }
0xb1: {  	[tilespmem:$0x810] =	vst v18;
	v56 =	vld [tilespmem:$0x1A0];
	v1 =	vmin.u32 v1, $0x1F;
	v8 =	vnsel vm1, $0x0, v8;
	vm1 =	vgt.s32 v57, $0x0  }
0xb2: {  	[tilespmem:$0x910] =	vst v17;
	v17 =	vmul.f32 $1.600000000e+01, v63;
	v18 =	vmin.u32 v8, $0x1F;
	v8 =	vnsel vm1, $0x0, v57  }
0xb3: {  	[tilespmem:$0x610] =	vst v13;
	v10 =	vmul.f32 $1.600000000e+01, v62;
	vm1 =	vgt.s32 v11, $0x0;
	v13 =	vmin.u32 v8, $0x1F  }
0xb4: {  	[tilespmem:$0xA10] =	vst v15;
	v15 =	vnsel vm1, $0x0, v11;
	v11 =	vmul.f32 v16, v14;
	v8 =	vmul.f32 v16, v12  }
0xb5: {  	[tilespmem:$0x710] =	vst v19;
	v16 =	vadd.f32 $1.550000000e+01, v17;
	v19 =	vadd.f32 $1.550000000e+01, v10;
	v10 =	vmul.f32 v9, v14;
	v14 =	vld [tilespmem:$0x270]  }
0xb6: {  	[tilespmem:$0x330] =	vst v32;
	v32 =	vmul.f32 $1.600000000e+01, v56;
	v15 =	vmin.u32 v15, $0x1F;
	v9 =	vmul.f32 v9, v12  }
0xb7: {  	[tilespmem:$0x520] =	vst v20;
	v13 =	vshll.u32 v13, $0x5;
	v20 =	vtrunc.f32 v16;
	v12 =	vtrunc.f32 v19  }
0xb8: {  	[tilespmem:$0x320] =	vst v24;
	v15 =	vshll.u32 v15, $0x5;
	v17 =	vcvt.f32.s32 v12;
	vm1 =	vlt.f32 v19, v12  }
0xb9: {  	[tilespmem:$0x620] =	vst v21;
	v12 =	vcvt.f32.s32 v20;
	v21 =	vsel vm1, $0xFFFFFFFF, v0;
	vm1 =	vlt.f32 v16, v20  }
0xba: {  	[tilespmem:$0x420] =	vst v22;
	v17 =	vadd.s32 v17, v21;
	v20 =	vsel vm1, $0xFFFFFFFF, v0;
	v13 =	vadd.s32 v14, v13  }
0xbb: {  	[tilespmem:$0x720] =	vst v27;
	v21 =	vadd.s32 v14, v15;
	v20 =	vadd.s32 v12, v20;
	v12 =	vcvt.s32.f32 v17  }
0xbc: {  	[tilespmem:$0x820] =	vst v26;
	v15 =	vadd.s32 v1, v13;
	v14 =	vadd.s32 v1, v21;
	v22 =	vcvt.s32.f32 v20  }
0xbd: {  	v24 =	vld [tilespmem:$0x190];
	[tilespmem:$0x920] =	vst v25;
	v13 =	vadd.s32 v18, v13;
	vm1 =	vlt.u32 v17, $0x20;
	v1 =	vsub.f32 v19, v12  }
0xbe: {  	[tilespmem:$0xA20] =	vst v23;
	v23 =	vld [tilespmem:$0x90];
	vm3 =	vlt.u32 v20, $0x20;
	v12 =	vadd.s32 v18, v21;
	v16 =	vsub.f32 v16, v22  }
0xbf: {  	[tilespmem:$0x430] =	vst v30;
	v18 =	vadd.s32 $0x1, v17;
	v19 =	vadd.s32 $0x1, v20;
	v21 =	vsub.f32 $1.000000000e+00, v1  }
0xc0: {  	[tilespmem:$0x530] =	vst v29;
	vm2 =	vlt.u32 v18, $0x20;
	vm12 =	vlt.u32 v19, $0x20;
	v22 =	vsub.f32 $1.000000000e+00, v16  }
0xc1: {  	[tilespmem:$0x630] =	vst v28;
	v1 =	vnsel vm2, $0x0, v1;
	v21 =	vnsel vm1, $0x0, v21;
	vm1 =	vgt.s32 v17, $0x0  }
0xc2: {  	[tilespmem:$0x730] =	vst v35;
	v25 =	vnsel vm12, $0x0, v16;
	v22 =	vnsel vm3, $0x0, v22;
	v16 =	vnsel vm1, $0x0, v17  }
0xc3: {  	[tilespmem:$0x930] =	vst v33;
	vm1 =	vgt.s32 v18, $0x0;
	v17 =	vmul.f32 $1.600000000e+01, v23;
	v23 =	vmul.f32 $1.600000000e+01, v24  }
0xc4: {  	[tilespmem:$0x830] =	vst v34;
	v26 =	vmin.u32 v16, $0x1F;
	v16 =	vnsel vm1, $0x0, v18;
	vm1 =	vgt.s32 v20, $0x0  }
0xc5: {  	[tilespmem:$0x440] =	vst v38;
	v24 =	vmul.f32 v22, v21;
	v18 =	vmul.f32 v25, v21;
	v27 =	vmin.u32 v16, $0x1F  }
0xc6: {  	[tilespmem:$0x640] =	vst v37;
	v16 =	vnsel vm1, $0x0, v20;
	vm1 =	vgt.s32 v19, $0x0;
	v28 =	vadd.f32 $1.550000000e+01, v17  }
0xc7: {  	[tilespmem:$0x340] =	vst v40;
	v21 =	vadd.f32 $1.550000000e+01, v23;
	v17 =	vmul.f32 v25, v1;
	v20 =	vmin.u32 v16, $0x1F  }
0xc8: {  	[tilespmem:$0x540] =	vst v36;
	v19 =	vnsel vm1, $0x0, v19;
	v16 =	vmul.f32 v22, v1;
	v22 =	vld [tilespmem:$0x280];
	v1 =	vtrunc.f32 v28  }
0xc9: {  	[tilespmem:$0x740] =	vst v43;
	v25 =	vtrunc.f32 v21;
	v23 =	vcvt.f32.s32 v1;
	vm1 =	vlt.f32 v28, v1  }
0xca: {  	[tilespmem:$0x940] =	vst v41;
	v1 =	vcvt.f32.s32 v25;
	v29 =	vsel vm1, $0xFFFFFFFF, v0;
	vm1 =	vlt.f32 v21, v25  }
0xcb: {  	[tilespmem:$0x840] =	vst v42;
	v19 =	vmin.u32 v19, $0x1F;
	v20 =	vshll.u32 v20, $0x5;
	v25 =	vsel vm1, $0xFFFFFFFF, v0  }
0xcc: {  	[tilespmem:$0xA40] =	vst v39;
	v19 =	vshll.u32 v19, $0x5;
	v23 =	vadd.s32 v23, v29;
	v1 =	vadd.s32 v1, v25  }
0xcd: {  	[tilespmem:$0x450] =	vst v46;
	v25 =	vcvt.s32.f32 v23;
	v20 =	vadd.s32 v22, v20;
	v19 =	vadd.s32 v22, v19  }
0xce: {  	[tilespmem:$0x350] =	vst v48;
	vm1 =	vlt.u32 v23, $0x20;
	v22 =	vcvt.s32.f32 v1;
	v29 =	vadd.s32 v26, v20  }
0xcf: {  	[tilespmem:$0x550] =	vst v44;
	v26 =	vadd.s32 v26, v19;
	v20 =	vadd.s32 v27, v20;
	v25 =	vsub.f32 v28, v25  }
0xd0: {  	[tilespmem:$0x650] =	vst v45;
	v19 =	vadd.s32 v27, v19;
	v27 =	vadd.s32 $0x1, v1;
	v21 =	vsub.f32 v21, v22  }
0xd1: {  	[tilespmem:$0x750] =	vst v51;
	vm3 =	vlt.u32 v1, $0x20;
	v22 =	vadd.s32 $0x1, v23;
	v28 =	vsub.f32 $1.000000000e+00, v25  }
0xd2: {  	[tilespmem:$0x850] =	vst v50;
	vm13 =	vlt.u32 v27, $0x20;
	vm2 =	vlt.u32 v22, $0x20;
	v30 =	vsub.f32 $1.000000000e+00, v21  }
0xd3: {  	[tilespmem:$0x950] =	vst v49;
	v25 =	vnsel vm2, $0x0, v25;
	v28 =	vnsel vm1, $0x0, v28;
	vm1 =	vgt.s32 v23, $0x0  }
0xd4: {  	[tilespmem:$0xA50] =	vst v47;
	v21 =	vnsel vm13, $0x0, v21;
	v30 =	vnsel vm3, $0x0, v30;
	v23 =	vnsel vm1, $0x0, v23  }
0xd5: {  	[tilespmem:$0x780] =	vst v7;
	vm1 =	vgt.s32 v22, $0x0;
	v7 =	vmul.f32 v21, v28;
	v21 =	vmul.f32 v21, v25  }
0xd6: {  	[tilespmem:$0x360] =	vst v55;
	v23 =	vmin.u32 v23, $0x1F;
	v22 =	vnsel vm1, $0x0, v22;
	vm1 =	vgt.s32 v1, $0x0  }
0xd7: {  	[tilespmem:$0x460] =	vst v54;
	v57 =	vmul.f32 v30, v28;
	v28 =	vmul.f32 v30, v25;
	v30 =	vadd.f32 $1.550000000e+01, v32  }
0xd8: {  	[tilespmem:$0x880] =	vst v6;
	v25 =	vtrunc.f32 v31;
	v1 =	vnsel vm1, $0x0, v1;
	vm1 =	vgt.s32 v27, $0x0  }
0xd9: {  	v6 =	vld [tilespmem:$0x290];
	[tilespmem:$0x980] =	vst v5;
	v5 =	vcvt.f32.s32 v25;
	v1 =	vmin.u32 v1, $0x1F;
	v27 =	vnsel vm1, $0x0, v27  }
0xda: {  	[tilespmem:$0x660] =	vst v52;
	v32 =	vtrunc.f32 v30;
	vm1 =	vlt.f32 v31, v25;
	v27 =	vmin.u32 v27, $0x1F  }
0xdb: {  	[tilespmem:$0xA80] =	vst v4;
	v4 =	vcvt.f32.s32 v32;
	v25 =	vsel vm1, $0xFFFFFFFF, v0;
	vm1 =	vlt.f32 v30, v32  }
0xdc: {  	[tilespmem:$0x370] =	vst v11;
	v1 =	vshll.u32 v1, $0x5;
	v5 =	vadd.s32 v5, v25;
	v11 =	vsel vm1, $0xFFFFFFFF, v0  }
0xdd: {  	[tilespmem:$0x470] =	vst v10;
	v10 =	vshll.u32 v27, $0x5;
	v4 =	vadd.s32 v4, v11;
	v11 =	vcvt.s32.f32 v5  }
0xde: {  	[tilespmem:$0x570] =	vst v8;
	v22 =	vmin.u32 v22, $0x1F;
	v1 =	vadd.s32 v6, v1;
	v6 =	vadd.s32 v6, v10  }
0xdf: {  	[tilespmem:$0x670] =	vst v9;
	v9 =	vadd.s32 v23, v1;
	v1 =	vadd.s32 v22, v1;
	v11 =	vsub.f32 v31, v11  }
0xe0: {  	[tilespmem:$0x890] =	vst v14;
	v14 =	vadd.s32 $0x1, v5;
	v8 =	vcvt.s32.f32 v4;
	v10 =	vadd.s32 v23, v6;
	v23 =	vld [tilespmem:$0xB0]  }
0xe1: {  	[tilespmem:$0x560] =	vst v53;
	vm1 =	vlt.u32 v5, $0x20;
	v6 =	vadd.s32 v22, v6;
	v22 =	vsub.f32 $1.000000000e+00, v11  }
0xe2: {  	[tilespmem:$0x790] =	vst v15;
	v15 =	vadd.s32 $0x1, v4;
	vm2 =	vlt.u32 v14, $0x20;
	v8 =	vsub.f32 v30, v8  }
0xe3: {  	[tilespmem:$0xA90] =	vst v12;
	vm3 =	vlt.u32 v4, $0x20;
	vm14 =	vlt.u32 v15, $0x20;
	v12 =	vnsel vm1, $0x0, v22;
	v22 =	vld [tilespmem:$0x1B0]  }
0xe4: {  	[tilespmem:$0x990] =	vst v13;
	v11 =	vnsel vm2, $0x0, v11;
	v13 =	vsub.f32 $1.000000000e+00, v8;
	vm1 =	vgt.s32 v5, $0x0  }
0xe5: {  	[tilespmem:$0x580] =	vst v16;
	v8 =	vnsel vm14, $0x0, v8;
	v16 =	vmul.f32 $1.600000000e+01, v23;
	v5 =	vnsel vm1, $0x0, v5  }
0xe6: {  	[tilespmem:$0x380] =	vst v24;
	v13 =	vnsel vm3, $0x0, v13;
	vm1 =	vgt.s32 v14, $0x0;
	v5 =	vmin.u32 v5, $0x1F  }
0xe7: {  	[tilespmem:$0x480] =	vst v18;
	v14 =	vnsel vm1, $0x0, v14;
	vm1 =	vgt.s32 v4, $0x0;
	v18 =	vmul.f32 v13, v12  }
0xe8: {  	[tilespmem:$0x680] =	vst v17;
	v16 =	vadd.f32 $1.550000000e+01, v16;
	v12 =	vmul.f32 v8, v12;
	v17 =	vmul.f32 $1.600000000e+01, v22  }
0xe9: {  	[tilespmem:$0x7A0] =	vst v29;
	v13 =	vmul.f32 v13, v11;
	v4 =	vnsel vm1, $0x0, v4;
	vm1 =	vgt.s32 v15, $0x0  }
0xea: {  	[tilespmem:$0x8A0] =	vst v26;
	v8 =	vmul.f32 v8, v11;
	v15 =	vnsel vm1, $0x0, v15;
	v17 =	vadd.f32 $1.550000000e+01, v17  }
0xeb: {  	[tilespmem:$0xAA0] =	vst v19;
	v19 =	vld [tilespmem:$0x2A0];
	v4 =	vmin.u32 v4, $0x1F;
	v11 =	vtrunc.f32 v16;
	v15 =	vmin.u32 v15, $0x1F  }
0xec: {  	[tilespmem:$0x9A0] =	vst v20;
	v20 =	vcvt.f32.s32 v11;
	vm1 =	vlt.f32 v16, v11;
	v22 =	vtrunc.f32 v17  }
0xed: {  	[tilespmem:$0x490] =	vst v7;
	v11 =	vsel vm1, $0xFFFFFFFF, v0;
	v7 =	vcvt.f32.s32 v22;
	vm1 =	vlt.f32 v17, v22  }
0xee: {  	[tilespmem:$0x690] =	vst v21;
	v4 =	vshll.u32 v4, $0x5;
	v11 =	vadd.s32 v20, v11;
	v20 =	vsel vm1, $0xFFFFFFFF, v0  }
0xef: {  	[tilespmem:$0x390] =	vst v57;
	v15 =	vshll.u32 v15, $0x5;
	v7 =	vadd.s32 v7, v20;
	v20 =	vcvt.s32.f32 v11  }
0xf0: {  	[tilespmem:$0x7B0] =	vst v9;
	v14 =	vmin.u32 v14, $0x1F;
	v4 =	vadd.s32 v19, v4;
	v9 =	vadd.s32 v19, v15  }
0xf1: {  	[tilespmem:$0x8B0] =	vst v10;
	v10 =	vadd.s32 v5, v4;
	v15 =	vcvt.s32.f32 v7;
	v16 =	vsub.f32 v16, v20  }
0xf2: {  	[tilespmem:$0x9B0] =	vst v1;
	v1 =	vadd.s32 v14, v4;
	v5 =	vadd.s32 v5, v9;
	v4 =	vadd.s32 v14, v9  }
0xf3: {  	[tilespmem:$0xAB0] =	vst v6;
	v14 =	vadd.s32 $0x1, v7;
	v9 =	vsub.f32 v17, v15;
	v15 =	vsub.f32 $1.000000000e+00, v16  }
0xf4: {  	[tilespmem:$0x4A0] =	vst v12;
	v6 =	vadd.s32 $0x1, v11;
	vm1 =	vlt.u32 v11, $0x20;
	vm15 =	vlt.u32 v14, $0x20  }
0xf5: {  	[tilespmem:$0x7C0] =	vst v10;
	v10 =	vld [tilespmem:$0x2B0];
	v17 =	vsub.f32 $1.000000000e+00, v9;
	v12 =	vnsel vm1, $0x0, v15;
	vm1 =	vgt.s32 v11, $0x0  }
0xf6: {  	[tilespmem:$0x6A0] =	vst v8;
	v8 =	vnsel vm15, $0x0, v9;
	v15 =	vld [tilespmem:$0x700];
	v9 =	vnsel vm1, $0x0, v11;
	vm1 =	vgt.s32 v7, $0x0  }
0xf7: {  	[tilespmem:$0x5A0] =	vst v13;
	vm3 =	vlt.u32 v7, $0x20;
	v7 =	vnsel vm1, $0x0, v7;
	vm1 =	vgt.s32 v14, $0x0  }
0xf8: {  	vm2 =	vlt.u32 v6, $0x20;
	[tilespmem:$0x8C0] =	vst v5;
	v5 =	vmin.u32 v7, $0x1F;
	v7 =	vnsel vm1, $0x0, v14  }
0xf9: {  	v3 =	vld [tilespmem:$0x1FFE0];
	[tilespmem:$0x9C0] =	vst v1;
	v13 =	vnsel vm2, $0x0, v16;
	v16 =	vnsel vm3, $0x0, v17;
	v1 =	vmin.u32 v7, $0x1F  }
0xfa: {  	[tilespmem:$0xAC0] =	vst v4;
	v4 =	vmul.f32 v8, v12;
	v5 =	vshll.u32 v5, $0x5;
	v1 =	vshll.u32 v1, $0x5  }
0xfb: {  	[tilespmem:$0x590] =	vst v28;
	v11 =	vshll.u32 v15, $0x1;
	v5 =	vadd.s32 v10, v5;
	v1 =	vadd.s32 v10, v1;
	v10 =	vld [tilespmem:$0x1FFF0]  }
0xfc: {  	[tilespmem:$0x3A0] =	vst v18;
	v7 =	vmul.f32 v16, v12;
	v12 =	vand.u32 $0x7, v15;
	v11 =	vand.u32 $0xFFFFFFF0, v11  }
0xfd: {  	[tilespmem:$0x4B0] =	vst v4;
	v4 =	vmul.f32 v8, v13;
	v11 =	vor.u32 v12, v11  }
0xfe: {  	vm2 =	vgt.s32 v6, $0x0;
	[tilespmem:$0x3B0] =	vst v7;
	v7 =	vmul.f32 v16, v13;
	v8 =	vperm.xlane v11, v3  }
0xff: {  	v6 =	vnsel vm2, $0x0, v6;
	v9 =	vmin.u32 v9, $0x1F;
	[tilespmem:$0x6B0] =	vst v4  }
0x100: {  	[tilespmem:$0x5B0] =	vst v7;
	v7 =	vadd.s32 v9, v5;
	v4 =	vadd.s32 v2, v8;
	v8 =	vperm.xlane v11, v10  }
0x101: {  	v6 =	vmin.u32 v6, $0x1F;
	[tilespmem:$0x7D0] =	vst v7;
	v7 =	vadd.s32 v9, v1  }
0x102: {  	v5 =	vadd.s32 v6, v5;
	[tilespmem:$0x8D0] =	vst v7;
	v7 =	vadd.s32 v2, v8  }
0x103: {  	[tilespmem:$0x9D0] =	vst v5;
	v1 =	vadd.s32 v6, v1  }
0x104: {  	s21 =	simm.s32 $0xB00;
	[tilespmem:$0xAD0] =	vst v1  }
0x105: {  	[tilespmem:s21], [sflag:$0x1] =	stream.indirect_vreg.gather [hbm4b:s1+s3], $0x80, v4, vm0, $0xb8;
	[tilespmem:$0x1EB00] =	vst v63  }
0x106: {  	s22 =	simm.s32 $0x1300  }
0x107: {  	[tilespmem:s22], [sflag:$0x1] =	stream.indirect_vreg.gather [hbm4b:s1+s3], $0x80, v7, vm0, $0xb8;
	[tilespmem:$0x1EB00] =	vst v63  }
0x108: {  	v1 =	vld [tilespmem:$0x710];
	_ =	sdelay $0x4  }
0x109: {  	v4 =	vshll.u32 v1, $0x1  }
0x10a: {  	v1 =	vand.u32 $0x7, v1;
	v4 =	vand.u32 $0xFFFFFFF0, v4  }
0x10b: {  	v1 =	vor.u32 v1, v4  }
0x10c: {  	v4 =	vperm.xlane v1, v3;
	_ =	sdelay $0x1  }
0x10d: {  	v1 =	vperm.xlane v1, v10;
	v4 =	vadd.s32 v2, v4;
	_ =	sdelay $0x1  }
0x10e: {  	v1 =	vadd.s32 v2, v1;
	_ =	sdelay $0x1  }
0x10f: {  	s23 =	simm.s32 $0x1B00  }
0x110: {  	[tilespmem:s23], [sflag:$0x1] =	stream.indirect_vreg.gather [hbm4b:s1+s3], $0x80, v4, vm0, $0xb8;
	[tilespmem:$0x1EB00] =	vst v63  }
0x111: {  	s24 =	simm.s32 $0x2300  }
0x112: {  	[tilespmem:s24], [sflag:$0x1] =	stream.indirect_vreg.gather [hbm4b:s1+s3], $0x80, v1, vm0, $0xb8;
	[tilespmem:$0x1EB00] =	vst v63  }
0x113: {  	v1 =	vld [tilespmem:$0x720];
	_ =	sdelay $0x4  }
0x114: {  	v4 =	vshll.u32 v1, $0x1  }
0x115: {  	v1 =	vand.u32 $0x7, v1;
	v4 =	vand.u32 $0xFFFFFFF0, v4  }
0x116: {  	v1 =	vor.u32 v1, v4  }
0x117: {  	v4 =	vperm.xlane v1, v3;
	_ =	sdelay $0x1  }
0x118: {  	v1 =	vperm.xlane v1, v10;
	v4 =	vadd.s32 v2, v4;
	_ =	sdelay $0x1  }
0x119: {  	v1 =	vadd.s32 v2, v1;
	_ =	sdelay $0x1  }
0x11a: {  	s6 =	simm.s32 $0x2B00  }
0x11b: {  	[tilespmem:s6], [sflag:$0x1] =	stream.indirect_vreg.gather [hbm4b:s1+s3], $0x80, v4, vm0, $0xb8;
	[tilespmem:$0x1EB00] =	vst v63  }
0x11c: {  	s7 =	simm.s32 $0x3300  }
0x11d: {  	[tilespmem:s7], [sflag:$0x1] =	stream.indirect_vreg.gather [hbm4b:s1+s3], $0x80, v1, vm0, $0xb8;
	[tilespmem:$0x1EB00] =	vst v63  }
0x11e: {  	v1 =	vld [tilespmem:$0x730];
	_ =	sdelay $0x4  }
0x11f: {  	v4 =	vshll.u32 v1, $0x1  }
0x120: {  	v1 =	vand.u32 $0x7, v1;
	v4 =	vand.u32 $0xFFFFFFF0, v4  }
0x121: {  	v1 =	vor.u32 v1, v4  }
0x122: {  	v4 =	vperm.xlane v1, v3;
	_ =	sdelay $0x1  }
0x123: {  	v1 =	vperm.xlane v1, v10;
	v4 =	vadd.s32 v2, v4;
	_ =	sdelay $0x1  }
0x124: {  	v1 =	vadd.s32 v2, v1;
	_ =	sdelay $0x1  }
0x125: {  	s8 =	simm.s32 $0x3B00  }
0x126: {  	[tilespmem:s8], [sflag:$0x1] =	stream.indirect_vreg.gather [hbm4b:s1+s3], $0x80, v4, vm0, $0xb8;
	[tilespmem:$0x1EB00] =	vst v63  }
0x127: {  	s19 =	simm.s32 $0x4300  }
0x128: {  	[tilespmem:s19], [sflag:$0x1] =	stream.indirect_vreg.gather [hbm4b:s1+s3], $0x80, v1, vm0, $0xb8;
	[tilespmem:$0x1EB00] =	vst v63  }
0x129: {  	v1 =	vld [tilespmem:$0x740];
	_ =	sdelay $0x4  }
0x12a: {  	v4 =	vshll.u32 v1, $0x1  }
0x12b: {  	v1 =	vand.u32 $0x7, v1;
	v4 =	vand.u32 $0xFFFFFFF0, v4  }
0x12c: {  	v1 =	vor.u32 v1, v4  }
0x12d: {  	v4 =	vperm.xlane v1, v3;
	_ =	sdelay $0x1  }
0x12e: {  	v1 =	vperm.xlane v1, v10;
	v4 =	vadd.s32 v2, v4;
	_ =	sdelay $0x1  }
0x12f: {  	v1 =	vadd.s32 v2, v1;
	_ =	sdelay $0x1  }
0x130: {  	s20 =	simm.s32 $0x4B00  }
0x131: {  	[tilespmem:s20], [sflag:$0x1] =	stream.indirect_vreg.gather [hbm4b:s1+s3], $0x80, v4, vm0, $0xb8;
	[tilespmem:$0x1EB00] =	vst v63  }
0x132: {  	s21 =	simm.s32 $0x5300  }
0x133: {  	[tilespmem:s21], [sflag:$0x1] =	stream.indirect_vreg.gather [hbm4b:s1+s3], $0x80, v1, vm0, $0xb8;
	[tilespmem:$0x1EB00] =	vst v63  }
0x134: {  	v1 =	vld [tilespmem:$0x750];
	_ =	sdelay $0x4  }
0x135: {  	v4 =	vshll.u32 v1, $0x1  }
0x136: {  	v1 =	vand.u32 $0x7, v1;
	v4 =	vand.u32 $0xFFFFFFF0, v4  }
0x137: {  	v1 =	vor.u32 v1, v4  }
0x138: {  	v4 =	vperm.xlane v1, v3;
	_ =	sdelay $0x1  }
0x139: {  	v1 =	vperm.xlane v1, v10;
	v4 =	vadd.s32 v2, v4;
	_ =	sdelay $0x1  }
0x13a: {  	v1 =	vadd.s32 v2, v1;
	_ =	sdelay $0x1  }
0x13b: {  	s22 =	simm.s32 $0x5B00  }
0x13c: {  	[tilespmem:s22], [sflag:$0x1] =	stream.indirect_vreg.gather [hbm4b:s1+s3], $0x80, v4, vm0, $0xb8;
	[tilespmem:$0x1EB00] =	vst v63  }
0x13d: {  	s23 =	simm.s32 $0x6300  }
0x13e: {  	[tilespmem:s23], [sflag:$0x1] =	stream.indirect_vreg.gather [hbm4b:s1+s3], $0x80, v1, vm0, $0xb8;
	[tilespmem:$0x1EB00] =	vst v63  }
0x13f: {  	v1 =	vld [tilespmem:$0x800];
	_ =	sdelay $0x4  }
0x140: {  	v4 =	vshll.u32 v1, $0x1  }
0x141: {  	v1 =	vand.u32 $0x7, v1;
	v4 =	vand.u32 $0xFFFFFFF0, v4  }
0x142: {  	v1 =	vor.u32 v1, v4  }
0x143: {  	v4 =	vperm.xlane v1, v3;
	_ =	sdelay $0x1  }
0x144: {  	v1 =	vperm.xlane v1, v10;
	v4 =	vadd.s32 v2, v4;
	_ =	sdelay $0x1  }
0x145: {  	v1 =	vadd.s32 v2, v1;
	_ =	sdelay $0x1  }
0x146: {  	s24 =	simm.s32 $0x6B00  }
0x147: {  	[tilespmem:s24], [sflag:$0x1] =	stream.indirect_vreg.gather [hbm4b:s1+s3], $0x80, v4, vm0, $0xb8;
	[tilespmem:$0x1EB00] =	vst v63  }
0x148: {  	s6 =	simm.s32 $0x7300  }
0x149: {  	[tilespmem:s6], [sflag:$0x1] =	stream.indirect_vreg.gather [hbm4b:s1+s3], $0x80, v1, vm0, $0xb8;
	[tilespmem:$0x1EB00] =	vst v63  }
0x14a: {  	v1 =	vld [tilespmem:$0x810];
	_ =	sdelay $0x4  }
0x14b: {  	v4 =	vshll.u32 v1, $0x1  }
0x14c: {  	v1 =	vand.u32 $0x7, v1;
	v4 =	vand.u32 $0xFFFFFFF0, v4  }
0x14d: {  	v1 =	vor.u32 v1, v4  }
0x14e: {  	v4 =	vperm.xlane v1, v3;
	_ =	sdelay $0x1  }
0x14f: {  	v1 =	vperm.xlane v1, v10;
	v4 =	vadd.s32 v2, v4;
	_ =	sdelay $0x1  }
0x150: {  	v1 =	vadd.s32 v2, v1;
	_ =	sdelay $0x1  }
0x151: {  	s7 =	simm.s32 $0x7B00  }
0x152: {  	[tilespmem:s7], [sflag:$0x1] =	stream.indirect_vreg.gather [hbm4b:s1+s3], $0x80, v4, vm0, $0xb8;
	[tilespmem:$0x1EB00] =	vst v63  }
0x153: {  	s8 =	simm.s32 $0x8300  }
0x154: {  	[tilespmem:s8], [sflag:$0x1] =	stream.indirect_vreg.gather [hbm4b:s1+s3], $0x80, v1, vm0, $0xb8;
	[tilespmem:$0x1EB00] =	vst v63  }
0x155: {  	v1 =	vld [tilespmem:$0x820];
	_ =	sdelay $0x4  }
0x156: {  	v4 =	vshll.u32 v1, $0x1  }
0x157: {  	v1 =	vand.u32 $0x7, v1;
	v4 =	vand.u32 $0xFFFFFFF0, v4  }
0x158: {  	v1 =	vor.u32 v1, v4  }
0x159: {  	v4 =	vperm.xlane v1, v3;
	_ =	sdelay $0x1  }
0x15a: {  	v1 =	vperm.xlane v1, v10;
	v4 =	vadd.s32 v2, v4;
	_ =	sdelay $0x1  }
0x15b: {  	v1 =	vadd.s32 v2, v1;
	_ =	sdelay $0x1  }
0x15c: {  	s19 =	simm.s32 $0x8B00  }
0x15d: {  	[tilespmem:s19], [sflag:$0x1] =	stream.indirect_vreg.gather [hbm4b:s1+s3], $0x80, v4, vm0, $0xb8;
	[tilespmem:$0x1EB00] =	vst v63  }
0x15e: {  	s20 =	simm.s32 $0x9300  }
0x15f: {  	[tilespmem:s20], [sflag:$0x1] =	stream.indirect_vreg.gather [hbm4b:s1+s3], $0x80, v1, vm0, $0xb8;
	[tilespmem:$0x1EB00] =	vst v63  }
0x160: {  	v1 =	vld [tilespmem:$0x830];
	_ =	sdelay $0x4  }
0x161: {  	v4 =	vshll.u32 v1, $0x1  }
0x162: {  	v1 =	vand.u32 $0x7, v1;
	v4 =	vand.u32 $0xFFFFFFF0, v4  }
0x163: {  	v1 =	vor.u32 v1, v4  }
0x164: {  	v4 =	vperm.xlane v1, v3;
	_ =	sdelay $0x1  }
0x165: {  	v1 =	vperm.xlane v1, v10;
	v4 =	vadd.s32 v2, v4;
	_ =	sdelay $0x1  }
0x166: {  	v1 =	vadd.s32 v2, v1;
	_ =	sdelay $0x1  }
0x167: {  	s21 =	simm.s32 $0x9B00  }
0x168: {  	[tilespmem:s21], [sflag:$0x1] =	stream.indirect_vreg.gather [hbm4b:s1+s3], $0x80, v4, vm0, $0xb8;
	[tilespmem:$0x1EB00] =	vst v63  }
0x169: {  	s22 =	simm.s32 $0xA300  }
0x16a: {  	[tilespmem:s22], [sflag:$0x1] =	stream.indirect_vreg.gather [hbm4b:s1+s3], $0x80, v1, vm0, $0xb8;
	[tilespmem:$0x1EB00] =	vst v63  }
0x16b: {  	v1 =	vld [tilespmem:$0x840];
	_ =	sdelay $0x4  }
0x16c: {  	v4 =	vshll.u32 v1, $0x1  }
0x16d: {  	v1 =	vand.u32 $0x7, v1;
	v4 =	vand.u32 $0xFFFFFFF0, v4  }
0x16e: {  	v1 =	vor.u32 v1, v4  }
0x16f: {  	v4 =	vperm.xlane v1, v3;
	_ =	sdelay $0x1  }
0x170: {  	v1 =	vperm.xlane v1, v10;
	v4 =	vadd.s32 v2, v4;
	_ =	sdelay $0x1  }
0x171: {  	v1 =	vadd.s32 v2, v1;
	_ =	sdelay $0x1  }
0x172: {  	s23 =	simm.s32 $0xAB00  }
0x173: {  	[tilespmem:s23], [sflag:$0x1] =	stream.indirect_vreg.gather [hbm4b:s1+s3], $0x80, v4, vm0, $0xb8;
	[tilespmem:$0x1EB00] =	vst v63  }
0x174: {  	s24 =	simm.s32 $0xB300  }
0x175: {  	[tilespmem:s24], [sflag:$0x1] =	stream.indirect_vreg.gather [hbm4b:s1+s3], $0x80, v1, vm0, $0xb8;
	[tilespmem:$0x1EB00] =	vst v63  }
0x176: {  	v1 =	vld [tilespmem:$0x850];
	_ =	sdelay $0x4  }
0x177: {  	v4 =	vshll.u32 v1, $0x1  }
0x178: {  	v1 =	vand.u32 $0x7, v1;
	v4 =	vand.u32 $0xFFFFFFF0, v4  }
0x179: {  	v1 =	vor.u32 v1, v4  }
0x17a: {  	v4 =	vperm.xlane v1, v3;
	_ =	sdelay $0x1  }
0x17b: {  	v1 =	vperm.xlane v1, v10;
	v4 =	vadd.s32 v2, v4;
	_ =	sdelay $0x1  }
0x17c: {  	v1 =	vadd.s32 v2, v1;
	_ =	sdelay $0x1  }
0x17d: {  	s6 =	simm.s32 $0xBB00  }
0x17e: {  	[tilespmem:s6], [sflag:$0x1] =	stream.indirect_vreg.gather [hbm4b:s1+s3], $0x80, v4, vm0, $0xb8;
	[tilespmem:$0x1EB00] =	vst v63  }
0x17f: {  	s7 =	simm.s32 $0xC300  }
0x180: {  	[tilespmem:s7], [sflag:$0x1] =	stream.indirect_vreg.gather [hbm4b:s1+s3], $0x80, v1, vm0, $0xb8;
	[tilespmem:$0x1EB00] =	vst v63  }
0x181: {  	v1 =	vld [tilespmem:$0x900];
	_ =	sdelay $0x4  }
0x182: {  	v4 =	vshll.u32 v1, $0x1  }
0x183: {  	v1 =	vand.u32 $0x7, v1;
	v4 =	vand.u32 $0xFFFFFFF0, v4  }
0x184: {  	v1 =	vor.u32 v1, v4  }
0x185: {  	v4 =	vperm.xlane v1, v3;
	_ =	sdelay $0x1  }
0x186: {  	v1 =	vperm.xlane v1, v10;
	v4 =	vadd.s32 v2, v4;
	_ =	sdelay $0x1  }
0x187: {  	v1 =	vadd.s32 v2, v1;
	_ =	sdelay $0x1  }
0x188: {  	s8 =	simm.s32 $0xCB00  }
0x189: {  	[tilespmem:s8], [sflag:$0x1] =	stream.indirect_vreg.gather [hbm4b:s1+s3], $0x80, v4, vm0, $0xb8;
	[tilespmem:$0x1EB00] =	vst v63  }
0x18a: {  	s19 =	simm.s32 $0xD300  }
0x18b: {  	[tilespmem:s19], [sflag:$0x1] =	stream.indirect_vreg.gather [hbm4b:s1+s3], $0x80, v1, vm0, $0xb8;
	[tilespmem:$0x1EB00] =	vst v63  }
0x18c: {  	v1 =	vld [tilespmem:$0x910];
	_ =	sdelay $0x4  }
0x18d: {  	v4 =	vshll.u32 v1, $0x1  }
0x18e: {  	v1 =	vand.u32 $0x7, v1;
	v4 =	vand.u32 $0xFFFFFFF0, v4  }
0x18f: {  	v1 =	vor.u32 v1, v4  }
0x190: {  	v4 =	vperm.xlane v1, v3;
	_ =	sdelay $0x1  }
0x191: {  	v1 =	vperm.xlane v1, v10;
	v4 =	vadd.s32 v2, v4;
	_ =	sdelay $0x1  }
0x192: {  	v1 =	vadd.s32 v2, v1;
	_ =	sdelay $0x1  }
0x193: {  	s20 =	simm.s32 $0xDB00  }
0x194: {  	[tilespmem:s20], [sflag:$0x1] =	stream.indirect_vreg.gather [hbm4b:s1+s3], $0x80, v4, vm0, $0xb8;
	[tilespmem:$0x1EB00] =	vst v63  }
0x195: {  	s21 =	simm.s32 $0xE300  }
0x196: {  	[tilespmem:s21], [sflag:$0x1] =	stream.indirect_vreg.gather [hbm4b:s1+s3], $0x80, v1, vm0, $0xb8;
	[tilespmem:$0x1EB00] =	vst v63  }
0x197: {  	v1 =	vld [tilespmem:$0x920];
	_ =	sdelay $0x4  }
0x198: {  	v4 =	vshll.u32 v1, $0x1  }
0x199: {  	v1 =	vand.u32 $0x7, v1;
	v4 =	vand.u32 $0xFFFFFFF0, v4  }
0x19a: {  	v1 =	vor.u32 v1, v4  }
0x19b: {  	v4 =	vperm.xlane v1, v3;
	_ =	sdelay $0x1  }
0x19c: {  	v1 =	vperm.xlane v1, v10;
	v4 =	vadd.s32 v2, v4;
	_ =	sdelay $0x1  }
0x19d: {  	v1 =	vadd.s32 v2, v1;
	_ =	sdelay $0x1  }
0x19e: {  	s22 =	simm.s32 $0xEB00  }
0x19f: {  	[tilespmem:s22], [sflag:$0x1] =	stream.indirect_vreg.gather [hbm4b:s1+s3], $0x80, v4, vm0, $0xb8;
	[tilespmem:$0x1EB00] =	vst v63  }
0x1a0: {  	s23 =	simm.s32 $0xF300  }
0x1a1: {  	[tilespmem:s23], [sflag:$0x1] =	stream.indirect_vreg.gather [hbm4b:s1+s3], $0x80, v1, vm0, $0xb8;
	[tilespmem:$0x1EB00] =	vst v63  }
0x1a2: {  	v1 =	vld [tilespmem:$0x930];
	_ =	sdelay $0x4  }
0x1a3: {  	v4 =	vshll.u32 v1, $0x1  }
0x1a4: {  	v1 =	vand.u32 $0x7, v1;
	v4 =	vand.u32 $0xFFFFFFF0, v4  }
0x1a5: {  	v1 =	vor.u32 v1, v4  }
0x1a6: {  	v4 =	vperm.xlane v1, v3;
	_ =	sdelay $0x1  }
0x1a7: {  	v1 =	vperm.xlane v1, v10;
	v4 =	vadd.s32 v2, v4;
	_ =	sdelay $0x1  }
0x1a8: {  	v1 =	vadd.s32 v2, v1;
	_ =	sdelay $0x1  }
0x1a9: {  	s24 =	simm.s32 $0xFB00  }
0x1aa: {  	[tilespmem:s24], [sflag:$0x1] =	stream.indirect_vreg.gather [hbm4b:s1+s3], $0x80, v4, vm0, $0xb8;
	[tilespmem:$0x1EB00] =	vst v63  }
0x1ab: {  	s6 =	simm.s32 $0x10300  }
0x1ac: {  	[tilespmem:s6], [sflag:$0x1] =	stream.indirect_vreg.gather [hbm4b:s1+s3], $0x80, v1, vm0, $0xb8;
	[tilespmem:$0x1EB00] =	vst v63  }
0x1ad: {  	v1 =	vld [tilespmem:$0x940];
	_ =	sdelay $0x4  }
0x1ae: {  	v4 =	vshll.u32 v1, $0x1  }
0x1af: {  	v1 =	vand.u32 $0x7, v1;
	v4 =	vand.u32 $0xFFFFFFF0, v4  }
0x1b0: {  	v1 =	vor.u32 v1, v4  }
0x1b1: {  	v4 =	vperm.xlane v1, v3;
	_ =	sdelay $0x1  }
0x1b2: {  	v1 =	vperm.xlane v1, v10;
	v4 =	vadd.s32 v2, v4;
	_ =	sdelay $0x1  }
0x1b3: {  	v1 =	vadd.s32 v2, v1;
	_ =	sdelay $0x1  }
0x1b4: {  	s7 =	simm.s32 $0x10B00  }
0x1b5: {  	[tilespmem:s7], [sflag:$0x1] =	stream.indirect_vreg.gather [hbm4b:s1+s3], $0x80, v4, vm0, $0xb8;
	[tilespmem:$0x1EB00] =	vst v63  }
0x1b6: {  	s8 =	simm.s32 $0x11300  }
0x1b7: {  	[tilespmem:s8], [sflag:$0x1] =	stream.indirect_vreg.gather [hbm4b:s1+s3], $0x80, v1, vm0, $0xb8;
	[tilespmem:$0x1EB00] =	vst v63  }
0x1b8: {  	v1 =	vld [tilespmem:$0x950];
	_ =	sdelay $0x4  }
0x1b9: {  	v4 =	vshll.u32 v1, $0x1  }
0x1ba: {  	v1 =	vand.u32 $0x7, v1;
	v4 =	vand.u32 $0xFFFFFFF0, v4  }
0x1bb: {  	v1 =	vor.u32 v1, v4  }
0x1bc: {  	v4 =	vperm.xlane v1, v3;
	_ =	sdelay $0x1  }
0x1bd: {  	v1 =	vperm.xlane v1, v10;
	v4 =	vadd.s32 v2, v4;
	_ =	sdelay $0x1  }
0x1be: {  	v1 =	vadd.s32 v2, v1;
	_ =	sdelay $0x2  }
0x1bf: {  	[tilespmem:s25], [sflag:$0x1] =	stream.indirect_vreg.gather [hbm4b:s1+s3], $0x80, v4, vm0, $0xb8;
	[tilespmem:$0x1EB00] =	vst v63  }
0x1c0: {  	_ = 	snop  }
0x1c1: {  	[tilespmem:s26], [sflag:$0x1] =	stream.indirect_vreg.gather [hbm4b:s1+s3], $0x80, v1, vm0, $0xb8;
	[tilespmem:$0x1EB00] =	vst v63  }
0x1c2: {  	v1 =	vld [tilespmem:$0xA00];
	_ =	sdelay $0x4  }
0x1c3: {  	v4 =	vshll.u32 v1, $0x1  }
0x1c4: {  	v1 =	vand.u32 $0x7, v1;
	v4 =	vand.u32 $0xFFFFFFF0, v4  }
0x1c5: {  	v1 =	vor.u32 v1, v4  }
0x1c6: {  	v4 =	vperm.xlane v1, v3;
	_ =	sdelay $0x1  }
0x1c7: {  	v1 =	vperm.xlane v1, v10;
	v4 =	vadd.s32 v2, v4;
	_ =	sdelay $0x1  }
0x1c8: {  	v1 =	vadd.s32 v2, v1;
	_ =	sdelay $0x2  }
0x1c9: {  	[tilespmem:s28], [sflag:$0x1] =	stream.indirect_vreg.gather [hbm4b:s1+s3], $0x80, v4, vm0, $0xb8;
	[tilespmem:$0x1EB00] =	vst v63  }
0x1ca: {  	_ = 	snop  }
0x1cb: {  	[tilespmem:s29], [sflag:$0x1] =	stream.indirect_vreg.gather [hbm4b:s1+s3], $0x80, v1, vm0, $0xb8;
	[tilespmem:$0x1EB00] =	vst v63  }
0x1cc: {  	v1 =	vld [tilespmem:$0xA10];
	_ =	sdelay $0x4  }
0x1cd: {  	v4 =	vshll.u32 v1, $0x1  }
0x1ce: {  	v1 =	vand.u32 $0x7, v1;
	v4 =	vand.u32 $0xFFFFFFF0, v4  }
0x1cf: {  	v1 =	vor.u32 v1, v4  }
0x1d0: {  	v4 =	vperm.xlane v1, v3;
	_ =	sdelay $0x1  }
0x1d1: {  	v1 =	vperm.xlane v1, v10;
	v4 =	vadd.s32 v2, v4;
	_ =	sdelay $0x1  }
0x1d2: {  	v1 =	vadd.s32 v2, v1;
	_ =	sdelay $0x2  }
0x1d3: {  	[tilespmem:s30], [sflag:$0x1] =	stream.indirect_vreg.gather [hbm4b:s1+s3], $0x80, v4, vm0, $0xb8;
	[tilespmem:$0x1EB00] =	vst v63  }
0x1d4: {  	_ = 	snop  }
0x1d5: {  	[tilespmem:s31], [sflag:$0x1] =	stream.indirect_vreg.gather [hbm4b:s1+s3], $0x80, v1, vm0, $0xb8;
	[tilespmem:$0x1EB00] =	vst v63  }
0x1d6: {  	v1 =	vld [tilespmem:$0xA20];
	_ =	sdelay $0x4  }
0x1d7: {  	v4 =	vshll.u32 v1, $0x1  }
0x1d8: {  	v1 =	vand.u32 $0x7, v1;
	v4 =	vand.u32 $0xFFFFFFF0, v4  }
0x1d9: {  	v1 =	vor.u32 v1, v4  }
0x1da: {  	v4 =	vperm.xlane v1, v3;
	_ =	sdelay $0x1  }
0x1db: {  	v1 =	vperm.xlane v1, v10;
	v4 =	vadd.s32 v2, v4;
	_ =	sdelay $0x1  }
0x1dc: {  	v1 =	vadd.s32 v2, v1;
	_ =	sdelay $0x2  }
0x1dd: {  	[tilespmem:s2], [sflag:$0x1] =	stream.indirect_vreg.gather [hbm4b:s1+s3], $0x80, v4, vm0, $0xb8;
	[tilespmem:$0x1EB00] =	vst v63  }
0x1de: {  	_ = 	snop  }
0x1df: {  	[tilespmem:s0], [sflag:$0x1] =	stream.indirect_vreg.gather [hbm4b:s1+s3], $0x80, v1, vm0, $0xb8;
	[tilespmem:$0x1EB00] =	vst v63  }
0x1e0: {  	v1 =	vld [tilespmem:$0xA30];
	_ =	sdelay $0x4  }
0x1e1: {  	v4 =	vshll.u32 v1, $0x1  }
0x1e2: {  	v1 =	vand.u32 $0x7, v1;
	v4 =	vand.u32 $0xFFFFFFF0, v4  }
0x1e3: {  	v1 =	vor.u32 v1, v4  }
0x1e4: {  	v4 =	vperm.xlane v1, v3;
	_ =	sdelay $0x1  }
0x1e5: {  	v1 =	vperm.xlane v1, v10;
	v4 =	vadd.s32 v2, v4;
	_ =	sdelay $0x1  }
0x1e6: {  	v1 =	vadd.s32 v2, v1;
	_ =	sdelay $0x2  }
0x1e7: {  	[tilespmem:s11], [sflag:$0x1] =	stream.indirect_vreg.gather [hbm4b:s1+s3], $0x80, v4, vm0, $0xb8;
	[tilespmem:$0x1EB00] =	vst v63  }
0x1e8: {  	_ = 	snop  }
0x1e9: {  	[tilespmem:s12], [sflag:$0x1] =	stream.indirect_vreg.gather [hbm4b:s1+s3], $0x80, v1, vm0, $0xb8;
	[tilespmem:$0x1EB00] =	vst v63  }
0x1ea: {  	v1 =	vld [tilespmem:$0xA40];
	_ =	sdelay $0x4  }
0x1eb: {  	v4 =	vshll.u32 v1, $0x1  }
0x1ec: {  	v1 =	vand.u32 $0x7, v1;
	v4 =	vand.u32 $0xFFFFFFF0, v4  }
0x1ed: {  	v1 =	vor.u32 v1, v4  }
0x1ee: {  	v4 =	vperm.xlane v1, v3;
	_ =	sdelay $0x1  }
0x1ef: {  	v1 =	vperm.xlane v1, v10;
	v4 =	vadd.s32 v2, v4;
	_ =	sdelay $0x1  }
0x1f0: {  	v1 =	vadd.s32 v2, v1;
	_ =	sdelay $0x2  }
0x1f1: {  	[tilespmem:s13], [sflag:$0x1] =	stream.indirect_vreg.gather [hbm4b:s1+s3], $0x80, v4, vm0, $0xb8;
	[tilespmem:$0x1EB00] =	vst v63  }
0x1f2: {  	_ = 	snop  }
0x1f3: {  	[tilespmem:s14], [sflag:$0x1] =	stream.indirect_vreg.gather [hbm4b:s1+s3], $0x80, v1, vm0, $0xb8;
	[tilespmem:$0x1EB00] =	vst v63  }
0x1f4: {  	v1 =	vld [tilespmem:$0xA50];
	_ =	sdelay $0x4  }
0x1f5: {  	v4 =	vshll.u32 v1, $0x1  }
0x1f6: {  	v1 =	vand.u32 $0x7, v1;
	v4 =	vand.u32 $0xFFFFFFF0, v4  }
0x1f7: {  	v1 =	vor.u32 v1, v4  }
0x1f8: {  	v4 =	vperm.xlane v1, v3;
	_ =	sdelay $0x1  }
0x1f9: {  	v1 =	vperm.xlane v1, v10;
	v4 =	vadd.s32 v2, v4;
	_ =	sdelay $0x1  }
0x1fa: {  	v1 =	vadd.s32 v2, v1;
	_ =	sdelay $0x2  }
0x1fb: {  	[tilespmem:s15], [sflag:$0x1] =	stream.indirect_vreg.gather [hbm4b:s1+s3], $0x80, v4, vm0, $0xb8;
	[tilespmem:$0x1EB00] =	vst v63  }
0x1fc: {  	_ = 	snop  }
0x1fd: {  	[tilespmem:s16], [sflag:$0x1] =	stream.indirect_vreg.gather [hbm4b:s1+s3], $0x80, v1, vm0, $0xb8;
	[tilespmem:$0x1EB00] =	vst v63  }
0x1fe: {  	_ =	swait.ge [sflag:s4], $0x6000  }
0x1ff: {  	[sflag:s4] =	ssyncset.done $0x0  }
0x200: {  	[sflag:s4] =	ssyncadd.s32 $0xFFFFA000  }
0x201: {  	_ =	swait.ge [sflag:s4], $0x6000  }
0x202: {  	[sflag:s4] =	ssyncset.done $0x0  }
0x203: {  	[sflag:s4] =	ssyncadd.s32 $0xFFFFA000  }
0x204: {  	_ =	swait.ge [sflag:s4], $0x6000  }
0x205: {  	[sflag:s4] =	ssyncset.done $0x0  }
0x206: {  	[sflag:s4] =	ssyncadd.s32 $0xFFFFA000  }
0x207: {  	_ =	swait.ge [sflag:s4], $0x6000  }
0x208: {  	s19 =	sand.u32 $0x7800, s3;
	s20 =	sand.u32 $0x380, s3;
	[sflag:s4] =	ssyncset.done $0x0  }
0x209: {  	s19 =	sor.u32 s20, s19;
	[sflag:s4] =	ssyncadd.s32 $0xFFFFA000  }
0x20a: {  	v1 =	vld [tilespmem:s19+$0xB00]  }
0x20b: {  	v31 =	vld [tilespmem:s19+$0x6B00]  }
0x20c: {  	v8 =	vld [tilespmem:s19+$0xB10]  }
0x20d: {  	v39 =	vld [tilespmem:s19+$0x6B10]  }
0x20e: {  	v9 =	vld [tilespmem:s19+$0xB20]  }
0x20f: {  	v18 =	vld [tilespmem:s19+$0x6B20]  }
0x210: {  	v41 =	vld [tilespmem:s19+$0xB30]  }
0x211: {  	v58 =	vld [tilespmem:s19+$0x6B30]  }
0x212: {  	v16 =	vld [tilespmem:s19+$0xB40]  }
0x213: {  	v42 =	vld [tilespmem:s19+$0x6B40]  }
0x214: {  	v14 =	vld [tilespmem:s19+$0xB50]  }
0x215: {  	v61 =	vld [tilespmem:s19+$0x6B50]  }
0x216: {  	v10 =	vld [tilespmem:s19+$0xB60]  }
0x217: {  	v23 =	vld [tilespmem:s19+$0x6B60]  }
0x218: {  	v59 =	vld [tilespmem:s19+$0xB70]  }
0x219: {  	v24 =	vld [tilespmem:s19+$0x6B70]  }
0x21a: {  	v4 =	vld [tilespmem:s19+$0x12F70]  }
0x21b: {  	v7 =	vld [tilespmem:s19+$0x12F30]  }
0x21c: {  	v5 =	vld [tilespmem:s19+$0x12F60]  }
0x21d: {  	v6 =	vld [tilespmem:s19+$0x12F20]  }
0x21e: {  	v11 =	vld [tilespmem:s19+$0xCF70]  }
0x21f: {  	v13 =	vld [tilespmem:s19+$0xCF40]  }
0x220: {  	v15 =	vld [tilespmem:s19+$0xCF20]  }
0x221: {  	v17 =	vld [tilespmem:s19+$0xCF00]  }
0x222: {  	v12 =	vld [tilespmem:s19+$0x12B50]  }
0x223: {  	v19 =	vld [tilespmem:s19+$0xCB30]  }
0x224: {  	v21 =	vld [tilespmem:s19+$0xCB20]  }
0x225: {  	v26 =	vld [tilespmem:s19+$0x12B00]  }
0x226: {  	v28 =	vld [tilespmem:s19+$0x12B70]  }
0x227: {  	v25 =	vld [tilespmem:s19+$0xCB50]  }
0x228: {  	v27 =	vld [tilespmem:s19+$0xCF30]  }
0x229: {  	v40 =	vld [tilespmem:s19+$0x6F40]  }
0x22a: {  	v29 =	vld [tilespmem:s19+$0x12B30]  }
0x22b: {  	v30 =	vld [tilespmem:s19+$0x12F10]  }
0x22c: {  	v20 =	vld [tilespmem:s19+$0x12B10]  }
0x22d: {  	v37 =	vld [tilespmem:s19+$0xCB70]  }
0x22e: {  	v22 =	vld [tilespmem:s19+$0x12B40]  }
0x22f: {  	v35 =	vld [tilespmem:s19+$0xCF10]  }
0x230: {  	v34 =	vld [tilespmem:s19+$0xCB10]  }
0x231: {  	v43 =	vld [tilespmem:s19+$0xCB00]  }
0x232: {  	v44 =	vld [tilespmem:s19+$0x6F50]  }
0x233: {  	v38 =	vld [tilespmem:s19+$0xF30]  }
0x234: {  	s21 =	simm.s32 $0x300;
	v48 =	vld [tilespmem:s19+$0x6F60]  }
0x235: {  	s22 =	simm.s32 $0x400;
	v60 =	vld [tilespmem:s21+$0x0]  }
0x236: {  	v62 =	vld [tilespmem:s22+$0x0]  }
0x237: {  	v51 =	vld [tilespmem:s19+$0xF10]  }
0x238: {  	s23 =	simm.s32 $0x500;
	v63 =	vld [tilespmem:s19+$0xF20]  }
0x239: {  	v50 =	vld [tilespmem:s23+$0x0]  }
0x23a: {  	s24 =	simm.s32 $0x600;
	v53 =	vld [tilespmem:s19+$0xF70];
	v45 =	vperm.xlane v60, v0  }
0x23b: {  	v47 =	vld [tilespmem:s24+$0x0];
	v49 =	vperm.xlane v62, v0  }
0x23c: {  	v55 =	vld [tilespmem:s19+$0x6F10];
	v1 =	vmul.f32 v1, v45;
	v46 =	vmul.f32 v59, v45  }
0x23d: {  	v56 =	vld [tilespmem:s19+$0xF00];
	v36 =	vmul.f32 v58, v49;
	v32 =	vmul.f32 v63, v45  }
0x23e: {  	v3 =	vld [tilespmem:s19+$0xF60];
	v62 =	vmul.f32 v31, v49;
	v33 =	vmul.f32 v51, v45  }
0x23f: {  	v63 =	vld [tilespmem:s19+$0x6F70];
	v54 =	vmul.f32 v48, v49;
	v52 =	vmul.f32 v53, v45  }
0x240: {  	v57 =	vld [tilespmem:s19+$0x6F00];
	v38 =	vmul.f32 v38, v45;
	v51 =	vmul.f32 v44, v49  }
0x241: {  	v59 =	vld [tilespmem:s19+$0xF50];
	v44 =	vmul.f32 v39, v49;
	v60 =	vmul.f32 v41, v45  }
0x242: {  	v58 =	vld [tilespmem:s19+$0x6F20];
	v39 =	vmul.f32 v56, v45;
	v56 =	vmul.f32 v55, v49  }
0x243: {  	s5 =	simm.s32 $0x401;
	s20 =	simm.s32 $0x301;
	s6 =	simm.s32 $0x80;
	v55 =	vld [tilespmem:s19+$0x6F30];
	v31 =	vmul.f32 v42, v49;
	v42 =	vmul.f32 v61, v49  }
0x244: {  	s7 =	simm.s32 $0x100;
	s21 =	simm.s32 $0x601;
	s22 =	simm.s32 $0x501;
	v41 =	vld [tilespmem:s19+$0xCF50];
	v61 =	vmul.f32 v3, v45;
	v48 =	vadd.f32 v62, v1;
	v53 =	vmul.f32 v63, v49  }
.LBB2_2:
0x245: {  	s8 =	smov.u32 s7  }
0x246: {  	s23 =	sand.u32 $0x7800, s7;
	s24 =	sand.u32 $0x380, s6;
	v1 =	vmul.f32 v18, v49;
	v3 =	vadd.f32 v36, v60;
	v18 =	vmul.f32 v59, v45;
	v59 =	vld [tilespmem:s19+$0xCF60];
	s8 =	sadd.s32 $0x100, s7  }
0x247: {  	p0 =	sne.s32 s7, $0x5F00;
	v23 =	vmul.f32 v23, v49;
	s23 =	sor.u32 s24, s23;
	v58 =	vmul.f32 v58, v49;
	v54 =	vadd.f32 v54, v61;
	v60 =	vld [tilespmem:s19+$0xF40]  }
0x248: {  	v16 =	vmul.f32 v16, v45;
	v24 =	vmul.f32 v24, v49;
	v56 =	vadd.f32 v56, v33;
	v36 =	vld [tilespmem:s23+$0xB00]  }
0x249: {  	v55 =	vmul.f32 v55, v49;
	v61 =	vadd.f32 v51, v18;
	v57 =	vmul.f32 v57, v49;
	v33 =	vld [tilespmem:s23+$0x6B00]  }
0x24a: {  	v62 =	vmul.f32 v8, v45;
	v18 =	vmul.f32 v9, v45;
	v51 =	vadd.f32 v31, v16;
	v8 =	vld [tilespmem:s23+$0xB10]  }
0x24b: {  	v50 =	vperm.xlane v50, v0;
	v14 =	vmul.f32 v14, v45;
	v52 =	vadd.f32 v53, v52;
	v31 =	vld [tilespmem:s23+$0x6B10]  }
0x24c: {  	v40 =	vmul.f32 v40, v49;
	v1 =	vadd.f32 v1, v18;
	v53 =	vadd.f32 v57, v39;
	v9 =	vld [tilespmem:s23+$0xB20]  }
0x24d: {  	v49 =	vadd.f32 v42, v14;
	v14 =	vmul.f32 v59, v50;
	v57 =	vmul.f32 v60, v45;
	v18 =	vld [tilespmem:s23+$0x6B20]  }
0x24e: {  	v10 =	vmul.f32 v10, v45;
	v59 =	vadd.f32 v44, v62;
	v45 =	vmul.f32 v41, v50;
	v39 =	vld [tilespmem:s23+$0xB30]  }
0x24f: {  	v47 =	vperm.xlane v47, v0;
	v43 =	vmul.f32 v43, v50;
	v54 =	vadd.f32 v14, v54;
	v44 =	vld [tilespmem:s23+$0x6B30]  }
0x250: {  	v34 =	vmul.f32 v34, v50;
	v24 =	vadd.f32 v24, v46;
	v35 =	vmul.f32 v35, v50;
	v16 =	vld [tilespmem:s23+$0xB40]  }
0x251: {  	v22 =	vmul.f32 v22, v47;
	v60 =	vadd.f32 v23, v10;
	v23 =	vmul.f32 v37, v50;
	v41 =	vld [tilespmem:s23+$0x6B40]  }
0x252: {  	v20 =	vmul.f32 v20, v47;
	v30 =	vmul.f32 v30, v47;
	v35 =	vadd.f32 v35, v56;
	v14 =	vld [tilespmem:s23+$0xB50]  }
0x253: {  	v29 =	vmul.f32 v29, v47;
	v27 =	vmul.f32 v27, v50;
	v37 =	vadd.f32 v45, v61;
	v42 =	vld [tilespmem:s23+$0x6B50]  }
0x254: {  	v25 =	vmul.f32 v25, v50;
	v28 =	vmul.f32 v28, v47;
	v24 =	vadd.f32 v23, v24;
	v10 =	vld [tilespmem:s23+$0xB60]  }
0x255: {  	v26 =	vmul.f32 v26, v47;
	v43 =	vadd.f32 v43, v48;
	v30 =	vadd.f32 v30, v35;
	v23 =	vld [tilespmem:s23+$0x6B60]  }
0x256: {  	v21 =	vmul.f32 v21, v50;
	v19 =	vmul.f32 v19, v50;
	v28 =	vadd.f32 v28, v24;
	v46 =	vld [tilespmem:s23+$0xB70]  }
0x257: {  	v12 =	vmul.f32 v12, v47;
	v26 =	vadd.f32 v26, v43;
	v34 =	vadd.f32 v34, v59;
	v24 =	vld [tilespmem:s23+$0x6B70]  }
0x258: {  	v17 =	vmul.f32 v17, v50;
	v15 =	vmul.f32 v15, v50;
	[tilespmem:s19+$0x18B70] =	vst v28;
	v28 =	vadd.f32 v58, v32;
	v32 =	vld [tilespmem:s19+$0x12F50]  }
0x259: {  	v13 =	vmul.f32 v13, v50;
	v11 =	vmul.f32 v11, v50;
	v3 =	vadd.f32 v19, v3;
	[tilespmem:s19+$0x18B00] =	vst v26;
	v26 =	vld [tilespmem:s19+$0x12B20]  }
0x25a: {  	v19 =	vmul.f32 v6, v47;
	v6 =	vadd.f32 v55, v38;
	v1 =	vadd.f32 v21, v1;
	v21 =	vld [tilespmem:s19+$0x12F40]  }
0x25b: {  	v5 =	vmul.f32 v5, v47;
	v25 =	vadd.f32 v25, v49;
	v17 =	vadd.f32 v17, v53;
	v35 =	vld [tilespmem:s19+$0xCB40]  }
0x25c: {  	v7 =	vmul.f32 v7, v47;
	v11 =	vadd.f32 v11, v52;
	v6 =	vadd.f32 v27, v6;
	v38 =	vld [tilespmem:s19+$0xCB60]  }
0x25d: {  	v40 =	vadd.f32 v40, v57;
	v43 =	vadd.f32 v5, v54;
	v27 =	vld [tilespmem:s19+$0x12F00];
	v32 =	vmul.f32 v32, v47  }
0x25e: {  	v6 =	vadd.f32 v7, v6;
	v28 =	vadd.f32 v15, v28;
	v5 =	vmul.f32 v26, v47;
	v26 =	vld [tilespmem:s19+$0x12B60]  }
0x25f: {  	v13 =	vadd.f32 v13, v40;
	v15 =	vld [tilespmem:s23+$0x12F70];
	[tilespmem:s19+$0x18F10] =	vst v30;
	v21 =	vmul.f32 v21, v47;
	v30 =	vadd.f32 v32, v37  }
0x260: {  	v4 =	vmul.f32 v4, v47;
	v7 =	vld [tilespmem:s23+$0x12F30];
	v1 =	vadd.f32 v5, v1;
	v32 =	vmul.f32 v35, v50;
	[tilespmem:s19+$0x18F30] =	vst v6  }
0x261: {  	v3 =	vadd.f32 v29, v3;
	v5 =	vld [tilespmem:s23+$0x12F60];
	v29 =	vmul.f32 v38, v50;
	v13 =	vadd.f32 v21, v13;
	[tilespmem:s19+$0x18F50] =	vst v30  }
0x262: {  	v6 =	vld [tilespmem:s23+$0x12F20];
	[tilespmem:s19+$0x18B20] =	vst v1;
	v1 =	vadd.f32 v12, v25;
	v12 =	vmul.f32 v27, v47;
	v27 =	vadd.f32 v4, v11  }
0x263: {  	v20 =	vadd.f32 v20, v34;
	v11 =	vld [tilespmem:s23+$0xCF70];
	v21 =	vadd.f32 v29, v60;
	v25 =	vmul.f32 v26, v47;
	[tilespmem:s19+$0x18F40] =	vst v13  }
0x264: {  	v26 =	vadd.f32 v32, v51;
	v13 =	vld [tilespmem:s23+$0xCF40];
	v12 =	vadd.f32 v12, v17;
	[tilespmem:s19+$0x18F70] =	vst v27;
	v4 =	vmov v15  }
0x265: {  	v15 =	vld [tilespmem:s23+$0xCF20];
	v21 =	vadd.f32 v25, v21;
	v25 =	vadd.f32 v19, v28;
	[tilespmem:s19+$0x18F60] =	vst v43  }
0x266: {  	v22 =	vadd.f32 v22, v26;
	v17 =	vld [tilespmem:s23+$0xCF00];
	[tilespmem:s19+$0x18F00] =	vst v12  }
0x267: {  	v12 =	vld [tilespmem:s23+$0x12B50];
	[tilespmem:s19+$0x18B60] =	vst v21  }
0x268: {  	v19 =	vld [tilespmem:s23+$0xCB30];
	[tilespmem:s19+$0x18F20] =	vst v25  }
0x269: {  	v21 =	vld [tilespmem:s23+$0xCB20];
	[tilespmem:s19+$0x18B30] =	vst v3  }
0x26a: {  	v26 =	vld [tilespmem:s23+$0x12B00];
	[tilespmem:s19+$0x18B50] =	vst v1  }
0x26b: {  	v28 =	vld [tilespmem:s23+$0x12B70];
	[tilespmem:s19+$0x18B10] =	vst v20  }
0x26c: {  	v25 =	vld [tilespmem:s23+$0xCB50];
	[tilespmem:s19+$0x18B40] =	vst v22;
	s19 =	smov.u32 s23  }
0x26d: {  	v27 =	vld [tilespmem:s19+$0xCF30]  }
0x26e: {  	v40 =	vld [tilespmem:s19+$0x6F40]  }
0x26f: {  	v29 =	vld [tilespmem:s19+$0x12B30]  }
0x270: {  	v30 =	vld [tilespmem:s19+$0x12F10]  }
0x271: {  	v20 =	vld [tilespmem:s19+$0x12B10]  }
0x272: {  	v37 =	vld [tilespmem:s19+$0xCB70]  }
0x273: {  	v22 =	vld [tilespmem:s19+$0x12B40]  }
0x274: {  	v35 =	vld [tilespmem:s19+$0xCF10]  }
0x275: {  	v34 =	vld [tilespmem:s19+$0xCB10]  }
0x276: {  	v43 =	vld [tilespmem:s19+$0xCB00]  }
0x277: {  	v1 =	vld [tilespmem:s19+$0x6F50]  }
0x278: {  	v3 =	vld [tilespmem:s19+$0xF30]  }
0x279: {  	v38 =	vld [tilespmem:s19+$0x6F60]  }
0x27a: {  	v32 =	vld [tilespmem:s20+$0x0]  }
0x27b: {  	v47 =	vld [tilespmem:s5+$0x0]  }
0x27c: {  	v48 =	vld [tilespmem:s19+$0xF10]  }
0x27d: {  	v51 =	vld [tilespmem:s19+$0xF20]  }
0x27e: {  	v50 =	vld [tilespmem:s22+$0x0]  }
0x27f: {  	v45 =	vperm.xlane v32, v0;
	v52 =	vld [tilespmem:s19+$0xF70]  }
0x280: {  	v49 =	vperm.xlane v47, v0;
	v47 =	vld [tilespmem:s21+$0x0]  }
0x281: {  	v53 =	vmul.f32 v36, v45;
	v46 =	vmul.f32 v46, v45;
	v55 =	vld [tilespmem:s19+$0x6F10]  }
0x282: {  	v36 =	vmul.f32 v44, v49;
	v56 =	vld [tilespmem:s19+$0xF00];
	v32 =	vmul.f32 v51, v45  }
0x283: {  	v44 =	vmul.f32 v33, v49;
	v33 =	vmul.f32 v48, v45;
	v61 =	vld [tilespmem:s19+$0x6F70]  }
0x284: {  	v54 =	vmul.f32 v38, v49;
	v62 =	vld [tilespmem:s19+$0xF60];
	v52 =	vmul.f32 v52, v45  }
.Ltmp0:
0x285: {  	v38 =	vmul.f32 v3, v45;
	v51 =	vmul.f32 v1, v49;
	v48 =	vadd.f32 v44, v53;
	v59 =	vld [tilespmem:s19+$0xF50];
	(pc) =	sbr.rel @p0 .LBB2_2-.Ltmp0, $4  }
0x286: {  	v60 =	vmul.f32 v39, v45;
	v44 =	vmul.f32 v31, v49;
	v58 =	vld [tilespmem:s19+$0x6F20]  }
0x287: {  	v39 =	vmul.f32 v56, v45;
	v56 =	vmul.f32 v55, v49;
	v55 =	vld [tilespmem:s19+$0x6F30]  }
0x288: {  	s6 =	sadd.s32 $0x80, s6;
	s20 =	sadd.s32 $0x1, s20;
	s5 =	sadd.s32 $0x1, s5;
	v31 =	vmul.f32 v41, v49;
	v57 =	vld [tilespmem:s19+$0x6F00];
	v53 =	vmul.f32 v61, v49  }
0x289: {  	s7 =	smov.u32 s8;
	s22 =	sadd.s32 $0x1, s22;
	s21 =	sadd.s32 $0x1, s21;
	v42 =	vmul.f32 v42, v49;
	v41 =	vld [tilespmem:s19+$0xCF50];
	v61 =	vmul.f32 v62, v45  }
0x28a: {  	v1 =	vmul.f32 v18, v49  }
0x28b: {  	v3 =	vmul.f32 v59, v45;
	v18 =	vmul.f32 v23, v49  }
0x28c: {  	v16 =	vmul.f32 v16, v45;
	v24 =	vmul.f32 v24, v49  }
0x28d: {  	v8 =	vmul.f32 v8, v45;
	v9 =	vmul.f32 v9, v45  }
0x28e: {  	v50 =	vperm.xlane v50, v0;
	v14 =	vmul.f32 v14, v45  }
0x28f: {  	v23 =	vadd.f32 v36, v60;
	v47 =	vperm.xlane v47, v0;
	v63 =	vmul.f32 v40, v49  }
0x290: {  	v33 =	vadd.f32 v56, v33;
	v10 =	vmul.f32 v10, v45;
	v60 =	vmul.f32 v58, v49  }
0x291: {  	v54 =	vadd.f32 v54, v61;
	v55 =	vmul.f32 v55, v49;
	v3 =	vadd.f32 v51, v3  }
0x292: {  	v16 =	vadd.f32 v31, v16;
	v31 =	vadd.f32 v53, v52;
	v37 =	vmul.f32 v37, v50  }
0x293: {  	v24 =	vadd.f32 v24, v46;
	v46 =	vmul.f32 v43, v50;
	v28 =	vmul.f32 v28, v47  }
0x294: {  	v61 =	vld [tilespmem:s19+$0xCF60];
	v1 =	vadd.f32 v1, v9;
	v26 =	vmul.f32 v26, v47;
	v30 =	vmul.f32 v30, v47  }
0x295: {  	v10 =	vadd.f32 v18, v10;
	v18 =	vmul.f32 v29, v47;
	v27 =	vmul.f32 v27, v50  }
0x296: {  	v25 =	vmul.f32 v25, v50;
	v21 =	vmul.f32 v21, v50;
	v24 =	vadd.f32 v37, v24  }
0x297: {  	v14 =	vadd.f32 v42, v14;
	v19 =	vmul.f32 v19, v50;
	v17 =	vmul.f32 v17, v50  }
0x298: {  	v40 =	vadd.f32 v46, v48;
	v24 =	vadd.f32 v28, v24;
	v28 =	vmul.f32 v35, v50  }
0x299: {  	v8 =	vadd.f32 v44, v8;
	v15 =	vmul.f32 v15, v50;
	v51 =	vmul.f32 v61, v50  }
0x29a: {  	v62 =	vld [tilespmem:s19+$0xF40];
	v13 =	vmul.f32 v13, v50;
	v26 =	vadd.f32 v26, v40;
	v28 =	vadd.f32 v28, v33  }
0x29b: {  	v7 =	vmul.f32 v7, v47;
	v11 =	vmul.f32 v11, v50;
	v53 =	vadd.f32 v51, v54;
	v54 =	vld [tilespmem:s19+$0x12F50]  }
0x29c: {  	v4 =	vmul.f32 v4, v47;
	v29 =	vadd.f32 v55, v38;
	[tilespmem:s19+$0x18B00] =	vst v26;
	v26 =	vadd.f32 v30, v28;
	v28 =	vld [tilespmem:s19+$0x12B20]  }
0x29d: {  	v56 =	vld [tilespmem:s19+$0xCB60];
	v5 =	vmul.f32 v5, v47;
	v57 =	vmul.f32 v57, v49;
	v11 =	vadd.f32 v11, v31  }
0x29e: {  	v32 =	vadd.f32 v60, v32;
	v52 =	vmul.f32 v41, v50;
	v27 =	vadd.f32 v27, v29  }
0x29f: {  	v1 =	vadd.f32 v21, v1;
	v49 =	vmul.f32 v62, v45;
	v4 =	vadd.f32 v4, v11  }
0x2a0: {  	v3 =	vadd.f32 v52, v3;
	v29 =	vld [tilespmem:s19+$0x12F00];
	[tilespmem:s19+$0x18B70] =	vst v24;
	v7 =	vadd.f32 v7, v27;
	v33 =	vmul.f32 v54, v47  }
0x2a1: {  	v9 =	vadd.f32 v57, v39;
	v57 =	vadd.f32 v63, v49;
	[tilespmem:s19+$0x18F70] =	vst v4;
	v21 =	vmul.f32 v28, v47;
	v28 =	vld [tilespmem:s19+$0x12B60]  }
0x2a2: {  	v4 =	vadd.f32 v19, v23;
	v30 =	vld [tilespmem:s19+$0x12F40];
	[tilespmem:s19+$0x18F30] =	vst v7;
	v7 =	vmul.f32 v56, v50;
	v3 =	vadd.f32 v33, v3  }
0x2a3: {  	v6 =	vmul.f32 v6, v47;
	v55 =	vld [tilespmem:s19+$0xCB40];
	v5 =	vadd.f32 v5, v53;
	[tilespmem:s19+$0x18F10] =	vst v26;
	v1 =	vadd.f32 v21, v1  }
0x2a4: {  	v24 =	vmul.f32 v34, v50;
	v7 =	vadd.f32 v7, v10;
	v10 =	vadd.f32 v15, v32;
	[tilespmem:s19+$0x18F50] =	vst v3  }
0x2a5: {  	v4 =	vadd.f32 v18, v4;
	v3 =	vadd.f32 v17, v9;
	[tilespmem:s19+$0x18B20] =	vst v1;
	v1 =	vmul.f32 v29, v47  }
0x2a6: {  	v13 =	vadd.f32 v13, v57;
	[tilespmem:s19+$0x18F60] =	vst v5;
	v6 =	vadd.f32 v6, v10;
	v9 =	vmul.f32 v28, v47  }
0x2a7: {  	v5 =	vadd.f32 v25, v14;
	[tilespmem:s19+$0x18B30] =	vst v4;
	v26 =	vmul.f32 v30, v47;
	v1 =	vadd.f32 v1, v3  }
0x2a8: {  	[tilespmem:s19+$0x18F20] =	vst v6;
	v3 =	vmul.f32 v12, v47;
	v7 =	vadd.f32 v9, v7;
	v9 =	vmul.f32 v55, v50  }
0x2a9: {  	v8 =	vadd.f32 v24, v8;
	v13 =	vadd.f32 v26, v13;
	[tilespmem:s19+$0x18F00] =	vst v1;
	v1 =	vmul.f32 v20, v47  }
0x2aa: {  	v3 =	vadd.f32 v3, v5;
	[tilespmem:s19+$0x18B60] =	vst v7;
	v7 =	vmul.f32 v22, v47;
	v5 =	vadd.f32 v9, v16  }
0x2ab: {  	[tilespmem:s19+$0x18F40] =	vst v13;
	v1 =	vadd.f32 v1, v8  }
0x2ac: {  	[tilespmem:s19+$0x18B50] =	vst v3;
	v4 =	vadd.f32 v7, v5  }
0x2ad: {  	[tilespmem:s19+$0x18B10] =	vst v1  }
0x2ae: {  	s5 =	simm.s32 $0x0;
	s6 =	rddreg [dreg:$0x8];
	[tilespmem:s19+$0x18B40] =	vst v4  }
0x2af: {  	[hbm4b:s6+s5] =	stream.linear.scatter [tilespmem:s17], [sflag:$0x2], $0x6000, $0x38;
	[tilespmem:$0x1EB00] =	vst v63  }
0x2b0: {  	_ =	swait.ge [sflag:s10], $0x6000  }
0x2b1: {  	[sflag:s10] =	ssyncset.done $0x0  }
0x2b2: {  	[sflag:s10] =	ssyncadd.s32 $0xFFFFA000  }
0x2b3: {  	v1 =	vld [tilespmem:$0x780];
	_ =	sdelay $0x2  }
0x2b4: {  	v4 =	vld [tilespmem:$0x1FFE0];
	_ =	sdelay $0x1  }
0x2b5: {  	v5 =	vld [tilespmem:$0x1FFF0];
	v3 =	vshll.u32 v1, $0x1  }
0x2b6: {  	v1 =	vand.u32 $0x7, v1;
	v3 =	vand.u32 $0xFFFFFFF0, v3  }
0x2b7: {  	v1 =	vor.u32 v1, v3  }
0x2b8: {  	v3 =	vperm.xlane v1, v4;
	_ =	sdelay $0x1  }
0x2b9: {  	v1 =	vperm.xlane v1, v5;
	v3 =	vadd.s32 v2, v3;
	_ =	sdelay $0x1  }
0x2ba: {  	v1 =	vadd.s32 v2, v1;
	_ =	sdelay $0x1  }
0x2bb: {  	s8 =	simm.s32 $0xB00  }
0x2bc: {  	[tilespmem:s8], [sflag:$0x1] =	stream.indirect_vreg.gather [hbm4b:s1+s5], $0x80, v3, vm0, $0xb8;
	[tilespmem:$0x1EB00] =	vst v63  }
0x2bd: {  	s19 =	simm.s32 $0x1300  }
0x2be: {  	[tilespmem:s19], [sflag:$0x1] =	stream.indirect_vreg.gather [hbm4b:s1+s5], $0x80, v1, vm0, $0xb8;
	[tilespmem:$0x1EB00] =	vst v63  }
0x2bf: {  	v1 =	vld [tilespmem:$0x790];
	_ =	sdelay $0x4  }
0x2c0: {  	v3 =	vshll.u32 v1, $0x1  }
0x2c1: {  	v1 =	vand.u32 $0x7, v1;
	v3 =	vand.u32 $0xFFFFFFF0, v3  }
0x2c2: {  	v1 =	vor.u32 v1, v3  }
0x2c3: {  	v3 =	vperm.xlane v1, v4;
	_ =	sdelay $0x1  }
0x2c4: {  	v1 =	vperm.xlane v1, v5;
	v3 =	vadd.s32 v2, v3;
	_ =	sdelay $0x1  }
0x2c5: {  	v1 =	vadd.s32 v2, v1;
	_ =	sdelay $0x1  }
0x2c6: {  	s20 =	simm.s32 $0x1B00  }
0x2c7: {  	[tilespmem:s20], [sflag:$0x1] =	stream.indirect_vreg.gather [hbm4b:s1+s5], $0x80, v3, vm0, $0xb8;
	[tilespmem:$0x1EB00] =	vst v63  }
0x2c8: {  	s21 =	simm.s32 $0x2300  }
0x2c9: {  	[tilespmem:s21], [sflag:$0x1] =	stream.indirect_vreg.gather [hbm4b:s1+s5], $0x80, v1, vm0, $0xb8;
	[tilespmem:$0x1EB00] =	vst v63  }
0x2ca: {  	v1 =	vld [tilespmem:$0x7A0];
	_ =	sdelay $0x4  }
0x2cb: {  	v3 =	vshll.u32 v1, $0x1  }
0x2cc: {  	v1 =	vand.u32 $0x7, v1;
	v3 =	vand.u32 $0xFFFFFFF0, v3  }
0x2cd: {  	v1 =	vor.u32 v1, v3  }
0x2ce: {  	v3 =	vperm.xlane v1, v4;
	_ =	sdelay $0x1  }
0x2cf: {  	v1 =	vperm.xlane v1, v5;
	v3 =	vadd.s32 v2, v3;
	_ =	sdelay $0x1  }
0x2d0: {  	v1 =	vadd.s32 v2, v1;
	_ =	sdelay $0x1  }
0x2d1: {  	s22 =	simm.s32 $0x2B00  }
0x2d2: {  	[tilespmem:s22], [sflag:$0x1] =	stream.indirect_vreg.gather [hbm4b:s1+s5], $0x80, v3, vm0, $0xb8;
	[tilespmem:$0x1EB00] =	vst v63  }
0x2d3: {  	s23 =	simm.s32 $0x3300  }
0x2d4: {  	[tilespmem:s23], [sflag:$0x1] =	stream.indirect_vreg.gather [hbm4b:s1+s5], $0x80, v1, vm0, $0xb8;
	[tilespmem:$0x1EB00] =	vst v63  }
0x2d5: {  	v1 =	vld [tilespmem:$0x7B0];
	_ =	sdelay $0x4  }
0x2d6: {  	v3 =	vshll.u32 v1, $0x1  }
0x2d7: {  	v1 =	vand.u32 $0x7, v1;
	v3 =	vand.u32 $0xFFFFFFF0, v3  }
0x2d8: {  	v1 =	vor.u32 v1, v3  }
0x2d9: {  	v3 =	vperm.xlane v1, v4;
	_ =	sdelay $0x1  }
0x2da: {  	v1 =	vperm.xlane v1, v5;
	v3 =	vadd.s32 v2, v3;
	_ =	sdelay $0x1  }
0x2db: {  	v1 =	vadd.s32 v2, v1;
	_ =	sdelay $0x1  }
0x2dc: {  	s24 =	simm.s32 $0x3B00  }
0x2dd: {  	[tilespmem:s24], [sflag:$0x1] =	stream.indirect_vreg.gather [hbm4b:s1+s5], $0x80, v3, vm0, $0xb8;
	[tilespmem:$0x1EB00] =	vst v63  }
0x2de: {  	s7 =	simm.s32 $0x4300  }
0x2df: {  	[tilespmem:s7], [sflag:$0x1] =	stream.indirect_vreg.gather [hbm4b:s1+s5], $0x80, v1, vm0, $0xb8;
	[tilespmem:$0x1EB00] =	vst v63  }
0x2e0: {  	v1 =	vld [tilespmem:$0x7C0];
	_ =	sdelay $0x4  }
0x2e1: {  	v3 =	vshll.u32 v1, $0x1  }
0x2e2: {  	v1 =	vand.u32 $0x7, v1;
	v3 =	vand.u32 $0xFFFFFFF0, v3  }
0x2e3: {  	v1 =	vor.u32 v1, v3  }
0x2e4: {  	v3 =	vperm.xlane v1, v4;
	_ =	sdelay $0x1  }
0x2e5: {  	v1 =	vperm.xlane v1, v5;
	v3 =	vadd.s32 v2, v3;
	_ =	sdelay $0x1  }
0x2e6: {  	v1 =	vadd.s32 v2, v1;
	_ =	sdelay $0x1  }
0x2e7: {  	s8 =	simm.s32 $0x4B00  }
0x2e8: {  	[tilespmem:s8], [sflag:$0x1] =	stream.indirect_vreg.gather [hbm4b:s1+s5], $0x80, v3, vm0, $0xb8;
	[tilespmem:$0x1EB00] =	vst v63  }
0x2e9: {  	s19 =	simm.s32 $0x5300  }
0x2ea: {  	[tilespmem:s19], [sflag:$0x1] =	stream.indirect_vreg.gather [hbm4b:s1+s5], $0x80, v1, vm0, $0xb8;
	[tilespmem:$0x1EB00] =	vst v63  }
0x2eb: {  	v1 =	vld [tilespmem:$0x7D0];
	_ =	sdelay $0x4  }
0x2ec: {  	v3 =	vshll.u32 v1, $0x1  }
0x2ed: {  	v1 =	vand.u32 $0x7, v1;
	v3 =	vand.u32 $0xFFFFFFF0, v3  }
0x2ee: {  	v1 =	vor.u32 v1, v3  }
0x2ef: {  	v3 =	vperm.xlane v1, v4;
	_ =	sdelay $0x1  }
0x2f0: {  	v1 =	vperm.xlane v1, v5;
	v3 =	vadd.s32 v2, v3;
	_ =	sdelay $0x1  }
0x2f1: {  	v1 =	vadd.s32 v2, v1;
	_ =	sdelay $0x1  }
0x2f2: {  	s20 =	simm.s32 $0x5B00  }
0x2f3: {  	[tilespmem:s20], [sflag:$0x1] =	stream.indirect_vreg.gather [hbm4b:s1+s5], $0x80, v3, vm0, $0xb8;
	[tilespmem:$0x1EB00] =	vst v63  }
0x2f4: {  	s21 =	simm.s32 $0x6300  }
0x2f5: {  	[tilespmem:s21], [sflag:$0x1] =	stream.indirect_vreg.gather [hbm4b:s1+s5], $0x80, v1, vm0, $0xb8;
	[tilespmem:$0x1EB00] =	vst v63  }
0x2f6: {  	v1 =	vld [tilespmem:$0x880];
	_ =	sdelay $0x4  }
0x2f7: {  	v3 =	vshll.u32 v1, $0x1  }
0x2f8: {  	v1 =	vand.u32 $0x7, v1;
	v3 =	vand.u32 $0xFFFFFFF0, v3  }
0x2f9: {  	v1 =	vor.u32 v1, v3  }
0x2fa: {  	v3 =	vperm.xlane v1, v4;
	_ =	sdelay $0x1  }
0x2fb: {  	v1 =	vperm.xlane v1, v5;
	v3 =	vadd.s32 v2, v3;
	_ =	sdelay $0x1  }
0x2fc: {  	v1 =	vadd.s32 v2, v1;
	_ =	sdelay $0x1  }
0x2fd: {  	s22 =	simm.s32 $0x6B00  }
0x2fe: {  	[tilespmem:s22], [sflag:$0x1] =	stream.indirect_vreg.gather [hbm4b:s1+s5], $0x80, v3, vm0, $0xb8;
	[tilespmem:$0x1EB00] =	vst v63  }
0x2ff: {  	s23 =	simm.s32 $0x7300  }
0x300: {  	[tilespmem:s23], [sflag:$0x1] =	stream.indirect_vreg.gather [hbm4b:s1+s5], $0x80, v1, vm0, $0xb8;
	[tilespmem:$0x1EB00] =	vst v63  }
0x301: {  	v1 =	vld [tilespmem:$0x890];
	_ =	sdelay $0x4  }
0x302: {  	v3 =	vshll.u32 v1, $0x1  }
0x303: {  	v1 =	vand.u32 $0x7, v1;
	v3 =	vand.u32 $0xFFFFFFF0, v3  }
0x304: {  	v1 =	vor.u32 v1, v3  }
0x305: {  	v3 =	vperm.xlane v1, v4;
	_ =	sdelay $0x1  }
0x306: {  	v1 =	vperm.xlane v1, v5;
	v3 =	vadd.s32 v2, v3;
	_ =	sdelay $0x1  }
0x307: {  	v1 =	vadd.s32 v2, v1;
	_ =	sdelay $0x1  }
0x308: {  	s24 =	simm.s32 $0x7B00  }
0x309: {  	[tilespmem:s24], [sflag:$0x1] =	stream.indirect_vreg.gather [hbm4b:s1+s5], $0x80, v3, vm0, $0xb8;
	[tilespmem:$0x1EB00] =	vst v63  }
0x30a: {  	s7 =	simm.s32 $0x8300  }
0x30b: {  	[tilespmem:s7], [sflag:$0x1] =	stream.indirect_vreg.gather [hbm4b:s1+s5], $0x80, v1, vm0, $0xb8;
	[tilespmem:$0x1EB00] =	vst v63  }
0x30c: {  	v1 =	vld [tilespmem:$0x8A0];
	_ =	sdelay $0x4  }
0x30d: {  	v3 =	vshll.u32 v1, $0x1  }
0x30e: {  	v1 =	vand.u32 $0x7, v1;
	v3 =	vand.u32 $0xFFFFFFF0, v3  }
0x30f: {  	v1 =	vor.u32 v1, v3  }
0x310: {  	v3 =	vperm.xlane v1, v4;
	_ =	sdelay $0x1  }
0x311: {  	v1 =	vperm.xlane v1, v5;
	v3 =	vadd.s32 v2, v3;
	_ =	sdelay $0x1  }
0x312: {  	v1 =	vadd.s32 v2, v1;
	_ =	sdelay $0x1  }
0x313: {  	s8 =	simm.s32 $0x8B00  }
0x314: {  	[tilespmem:s8], [sflag:$0x1] =	stream.indirect_vreg.gather [hbm4b:s1+s5], $0x80, v3, vm0, $0xb8;
	[tilespmem:$0x1EB00] =	vst v63  }
0x315: {  	s19 =	simm.s32 $0x9300  }
0x316: {  	[tilespmem:s19], [sflag:$0x1] =	stream.indirect_vreg.gather [hbm4b:s1+s5], $0x80, v1, vm0, $0xb8;
	[tilespmem:$0x1EB00] =	vst v63  }
0x317: {  	v1 =	vld [tilespmem:$0x8B0];
	_ =	sdelay $0x4  }
0x318: {  	v3 =	vshll.u32 v1, $0x1  }
0x319: {  	v1 =	vand.u32 $0x7, v1;
	v3 =	vand.u32 $0xFFFFFFF0, v3  }
0x31a: {  	v1 =	vor.u32 v1, v3  }
0x31b: {  	v3 =	vperm.xlane v1, v4;
	_ =	sdelay $0x1  }
0x31c: {  	v1 =	vperm.xlane v1, v5;
	v3 =	vadd.s32 v2, v3;
	_ =	sdelay $0x1  }
0x31d: {  	v1 =	vadd.s32 v2, v1;
	_ =	sdelay $0x1  }
0x31e: {  	s20 =	simm.s32 $0x9B00  }
0x31f: {  	[tilespmem:s20], [sflag:$0x1] =	stream.indirect_vreg.gather [hbm4b:s1+s5], $0x80, v3, vm0, $0xb8;
	[tilespmem:$0x1EB00] =	vst v63  }
0x320: {  	s21 =	simm.s32 $0xA300  }
0x321: {  	[tilespmem:s21], [sflag:$0x1] =	stream.indirect_vreg.gather [hbm4b:s1+s5], $0x80, v1, vm0, $0xb8;
	[tilespmem:$0x1EB00] =	vst v63  }
0x322: {  	v1 =	vld [tilespmem:$0x8C0];
	_ =	sdelay $0x4  }
0x323: {  	v3 =	vshll.u32 v1, $0x1  }
0x324: {  	v1 =	vand.u32 $0x7, v1;
	v3 =	vand.u32 $0xFFFFFFF0, v3  }
0x325: {  	v1 =	vor.u32 v1, v3  }
0x326: {  	v3 =	vperm.xlane v1, v4;
	_ =	sdelay $0x1  }
0x327: {  	v1 =	vperm.xlane v1, v5;
	v3 =	vadd.s32 v2, v3;
	_ =	sdelay $0x1  }
0x328: {  	v1 =	vadd.s32 v2, v1;
	_ =	sdelay $0x1  }
0x329: {  	s22 =	simm.s32 $0xAB00  }
0x32a: {  	[tilespmem:s22], [sflag:$0x1] =	stream.indirect_vreg.gather [hbm4b:s1+s5], $0x80, v3, vm0, $0xb8;
	[tilespmem:$0x1EB00] =	vst v63  }
0x32b: {  	s23 =	simm.s32 $0xB300  }
0x32c: {  	[tilespmem:s23], [sflag:$0x1] =	stream.indirect_vreg.gather [hbm4b:s1+s5], $0x80, v1, vm0, $0xb8;
	[tilespmem:$0x1EB00] =	vst v63  }
0x32d: {  	v1 =	vld [tilespmem:$0x8D0];
	_ =	sdelay $0x4  }
0x32e: {  	v3 =	vshll.u32 v1, $0x1  }
0x32f: {  	v1 =	vand.u32 $0x7, v1;
	v3 =	vand.u32 $0xFFFFFFF0, v3  }
0x330: {  	v1 =	vor.u32 v1, v3  }
0x331: {  	v3 =	vperm.xlane v1, v4;
	_ =	sdelay $0x1  }
0x332: {  	v1 =	vperm.xlane v1, v5;
	v3 =	vadd.s32 v2, v3;
	_ =	sdelay $0x1  }
0x333: {  	v1 =	vadd.s32 v2, v1;
	_ =	sdelay $0x1  }
0x334: {  	s24 =	simm.s32 $0xBB00  }
0x335: {  	[tilespmem:s24], [sflag:$0x1] =	stream.indirect_vreg.gather [hbm4b:s1+s5], $0x80, v3, vm0, $0xb8;
	[tilespmem:$0x1EB00] =	vst v63  }
0x336: {  	s7 =	simm.s32 $0xC300  }
0x337: {  	[tilespmem:s7], [sflag:$0x1] =	stream.indirect_vreg.gather [hbm4b:s1+s5], $0x80, v1, vm0, $0xb8;
	[tilespmem:$0x1EB00] =	vst v63  }
0x338: {  	v1 =	vld [tilespmem:$0x980];
	_ =	sdelay $0x4  }
0x339: {  	v3 =	vshll.u32 v1, $0x1  }
0x33a: {  	v1 =	vand.u32 $0x7, v1;
	v3 =	vand.u32 $0xFFFFFFF0, v3  }
0x33b: {  	v1 =	vor.u32 v1, v3  }
0x33c: {  	v3 =	vperm.xlane v1, v4;
	_ =	sdelay $0x1  }
0x33d: {  	v1 =	vperm.xlane v1, v5;
	v3 =	vadd.s32 v2, v3;
	_ =	sdelay $0x1  }
0x33e: {  	v1 =	vadd.s32 v2, v1;
	_ =	sdelay $0x1  }
0x33f: {  	s8 =	simm.s32 $0xCB00  }
0x340: {  	[tilespmem:s8], [sflag:$0x1] =	stream.indirect_vreg.gather [hbm4b:s1+s5], $0x80, v3, vm0, $0xb8;
	[tilespmem:$0x1EB00] =	vst v63  }
0x341: {  	s19 =	simm.s32 $0xD300  }
0x342: {  	[tilespmem:s19], [sflag:$0x1] =	stream.indirect_vreg.gather [hbm4b:s1+s5], $0x80, v1, vm0, $0xb8;
	[tilespmem:$0x1EB00] =	vst v63  }
0x343: {  	v1 =	vld [tilespmem:$0x990];
	_ =	sdelay $0x4  }
0x344: {  	v3 =	vshll.u32 v1, $0x1  }
0x345: {  	v1 =	vand.u32 $0x7, v1;
	v3 =	vand.u32 $0xFFFFFFF0, v3  }
0x346: {  	v1 =	vor.u32 v1, v3  }
0x347: {  	v3 =	vperm.xlane v1, v4;
	_ =	sdelay $0x1  }
0x348: {  	v1 =	vperm.xlane v1, v5;
	v3 =	vadd.s32 v2, v3;
	_ =	sdelay $0x1  }
0x349: {  	v1 =	vadd.s32 v2, v1;
	_ =	sdelay $0x1  }
0x34a: {  	s20 =	simm.s32 $0xDB00  }
0x34b: {  	[tilespmem:s20], [sflag:$0x1] =	stream.indirect_vreg.gather [hbm4b:s1+s5], $0x80, v3, vm0, $0xb8;
	[tilespmem:$0x1EB00] =	vst v63  }
0x34c: {  	s21 =	simm.s32 $0xE300  }
0x34d: {  	[tilespmem:s21], [sflag:$0x1] =	stream.indirect_vreg.gather [hbm4b:s1+s5], $0x80, v1, vm0, $0xb8;
	[tilespmem:$0x1EB00] =	vst v63  }
0x34e: {  	v1 =	vld [tilespmem:$0x9A0];
	_ =	sdelay $0x4  }
0x34f: {  	v3 =	vshll.u32 v1, $0x1  }
0x350: {  	v1 =	vand.u32 $0x7, v1;
	v3 =	vand.u32 $0xFFFFFFF0, v3  }
0x351: {  	v1 =	vor.u32 v1, v3  }
0x352: {  	v3 =	vperm.xlane v1, v4;
	_ =	sdelay $0x1  }
0x353: {  	v1 =	vperm.xlane v1, v5;
	v3 =	vadd.s32 v2, v3;
	_ =	sdelay $0x1  }
0x354: {  	v1 =	vadd.s32 v2, v1;
	_ =	sdelay $0x1  }
0x355: {  	s22 =	simm.s32 $0xEB00  }
0x356: {  	[tilespmem:s22], [sflag:$0x1] =	stream.indirect_vreg.gather [hbm4b:s1+s5], $0x80, v3, vm0, $0xb8;
	[tilespmem:$0x1EB00] =	vst v63  }
0x357: {  	s23 =	simm.s32 $0xF300  }
0x358: {  	[tilespmem:s23], [sflag:$0x1] =	stream.indirect_vreg.gather [hbm4b:s1+s5], $0x80, v1, vm0, $0xb8;
	[tilespmem:$0x1EB00] =	vst v63  }
0x359: {  	v1 =	vld [tilespmem:$0x9B0];
	_ =	sdelay $0x4  }
0x35a: {  	v3 =	vshll.u32 v1, $0x1  }
0x35b: {  	v1 =	vand.u32 $0x7, v1;
	v3 =	vand.u32 $0xFFFFFFF0, v3  }
0x35c: {  	v1 =	vor.u32 v1, v3  }
0x35d: {  	v3 =	vperm.xlane v1, v4;
	_ =	sdelay $0x1  }
0x35e: {  	v1 =	vperm.xlane v1, v5;
	v3 =	vadd.s32 v2, v3;
	_ =	sdelay $0x1  }
0x35f: {  	v1 =	vadd.s32 v2, v1;
	_ =	sdelay $0x1  }
0x360: {  	s24 =	simm.s32 $0xFB00  }
0x361: {  	[tilespmem:s24], [sflag:$0x1] =	stream.indirect_vreg.gather [hbm4b:s1+s5], $0x80, v3, vm0, $0xb8;
	[tilespmem:$0x1EB00] =	vst v63  }
0x362: {  	s7 =	simm.s32 $0x10300  }
0x363: {  	[tilespmem:s7], [sflag:$0x1] =	stream.indirect_vreg.gather [hbm4b:s1+s5], $0x80, v1, vm0, $0xb8;
	[tilespmem:$0x1EB00] =	vst v63  }
0x364: {  	v1 =	vld [tilespmem:$0x9C0];
	_ =	sdelay $0x4  }
0x365: {  	v3 =	vshll.u32 v1, $0x1  }
0x366: {  	v1 =	vand.u32 $0x7, v1;
	v3 =	vand.u32 $0xFFFFFFF0, v3  }
0x367: {  	v1 =	vor.u32 v1, v3  }
0x368: {  	v3 =	vperm.xlane v1, v4;
	_ =	sdelay $0x1  }
0x369: {  	v1 =	vperm.xlane v1, v5;
	v3 =	vadd.s32 v2, v3;
	_ =	sdelay $0x1  }
0x36a: {  	v1 =	vadd.s32 v2, v1;
	_ =	sdelay $0x1  }
0x36b: {  	s8 =	simm.s32 $0x10B00  }
0x36c: {  	[tilespmem:s8], [sflag:$0x1] =	stream.indirect_vreg.gather [hbm4b:s1+s5], $0x80, v3, vm0, $0xb8;
	[tilespmem:$0x1EB00] =	vst v63  }
0x36d: {  	s19 =	simm.s32 $0x11300  }
0x36e: {  	[tilespmem:s19], [sflag:$0x1] =	stream.indirect_vreg.gather [hbm4b:s1+s5], $0x80, v1, vm0, $0xb8;
	[tilespmem:$0x1EB00] =	vst v63  }
0x36f: {  	v1 =	vld [tilespmem:$0x9D0];
	_ =	sdelay $0x4  }
0x370: {  	v3 =	vshll.u32 v1, $0x1  }
0x371: {  	v1 =	vand.u32 $0x7, v1;
	v3 =	vand.u32 $0xFFFFFFF0, v3  }
0x372: {  	v1 =	vor.u32 v1, v3  }
0x373: {  	v3 =	vperm.xlane v1, v4;
	_ =	sdelay $0x1  }
0x374: {  	v1 =	vperm.xlane v1, v5;
	v3 =	vadd.s32 v2, v3;
	_ =	sdelay $0x1  }
0x375: {  	v1 =	vadd.s32 v2, v1;
	_ =	sdelay $0x2  }
0x376: {  	[tilespmem:s25], [sflag:$0x1] =	stream.indirect_vreg.gather [hbm4b:s1+s5], $0x80, v3, vm0, $0xb8;
	[tilespmem:$0x1EB00] =	vst v63  }
0x377: {  	_ = 	snop  }
0x378: {  	[tilespmem:s26], [sflag:$0x1] =	stream.indirect_vreg.gather [hbm4b:s1+s5], $0x80, v1, vm0, $0xb8;
	[tilespmem:$0x1EB00] =	vst v63  }
0x379: {  	v1 =	vld [tilespmem:$0xA80];
	_ =	sdelay $0x4  }
0x37a: {  	v3 =	vshll.u32 v1, $0x1  }
0x37b: {  	v1 =	vand.u32 $0x7, v1;
	v3 =	vand.u32 $0xFFFFFFF0, v3  }
0x37c: {  	v1 =	vor.u32 v1, v3  }
0x37d: {  	v3 =	vperm.xlane v1, v4;
	_ =	sdelay $0x1  }
0x37e: {  	v1 =	vperm.xlane v1, v5;
	v3 =	vadd.s32 v2, v3;
	_ =	sdelay $0x1  }
0x37f: {  	v1 =	vadd.s32 v2, v1;
	_ =	sdelay $0x2  }
0x380: {  	[tilespmem:s28], [sflag:$0x1] =	stream.indirect_vreg.gather [hbm4b:s1+s5], $0x80, v3, vm0, $0xb8;
	[tilespmem:$0x1EB00] =	vst v63  }
0x381: {  	_ = 	snop  }
0x382: {  	[tilespmem:s29], [sflag:$0x1] =	stream.indirect_vreg.gather [hbm4b:s1+s5], $0x80, v1, vm0, $0xb8;
	[tilespmem:$0x1EB00] =	vst v63  }
0x383: {  	v1 =	vld [tilespmem:$0xA90];
	_ =	sdelay $0x4  }
0x384: {  	v3 =	vshll.u32 v1, $0x1  }
0x385: {  	v1 =	vand.u32 $0x7, v1;
	v3 =	vand.u32 $0xFFFFFFF0, v3  }
0x386: {  	v1 =	vor.u32 v1, v3  }
0x387: {  	v3 =	vperm.xlane v1, v4;
	_ =	sdelay $0x1  }
0x388: {  	v1 =	vperm.xlane v1, v5;
	v3 =	vadd.s32 v2, v3;
	_ =	sdelay $0x1  }
0x389: {  	v1 =	vadd.s32 v2, v1;
	_ =	sdelay $0x2  }
0x38a: {  	[tilespmem:s30], [sflag:$0x1] =	stream.indirect_vreg.gather [hbm4b:s1+s5], $0x80, v3, vm0, $0xb8;
	[tilespmem:$0x1EB00] =	vst v63  }
0x38b: {  	_ = 	snop  }
0x38c: {  	[tilespmem:s31], [sflag:$0x1] =	stream.indirect_vreg.gather [hbm4b:s1+s5], $0x80, v1, vm0, $0xb8;
	[tilespmem:$0x1EB00] =	vst v63  }
0x38d: {  	v1 =	vld [tilespmem:$0xAA0];
	_ =	sdelay $0x4  }
0x38e: {  	v3 =	vshll.u32 v1, $0x1  }
0x38f: {  	v1 =	vand.u32 $0x7, v1;
	v3 =	vand.u32 $0xFFFFFFF0, v3  }
0x390: {  	v1 =	vor.u32 v1, v3  }
0x391: {  	v3 =	vperm.xlane v1, v4;
	_ =	sdelay $0x1  }
0x392: {  	v1 =	vperm.xlane v1, v5;
	v3 =	vadd.s32 v2, v3;
	_ =	sdelay $0x1  }
0x393: {  	v1 =	vadd.s32 v2, v1;
	_ =	sdelay $0x2  }
0x394: {  	[tilespmem:s2], [sflag:$0x1] =	stream.indirect_vreg.gather [hbm4b:s1+s5], $0x80, v3, vm0, $0xb8;
	[tilespmem:$0x1EB00] =	vst v63  }
0x395: {  	_ = 	snop  }
0x396: {  	[tilespmem:s0], [sflag:$0x1] =	stream.indirect_vreg.gather [hbm4b:s1+s5], $0x80, v1, vm0, $0xb8;
	[tilespmem:$0x1EB00] =	vst v63  }
0x397: {  	v1 =	vld [tilespmem:$0xAB0];
	_ =	sdelay $0x4  }
0x398: {  	v3 =	vshll.u32 v1, $0x1  }
0x399: {  	v1 =	vand.u32 $0x7, v1;
	v3 =	vand.u32 $0xFFFFFFF0, v3  }
0x39a: {  	v1 =	vor.u32 v1, v3  }
0x39b: {  	v3 =	vperm.xlane v1, v4;
	_ =	sdelay $0x1  }
0x39c: {  	v1 =	vperm.xlane v1, v5;
	v3 =	vadd.s32 v2, v3;
	_ =	sdelay $0x1  }
0x39d: {  	v1 =	vadd.s32 v2, v1;
	_ =	sdelay $0x2  }
0x39e: {  	[tilespmem:s11], [sflag:$0x1] =	stream.indirect_vreg.gather [hbm4b:s1+s5], $0x80, v3, vm0, $0xb8;
	[tilespmem:$0x1EB00] =	vst v63  }
0x39f: {  	_ = 	snop  }
0x3a0: {  	[tilespmem:s12], [sflag:$0x1] =	stream.indirect_vreg.gather [hbm4b:s1+s5], $0x80, v1, vm0, $0xb8;
	[tilespmem:$0x1EB00] =	vst v63  }
0x3a1: {  	v1 =	vld [tilespmem:$0xAC0];
	_ =	sdelay $0x4  }
0x3a2: {  	v3 =	vshll.u32 v1, $0x1  }
0x3a3: {  	v1 =	vand.u32 $0x7, v1;
	v3 =	vand.u32 $0xFFFFFFF0, v3  }
0x3a4: {  	v1 =	vor.u32 v1, v3  }
0x3a5: {  	v3 =	vperm.xlane v1, v4;
	_ =	sdelay $0x1  }
0x3a6: {  	v1 =	vperm.xlane v1, v5;
	v3 =	vadd.s32 v2, v3;
	_ =	sdelay $0x1  }
0x3a7: {  	v1 =	vadd.s32 v2, v1;
	_ =	sdelay $0x2  }
0x3a8: {  	[tilespmem:s13], [sflag:$0x1] =	stream.indirect_vreg.gather [hbm4b:s1+s5], $0x80, v3, vm0, $0xb8;
	[tilespmem:$0x1EB00] =	vst v63  }
0x3a9: {  	_ = 	snop  }
0x3aa: {  	[tilespmem:s14], [sflag:$0x1] =	stream.indirect_vreg.gather [hbm4b:s1+s5], $0x80, v1, vm0, $0xb8;
	[tilespmem:$0x1EB00] =	vst v63  }
0x3ab: {  	v1 =	vld [tilespmem:$0xAD0];
	_ =	sdelay $0x4  }
0x3ac: {  	v3 =	vshll.u32 v1, $0x1  }
0x3ad: {  	v1 =	vand.u32 $0x7, v1;
	v3 =	vand.u32 $0xFFFFFFF0, v3  }
0x3ae: {  	v1 =	vor.u32 v1, v3  }
0x3af: {  	v3 =	vperm.xlane v1, v4;
	_ =	sdelay $0x1  }
0x3b0: {  	v1 =	vperm.xlane v1, v5;
	v3 =	vadd.s32 v2, v3;
	_ =	sdelay $0x1  }
0x3b1: {  	v1 =	vadd.s32 v2, v1;
	_ =	sdelay $0x2  }
0x3b2: {  	[tilespmem:s15], [sflag:$0x1] =	stream.indirect_vreg.gather [hbm4b:s1+s5], $0x80, v3, vm0, $0xb8;
	[tilespmem:$0x1EB00] =	vst v63  }
0x3b3: {  	_ = 	snop  }
0x3b4: {  	[tilespmem:s16], [sflag:$0x1] =	stream.indirect_vreg.gather [hbm4b:s1+s5], $0x80, v1, vm0, $0xb8;
	[tilespmem:$0x1EB00] =	vst v63  }
0x3b5: {  	_ =	swait.ge [sflag:s4], $0x6000  }
0x3b6: {  	[sflag:s4] =	ssyncset.done $0x0  }
0x3b7: {  	[sflag:s4] =	ssyncadd.s32 $0xFFFFA000  }
0x3b8: {  	_ =	swait.ge [sflag:s4], $0x6000  }
0x3b9: {  	[sflag:s4] =	ssyncset.done $0x0  }
0x3ba: {  	[sflag:s4] =	ssyncadd.s32 $0xFFFFA000  }
0x3bb: {  	_ =	swait.ge [sflag:s4], $0x6000  }
0x3bc: {  	[sflag:s4] =	ssyncset.done $0x0  }
0x3bd: {  	[sflag:s4] =	ssyncadd.s32 $0xFFFFA000  }
0x3be: {  	_ =	swait.ge [sflag:s4], $0x6000  }
0x3bf: {  	s20 =	sand.u32 $0x7800, s5;
	s5 =	sand.u32 $0x380, s5;
	[sflag:s4] =	ssyncset.done $0x0  }
0x3c0: {  	s19 =	sor.u32 s5, s20;
	[sflag:s4] =	ssyncadd.s32 $0xFFFFA000  }
0x3c1: {  	v1 =	vld [tilespmem:s19+$0xB00]  }
0x3c2: {  	v3 =	vld [tilespmem:s19+$0x6B00]  }
0x3c3: {  	v8 =	vld [tilespmem:s19+$0xB10]  }
0x3c4: {  	v31 =	vld [tilespmem:s19+$0x6B10]  }
0x3c5: {  	v9 =	vld [tilespmem:s19+$0xB20]  }
0x3c6: {  	v18 =	vld [tilespmem:s19+$0x6B20]  }
0x3c7: {  	v39 =	vld [tilespmem:s19+$0xB30]  }
0x3c8: {  	v58 =	vld [tilespmem:s19+$0x6B30]  }
0x3c9: {  	v16 =	vld [tilespmem:s19+$0xB40]  }
0x3ca: {  	v41 =	vld [tilespmem:s19+$0x6B40]  }
0x3cb: {  	v14 =	vld [tilespmem:s19+$0xB50]  }
0x3cc: {  	v42 =	vld [tilespmem:s19+$0x6B50]  }
0x3cd: {  	v10 =	vld [tilespmem:s19+$0xB60]  }
0x3ce: {  	v23 =	vld [tilespmem:s19+$0x6B60]  }
0x3cf: {  	v59 =	vld [tilespmem:s19+$0xB70]  }
0x3d0: {  	v24 =	vld [tilespmem:s19+$0x6B70]  }
0x3d1: {  	v4 =	vld [tilespmem:s19+$0x12F70]  }
0x3d2: {  	v7 =	vld [tilespmem:s19+$0x12F30]  }
0x3d3: {  	v5 =	vld [tilespmem:s19+$0x12F60]  }
0x3d4: {  	v6 =	vld [tilespmem:s19+$0x12F20]  }
0x3d5: {  	v11 =	vld [tilespmem:s19+$0xCF70]  }
0x3d6: {  	v13 =	vld [tilespmem:s19+$0xCF40]  }
0x3d7: {  	v15 =	vld [tilespmem:s19+$0xCF20]  }
0x3d8: {  	v17 =	vld [tilespmem:s19+$0xCF00]  }
0x3d9: {  	v12 =	vld [tilespmem:s19+$0x12B50]  }
0x3da: {  	v19 =	vld [tilespmem:s19+$0xCB30]  }
0x3db: {  	v21 =	vld [tilespmem:s19+$0xCB20]  }
0x3dc: {  	v26 =	vld [tilespmem:s19+$0x12B00]  }
0x3dd: {  	v28 =	vld [tilespmem:s19+$0x12B70]  }
0x3de: {  	v25 =	vld [tilespmem:s19+$0xCB50]  }
0x3df: {  	v27 =	vld [tilespmem:s19+$0xCF30]  }
0x3e0: {  	v40 =	vld [tilespmem:s19+$0x6F40]  }
0x3e1: {  	v29 =	vld [tilespmem:s19+$0x12B30]  }
0x3e2: {  	v30 =	vld [tilespmem:s19+$0x12F10]  }
0x3e3: {  	v20 =	vld [tilespmem:s19+$0x12B10]  }
0x3e4: {  	v37 =	vld [tilespmem:s19+$0xCB70]  }
0x3e5: {  	v22 =	vld [tilespmem:s19+$0x12B40]  }
0x3e6: {  	v35 =	vld [tilespmem:s19+$0xCF10]  }
0x3e7: {  	v34 =	vld [tilespmem:s19+$0xCB10]  }
0x3e8: {  	v43 =	vld [tilespmem:s19+$0xCB00]  }
0x3e9: {  	v44 =	vld [tilespmem:s19+$0x6F50]  }
0x3ea: {  	v38 =	vld [tilespmem:s19+$0xF30]  }
0x3eb: {  	s21 =	simm.s32 $0x360;
	v48 =	vld [tilespmem:s19+$0x6F60]  }
0x3ec: {  	s22 =	simm.s32 $0x460;
	v60 =	vld [tilespmem:s21+$0x0]  }
0x3ed: {  	v61 =	vld [tilespmem:s22+$0x0]  }
0x3ee: {  	v62 =	vld [tilespmem:s19+$0xF10]  }
0x3ef: {  	s23 =	simm.s32 $0x560;
	v63 =	vld [tilespmem:s19+$0xF20]  }
0x3f0: {  	v50 =	vld [tilespmem:s23+$0x0]  }
0x3f1: {  	s24 =	simm.s32 $0x660;
	v53 =	vld [tilespmem:s19+$0xF70];
	v45 =	vperm.xlane v60, v0  }
0x3f2: {  	v47 =	vld [tilespmem:s24+$0x0];
	v49 =	vperm.xlane v61, v0  }
0x3f3: {  	v55 =	vld [tilespmem:s19+$0x6F10];
	v1 =	vmul.f32 v1, v45;
	v46 =	vmul.f32 v59, v45  }
0x3f4: {  	v56 =	vld [tilespmem:s19+$0xF00];
	v36 =	vmul.f32 v58, v49;
	v32 =	vmul.f32 v63, v45  }
0x3f5: {  	v61 =	vld [tilespmem:s19+$0x6F70];
	v3 =	vmul.f32 v3, v49;
	v33 =	vmul.f32 v62, v45  }
0x3f6: {  	v62 =	vld [tilespmem:s19+$0xF60];
	v54 =	vmul.f32 v48, v49;
	v52 =	vmul.f32 v53, v45  }
0x3f7: {  	v57 =	vld [tilespmem:s19+$0x6F00];
	v38 =	vmul.f32 v38, v45;
	v51 =	vmul.f32 v44, v49  }
0x3f8: {  	v59 =	vld [tilespmem:s19+$0xF50];
	v44 =	vmul.f32 v31, v49;
	v60 =	vmul.f32 v39, v45  }
0x3f9: {  	v58 =	vld [tilespmem:s19+$0x6F20];
	v39 =	vmul.f32 v56, v45;
	v56 =	vmul.f32 v55, v49  }
0x3fa: {  	s6 =	simm.s32 $0x80;
	s8 =	simm.s32 $0x100;
	s5 =	simm.s32 $0x561;
	v55 =	vld [tilespmem:s19+$0x6F30];
	v31 =	vmul.f32 v41, v49;
	v42 =	vmul.f32 v42, v49  }
0x3fb: {  	s20 =	simm.s32 $0x661;
	s21 =	simm.s32 $0x361;
	s22 =	simm.s32 $0x461;
	v41 =	vld [tilespmem:s19+$0xCF50];
	v48 =	vadd.f32 v3, v1;
	v53 =	vmul.f32 v61, v49;
	v61 =	vmul.f32 v62, v45  }
.LBB2_4:
0x3fc: {  	s7 =	smov.u32 s8  }
0x3fd: {  	s23 =	sand.u32 $0x7800, s8;
	s24 =	sand.u32 $0x380, s6;
	v1 =	vmul.f32 v18, v49;
	v3 =	vadd.f32 v36, v60;
	v18 =	vmul.f32 v59, v45;
	v59 =	vld [tilespmem:s19+$0xCF60];
	s7 =	sadd.s32 $0x100, s8  }
0x3fe: {  	p0 =	sne.s32 s8, $0x5F00;
	v23 =	vmul.f32 v23, v49;
	s23 =	sor.u32 s24, s23;
	v58 =	vmul.f32 v58, v49;
	v54 =	vadd.f32 v54, v61;
	v60 =	vld [tilespmem:s19+$0xF40]  }
0x3ff: {  	v16 =	vmul.f32 v16, v45;
	v24 =	vmul.f32 v24, v49;
	v56 =	vadd.f32 v56, v33;
	v36 =	vld [tilespmem:s23+$0xB00]  }
0x400: {  	v55 =	vmul.f32 v55, v49;
	v61 =	vadd.f32 v51, v18;
	v57 =	vmul.f32 v57, v49;
	v33 =	vld [tilespmem:s23+$0x6B00]  }
0x401: {  	v62 =	vmul.f32 v8, v45;
	v18 =	vmul.f32 v9, v45;
	v51 =	vadd.f32 v31, v16;
	v8 =	vld [tilespmem:s23+$0xB10]  }
0x402: {  	v50 =	vperm.xlane v50, v0;
	v14 =	vmul.f32 v14, v45;
	v52 =	vadd.f32 v53, v52;
	v31 =	vld [tilespmem:s23+$0x6B10]  }
0x403: {  	v40 =	vmul.f32 v40, v49;
	v1 =	vadd.f32 v1, v18;
	v53 =	vadd.f32 v57, v39;
	v9 =	vld [tilespmem:s23+$0xB20]  }
0x404: {  	v49 =	vadd.f32 v42, v14;
	v14 =	vmul.f32 v59, v50;
	v57 =	vmul.f32 v60, v45;
	v18 =	vld [tilespmem:s23+$0x6B20]  }
0x405: {  	v10 =	vmul.f32 v10, v45;
	v59 =	vadd.f32 v44, v62;
	v45 =	vmul.f32 v41, v50;
	v39 =	vld [tilespmem:s23+$0xB30]  }
0x406: {  	v47 =	vperm.xlane v47, v0;
	v43 =	vmul.f32 v43, v50;
	v54 =	vadd.f32 v14, v54;
	v44 =	vld [tilespmem:s23+$0x6B30]  }
0x407: {  	v34 =	vmul.f32 v34, v50;
	v24 =	vadd.f32 v24, v46;
	v35 =	vmul.f32 v35, v50;
	v16 =	vld [tilespmem:s23+$0xB40]  }
0x408: {  	v22 =	vmul.f32 v22, v47;
	v60 =	vadd.f32 v23, v10;
	v23 =	vmul.f32 v37, v50;
	v41 =	vld [tilespmem:s23+$0x6B40]  }
0x409: {  	v20 =	vmul.f32 v20, v47;
	v30 =	vmul.f32 v30, v47;
	v35 =	vadd.f32 v35, v56;
	v14 =	vld [tilespmem:s23+$0xB50]  }
0x40a: {  	v29 =	vmul.f32 v29, v47;
	v27 =	vmul.f32 v27, v50;
	v37 =	vadd.f32 v45, v61;
	v42 =	vld [tilespmem:s23+$0x6B50]  }
0x40b: {  	v25 =	vmul.f32 v25, v50;
	v28 =	vmul.f32 v28, v47;
	v24 =	vadd.f32 v23, v24;
	v10 =	vld [tilespmem:s23+$0xB60]  }
0x40c: {  	v26 =	vmul.f32 v26, v47;
	v43 =	vadd.f32 v43, v48;
	v30 =	vadd.f32 v30, v35;
	v23 =	vld [tilespmem:s23+$0x6B60]  }
0x40d: {  	v21 =	vmul.f32 v21, v50;
	v19 =	vmul.f32 v19, v50;
	v28 =	vadd.f32 v28, v24;
	v46 =	vld [tilespmem:s23+$0xB70]  }
0x40e: {  	v12 =	vmul.f32 v12, v47;
	v26 =	vadd.f32 v26, v43;
	v34 =	vadd.f32 v34, v59;
	v24 =	vld [tilespmem:s23+$0x6B70]  }
0x40f: {  	v17 =	vmul.f32 v17, v50;
	v15 =	vmul.f32 v15, v50;
	[tilespmem:s19+$0x18B70] =	vst v28;
	v28 =	vadd.f32 v58, v32;
	v32 =	vld [tilespmem:s19+$0x12F50]  }
0x410: {  	v13 =	vmul.f32 v13, v50;
	v11 =	vmul.f32 v11, v50;
	v3 =	vadd.f32 v19, v3;
	[tilespmem:s19+$0x18B00] =	vst v26;
	v26 =	vld [tilespmem:s19+$0x12B20]  }
0x411: {  	v19 =	vmul.f32 v6, v47;
	v6 =	vadd.f32 v55, v38;
	v1 =	vadd.f32 v21, v1;
	v21 =	vld [tilespmem:s19+$0x12F40]  }
0x412: {  	v5 =	vmul.f32 v5, v47;
	v25 =	vadd.f32 v25, v49;
	v17 =	vadd.f32 v17, v53;
	v35 =	vld [tilespmem:s19+$0xCB40]  }
0x413: {  	v7 =	vmul.f32 v7, v47;
	v11 =	vadd.f32 v11, v52;
	v6 =	vadd.f32 v27, v6;
	v38 =	vld [tilespmem:s19+$0xCB60]  }
0x414: {  	v40 =	vadd.f32 v40, v57;
	v43 =	vadd.f32 v5, v54;
	v27 =	vld [tilespmem:s19+$0x12F00];
	v32 =	vmul.f32 v32, v47  }
0x415: {  	v6 =	vadd.f32 v7, v6;
	v28 =	vadd.f32 v15, v28;
	v5 =	vmul.f32 v26, v47;
	v26 =	vld [tilespmem:s19+$0x12B60]  }
0x416: {  	v13 =	vadd.f32 v13, v40;
	v15 =	vld [tilespmem:s23+$0x12F70];
	[tilespmem:s19+$0x18F10] =	vst v30;
	v21 =	vmul.f32 v21, v47;
	v30 =	vadd.f32 v32, v37  }
0x417: {  	v4 =	vmul.f32 v4, v47;
	v7 =	vld [tilespmem:s23+$0x12F30];
	v1 =	vadd.f32 v5, v1;
	v32 =	vmul.f32 v35, v50;
	[tilespmem:s19+$0x18F30] =	vst v6  }
0x418: {  	v3 =	vadd.f32 v29, v3;
	v5 =	vld [tilespmem:s23+$0x12F60];
	v29 =	vmul.f32 v38, v50;
	v13 =	vadd.f32 v21, v13;
	[tilespmem:s19+$0x18F50] =	vst v30  }
0x419: {  	v6 =	vld [tilespmem:s23+$0x12F20];
	[tilespmem:s19+$0x18B20] =	vst v1;
	v1 =	vadd.f32 v12, v25;
	v12 =	vmul.f32 v27, v47;
	v27 =	vadd.f32 v4, v11  }
0x41a: {  	v20 =	vadd.f32 v20, v34;
	v11 =	vld [tilespmem:s23+$0xCF70];
	v21 =	vadd.f32 v29, v60;
	v25 =	vmul.f32 v26, v47;
	[tilespmem:s19+$0x18F40] =	vst v13  }
0x41b: {  	v26 =	vadd.f32 v32, v51;
	v13 =	vld [tilespmem:s23+$0xCF40];
	v12 =	vadd.f32 v12, v17;
	[tilespmem:s19+$0x18F70] =	vst v27;
	v4 =	vmov v15  }
0x41c: {  	v15 =	vld [tilespmem:s23+$0xCF20];
	v21 =	vadd.f32 v25, v21;
	v25 =	vadd.f32 v19, v28;
	[tilespmem:s19+$0x18F60] =	vst v43  }
0x41d: {  	v22 =	vadd.f32 v22, v26;
	v17 =	vld [tilespmem:s23+$0xCF00];
	[tilespmem:s19+$0x18F00] =	vst v12  }
0x41e: {  	v12 =	vld [tilespmem:s23+$0x12B50];
	[tilespmem:s19+$0x18B60] =	vst v21  }
0x41f: {  	v19 =	vld [tilespmem:s23+$0xCB30];
	[tilespmem:s19+$0x18F20] =	vst v25  }
0x420: {  	v21 =	vld [tilespmem:s23+$0xCB20];
	[tilespmem:s19+$0x18B30] =	vst v3  }
0x421: {  	v26 =	vld [tilespmem:s23+$0x12B00];
	[tilespmem:s19+$0x18B50] =	vst v1  }
0x422: {  	v28 =	vld [tilespmem:s23+$0x12B70];
	[tilespmem:s19+$0x18B10] =	vst v20  }
0x423: {  	v25 =	vld [tilespmem:s23+$0xCB50];
	[tilespmem:s19+$0x18B40] =	vst v22;
	s19 =	smov.u32 s23  }
0x424: {  	v27 =	vld [tilespmem:s19+$0xCF30]  }
0x425: {  	v40 =	vld [tilespmem:s19+$0x6F40]  }
0x426: {  	v29 =	vld [tilespmem:s19+$0x12B30]  }
0x427: {  	v30 =	vld [tilespmem:s19+$0x12F10]  }
0x428: {  	v20 =	vld [tilespmem:s19+$0x12B10]  }
0x429: {  	v37 =	vld [tilespmem:s19+$0xCB70]  }
0x42a: {  	v22 =	vld [tilespmem:s19+$0x12B40]  }
0x42b: {  	v35 =	vld [tilespmem:s19+$0xCF10]  }
0x42c: {  	v34 =	vld [tilespmem:s19+$0xCB10]  }
0x42d: {  	v43 =	vld [tilespmem:s19+$0xCB00]  }
0x42e: {  	v1 =	vld [tilespmem:s19+$0x6F50]  }
0x42f: {  	v3 =	vld [tilespmem:s19+$0xF30]  }
0x430: {  	v38 =	vld [tilespmem:s19+$0x6F60]  }
0x431: {  	v32 =	vld [tilespmem:s21+$0x0]  }
0x432: {  	v47 =	vld [tilespmem:s22+$0x0]  }
0x433: {  	v48 =	vld [tilespmem:s19+$0xF10]  }
0x434: {  	v51 =	vld [tilespmem:s19+$0xF20]  }
0x435: {  	v50 =	vld [tilespmem:s5+$0x0]  }
0x436: {  	v45 =	vperm.xlane v32, v0;
	v52 =	vld [tilespmem:s19+$0xF70]  }
0x437: {  	v49 =	vperm.xlane v47, v0;
	v47 =	vld [tilespmem:s20+$0x0]  }
0x438: {  	v53 =	vmul.f32 v36, v45;
	v46 =	vmul.f32 v46, v45;
	v55 =	vld [tilespmem:s19+$0x6F10]  }
0x439: {  	v36 =	vmul.f32 v44, v49;
	v56 =	vld [tilespmem:s19+$0xF00];
	v32 =	vmul.f32 v51, v45  }
0x43a: {  	v44 =	vmul.f32 v33, v49;
	v33 =	vmul.f32 v48, v45;
	v61 =	vld [tilespmem:s19+$0x6F70]  }
0x43b: {  	v54 =	vmul.f32 v38, v49;
	v62 =	vld [tilespmem:s19+$0xF60];
	v52 =	vmul.f32 v52, v45  }
.Ltmp1:
0x43c: {  	v38 =	vmul.f32 v3, v45;
	v51 =	vmul.f32 v1, v49;
	v48 =	vadd.f32 v44, v53;
	v59 =	vld [tilespmem:s19+$0xF50];
	(pc) =	sbr.rel @p0 .LBB2_4-.Ltmp1, $4  }
0x43d: {  	v60 =	vmul.f32 v39, v45;
	v44 =	vmul.f32 v31, v49;
	v58 =	vld [tilespmem:s19+$0x6F20]  }
0x43e: {  	v39 =	vmul.f32 v56, v45;
	v56 =	vmul.f32 v55, v49;
	v55 =	vld [tilespmem:s19+$0x6F30]  }
0x43f: {  	s6 =	sadd.s32 $0x80, s6;
	s5 =	sadd.s32 $0x1, s5;
	s20 =	sadd.s32 $0x1, s20;
	v31 =	vmul.f32 v41, v49;
	v57 =	vld [tilespmem:s19+$0x6F00];
	v53 =	vmul.f32 v61, v49  }
0x440: {  	s8 =	smov.u32 s7;
	s21 =	sadd.s32 $0x1, s21;
	s22 =	sadd.s32 $0x1, s22;
	v42 =	vmul.f32 v42, v49;
	v41 =	vld [tilespmem:s19+$0xCF50];
	v61 =	vmul.f32 v62, v45  }
0x441: {  	v1 =	vmul.f32 v18, v49  }
0x442: {  	v3 =	vmul.f32 v59, v45;
	v18 =	vmul.f32 v23, v49  }
0x443: {  	v16 =	vmul.f32 v16, v45;
	v24 =	vmul.f32 v24, v49  }
0x444: {  	v8 =	vmul.f32 v8, v45;
	v9 =	vmul.f32 v9, v45  }
0x445: {  	v23 =	vadd.f32 v36, v60;
	v50 =	vperm.xlane v50, v0;
	v14 =	vmul.f32 v14, v45  }
0x446: {  	v33 =	vadd.f32 v56, v33;
	v47 =	vperm.xlane v47, v0;
	v10 =	vmul.f32 v10, v45  }
0x447: {  	v36 =	vmul.f32 v58, v49;
	v55 =	vmul.f32 v55, v49;
	v16 =	vadd.f32 v31, v16  }
0x448: {  	v31 =	vadd.f32 v53, v52;
	v37 =	vmul.f32 v37, v50;
	v52 =	vmul.f32 v40, v49  }
0x449: {  	v54 =	vadd.f32 v54, v61;
	v53 =	vmul.f32 v43, v50;
	v28 =	vmul.f32 v28, v47  }
0x44a: {  	v3 =	vadd.f32 v51, v3;
	v26 =	vmul.f32 v26, v47;
	v59 =	vmul.f32 v35, v50  }
0x44b: {  	v24 =	vadd.f32 v24, v46;
	v30 =	vmul.f32 v30, v47;
	v27 =	vmul.f32 v27, v50  }
0x44c: {  	v1 =	vadd.f32 v1, v9;
	v25 =	vmul.f32 v25, v50;
	v21 =	vmul.f32 v21, v50  }
0x44d: {  	v14 =	vadd.f32 v42, v14;
	v19 =	vmul.f32 v19, v50;
	v17 =	vmul.f32 v17, v50  }
0x44e: {  	v8 =	vadd.f32 v44, v8;
	v15 =	vmul.f32 v15, v50;
	v13 =	vmul.f32 v13, v50  }
0x44f: {  	v63 =	vld [tilespmem:s19+$0xF40];
	v10 =	vadd.f32 v18, v10;
	v7 =	vmul.f32 v7, v47;
	v11 =	vmul.f32 v11, v50  }
0x450: {  	v62 =	vld [tilespmem:s19+$0xCF60];
	v4 =	vmul.f32 v4, v47;
	v5 =	vmul.f32 v5, v47;
	v32 =	vadd.f32 v36, v32  }
0x451: {  	v57 =	vmul.f32 v57, v49;
	v24 =	vadd.f32 v37, v24;
	v40 =	vadd.f32 v53, v48  }
0x452: {  	v43 =	vld [tilespmem:s19+$0x12B20];
	v6 =	vmul.f32 v6, v47;
	v44 =	vadd.f32 v55, v38;
	v1 =	vadd.f32 v21, v1  }
0x453: {  	v60 =	vmul.f32 v41, v50;
	v11 =	vadd.f32 v11, v31;
	v9 =	vadd.f32 v57, v39  }
0x454: {  	v57 =	vmul.f32 v63, v45;
	v63 =	vld [tilespmem:s19+$0x12F50];
	v24 =	vadd.f32 v28, v24;
	v26 =	vadd.f32 v26, v40  }
0x455: {  	v46 =	vld [tilespmem:s19+$0xCB40];
	v58 =	vmul.f32 v62, v50;
	v28 =	vadd.f32 v59, v33;
	v3 =	vadd.f32 v60, v3  }
0x456: {  	v48 =	vld [tilespmem:s19+$0xCB60];
	v62 =	vmul.f32 v34, v50;
	v27 =	vadd.f32 v27, v44;
	v4 =	vadd.f32 v4, v11;
	[tilespmem:s19+$0x18B70] =	vst v24  }
0x457: {  	v51 =	vadd.f32 v52, v57;
	v52 =	vmul.f32 v43, v47;
	[tilespmem:s19+$0x18B00] =	vst v26;
	v42 =	vadd.f32 v30, v28  }
0x458: {  	v49 =	vld [tilespmem:s19+$0x12F00];
	v40 =	vmul.f32 v29, v47;
	v61 =	vadd.f32 v58, v54;
	v7 =	vadd.f32 v7, v27;
	[tilespmem:s19+$0x18F70] =	vst v4  }
0x459: {  	v45 =	vld [tilespmem:s19+$0x12F40];
	v57 =	vadd.f32 v15, v32;
	v1 =	vadd.f32 v52, v1;
	v33 =	vmul.f32 v63, v47;
	[tilespmem:s19+$0x18F10] =	vst v42  }
0x45a: {  	v53 =	vld [tilespmem:s19+$0x12B60];
	v58 =	vadd.f32 v19, v23;
	v60 =	vmul.f32 v46, v50;
	v5 =	vadd.f32 v5, v61;
	[tilespmem:s19+$0x18F30] =	vst v7  }
0x45b: {  	v8 =	vadd.f32 v62, v8;
	v55 =	vmul.f32 v48, v50;
	[tilespmem:s19+$0x18B20] =	vst v1;
	v3 =	vadd.f32 v33, v3  }
0x45c: {  	v6 =	vadd.f32 v6, v57;
	v61 =	vmul.f32 v22, v47;
	v62 =	vadd.f32 v60, v16;
	[tilespmem:s19+$0x18F60] =	vst v5  }
0x45d: {  	v4 =	vadd.f32 v40, v58;
	v1 =	vmul.f32 v49, v47;
	[tilespmem:s19+$0x18F50] =	vst v3;
	v3 =	vadd.f32 v17, v9  }
0x45e: {  	v13 =	vadd.f32 v13, v51;
	v54 =	vmul.f32 v45, v47;
	[tilespmem:s19+$0x18F20] =	vst v6;
	v63 =	vadd.f32 v61, v62  }
0x45f: {  	v56 =	vmul.f32 v53, v47;
	v7 =	vadd.f32 v55, v10;
	[tilespmem:s19+$0x18B30] =	vst v4;
	v1 =	vadd.f32 v1, v3  }
0x460: {  	v59 =	vadd.f32 v25, v14;
	v13 =	vadd.f32 v54, v13;
	[tilespmem:s19+$0x18B40] =	vst v63;
	v3 =	vmul.f32 v12, v47  }
0x461: {  	v7 =	vadd.f32 v56, v7;
	[tilespmem:s19+$0x18F00] =	vst v1;
	v1 =	vmul.f32 v20, v47  }
0x462: {  	[tilespmem:s19+$0x18F40] =	vst v13;
	v3 =	vadd.f32 v3, v59  }
0x463: {  	s18 =	sadd.s32 $0x1, s18;
	[tilespmem:s19+$0x18B60] =	vst v7;
	v1 =	vadd.f32 v1, v8  }
0x464: {  	p0 =	sne.s32 s18, s9;
	[tilespmem:s19+$0x18B50] =	vst v3  }
.Ltmp2:
0x465: {  	s5 =	rddreg [dreg:$0x9];
	[tilespmem:s19+$0x18B10] =	vst v1;
	(pc) =	sbr.rel @p0 .LBB2_1-.Ltmp2, $4  }
0x466: {  	[hbm4b:s5+s3] =	stream.linear.scatter [tilespmem:s17], [sflag:$0x2], $0x6000, $0x38;
	[tilespmem:$0x1EB00] =	vst v63  }
0x467: {  	_ =	swait.ge [sflag:s10], $0x6000  }
0x468: {  	[sflag:s10] =	ssyncset.done $0x0  }
0x469: {  	[sflag:s10] =	ssyncadd.s32 $0xFFFFA000  }
0x46a: {  	_ =	sfence.sel $0x180000  }
0x46b: {  	[bflag:$0x0] =	sbarrier.arrive $0xFFFF  }
0x46c: {  	_ =	strace $0x90000047  }
0x46d: {  	s0 =	stileid.u32;
	[bflag:$0x2] =	sbarrier.arrive $0xFFFF  }
0x46e: {  	p0 =	sne.s32 s0, $0x0;
	s0 =	rddreg [dreg:$0x4]  }
0x46f: {  	s0 =	sadd.s32 @!p0 $0x100000, s0  }
0x470: {  	[sflag:s0] =	ssyncadd.tile.s32 @!p0 $0x1;
	_ =	shalt  }
.Lfunc_end2:
_tile_overlayer_lowered:
.L_overlay_start_2:
0x471: {  	(tag) =	ssettag $0x2  }
0x472: {  	s0 =	rddreg [dreg:$0x0];
	s2 =	stileid.u32  }
0x473: {  	s1 =	rddreg [dreg:$0x1];
	p0 =	sne.s32 s2, $0x0  }
0x474: {  	s3 =	rddreg [dreg:$0x2];
	[bflag:$0x3] =	sbarrier.arrive $0xFFFF;
	s2 =	simm.s32 @!p0 $0x1C02  }
0x475: {  	[timem:s3], [sflag:s2] =	dma.local @!p0 [hbm:s0], s1  }
0x476: {  	s0 =	simm.s32 @!p0 $0x2  }
0x477: {  	_ =	swait.ge @!p0 [sflag:s0], s1  }
0x478: {  	s1 =	ssub.s32 @!p0 $0x0, s1;
	[sflag:s0] =	ssyncset.done @!p0 $0x0  }
0x479: {  	[sflag:s0] =	ssyncadd.s32 @!p0 s1  }
0x47a: {  	[bflag:$0x3] =	sbarrier.arrive $0xFFFF  }
0x47b: {  	_ =	shalt  }

</sc_bundles>
